<compile_context>
chip_gen: v7x
topology: tpu7x:2x2x1
jax: 0.10.2.dev20260603
libtpu: 0.0.44.dev20260713+nightly
codegen_flags: <defaults>
</compile_context>

<pallas_src>
import dataclasses
import functools

import jax
import jax.numpy as jnp
from jax import lax
from jax.experimental import pallas as pl
from jax.experimental.pallas import tpu as pltpu
from jax.experimental.pallas import tpu_sc as plsc

_K = 1024
_TILE = 4096
_NQ = 4


def _score_body(w_ref, b_ref, x_ref, k_ref):
    x = x_ref[0]
    s = jax.lax.dot_general(w_ref[...], x, (((1,), (0,)), ((), ())),
                            preferred_element_type=jnp.float32)
    s = s + b_ref[0, 0]
    bits = jax.lax.bitcast_convert_type(s, jnp.int32)
    key = jnp.where(bits < 0, bits ^ jnp.int32(0x7FFFFFFF), bits)
    k_ref[...] = key[:, None, None, :].reshape(1, 1, 1, _TILE)


def _select_body(k_ref, thr_ref, cut_ref):
    key = k_ref[...]
    B = key.shape[0]

    def count_ge(c):
        return jnp.sum((key >= c).astype(jnp.int32), axis=1, keepdims=True)

    def tbody(i, t):
        cand = t + jax.lax.shift_left(jnp.int32(1), jnp.int32(30) - i)
        return jnp.where(count_ge(cand) >= _K, cand, t)

    n_pos = count_ge(jnp.zeros((B, 1), jnp.int32))
    t0 = jnp.where(n_pos >= _K, jnp.int32(0), jnp.int32(-2147483648))
    thr = jax.lax.fori_loop(0, 31, tbody, t0)

    n_gt = jnp.sum((key > thr).astype(jnp.int32), axis=1, keepdims=True)
    r = _K - n_gt
    eq = key == thr
    iota = jax.lax.broadcasted_iota(jnp.int32, key.shape, 1)

    def cbody(i, m):
        cand = m + jax.lax.shift_left(jnp.int32(1), jnp.int32(17) - i)
        g = jnp.sum((eq & (iota < cand)).astype(jnp.int32),
                    axis=1, keepdims=True)
        return jnp.where(g < r, cand, m)

    m = jax.lax.fori_loop(0, 18, cbody, jnp.zeros((B, 1), jnp.int32))
    cut = jnp.where(r > 0, m + 1, jnp.int32(0))
    thr_ref[...] = jnp.broadcast_to(thr, thr_ref.shape)
    cut_ref[...] = jnp.broadcast_to(cut, cut_ref.shape)


def _sc_reduce_body(chunk, hw, c_dim, x1d_hbm, keys_hbm, thr_hbm, cut_hbm,
                    out_hbm, kbuf, idxbuf, offsbuf, gbuf, offsbuf2, gbuf2,
                    featacc, thrv_b, cutv_b, sem, sem2):
    nsteps = chunk // 16
    wid = lax.axis_index("subcore") * 2 + lax.axis_index("core")
    b = wid // _NQ
    q = wid % _NQ
    base_hw = q * chunk

    pltpu.sync_copy(keys_hbm.at[b, pl.ds(base_hw, chunk)], kbuf)
    pltpu.sync_copy(thr_hbm.at[b, pl.ds(0, 16)], thrv_b)
    pltpu.sync_copy(cut_hbm.at[b, pl.ds(0, 16)], cutv_b)
    thrv = thrv_b[...]
    cutv = cutv_b[...]
    iota16 = lax.iota(jnp.int32, 16)

    def compact(i, nsel):
        kv = kbuf[pl.ds(i * 16, 16)]
        gidx = iota16 + (base_hw + i * 16)
        selm = (kv > thrv) | ((kv == thrv) & (gidx < cutv))
        selc = selm.astype(jnp.int32)
        pos = nsel + plsc.cumsum(selc) - 1
        plsc.store_scatter(idxbuf, [pos], gidx, mask=selm)
        return nsel + plsc.all_reduce_population_count(selm)

    nsel = lax.fori_loop(0, nsteps, compact,
                         jnp.zeros((16,), jnp.int32))

    def fire(c, slot_offs, slot_gbuf, slot_sem):
        cbase = (b * c_dim + c) * hw
        for j in range(64):
            slot_offs[pl.ds(j * 16, 16)] = idxbuf[pl.ds(j * 16, 16)] + cbase
        pltpu.async_copy(x1d_hbm.at[slot_offs], slot_gbuf, slot_sem)

    def drain(c, slot_offs, slot_gbuf, slot_sem):
        pltpu.make_async_copy(x1d_hbm.at[slot_offs], slot_gbuf,
                              slot_sem).wait()
        acc = jnp.zeros((16,), jnp.float32)
        for j in range(64):
            v = slot_gbuf[pl.ds(j * 16, 16)]
            valid = (iota16 + j * 16) < nsel
            acc = acc + jnp.where(valid, v, 0.0)
        featacc[pl.ds(c * 16, 16)] = acc

    fire(0, offsbuf, gbuf, sem)

    def pair(cc, carry):
        c0 = cc * 2
        fire(c0 + 1, offsbuf2, gbuf2, sem2)
        drain(c0, offsbuf, gbuf, sem)

        @pl.when(c0 + 2 < c_dim)
        def _():
            fire(c0 + 2, offsbuf, gbuf, sem)

        drain(c0 + 1, offsbuf2, gbuf2, sem2)
        return carry

    lax.fori_loop(0, c_dim // 2, pair, jnp.int32(0))
    pltpu.sync_copy(featacc, out_hbm.at[b, q])


def _finish_body(w_ref, b_ref, p_ref, feat_ref, o2_ref):
    p = p_ref[...]
    s = jnp.sum(jnp.sum(p, axis=3), axis=1)
    f = s * (1.0 / _K)
    feat_ref[...] = f
    o2 = jnp.sum(f * w_ref[...], axis=1, keepdims=True) + b_ref[0, 0]
    o2_ref[...] = jnp.broadcast_to(o2, o2_ref.shape)


def kernel(X, W, b):
    B, C, H, Wd = X.shape
    HW = H * Wd
    nt = HW // _TILE
    chunk = HW // _NQ
    X3 = X.reshape(B, C, HW)
    b2 = b.reshape(1, 1)

    keys = pl.pallas_call(
        _score_body,
        grid=(B, nt),
        in_specs=[
            pl.BlockSpec((1, C), lambda bi, ti: (0, 0)),
            pl.BlockSpec(memory_space=pltpu.SMEM),
            pl.BlockSpec((1, C, _TILE), lambda bi, ti: (bi, 0, ti)),
        ],
        out_specs=pl.BlockSpec((1, 1, 1, _TILE),
                               lambda bi, ti: (bi, ti, 0, 0)),
        out_shape=jax.ShapeDtypeStruct((B, nt, 1, _TILE), jnp.int32),
    )(W, b2, X3)

    keys2 = keys.reshape(B, HW)

    thr, cut = pl.pallas_call(
        _select_body,
        grid=(1,),
        in_specs=[pl.BlockSpec((B, HW), lambda i: (0, 0))],
        out_specs=[
            pl.BlockSpec((B, 128), lambda i: (0, 0)),
            pl.BlockSpec((B, 128), lambda i: (0, 0)),
        ],
        out_shape=[
            jax.ShapeDtypeStruct((B, 128), jnp.int32),
            jax.ShapeDtypeStruct((B, 128), jnp.int32),
        ],
    )(keys2)

    mesh = plsc.VectorSubcoreMesh(core_axis_name="core",
                                  subcore_axis_name="subcore")
    cp = pltpu.CompilerParams()
    if "needs_layout_passes" in pltpu.CompilerParams.__dataclass_fields__:
        cp = dataclasses.replace(cp, needs_layout_passes=False)
    sc_reduce = functools.partial(
        pl.kernel,
        mesh=mesh,
        compiler_params=cp,
        out_type=jax.ShapeDtypeStruct((B, _NQ, C * 16), jnp.float32),
        scratch_types=[
            pltpu.VMEM((chunk,), jnp.int32),
            pltpu.VMEM((_K,), jnp.int32),
            pltpu.VMEM((_K,), jnp.int32),
            pltpu.VMEM((_K,), jnp.float32),
            pltpu.VMEM((_K,), jnp.int32),
            pltpu.VMEM((_K,), jnp.float32),
            pltpu.VMEM((C * 16,), jnp.float32),
            pltpu.VMEM((16,), jnp.int32),
            pltpu.VMEM((16,), jnp.int32),
            pltpu.SemaphoreType.DMA,
            pltpu.SemaphoreType.DMA,
        ],
    )(functools.partial(_sc_reduce_body, chunk, HW, C))
    partial_out = sc_reduce(X.reshape(-1), keys2, thr, cut)
    partial_out = partial_out.reshape(B, _NQ, C, 16)

    feat, out2 = pl.pallas_call(
        _finish_body,
        grid=(1,),
        in_specs=[
            pl.BlockSpec((1, C), lambda i: (0, 0)),
            pl.BlockSpec(memory_space=pltpu.SMEM),
            pl.BlockSpec((B, _NQ, C, 16), lambda i: (0, 0, 0, 0)),
        ],
        out_specs=[
            pl.BlockSpec((B, C), lambda i: (0, 0)),
            pl.BlockSpec((B, 128), lambda i: (0, 0)),
        ],
        out_shape=[
            jax.ShapeDtypeStruct((B, C), jnp.float32),
            jax.ShapeDtypeStruct((B, 128), jnp.float32),
        ],
    )(W, b2, partial_out)

    return (feat, out2[:, :1])

# --- scband reference (transcript-rebuilt; emitter-appended) ---
"""Pipeline reference for scband-region-group-pooling-3865470566552 (READ-ONLY COPY).

The authoritative reference and input builder live on the scoring server;
editing this copy changes nothing except your own understanding.
"""

import jax, jax.numpy as jnp
import numpy as np

K = 1024

def setup_inputs(seed: int = 0) -> dict:
    key = jax.random.key(seed)
    k1, k2, k3 = jax.random.split(key, 3)
    X = jax.random.normal(k1, (8, 96, 384, 384), dtype=jnp.float32)
    # nn.Linear(in_channels=96, 1): weight [1, 96], bias [1]
    W = jax.random.normal(k2, (1, 96), dtype=jnp.float32) * 0.1
    b = jax.random.normal(k3, (1,), dtype=jnp.float32) * 0.1
    return {"X": X, "W": W, "b": b}

def reference(X, W, b):
    bs = X.shape[0]
    C = X.shape[1]
    # X.permute([0, 2, 3, 1])
    Xp = jnp.transpose(X, (0, 2, 3, 1))  # [B, H, W, C]
    # self.layer(X) -> [B, H, W, 1]
    scores = jnp.einsum('bhwc,oc->bhwo', Xp, W) + b
    scores = scores.reshape(bs, -1)  # [B, H*W]
    # torch.topk(out, k)
    _, idxs = jax.lax.top_k(scores, K)  # [B, K]
    # gather selected spatial features
    flat = Xp.reshape(bs, -1, C)  # [B, H*W, C]
    gathered = jnp.take_along_axis(flat, idxs[:, :, None], axis=1)  # [B, K, C]
    feat = jnp.mean(gathered, axis=1)  # [B, C]
    out2 = feat @ W.T + b  # [B, 1]
    return (feat, out2)

if __name__ == "__main__":
    import jax
    _d = setup_inputs()
    print(jax.jit(kernel)(*tuple(_d.values())))

</pallas_src>

<mosaic_0001>
#map = affine_map<(d0, d1) -> (0)>
#map1 = affine_map<(d0, d1) -> (0, 0)>
#map2 = affine_map<(d0, d1) -> (0, 0, 0)>
module attributes {stable_mosaic.version = 14 : i64} {
  func.func @_sc_reduce_body(%arg0: i32, %arg1: i32, %arg2: memref<113246208xf32, #tpu.memory_space<hbm>>, %arg3: memref<8x147456xi32, #tpu.memory_space<hbm>>, %arg4: memref<8x128xi32, #tpu.memory_space<hbm>>, %arg5: memref<8x128xi32, #tpu.memory_space<hbm>>, %arg6: memref<8x4x1536xf32, #tpu.memory_space<hbm>>, %arg7: memref<36864xi32, #tpu.memory_space<vmem>>, %arg8: memref<1024xi32, #tpu.memory_space<vmem>>, %arg9: memref<1024xi32, #tpu.memory_space<vmem>>, %arg10: memref<1024xf32, #tpu.memory_space<vmem>>, %arg11: memref<1024xi32, #tpu.memory_space<vmem>>, %arg12: memref<1024xf32, #tpu.memory_space<vmem>>, %arg13: memref<1536xf32, #tpu.memory_space<vmem>>, %arg14: memref<16xi32, #tpu.memory_space<vmem>>, %arg15: memref<16xi32, #tpu.memory_space<vmem>>, %arg16: memref<!tpu.dma_semaphore, #tpu.memory_space<semaphore_mem>>, %arg17: memref<!tpu.dma_semaphore, #tpu.memory_space<semaphore_mem>>) attributes {dimension_semantics = [#tpu.dimension_semantics<core_parallel>, #tpu.dimension_semantics<subcore_parallel>], iteration_bounds = array<i64: 2, 16>, scalar_prefetch = 0 : i64, scratch_operands = 11 : i64, tpu.core_type = #tpu.core_type<sc_vector_subcore>, window_params = [{transform_indices = #map}, {transform_indices = #map1}, {transform_indices = #map1}, {transform_indices = #map1}, {transform_indices = #map2}]} {
    %mul3A = arith.constant 2 : i32
    %mul3A_0 = arith.muli %arg1, %mul3A : i32
    %add3A = arith.addi %mul3A_0, %arg0 : i32
    %jit3A = arith.constant 4 : i32
    %div3A = arith.divsi %add3A, %jit3A : i32
    %sign3A = arith.constant 0 : i32
    %sign3A_1 = arith.cmpi sgt, %add3A, %sign3A : i32
    %sign3A_2 = arith.extui %sign3A_1 : i1 to i32
    %sign3A_3 = arith.constant 0 : i32
    %sign3A_4 = arith.cmpi slt, %add3A, %sign3A_3 : i32
    %sign3A_5 = arith.extui %sign3A_4 : i1 to i32
    %sign3A_6 = arith.subi %sign3A_2, %sign3A_5 : i32
    %sign3A_7 = arith.constant 0 : i32
    %sign3A_8 = arith.cmpi sgt, %jit3A, %sign3A_7 : i32
    %sign3A_9 = arith.extui %sign3A_8 : i1 to i32
    %sign3A_10 = arith.constant 0 : i32
    %sign3A_11 = arith.cmpi slt, %jit3A, %sign3A_10 : i32
    %sign3A_12 = arith.extui %sign3A_11 : i1 to i32
    %sign3A_13 = arith.subi %sign3A_9, %sign3A_12 : i32
    %ne3A = arith.cmpi ne, %sign3A_6, %sign3A_13 : i32
    %rem3A = arith.remsi %add3A, %jit3A : i32
    %ne3A_14 = arith.constant 0 : i32
    %ne3A_15 = arith.cmpi ne, %rem3A, %ne3A_14 : i32
    %and3A = arith.andi %ne3A, %ne3A_15 : i1
    %sub3A = arith.constant 1 : i32
    %sub3A_16 = arith.subi %div3A, %sub3A : i32
    %select_n3A = arith.select %and3A, %sub3A_16, %div3A : i32
    %jit3A_17 = arith.constant 4 : i32
    %eq3A = arith.constant 0 : i32
    %eq3A_18 = arith.cmpi eq, %jit3A_17, %eq3A : i32
    %jit3A_19 = arith.constant 1 : i32
    %select_n3A_20 = arith.select %eq3A_18, %jit3A_19, %jit3A_17 : i32
    %rem3A_21 = arith.remsi %add3A, %select_n3A_20 : i32
    %ne3A_22 = arith.constant 0 : i32
    %ne3A_23 = arith.cmpi ne, %rem3A_21, %ne3A_22 : i32
    %lt3A = arith.constant 0 : i32
    %lt3A_24 = arith.cmpi slt, %rem3A_21, %lt3A : i32
    %lt3A_25 = arith.constant 0 : i32
    %lt3A_26 = arith.cmpi slt, %select_n3A_20, %lt3A_25 : i32
    %ne3A_27 = arith.xori %lt3A_24, %lt3A_26 : i1
    %and3A_28 = arith.andi %ne3A_27, %ne3A_23 : i1
    %add3A_29 = arith.addi %rem3A_21, %select_n3A_20 : i32
    %select_n3A_30 = arith.select %and3A_28, %add3A_29, %rem3A_21 : i32
    %mul3A_31 = arith.constant 36864 : i32
    %mul3A_32 = arith.muli %select_n3A_30, %mul3A_31 : i32
    "tpu.region"() ({
      %run_scoped3A = tpu.sem_alloc : memref<!tpu.dma_semaphore, #tpu.memory_space<semaphore_mem>>
      %dma_start3A_438 = tpu.memref_slice %arg3[%select_n3A, %mul3A_32] : memref<8x147456xi32, #tpu.memory_space<hbm>> -> memref<1x36864xi32, #tpu.memory_space<hbm>>
      %dma_start3A_439 = tpu.memref_squeeze %dma_start3A_438 : memref<1x36864xi32, #tpu.memory_space<hbm>> -> memref<36864xi32, #tpu.memory_space<hbm>>
      %dma_start3A_440 = tpu.memref_slice %arg3[%select_n3A, %mul3A_32] : memref<8x147456xi32, #tpu.memory_space<hbm>> -> memref<1x36864xi32, #tpu.memory_space<hbm>>
      %dma_start3A_441 = tpu.memref_squeeze %dma_start3A_440 : memref<1x36864xi32, #tpu.memory_space<hbm>> -> memref<36864xi32, #tpu.memory_space<hbm>>
      tpu.enqueue_dma source(%dma_start3A_441 : memref<36864xi32, #tpu.memory_space<hbm>>) target(%arg7 : memref<36864xi32, #tpu.memory_space<vmem>>) target_semaphore(%run_scoped3A : memref<!tpu.dma_semaphore, #tpu.memory_space<semaphore_mem>>)
      %dma_wait3A = tpu.memref_slice %arg3[%select_n3A, %mul3A_32] : memref<8x147456xi32, #tpu.memory_space<hbm>> -> memref<1x36864xi32, #tpu.memory_space<hbm>>
      %dma_wait3A_442 = tpu.memref_squeeze %dma_wait3A : memref<1x36864xi32, #tpu.memory_space<hbm>> -> memref<36864xi32, #tpu.memory_space<hbm>>
      %dma_wait3A_443 = tpu.memref_slice %arg3[%select_n3A, %mul3A_32] : memref<8x147456xi32, #tpu.memory_space<hbm>> -> memref<1x36864xi32, #tpu.memory_space<hbm>>
      %dma_wait3A_444 = tpu.memref_squeeze %dma_wait3A_443 : memref<1x36864xi32, #tpu.memory_space<hbm>> -> memref<36864xi32, #tpu.memory_space<hbm>>
      tpu.wait_dma2 semaphore(%run_scoped3A : memref<!tpu.dma_semaphore, #tpu.memory_space<semaphore_mem>>) src(%dma_wait3A_444 : memref<36864xi32, #tpu.memory_space<hbm>>) dst(%arg7 : memref<36864xi32, #tpu.memory_space<vmem>>)
      tpu.yield
    }) : () -> ()
    "tpu.region"() ({
      %run_scoped3A = tpu.sem_alloc : memref<!tpu.dma_semaphore, #tpu.memory_space<semaphore_mem>>
      %dma_start3A_438 = arith.constant 0 : i32
      %dma_start3A_439 = tpu.memref_slice %arg4[%select_n3A, %dma_start3A_438] : memref<8x128xi32, #tpu.memory_space<hbm>> -> memref<1x16xi32, #tpu.memory_space<hbm>>
      %dma_start3A_440 = tpu.memref_squeeze %dma_start3A_439 : memref<1x16xi32, #tpu.memory_space<hbm>> -> memref<16xi32, #tpu.memory_space<hbm>>
      %dma_start3A_441 = arith.constant 0 : i32
      %dma_start3A_442 = tpu.memref_slice %arg4[%select_n3A, %dma_start3A_441] : memref<8x128xi32, #tpu.memory_space<hbm>> -> memref<1x16xi32, #tpu.memory_space<hbm>>
      %dma_start3A_443 = tpu.memref_squeeze %dma_start3A_442 : memref<1x16xi32, #tpu.memory_space<hbm>> -> memref<16xi32, #tpu.memory_space<hbm>>
      tpu.enqueue_dma source(%dma_start3A_443 : memref<16xi32, #tpu.memory_space<hbm>>) target(%arg14 : memref<16xi32, #tpu.memory_space<vmem>>) target_semaphore(%run_scoped3A : memref<!tpu.dma_semaphore, #tpu.memory_space<semaphore_mem>>)
      %dma_wait3A = arith.constant 0 : i32
      %dma_wait3A_444 = tpu.memref_slice %arg4[%select_n3A, %dma_wait3A] : memref<8x128xi32, #tpu.memory_space<hbm>> -> memref<1x16xi32, #tpu.memory_space<hbm>>
      %dma_wait3A_445 = tpu.memref_squeeze %dma_wait3A_444 : memref<1x16xi32, #tpu.memory_space<hbm>> -> memref<16xi32, #tpu.memory_space<hbm>>
      %dma_wait3A_446 = arith.constant 0 : i32
      %dma_wait3A_447 = tpu.memref_slice %arg4[%select_n3A, %dma_wait3A_446] : memref<8x128xi32, #tpu.memory_space<hbm>> -> memref<1x16xi32, #tpu.memory_space<hbm>>
      %dma_wait3A_448 = tpu.memref_squeeze %dma_wait3A_447 : memref<1x16xi32, #tpu.memory_space<hbm>> -> memref<16xi32, #tpu.memory_space<hbm>>
      tpu.wait_dma2 semaphore(%run_scoped3A : memref<!tpu.dma_semaphore, #tpu.memory_space<semaphore_mem>>) src(%dma_wait3A_448 : memref<16xi32, #tpu.memory_space<hbm>>) dst(%arg14 : memref<16xi32, #tpu.memory_space<vmem>>)
      tpu.yield
    }) : () -> ()
    "tpu.region"() ({
      %run_scoped3A = tpu.sem_alloc : memref<!tpu.dma_semaphore, #tpu.memory_space<semaphore_mem>>
      %dma_start3A_438 = arith.constant 0 : i32
      %dma_start3A_439 = tpu.memref_slice %arg5[%select_n3A, %dma_start3A_438] : memref<8x128xi32, #tpu.memory_space<hbm>> -> memref<1x16xi32, #tpu.memory_space<hbm>>
      %dma_start3A_440 = tpu.memref_squeeze %dma_start3A_439 : memref<1x16xi32, #tpu.memory_space<hbm>> -> memref<16xi32, #tpu.memory_space<hbm>>
      %dma_start3A_441 = arith.constant 0 : i32
      %dma_start3A_442 = tpu.memref_slice %arg5[%select_n3A, %dma_start3A_441] : memref<8x128xi32, #tpu.memory_space<hbm>> -> memref<1x16xi32, #tpu.memory_space<hbm>>
      %dma_start3A_443 = tpu.memref_squeeze %dma_start3A_442 : memref<1x16xi32, #tpu.memory_space<hbm>> -> memref<16xi32, #tpu.memory_space<hbm>>
      tpu.enqueue_dma source(%dma_start3A_443 : memref<16xi32, #tpu.memory_space<hbm>>) target(%arg15 : memref<16xi32, #tpu.memory_space<vmem>>) target_semaphore(%run_scoped3A : memref<!tpu.dma_semaphore, #tpu.memory_space<semaphore_mem>>)
      %dma_wait3A = arith.constant 0 : i32
      %dma_wait3A_444 = tpu.memref_slice %arg5[%select_n3A, %dma_wait3A] : memref<8x128xi32, #tpu.memory_space<hbm>> -> memref<1x16xi32, #tpu.memory_space<hbm>>
      %dma_wait3A_445 = tpu.memref_squeeze %dma_wait3A_444 : memref<1x16xi32, #tpu.memory_space<hbm>> -> memref<16xi32, #tpu.memory_space<hbm>>
      %dma_wait3A_446 = arith.constant 0 : i32
      %dma_wait3A_447 = tpu.memref_slice %arg5[%select_n3A, %dma_wait3A_446] : memref<8x128xi32, #tpu.memory_space<hbm>> -> memref<1x16xi32, #tpu.memory_space<hbm>>
      %dma_wait3A_448 = tpu.memref_squeeze %dma_wait3A_447 : memref<1x16xi32, #tpu.memory_space<hbm>> -> memref<16xi32, #tpu.memory_space<hbm>>
      tpu.wait_dma2 semaphore(%run_scoped3A : memref<!tpu.dma_semaphore, #tpu.memory_space<semaphore_mem>>) src(%dma_wait3A_448 : memref<16xi32, #tpu.memory_space<hbm>>) dst(%arg15 : memref<16xi32, #tpu.memory_space<vmem>>)
      tpu.yield
    }) : () -> ()
    %get3A = arith.constant 0 : index
    %get3A_33 = tpu.vector_load %arg14[%get3A] {strides = array<i32>} : memref<16xi32, #tpu.memory_space<vmem>>, vector<16xi32>,
    %get3A_34 = arith.constant 0 : index
    %get3A_35 = tpu.vector_load %arg15[%get3A_34] {strides = array<i32>} : memref<16xi32, #tpu.memory_space<vmem>>, vector<16xi32>,
    %iota3A = tpu.iota {dimensions = array<i32: 0>} : vector<16xi32>
    %broadcast_in_dim3A = arith.constant 0 : i32
    %broadcast_in_dim3A_36 = vector.broadcast %broadcast_in_dim3A : i32 to vector<16xi32>
    %scan3A = arith.constant 0 : i32
    %scan3A_37 = arith.constant 2304 : i32
    %scan3A_38 = arith.addi %scan3A, %scan3A_37 : i32
    %scan3A_39 = arith.constant 1 : i32
    %scan3A_40 = scf.for %scan3A_438 = %scan3A to %scan3A_38 step %scan3A_39 iter_args(%scan3A_439 = %broadcast_in_dim3A_36) -> (vector<16xi32>)  : i32 {
      %mul3A_440 = arith.constant 16 : i32
      %mul3A_441 = arith.muli %scan3A_438, %mul3A_440 : i32
      %get3A_442 = arith.index_cast %mul3A_441 : i32 to index
      %get3A_443 = tpu.vector_load %arg7[%get3A_442] {strides = array<i32>} : memref<36864xi32, #tpu.memory_space<vmem>>, vector<16xi32>,
      %mul3A_444 = arith.constant 16 : i32
      %mul3A_445 = arith.muli %scan3A_438, %mul3A_444 : i32
      %add3A_446 = arith.addi %mul3A_32, %mul3A_445 : i32
      %add3A_447 = vector.broadcast %add3A_446 : i32 to vector<16xi32>
      %add3A_448 = arith.addi %iota3A, %add3A_447 : vector<16xi32>
      %gt3A = arith.cmpi sgt, %get3A_443, %get3A_33 : vector<16xi32>
      %eq3A_449 = arith.cmpi eq, %get3A_443, %get3A_33 : vector<16xi32>
      %lt3A_450 = arith.cmpi slt, %add3A_448, %get3A_35 : vector<16xi32>
      %and3A_451 = arith.andi %eq3A_449, %lt3A_450 : vector<16xi1>
      %or3A = arith.ori %gt3A, %and3A_451 : vector<16xi1>
      %convert_element_type3A = arith.extui %or3A : vector<16xi1> to vector<16xi32>
      %broadcast_in_dim3A_452 = arith.constant true
      %broadcast_in_dim3A_453 = vector.broadcast %broadcast_in_dim3A_452 : i1 to vector<16xi1>
      %masked_cumsum3A = tpu.scan <sum>, %convert_element_type3A masked %broadcast_in_dim3A_453 : vector<16xi32>, vector<16xi1> -> vector<16xi32>
      %add3A_454 = arith.addi %scan3A_439, %masked_cumsum3A : vector<16xi32>
      %sub3A_455 = arith.constant 1 : i32
      %sub3A_456 = vector.broadcast %sub3A_455 : i32 to vector<16xi32>
      %sub3A_457 = arith.subi %add3A_454, %sub3A_456 : vector<16xi32>
      tpu.vector_store_idx %arg8[%sub3A_457], %add3A_448 masked %or3A : memref<1024xi32, #tpu.memory_space<vmem>>[vector<16xi32>], vector<16xi32>, vector<16xi1>
      %all_reduce_population_count3A = tpu.all_reduce %or3A {dim = 0 : i64, kind = #tpu.reduction_kind<sum>} : vector<16xi1> -> vector<16xi32>
      %add3A_458 = arith.addi %scan3A_439, %all_reduce_population_count3A : vector<16xi32>
      scf.yield %add3A_458 : vector<16xi32>
    }
    %scan3A_41 = arith.constant 2304 : i32
    %mul3A_42 = arith.constant 96 : i32
    %mul3A_43 = arith.muli %select_n3A, %mul3A_42 : i32
    %add3A_44 = arith.constant 0 : i32
    %add3A_45 = arith.addi %mul3A_43, %add3A_44 : i32
    %mul3A_46 = arith.constant 147456 : i32
    %mul3A_47 = arith.muli %add3A_45, %mul3A_46 : i32
    %get3A_48 = arith.constant 0 : index
    %get3A_49 = tpu.vector_load %arg8[%get3A_48] {strides = array<i32>} : memref<1024xi32, #tpu.memory_space<vmem>>, vector<16xi32>,
    %add3A_50 = vector.broadcast %mul3A_47 : i32 to vector<16xi32>
    %add3A_51 = arith.addi %get3A_49, %add3A_50 : vector<16xi32>
    %swap3A = arith.constant 0 : index
    %swap3A_52 = tpu.vector_load %arg9[%swap3A] {strides = array<i32>} : memref<1024xi32, #tpu.memory_space<vmem>>, vector<16xi32>,
    tpu.vector_store %arg9[%swap3A], %add3A_51 {strides = array<i32>} : memref<1024xi32, #tpu.memory_space<vmem>>, vector<16xi32>,
    %get3A_53 = arith.constant 16 : index
    %get3A_54 = tpu.vector_load %arg8[%get3A_53] {strides = array<i32>} : memref<1024xi32, #tpu.memory_space<vmem>>, vector<16xi32>,
    %add3A_55 = vector.broadcast %mul3A_47 : i32 to vector<16xi32>
    %add3A_56 = arith.addi %get3A_54, %add3A_55 : vector<16xi32>
    %swap3A_57 = arith.constant 16 : index
    %swap3A_58 = tpu.vector_load %arg9[%swap3A_57] {strides = array<i32>} : memref<1024xi32, #tpu.memory_space<vmem>>, vector<16xi32>,
    tpu.vector_store %arg9[%swap3A_57], %add3A_56 {strides = array<i32>} : memref<1024xi32, #tpu.memory_space<vmem>>, vector<16xi32>,
    %get3A_59 = arith.constant 32 : index
    %get3A_60 = tpu.vector_load %arg8[%get3A_59] {strides = array<i32>} : memref<1024xi32, #tpu.memory_space<vmem>>, vector<16xi32>,
    %add3A_61 = vector.broadcast %mul3A_47 : i32 to vector<16xi32>
    %add3A_62 = arith.addi %get3A_60, %add3A_61 : vector<16xi32>
    %swap3A_63 = arith.constant 32 : index
    %swap3A_64 = tpu.vector_load %arg9[%swap3A_63] {strides = array<i32>} : memref<1024xi32, #tpu.memory_space<vmem>>, vector<16xi32>,
    tpu.vector_store %arg9[%swap3A_63], %add3A_62 {strides = array<i32>} : memref<1024xi32, #tpu.memory_space<vmem>>, vector<16xi32>,
    %get3A_65 = arith.constant 48 : index
    %get3A_66 = tpu.vector_load %arg8[%get3A_65] {strides = array<i32>} : memref<1024xi32, #tpu.memory_space<vmem>>, vector<16xi32>,
    %add3A_67 = vector.broadcast %mul3A_47 : i32 to vector<16xi32>
    %add3A_68 = arith.addi %get3A_66, %add3A_67 : vector<16xi32>
    %swap3A_69 = arith.constant 48 : index
    %swap3A_70 = tpu.vector_load %arg9[%swap3A_69] {strides = array<i32>} : memref<1024xi32, #tpu.memory_space<vmem>>, vector<16xi32>,
    tpu.vector_store %arg9[%swap3A_69], %add3A_68 {strides = array<i32>} : memref<1024xi32, #tpu.memory_space<vmem>>, vector<16xi32>,
    %get3A_71 = arith.constant 64 : index
    %get3A_72 = tpu.vector_load %arg8[%get3A_71] {strides = array<i32>} : memref<1024xi32, #tpu.memory_space<vmem>>, vector<16xi32>,
    %add3A_73 = vector.broadcast %mul3A_47 : i32 to vector<16xi32>
    %add3A_74 = arith.addi %get3A_72, %add3A_73 : vector<16xi32>
    %swap3A_75 = arith.constant 64 : index
    %swap3A_76 = tpu.vector_load %arg9[%swap3A_75] {strides = array<i32>} : memref<1024xi32, #tpu.memory_space<vmem>>, vector<16xi32>,
    tpu.vector_store %arg9[%swap3A_75], %add3A_74 {strides = array<i32>} : memref<1024xi32, #tpu.memory_space<vmem>>, vector<16xi32>,
    %get3A_77 = arith.constant 80 : index
    %get3A_78 = tpu.vector_load %arg8[%get3A_77] {strides = array<i32>} : memref<1024xi32, #tpu.memory_space<vmem>>, vector<16xi32>,
    %add3A_79 = vector.broadcast %mul3A_47 : i32 to vector<16xi32>
    %add3A_80 = arith.addi %get3A_78, %add3A_79 : vector<16xi32>
    %swap3A_81 = arith.constant 80 : index
    %swap3A_82 = tpu.vector_load %arg9[%swap3A_81] {strides = array<i32>} : memref<1024xi32, #tpu.memory_space<vmem>>, vector<16xi32>,
    tpu.vector_store %arg9[%swap3A_81], %add3A_80 {strides = array<i32>} : memref<1024xi32, #tpu.memory_space<vmem>>, vector<16xi32>,
    %get3A_83 = arith.constant 96 : index
    %get3A_84 = tpu.vector_load %arg8[%get3A_83] {strides = array<i32>} : memref<1024xi32, #tpu.memory_space<vmem>>, vector<16xi32>,
    %add3A_85 = vector.broadcast %mul3A_47 : i32 to vector<16xi32>
    %add3A_86 = arith.addi %get3A_84, %add3A_85 : vector<16xi32>
    %swap3A_87 = arith.constant 96 : index
    %swap3A_88 = tpu.vector_load %arg9[%swap3A_87] {strides = array<i32>} : memref<1024xi32, #tpu.memory_space<vmem>>, vector<16xi32>,
    tpu.vector_store %arg9[%swap3A_87], %add3A_86 {strides = array<i32>} : memref<1024xi32, #tpu.memory_space<vmem>>, vector<16xi32>,
    %get3A_89 = arith.constant 112 : index
    %get3A_90 = tpu.vector_load %arg8[%get3A_89] {strides = array<i32>} : memref<1024xi32, #tpu.memory_space<vmem>>, vector<16xi32>,
    %add3A_91 = vector.broadcast %mul3A_47 : i32 to vector<16xi32>
    %add3A_92 = arith.addi %get3A_90, %add3A_91 : vector<16xi32>
    %swap3A_93 = arith.constant 112 : index
    %swap3A_94 = tpu.vector_load %arg9[%swap3A_93] {strides = array<i32>} : memref<1024xi32, #tpu.memory_space<vmem>>, vector<16xi32>,
    tpu.vector_store %arg9[%swap3A_93], %add3A_92 {strides = array<i32>} : memref<1024xi32, #tpu.memory_space<vmem>>, vector<16xi32>,
    %get3A_95 = arith.constant 128 : index
    %get3A_96 = tpu.vector_load %arg8[%get3A_95] {strides = array<i32>} : memref<1024xi32, #tpu.memory_space<vmem>>, vector<16xi32>,
    %add3A_97 = vector.broadcast %mul3A_47 : i32 to vector<16xi32>
    %add3A_98 = arith.addi %get3A_96, %add3A_97 : vector<16xi32>
    %swap3A_99 = arith.constant 128 : index
    %swap3A_100 = tpu.vector_load %arg9[%swap3A_99] {strides = array<i32>} : memref<1024xi32, #tpu.memory_space<vmem>>, vector<16xi32>,
    tpu.vector_store %arg9[%swap3A_99], %add3A_98 {strides = array<i32>} : memref<1024xi32, #tpu.memory_space<vmem>>, vector<16xi32>,
    %get3A_101 = arith.constant 144 : index
    %get3A_102 = tpu.vector_load %arg8[%get3A_101] {strides = array<i32>} : memref<1024xi32, #tpu.memory_space<vmem>>, vector<16xi32>,
    %add3A_103 = vector.broadcast %mul3A_47 : i32 to vector<16xi32>
    %add3A_104 = arith.addi %get3A_102, %add3A_103 : vector<16xi32>
    %swap3A_105 = arith.constant 144 : index
    %swap3A_106 = tpu.vector_load %arg9[%swap3A_105] {strides = array<i32>} : memref<1024xi32, #tpu.memory_space<vmem>>, vector<16xi32>,
    tpu.vector_store %arg9[%swap3A_105], %add3A_104 {strides = array<i32>} : memref<1024xi32, #tpu.memory_space<vmem>>, vector<16xi32>,
    %get3A_107 = arith.constant 160 : index
    %get3A_108 = tpu.vector_load %arg8[%get3A_107] {strides = array<i32>} : memref<1024xi32, #tpu.memory_space<vmem>>, vector<16xi32>,
    %add3A_109 = vector.broadcast %mul3A_47 : i32 to vector<16xi32>
    %add3A_110 = arith.addi %get3A_108, %add3A_109 : vector<16xi32>
    %swap3A_111 = arith.constant 160 : index
    %swap3A_112 = tpu.vector_load %arg9[%swap3A_111] {strides = array<i32>} : memref<1024xi32, #tpu.memory_space<vmem>>, vector<16xi32>,
    tpu.vector_store %arg9[%swap3A_111], %add3A_110 {strides = array<i32>} : memref<1024xi32, #tpu.memory_space<vmem>>, vector<16xi32>,
    %get3A_113 = arith.constant 176 : index
    %get3A_114 = tpu.vector_load %arg8[%get3A_113] {strides = array<i32>} : memref<1024xi32, #tpu.memory_space<vmem>>, vector<16xi32>,
    %add3A_115 = vector.broadcast %mul3A_47 : i32 to vector<16xi32>
    %add3A_116 = arith.addi %get3A_114, %add3A_115 : vector<16xi32>
    %swap3A_117 = arith.constant 176 : index
    %swap3A_118 = tpu.vector_load %arg9[%swap3A_117] {strides = array<i32>} : memref<1024xi32, #tpu.memory_space<vmem>>, vector<16xi32>,
    tpu.vector_store %arg9[%swap3A_117], %add3A_116 {strides = array<i32>} : memref<1024xi32, #tpu.memory_space<vmem>>, vector<16xi32>,
    %get3A_119 = arith.constant 192 : index
    %get3A_120 = tpu.vector_load %arg8[%get3A_119] {strides = array<i32>} : memref<1024xi32, #tpu.memory_space<vmem>>, vector<16xi32>,
    %add3A_121 = vector.broadcast %mul3A_47 : i32 to vector<16xi32>
    %add3A_122 = arith.addi %get3A_120, %add3A_121 : vector<16xi32>
    %swap3A_123 = arith.constant 192 : index
    %swap3A_124 = tpu.vector_load %arg9[%swap3A_123] {strides = array<i32>} : memref<1024xi32, #tpu.memory_space<vmem>>, vector<16xi32>,
    tpu.vector_store %arg9[%swap3A_123], %add3A_122 {strides = array<i32>} : memref<1024xi32, #tpu.memory_space<vmem>>, vector<16xi32>,
    %get3A_125 = arith.constant 208 : index
    %get3A_126 = tpu.vector_load %arg8[%get3A_125] {strides = array<i32>} : memref<1024xi32, #tpu.memory_space<vmem>>, vector<16xi32>,
    %add3A_127 = vector.broadcast %mul3A_47 : i32 to vector<16xi32>
    %add3A_128 = arith.addi %get3A_126, %add3A_127 : vector<16xi32>
    %swap3A_129 = arith.constant 208 : index
    %swap3A_130 = tpu.vector_load %arg9[%swap3A_129] {strides = array<i32>} : memref<1024xi32, #tpu.memory_space<vmem>>, vector<16xi32>,
    tpu.vector_store %arg9[%swap3A_129], %add3A_128 {strides = array<i32>} : memref<1024xi32, #tpu.memory_space<vmem>>, vector<16xi32>,
    %get3A_131 = arith.constant 224 : index
    %get3A_132 = tpu.vector_load %arg8[%get3A_131] {strides = array<i32>} : memref<1024xi32, #tpu.memory_space<vmem>>, vector<16xi32>,
    %add3A_133 = vector.broadcast %mul3A_47 : i32 to vector<16xi32>
    %add3A_134 = arith.addi %get3A_132, %add3A_133 : vector<16xi32>
    %swap3A_135 = arith.constant 224 : index
    %swap3A_136 = tpu.vector_load %arg9[%swap3A_135] {strides = array<i32>} : memref<1024xi32, #tpu.memory_space<vmem>>, vector<16xi32>,
    tpu.vector_store %arg9[%swap3A_135], %add3A_134 {strides = array<i32>} : memref<1024xi32, #tpu.memory_space<vmem>>, vector<16xi32>,
    %get3A_137 = arith.constant 240 : index
    %get3A_138 = tpu.vector_load %arg8[%get3A_137] {strides = array<i32>} : memref<1024xi32, #tpu.memory_space<vmem>>, vector<16xi32>,
    %add3A_139 = vector.broadcast %mul3A_47 : i32 to vector<16xi32>
    %add3A_140 = arith.addi %get3A_138, %add3A_139 : vector<16xi32>
    %swap3A_141 = arith.constant 240 : index
    %swap3A_142 = tpu.vector_load %arg9[%swap3A_141] {strides = array<i32>} : memref<1024xi32, #tpu.memory_space<vmem>>, vector<16xi32>,
    tpu.vector_store %arg9[%swap3A_141], %add3A_140 {strides = array<i32>} : memref<1024xi32, #tpu.memory_space<vmem>>, vector<16xi32>,
    %get3A_143 = arith.constant 256 : index
    %get3A_144 = tpu.vector_load %arg8[%get3A_143] {strides = array<i32>} : memref<1024xi32, #tpu.memory_space<vmem>>, vector<16xi32>,
    %add3A_145 = vector.broadcast %mul3A_47 : i32 to vector<16xi32>
    %add3A_146 = arith.addi %get3A_144, %add3A_145 : vector<16xi32>
    %swap3A_147 = arith.constant 256 : index
    %swap3A_148 = tpu.vector_load %arg9[%swap3A_147] {strides = array<i32>} : memref<1024xi32, #tpu.memory_space<vmem>>, vector<16xi32>,
    tpu.vector_store %arg9[%swap3A_147], %add3A_146 {strides = array<i32>} : memref<1024xi32, #tpu.memory_space<vmem>>, vector<16xi32>,
    %get3A_149 = arith.constant 272 : index
    %get3A_150 = tpu.vector_load %arg8[%get3A_149] {strides = array<i32>} : memref<1024xi32, #tpu.memory_space<vmem>>, vector<16xi32>,
    %add3A_151 = vector.broadcast %mul3A_47 : i32 to vector<16xi32>
    %add3A_152 = arith.addi %get3A_150, %add3A_151 : vector<16xi32>
    %swap3A_153 = arith.constant 272 : index
    %swap3A_154 = tpu.vector_load %arg9[%swap3A_153] {strides = array<i32>} : memref<1024xi32, #tpu.memory_space<vmem>>, vector<16xi32>,
    tpu.vector_store %arg9[%swap3A_153], %add3A_152 {strides = array<i32>} : memref<1024xi32, #tpu.memory_space<vmem>>, vector<16xi32>,
    %get3A_155 = arith.constant 288 : index
    %get3A_156 = tpu.vector_load %arg8[%get3A_155] {strides = array<i32>} : memref<1024xi32, #tpu.memory_space<vmem>>, vector<16xi32>,
    %add3A_157 = vector.broadcast %mul3A_47 : i32 to vector<16xi32>
    %add3A_158 = arith.addi %get3A_156, %add3A_157 : vector<16xi32>
    %swap3A_159 = arith.constant 288 : index
    %swap3A_160 = tpu.vector_load %arg9[%swap3A_159] {strides = array<i32>} : memref<1024xi32, #tpu.memory_space<vmem>>, vector<16xi32>,
    tpu.vector_store %arg9[%swap3A_159], %add3A_158 {strides = array<i32>} : memref<1024xi32, #tpu.memory_space<vmem>>, vector<16xi32>,
    %get3A_161 = arith.constant 304 : index
    %get3A_162 = tpu.vector_load %arg8[%get3A_161] {strides = array<i32>} : memref<1024xi32, #tpu.memory_space<vmem>>, vector<16xi32>,
    %add3A_163 = vector.broadcast %mul3A_47 : i32 to vector<16xi32>
    %add3A_164 = arith.addi %get3A_162, %add3A_163 : vector<16xi32>
    %swap3A_165 = arith.constant 304 : index
    %swap3A_166 = tpu.vector_load %arg9[%swap3A_165] {strides = array<i32>} : memref<1024xi32, #tpu.memory_space<vmem>>, vector<16xi32>,
    tpu.vector_store %arg9[%swap3A_165], %add3A_164 {strides = array<i32>} : memref<1024xi32, #tpu.memory_space<vmem>>, vector<16xi32>,
    %get3A_167 = arith.constant 320 : index
    %get3A_168 = tpu.vector_load %arg8[%get3A_167] {strides = array<i32>} : memref<1024xi32, #tpu.memory_space<vmem>>, vector<16xi32>,
    %add3A_169 = vector.broadcast %mul3A_47 : i32 to vector<16xi32>
    %add3A_170 = arith.addi %get3A_168, %add3A_169 : vector<16xi32>
    %swap3A_171 = arith.constant 320 : index
    %swap3A_172 = tpu.vector_load %arg9[%swap3A_171] {strides = array<i32>} : memref<1024xi32, #tpu.memory_space<vmem>>, vector<16xi32>,
    tpu.vector_store %arg9[%swap3A_171], %add3A_170 {strides = array<i32>} : memref<1024xi32, #tpu.memory_space<vmem>>, vector<16xi32>,
    %get3A_173 = arith.constant 336 : index
    %get3A_174 = tpu.vector_load %arg8[%get3A_173] {strides = array<i32>} : memref<1024xi32, #tpu.memory_space<vmem>>, vector<16xi32>,
    %add3A_175 = vector.broadcast %mul3A_47 : i32 to vector<16xi32>
    %add3A_176 = arith.addi %get3A_174, %add3A_175 : vector<16xi32>
    %swap3A_177 = arith.constant 336 : index
    %swap3A_178 = tpu.vector_load %arg9[%swap3A_177] {strides = array<i32>} : memref<1024xi32, #tpu.memory_space<vmem>>, vector<16xi32>,
    tpu.vector_store %arg9[%swap3A_177], %add3A_176 {strides = array<i32>} : memref<1024xi32, #tpu.memory_space<vmem>>, vector<16xi32>,
    %get3A_179 = arith.constant 352 : index
    %get3A_180 = tpu.vector_load %arg8[%get3A_179] {strides = array<i32>} : memref<1024xi32, #tpu.memory_space<vmem>>, vector<16xi32>,
    %add3A_181 = vector.broadcast %mul3A_47 : i32 to vector<16xi32>
    %add3A_182 = arith.addi %get3A_180, %add3A_181 : vector<16xi32>
    %swap3A_183 = arith.constant 352 : index
    %swap3A_184 = tpu.vector_load %arg9[%swap3A_183] {strides = array<i32>} : memref<1024xi32, #tpu.memory_space<vmem>>, vector<16xi32>,
    tpu.vector_store %arg9[%swap3A_183], %add3A_182 {strides = array<i32>} : memref<1024xi32, #tpu.memory_space<vmem>>, vector<16xi32>,
    %get3A_185 = arith.constant 368 : index
    %get3A_186 = tpu.vector_load %arg8[%get3A_185] {strides = array<i32>} : memref<1024xi32, #tpu.memory_space<vmem>>, vector<16xi32>,
    %add3A_187 = vector.broadcast %mul3A_47 : i32 to vector<16xi32>
    %add3A_188 = arith.addi %get3A_186, %add3A_187 : vector<16xi32>
    %swap3A_189 = arith.constant 368 : index
    %swap3A_190 = tpu.vector_load %arg9[%swap3A_189] {strides = array<i32>} : memref<1024xi32, #tpu.memory_space<vmem>>, vector<16xi32>,
    tpu.vector_store %arg9[%swap3A_189], %add3A_188 {strides = array<i32>} : memref<1024xi32, #tpu.memory_space<vmem>>, vector<16xi32>,
    %get3A_191 = arith.constant 384 : index
    %get3A_192 = tpu.vector_load %arg8[%get3A_191] {strides = array<i32>} : memref<1024xi32, #tpu.memory_space<vmem>>, vector<16xi32>,
    %add3A_193 = vector.broadcast %mul3A_47 : i32 to vector<16xi32>
    %add3A_194 = arith.addi %get3A_192, %add3A_193 : vector<16xi32>
    %swap3A_195 = arith.constant 384 : index
    %swap3A_196 = tpu.vector_load %arg9[%swap3A_195] {strides = array<i32>} : memref<1024xi32, #tpu.memory_space<vmem>>, vector<16xi32>,
    tpu.vector_store %arg9[%swap3A_195], %add3A_194 {strides = array<i32>} : memref<1024xi32, #tpu.memory_space<vmem>>, vector<16xi32>,
    %get3A_197 = arith.constant 400 : index
    %get3A_198 = tpu.vector_load %arg8[%get3A_197] {strides = array<i32>} : memref<1024xi32, #tpu.memory_space<vmem>>, vector<16xi32>,
    %add3A_199 = vector.broadcast %mul3A_47 : i32 to vector<16xi32>
    %add3A_200 = arith.addi %get3A_198, %add3A_199 : vector<16xi32>
    %swap3A_201 = arith.constant 400 : index
    %swap3A_202 = tpu.vector_load %arg9[%swap3A_201] {strides = array<i32>} : memref<1024xi32, #tpu.memory_space<vmem>>, vector<16xi32>,
    tpu.vector_store %arg9[%swap3A_201], %add3A_200 {strides = array<i32>} : memref<1024xi32, #tpu.memory_space<vmem>>, vector<16xi32>,
    %get3A_203 = arith.constant 416 : index
    %get3A_204 = tpu.vector_load %arg8[%get3A_203] {strides = array<i32>} : memref<1024xi32, #tpu.memory_space<vmem>>, vector<16xi32>,
    %add3A_205 = vector.broadcast %mul3A_47 : i32 to vector<16xi32>
    %add3A_206 = arith.addi %get3A_204, %add3A_205 : vector<16xi32>
    %swap3A_207 = arith.constant 416 : index
    %swap3A_208 = tpu.vector_load %arg9[%swap3A_207] {strides = array<i32>} : memref<1024xi32, #tpu.memory_space<vmem>>, vector<16xi32>,
    tpu.vector_store %arg9[%swap3A_207], %add3A_206 {strides = array<i32>} : memref<1024xi32, #tpu.memory_space<vmem>>, vector<16xi32>,
    %get3A_209 = arith.constant 432 : index
    %get3A_210 = tpu.vector_load %arg8[%get3A_209] {strides = array<i32>} : memref<1024xi32, #tpu.memory_space<vmem>>, vector<16xi32>,
    %add3A_211 = vector.broadcast %mul3A_47 : i32 to vector<16xi32>
    %add3A_212 = arith.addi %get3A_210, %add3A_211 : vector<16xi32>
    %swap3A_213 = arith.constant 432 : index
    %swap3A_214 = tpu.vector_load %arg9[%swap3A_213] {strides = array<i32>} : memref<1024xi32, #tpu.memory_space<vmem>>, vector<16xi32>,
    tpu.vector_store %arg9[%swap3A_213], %add3A_212 {strides = array<i32>} : memref<1024xi32, #tpu.memory_space<vmem>>, vector<16xi32>,
    %get3A_215 = arith.constant 448 : index
    %get3A_216 = tpu.vector_load %arg8[%get3A_215] {strides = array<i32>} : memref<1024xi32, #tpu.memory_space<vmem>>, vector<16xi32>,
    %add3A_217 = vector.broadcast %mul3A_47 : i32 to vector<16xi32>
    %add3A_218 = arith.addi %get3A_216, %add3A_217 : vector<16xi32>
    %swap3A_219 = arith.constant 448 : index
    %swap3A_220 = tpu.vector_load %arg9[%swap3A_219] {strides = array<i32>} : memref<1024xi32, #tpu.memory_space<vmem>>, vector<16xi32>,
    tpu.vector_store %arg9[%swap3A_219], %add3A_218 {strides = array<i32>} : memref<1024xi32, #tpu.memory_space<vmem>>, vector<16xi32>,
    %get3A_221 = arith.constant 464 : index
    %get3A_222 = tpu.vector_load %arg8[%get3A_221] {strides = array<i32>} : memref<1024xi32, #tpu.memory_space<vmem>>, vector<16xi32>,
    %add3A_223 = vector.broadcast %mul3A_47 : i32 to vector<16xi32>
    %add3A_224 = arith.addi %get3A_222, %add3A_223 : vector<16xi32>
    %swap3A_225 = arith.constant 464 : index
    %swap3A_226 = tpu.vector_load %arg9[%swap3A_225] {strides = array<i32>} : memref<1024xi32, #tpu.memory_space<vmem>>, vector<16xi32>,
    tpu.vector_store %arg9[%swap3A_225], %add3A_224 {strides = array<i32>} : memref<1024xi32, #tpu.memory_space<vmem>>, vector<16xi32>,
    %get3A_227 = arith.constant 480 : index
    %get3A_228 = tpu.vector_load %arg8[%get3A_227] {strides = array<i32>} : memref<1024xi32, #tpu.memory_space<vmem>>, vector<16xi32>,
    %add3A_229 = vector.broadcast %mul3A_47 : i32 to vector<16xi32>
    %add3A_230 = arith.addi %get3A_228, %add3A_229 : vector<16xi32>
    %swap3A_231 = arith.constant 480 : index
    %swap3A_232 = tpu.vector_load %arg9[%swap3A_231] {strides = array<i32>} : memref<1024xi32, #tpu.memory_space<vmem>>, vector<16xi32>,
    tpu.vector_store %arg9[%swap3A_231], %add3A_230 {strides = array<i32>} : memref<1024xi32, #tpu.memory_space<vmem>>, vector<16xi32>,
    %get3A_233 = arith.constant 496 : index
    %get3A_234 = tpu.vector_load %arg8[%get3A_233] {strides = array<i32>} : memref<1024xi32, #tpu.memory_space<vmem>>, vector<16xi32>,
    %add3A_235 = vector.broadcast %mul3A_47 : i32 to vector<16xi32>
    %add3A_236 = arith.addi %get3A_234, %add3A_235 : vector<16xi32>
    %swap3A_237 = arith.constant 496 : index
    %swap3A_238 = tpu.vector_load %arg9[%swap3A_237] {strides = array<i32>} : memref<1024xi32, #tpu.memory_space<vmem>>, vector<16xi32>,
    tpu.vector_store %arg9[%swap3A_237], %add3A_236 {strides = array<i32>} : memref<1024xi32, #tpu.memory_space<vmem>>, vector<16xi32>,
    %get3A_239 = arith.constant 512 : index
    %get3A_240 = tpu.vector_load %arg8[%get3A_239] {strides = array<i32>} : memref<1024xi32, #tpu.memory_space<vmem>>, vector<16xi32>,
    %add3A_241 = vector.broadcast %mul3A_47 : i32 to vector<16xi32>
    %add3A_242 = arith.addi %get3A_240, %add3A_241 : vector<16xi32>
    %swap3A_243 = arith.constant 512 : index
    %swap3A_244 = tpu.vector_load %arg9[%swap3A_243] {strides = array<i32>} : memref<1024xi32, #tpu.memory_space<vmem>>, vector<16xi32>,
    tpu.vector_store %arg9[%swap3A_243], %add3A_242 {strides = array<i32>} : memref<1024xi32, #tpu.memory_space<vmem>>, vector<16xi32>,
    %get3A_245 = arith.constant 528 : index
    %get3A_246 = tpu.vector_load %arg8[%get3A_245] {strides = array<i32>} : memref<1024xi32, #tpu.memory_space<vmem>>, vector<16xi32>,
    %add3A_247 = vector.broadcast %mul3A_47 : i32 to vector<16xi32>
    %add3A_248 = arith.addi %get3A_246, %add3A_247 : vector<16xi32>
    %swap3A_249 = arith.constant 528 : index
    %swap3A_250 = tpu.vector_load %arg9[%swap3A_249] {strides = array<i32>} : memref<1024xi32, #tpu.memory_space<vmem>>, vector<16xi32>,
    tpu.vector_store %arg9[%swap3A_249], %add3A_248 {strides = array<i32>} : memref<1024xi32, #tpu.memory_space<vmem>>, vector<16xi32>,
    %get3A_251 = arith.constant 544 : index
    %get3A_252 = tpu.vector_load %arg8[%get3A_251] {strides = array<i32>} : memref<1024xi32, #tpu.memory_space<vmem>>, vector<16xi32>,
    %add3A_253 = vector.broadcast %mul3A_47 : i32 to vector<16xi32>
    %add3A_254 = arith.addi %get3A_252, %add3A_253 : vector<16xi32>
    %swap3A_255 = arith.constant 544 : index
    %swap3A_256 = tpu.vector_load %arg9[%swap3A_255] {strides = array<i32>} : memref<1024xi32, #tpu.memory_space<vmem>>, vector<16xi32>,
    tpu.vector_store %arg9[%swap3A_255], %add3A_254 {strides = array<i32>} : memref<1024xi32, #tpu.memory_space<vmem>>, vector<16xi32>,
    %get3A_257 = arith.constant 560 : index
    %get3A_258 = tpu.vector_load %arg8[%get3A_257] {strides = array<i32>} : memref<1024xi32, #tpu.memory_space<vmem>>, vector<16xi32>,
    %add3A_259 = vector.broadcast %mul3A_47 : i32 to vector<16xi32>
    %add3A_260 = arith.addi %get3A_258, %add3A_259 : vector<16xi32>
    %swap3A_261 = arith.constant 560 : index
    %swap3A_262 = tpu.vector_load %arg9[%swap3A_261] {strides = array<i32>} : memref<1024xi32, #tpu.memory_space<vmem>>, vector<16xi32>,
    tpu.vector_store %arg9[%swap3A_261], %add3A_260 {strides = array<i32>} : memref<1024xi32, #tpu.memory_space<vmem>>, vector<16xi32>,
    %get3A_263 = arith.constant 576 : index
    %get3A_264 = tpu.vector_load %arg8[%get3A_263] {strides = array<i32>} : memref<1024xi32, #tpu.memory_space<vmem>>, vector<16xi32>,
    %add3A_265 = vector.broadcast %mul3A_47 : i32 to vector<16xi32>
    %add3A_266 = arith.addi %get3A_264, %add3A_265 : vector<16xi32>
    %swap3A_267 = arith.constant 576 : index
    %swap3A_268 = tpu.vector_load %arg9[%swap3A_267] {strides = array<i32>} : memref<1024xi32, #tpu.memory_space<vmem>>, vector<16xi32>,
    tpu.vector_store %arg9[%swap3A_267], %add3A_266 {strides = array<i32>} : memref<1024xi32, #tpu.memory_space<vmem>>, vector<16xi32>,
    %get3A_269 = arith.constant 592 : index
    %get3A_270 = tpu.vector_load %arg8[%get3A_269] {strides = array<i32>} : memref<1024xi32, #tpu.memory_space<vmem>>, vector<16xi32>,
    %add3A_271 = vector.broadcast %mul3A_47 : i32 to vector<16xi32>
    %add3A_272 = arith.addi %get3A_270, %add3A_271 : vector<16xi32>
    %swap3A_273 = arith.constant 592 : index
    %swap3A_274 = tpu.vector_load %arg9[%swap3A_273] {strides = array<i32>} : memref<1024xi32, #tpu.memory_space<vmem>>, vector<16xi32>,
    tpu.vector_store %arg9[%swap3A_273], %add3A_272 {strides = array<i32>} : memref<1024xi32, #tpu.memory_space<vmem>>, vector<16xi32>,
    %get3A_275 = arith.constant 608 : index
    %get3A_276 = tpu.vector_load %arg8[%get3A_275] {strides = array<i32>} : memref<1024xi32, #tpu.memory_space<vmem>>, vector<16xi32>,
    %add3A_277 = vector.broadcast %mul3A_47 : i32 to vector<16xi32>
    %add3A_278 = arith.addi %get3A_276, %add3A_277 : vector<16xi32>
    %swap3A_279 = arith.constant 608 : index
    %swap3A_280 = tpu.vector_load %arg9[%swap3A_279] {strides = array<i32>} : memref<1024xi32, #tpu.memory_space<vmem>>, vector<16xi32>,
    tpu.vector_store %arg9[%swap3A_279], %add3A_278 {strides = array<i32>} : memref<1024xi32, #tpu.memory_space<vmem>>, vector<16xi32>,
    %get3A_281 = arith.constant 624 : index
    %get3A_282 = tpu.vector_load %arg8[%get3A_281] {strides = array<i32>} : memref<1024xi32, #tpu.memory_space<vmem>>, vector<16xi32>,
    %add3A_283 = vector.broadcast %mul3A_47 : i32 to vector<16xi32>
    %add3A_284 = arith.addi %get3A_282, %add3A_283 : vector<16xi32>
    %swap3A_285 = arith.constant 624 : index
    %swap3A_286 = tpu.vector_load %arg9[%swap3A_285] {strides = array<i32>} : memref<1024xi32, #tpu.memory_space<vmem>>, vector<16xi32>,
    tpu.vector_store %arg9[%swap3A_285], %add3A_284 {strides = array<i32>} : memref<1024xi32, #tpu.memory_space<vmem>>, vector<16xi32>,
    %get3A_287 = arith.constant 640 : index
    %get3A_288 = tpu.vector_load %arg8[%get3A_287] {strides = array<i32>} : memref<1024xi32, #tpu.memory_space<vmem>>, vector<16xi32>,
    %add3A_289 = vector.broadcast %mul3A_47 : i32 to vector<16xi32>
    %add3A_290 = arith.addi %get3A_288, %add3A_289 : vector<16xi32>
    %swap3A_291 = arith.constant 640 : index
    %swap3A_292 = tpu.vector_load %arg9[%swap3A_291] {strides = array<i32>} : memref<1024xi32, #tpu.memory_space<vmem>>, vector<16xi32>,
    tpu.vector_store %arg9[%swap3A_291], %add3A_290 {strides = array<i32>} : memref<1024xi32, #tpu.memory_space<vmem>>, vector<16xi32>,
    %get3A_293 = arith.constant 656 : index
    %get3A_294 = tpu.vector_load %arg8[%get3A_293] {strides = array<i32>} : memref<1024xi32, #tpu.memory_space<vmem>>, vector<16xi32>,
    %add3A_295 = vector.broadcast %mul3A_47 : i32 to vector<16xi32>
    %add3A_296 = arith.addi %get3A_294, %add3A_295 : vector<16xi32>
    %swap3A_297 = arith.constant 656 : index
    %swap3A_298 = tpu.vector_load %arg9[%swap3A_297] {strides = array<i32>} : memref<1024xi32, #tpu.memory_space<vmem>>, vector<16xi32>,
    tpu.vector_store %arg9[%swap3A_297], %add3A_296 {strides = array<i32>} : memref<1024xi32, #tpu.memory_space<vmem>>, vector<16xi32>,
    %get3A_299 = arith.constant 672 : index
    %get3A_300 = tpu.vector_load %arg8[%get3A_299] {strides = array<i32>} : memref<1024xi32, #tpu.memory_space<vmem>>, vector<16xi32>,
    %add3A_301 = vector.broadcast %mul3A_47 : i32 to vector<16xi32>
    %add3A_302 = arith.addi %get3A_300, %add3A_301 : vector<16xi32>
    %swap3A_303 = arith.constant 672 : index
    %swap3A_304 = tpu.vector_load %arg9[%swap3A_303] {strides = array<i32>} : memref<1024xi32, #tpu.memory_space<vmem>>, vector<16xi32>,
    tpu.vector_store %arg9[%swap3A_303], %add3A_302 {strides = array<i32>} : memref<1024xi32, #tpu.memory_space<vmem>>, vector<16xi32>,
    %get3A_305 = arith.constant 688 : index
    %get3A_306 = tpu.vector_load %arg8[%get3A_305] {strides = array<i32>} : memref<1024xi32, #tpu.memory_space<vmem>>, vector<16xi32>,
    %add3A_307 = vector.broadcast %mul3A_47 : i32 to vector<16xi32>
    %add3A_308 = arith.addi %get3A_306, %add3A_307 : vector<16xi32>
    %swap3A_309 = arith.constant 688 : index
    %swap3A_310 = tpu.vector_load %arg9[%swap3A_309] {strides = array<i32>} : memref<1024xi32, #tpu.memory_space<vmem>>, vector<16xi32>,
    tpu.vector_store %arg9[%swap3A_309], %add3A_308 {strides = array<i32>} : memref<1024xi32, #tpu.memory_space<vmem>>, vector<16xi32>,
    %get3A_311 = arith.constant 704 : index
    %get3A_312 = tpu.vector_load %arg8[%get3A_311] {strides = array<i32>} : memref<1024xi32, #tpu.memory_space<vmem>>, vector<16xi32>,
    %add3A_313 = vector.broadcast %mul3A_47 : i32 to vector<16xi32>
    %add3A_314 = arith.addi %get3A_312, %add3A_313 : vector<16xi32>
    %swap3A_315 = arith.constant 704 : index
    %swap3A_316 = tpu.vector_load %arg9[%swap3A_315] {strides = array<i32>} : memref<1024xi32, #tpu.memory_space<vmem>>, vector<16xi32>,
    tpu.vector_store %arg9[%swap3A_315], %add3A_314 {strides = array<i32>} : memref<1024xi32, #tpu.memory_space<vmem>>, vector<16xi32>,
    %get3A_317 = arith.constant 720 : index
    %get3A_318 = tpu.vector_load %arg8[%get3A_317] {strides = array<i32>} : memref<1024xi32, #tpu.memory_space<vmem>>, vector<16xi32>,
    %add3A_319 = vector.broadcast %mul3A_47 : i32 to vector<16xi32>
    %add3A_320 = arith.addi %get3A_318, %add3A_319 : vector<16xi32>
    %swap3A_321 = arith.constant 720 : index
    %swap3A_322 = tpu.vector_load %arg9[%swap3A_321] {strides = array<i32>} : memref<1024xi32, #tpu.memory_space<vmem>>, vector<16xi32>,
    tpu.vector_store %arg9[%swap3A_321], %add3A_320 {strides = array<i32>} : memref<1024xi32, #tpu.memory_space<vmem>>, vector<16xi32>,
    %get3A_323 = arith.constant 736 : index
    %get3A_324 = tpu.vector_load %arg8[%get3A_323] {strides = array<i32>} : memref<1024xi32, #tpu.memory_space<vmem>>, vector<16xi32>,
    %add3A_325 = vector.broadcast %mul3A_47 : i32 to vector<16xi32>
    %add3A_326 = arith.addi %get3A_324, %add3A_325 : vector<16xi32>
    %swap3A_327 = arith.constant 736 : index
    %swap3A_328 = tpu.vector_load %arg9[%swap3A_327] {strides = array<i32>} : memref<1024xi32, #tpu.memory_space<vmem>>, vector<16xi32>,
    tpu.vector_store %arg9[%swap3A_327], %add3A_326 {strides = array<i32>} : memref<1024xi32, #tpu.memory_space<vmem>>, vector<16xi32>,
    %get3A_329 = arith.constant 752 : index
    %get3A_330 = tpu.vector_load %arg8[%get3A_329] {strides = array<i32>} : memref<1024xi32, #tpu.memory_space<vmem>>, vector<16xi32>,
    %add3A_331 = vector.broadcast %mul3A_47 : i32 to vector<16xi32>
    %add3A_332 = arith.addi %get3A_330, %add3A_331 : vector<16xi32>
    %swap3A_333 = arith.constant 752 : index
    %swap3A_334 = tpu.vector_load %arg9[%swap3A_333] {strides = array<i32>} : memref<1024xi32, #tpu.memory_space<vmem>>, vector<16xi32>,
    tpu.vector_store %arg9[%swap3A_333], %add3A_332 {strides = array<i32>} : memref<1024xi32, #tpu.memory_space<vmem>>, vector<16xi32>,
    %get3A_335 = arith.constant 768 : index
    %get3A_336 = tpu.vector_load %arg8[%get3A_335] {strides = array<i32>} : memref<1024xi32, #tpu.memory_space<vmem>>, vector<16xi32>,
    %add3A_337 = vector.broadcast %mul3A_47 : i32 to vector<16xi32>
    %add3A_338 = arith.addi %get3A_336, %add3A_337 : vector<16xi32>
    %swap3A_339 = arith.constant 768 : index
    %swap3A_340 = tpu.vector_load %arg9[%swap3A_339] {strides = array<i32>} : memref<1024xi32, #tpu.memory_space<vmem>>, vector<16xi32>,
    tpu.vector_store %arg9[%swap3A_339], %add3A_338 {strides = array<i32>} : memref<1024xi32, #tpu.memory_space<vmem>>, vector<16xi32>,
    %get3A_341 = arith.constant 784 : index
    %get3A_342 = tpu.vector_load %arg8[%get3A_341] {strides = array<i32>} : memref<1024xi32, #tpu.memory_space<vmem>>, vector<16xi32>,
    %add3A_343 = vector.broadcast %mul3A_47 : i32 to vector<16xi32>
    %add3A_344 = arith.addi %get3A_342, %add3A_343 : vector<16xi32>
    %swap3A_345 = arith.constant 784 : index
    %swap3A_346 = tpu.vector_load %arg9[%swap3A_345] {strides = array<i32>} : memref<1024xi32, #tpu.memory_space<vmem>>, vector<16xi32>,
    tpu.vector_store %arg9[%swap3A_345], %add3A_344 {strides = array<i32>} : memref<1024xi32, #tpu.memory_space<vmem>>, vector<16xi32>,
    %get3A_347 = arith.constant 800 : index
    %get3A_348 = tpu.vector_load %arg8[%get3A_347] {strides = array<i32>} : memref<1024xi32, #tpu.memory_space<vmem>>, vector<16xi32>,
    %add3A_349 = vector.broadcast %mul3A_47 : i32 to vector<16xi32>
    %add3A_350 = arith.addi %get3A_348, %add3A_349 : vector<16xi32>
    %swap3A_351 = arith.constant 800 : index
    %swap3A_352 = tpu.vector_load %arg9[%swap3A_351] {strides = array<i32>} : memref<1024xi32, #tpu.memory_space<vmem>>, vector<16xi32>,
    tpu.vector_store %arg9[%swap3A_351], %add3A_350 {strides = array<i32>} : memref<1024xi32, #tpu.memory_space<vmem>>, vector<16xi32>,
    %get3A_353 = arith.constant 816 : index
    %get3A_354 = tpu.vector_load %arg8[%get3A_353] {strides = array<i32>} : memref<1024xi32, #tpu.memory_space<vmem>>, vector<16xi32>,
    %add3A_355 = vector.broadcast %mul3A_47 : i32 to vector<16xi32>
    %add3A_356 = arith.addi %get3A_354, %add3A_355 : vector<16xi32>
    %swap3A_357 = arith.constant 816 : index
    %swap3A_358 = tpu.vector_load %arg9[%swap3A_357] {strides = array<i32>} : memref<1024xi32, #tpu.memory_space<vmem>>, vector<16xi32>,
    tpu.vector_store %arg9[%swap3A_357], %add3A_356 {strides = array<i32>} : memref<1024xi32, #tpu.memory_space<vmem>>, vector<16xi32>,
    %get3A_359 = arith.constant 832 : index
    %get3A_360 = tpu.vector_load %arg8[%get3A_359] {strides = array<i32>} : memref<1024xi32, #tpu.memory_space<vmem>>, vector<16xi32>,
    %add3A_361 = vector.broadcast %mul3A_47 : i32 to vector<16xi32>
    %add3A_362 = arith.addi %get3A_360, %add3A_361 : vector<16xi32>
    %swap3A_363 = arith.constant 832 : index
    %swap3A_364 = tpu.vector_load %arg9[%swap3A_363] {strides = array<i32>} : memref<1024xi32, #tpu.memory_space<vmem>>, vector<16xi32>,
    tpu.vector_store %arg9[%swap3A_363], %add3A_362 {strides = array<i32>} : memref<1024xi32, #tpu.memory_space<vmem>>, vector<16xi32>,
    %get3A_365 = arith.constant 848 : index
    %get3A_366 = tpu.vector_load %arg8[%get3A_365] {strides = array<i32>} : memref<1024xi32, #tpu.memory_space<vmem>>, vector<16xi32>,
    %add3A_367 = vector.broadcast %mul3A_47 : i32 to vector<16xi32>
    %add3A_368 = arith.addi %get3A_366, %add3A_367 : vector<16xi32>
    %swap3A_369 = arith.constant 848 : index
    %swap3A_370 = tpu.vector_load %arg9[%swap3A_369] {strides = array<i32>} : memref<1024xi32, #tpu.memory_space<vmem>>, vector<16xi32>,
    tpu.vector_store %arg9[%swap3A_369], %add3A_368 {strides = array<i32>} : memref<1024xi32, #tpu.memory_space<vmem>>, vector<16xi32>,
    %get3A_371 = arith.constant 864 : index
    %get3A_372 = tpu.vector_load %arg8[%get3A_371] {strides = array<i32>} : memref<1024xi32, #tpu.memory_space<vmem>>, vector<16xi32>,
    %add3A_373 = vector.broadcast %mul3A_47 : i32 to vector<16xi32>
    %add3A_374 = arith.addi %get3A_372, %add3A_373 : vector<16xi32>
    %swap3A_375 = arith.constant 864 : index
    %swap3A_376 = tpu.vector_load %arg9[%swap3A_375] {strides = array<i32>} : memref<1024xi32, #tpu.memory_space<vmem>>, vector<16xi32>,
    tpu.vector_store %arg9[%swap3A_375], %add3A_374 {strides = array<i32>} : memref<1024xi32, #tpu.memory_space<vmem>>, vector<16xi32>,
    %get3A_377 = arith.constant 880 : index
    %get3A_378 = tpu.vector_load %arg8[%get3A_377] {strides = array<i32>} : memref<1024xi32, #tpu.memory_space<vmem>>, vector<16xi32>,
    %add3A_379 = vector.broadcast %mul3A_47 : i32 to vector<16xi32>
    %add3A_380 = arith.addi %get3A_378, %add3A_379 : vector<16xi32>
    %swap3A_381 = arith.constant 880 : index
    %swap3A_382 = tpu.vector_load %arg9[%swap3A_381] {strides = array<i32>} : memref<1024xi32, #tpu.memory_space<vmem>>, vector<16xi32>,
    tpu.vector_store %arg9[%swap3A_381], %add3A_380 {strides = array<i32>} : memref<1024xi32, #tpu.memory_space<vmem>>, vector<16xi32>,
    %get3A_383 = arith.constant 896 : index
    %get3A_384 = tpu.vector_load %arg8[%get3A_383] {strides = array<i32>} : memref<1024xi32, #tpu.memory_space<vmem>>, vector<16xi32>,
    %add3A_385 = vector.broadcast %mul3A_47 : i32 to vector<16xi32>
    %add3A_386 = arith.addi %get3A_384, %add3A_385 : vector<16xi32>
    %swap3A_387 = arith.constant 896 : index
    %swap3A_388 = tpu.vector_load %arg9[%swap3A_387] {strides = array<i32>} : memref<1024xi32, #tpu.memory_space<vmem>>, vector<16xi32>,
    tpu.vector_store %arg9[%swap3A_387], %add3A_386 {strides = array<i32>} : memref<1024xi32, #tpu.memory_space<vmem>>, vector<16xi32>,
    %get3A_389 = arith.constant 912 : index
    %get3A_390 = tpu.vector_load %arg8[%get3A_389] {strides = array<i32>} : memref<1024xi32, #tpu.memory_space<vmem>>, vector<16xi32>,
    %add3A_391 = vector.broadcast %mul3A_47 : i32 to vector<16xi32>
    %add3A_392 = arith.addi %get3A_390, %add3A_391 : vector<16xi32>
    %swap3A_393 = arith.constant 912 : index
    %swap3A_394 = tpu.vector_load %arg9[%swap3A_393] {strides = array<i32>} : memref<1024xi32, #tpu.memory_space<vmem>>, vector<16xi32>,
    tpu.vector_store %arg9[%swap3A_393], %add3A_392 {strides = array<i32>} : memref<1024xi32, #tpu.memory_space<vmem>>, vector<16xi32>,
    %get3A_395 = arith.constant 928 : index
    %get3A_396 = tpu.vector_load %arg8[%get3A_395] {strides = array<i32>} : memref<1024xi32, #tpu.memory_space<vmem>>, vector<16xi32>,
    %add3A_397 = vector.broadcast %mul3A_47 : i32 to vector<16xi32>
    %add3A_398 = arith.addi %get3A_396, %add3A_397 : vector<16xi32>
    %swap3A_399 = arith.constant 928 : index
    %swap3A_400 = tpu.vector_load %arg9[%swap3A_399] {strides = array<i32>} : memref<1024xi32, #tpu.memory_space<vmem>>, vector<16xi32>,
    tpu.vector_store %arg9[%swap3A_399], %add3A_398 {strides = array<i32>} : memref<1024xi32, #tpu.memory_space<vmem>>, vector<16xi32>,
    %get3A_401 = arith.constant 944 : index
    %get3A_402 = tpu.vector_load %arg8[%get3A_401] {strides = array<i32>} : memref<1024xi32, #tpu.memory_space<vmem>>, vector<16xi32>,
    %add3A_403 = vector.broadcast %mul3A_47 : i32 to vector<16xi32>
    %add3A_404 = arith.addi %get3A_402, %add3A_403 : vector<16xi32>
    %swap3A_405 = arith.constant 944 : index
    %swap3A_406 = tpu.vector_load %arg9[%swap3A_405] {strides = array<i32>} : memref<1024xi32, #tpu.memory_space<vmem>>, vector<16xi32>,
    tpu.vector_store %arg9[%swap3A_405], %add3A_404 {strides = array<i32>} : memref<1024xi32, #tpu.memory_space<vmem>>, vector<16xi32>,
    %get3A_407 = arith.constant 960 : index
    %get3A_408 = tpu.vector_load %arg8[%get3A_407] {strides = array<i32>} : memref<1024xi32, #tpu.memory_space<vmem>>, vector<16xi32>,
    %add3A_409 = vector.broadcast %mul3A_47 : i32 to vector<16xi32>
    %add3A_410 = arith.addi %get3A_408, %add3A_409 : vector<16xi32>
    %swap3A_411 = arith.constant 960 : index
    %swap3A_412 = tpu.vector_load %arg9[%swap3A_411] {strides = array<i32>} : memref<1024xi32, #tpu.memory_space<vmem>>, vector<16xi32>,
    tpu.vector_store %arg9[%swap3A_411], %add3A_410 {strides = array<i32>} : memref<1024xi32, #tpu.memory_space<vmem>>, vector<16xi32>,
    %get3A_413 = arith.constant 976 : index
    %get3A_414 = tpu.vector_load %arg8[%get3A_413] {strides = array<i32>} : memref<1024xi32, #tpu.memory_space<vmem>>, vector<16xi32>,
    %add3A_415 = vector.broadcast %mul3A_47 : i32 to vector<16xi32>
    %add3A_416 = arith.addi %get3A_414, %add3A_415 : vector<16xi32>
    %swap3A_417 = arith.constant 976 : index
    %swap3A_418 = tpu.vector_load %arg9[%swap3A_417] {strides = array<i32>} : memref<1024xi32, #tpu.memory_space<vmem>>, vector<16xi32>,
    tpu.vector_store %arg9[%swap3A_417], %add3A_416 {strides = array<i32>} : memref<1024xi32, #tpu.memory_space<vmem>>, vector<16xi32>,
    %get3A_419 = arith.constant 992 : index
    %get3A_420 = tpu.vector_load %arg8[%get3A_419] {strides = array<i32>} : memref<1024xi32, #tpu.memory_space<vmem>>, vector<16xi32>,
    %add3A_421 = vector.broadcast %mul3A_47 : i32 to vector<16xi32>
    %add3A_422 = arith.addi %get3A_420, %add3A_421 : vector<16xi32>
    %swap3A_423 = arith.constant 992 : index
    %swap3A_424 = tpu.vector_load %arg9[%swap3A_423] {strides = array<i32>} : memref<1024xi32, #tpu.memory_space<vmem>>, vector<16xi32>,
    tpu.vector_store %arg9[%swap3A_423], %add3A_422 {strides = array<i32>} : memref<1024xi32, #tpu.memory_space<vmem>>, vector<16xi32>,
    %get3A_425 = arith.constant 1008 : index
    %get3A_426 = tpu.vector_load %arg8[%get3A_425] {strides = array<i32>} : memref<1024xi32, #tpu.memory_space<vmem>>, vector<16xi32>,
    %add3A_427 = vector.broadcast %mul3A_47 : i32 to vector<16xi32>
    %add3A_428 = arith.addi %get3A_426, %add3A_427 : vector<16xi32>
    %swap3A_429 = arith.constant 1008 : index
    %swap3A_430 = tpu.vector_load %arg9[%swap3A_429] {strides = array<i32>} : memref<1024xi32, #tpu.memory_space<vmem>>, vector<16xi32>,
    tpu.vector_store %arg9[%swap3A_429], %add3A_428 {strides = array<i32>} : memref<1024xi32, #tpu.memory_space<vmem>>, vector<16xi32>,
    %dma_start3A = arith.constant 0 : i32
    %dma_start3A_431 = tpu.memref_slice %arg2[%dma_start3A] : memref<113246208xf32, #tpu.memory_space<hbm>> -> memref<113246208xf32, #tpu.memory_space<hbm>>
    tpu.enqueue_indirect_dma source(%dma_start3A_431 : memref<113246208xf32, #tpu.memory_space<hbm>>) target(%arg10 : memref<1024xf32, #tpu.memory_space<vmem>>) offsets(%arg9 : memref<1024xi32, #tpu.memory_space<vmem>>) semaphore(%arg16 : memref<!tpu.dma_semaphore, #tpu.memory_space<semaphore_mem>>)
    %scan3A_432 = arith.constant 0 : i32
    %scan3A_433 = arith.constant 0 : i32
    %scan3A_434 = arith.constant 48 : i32
    %scan3A_435 = arith.addi %scan3A_433, %scan3A_434 : i32
    %scan3A_436 = arith.constant 1 : i32
    scf.for %scan3A_438 = %scan3A_433 to %scan3A_435 step %scan3A_436  : i32 {
      %mul3A_439 = arith.constant 2 : i32
      %mul3A_440 = arith.muli %scan3A_438, %mul3A_439 : i32
      %add3A_441 = arith.constant 1 : i32
      %add3A_442 = arith.addi %mul3A_440, %add3A_441 : i32
      %mul3A_443 = arith.constant 96 : i32
      %mul3A_444 = arith.muli %select_n3A, %mul3A_443 : i32
      %add3A_445 = arith.addi %mul3A_444, %add3A_442 : i32
      %mul3A_446 = arith.constant 147456 : i32
      %mul3A_447 = arith.muli %add3A_445, %mul3A_446 : i32
      %get3A_448 = arith.constant 0 : index
      %get3A_449 = tpu.vector_load %arg8[%get3A_448] {strides = array<i32>} : memref<1024xi32, #tpu.memory_space<vmem>>, vector<16xi32>,
      %add3A_450 = vector.broadcast %mul3A_447 : i32 to vector<16xi32>
      %add3A_451 = arith.addi %get3A_449, %add3A_450 : vector<16xi32>
      %swap3A_452 = arith.constant 0 : index
      %swap3A_453 = tpu.vector_load %arg11[%swap3A_452] {strides = array<i32>} : memref<1024xi32, #tpu.memory_space<vmem>>, vector<16xi32>,
      tpu.vector_store %arg11[%swap3A_452], %add3A_451 {strides = array<i32>} : memref<1024xi32, #tpu.memory_space<vmem>>, vector<16xi32>,
      %get3A_454 = arith.constant 16 : index
      %get3A_455 = tpu.vector_load %arg8[%get3A_454] {strides = array<i32>} : memref<1024xi32, #tpu.memory_space<vmem>>, vector<16xi32>,
      %add3A_456 = vector.broadcast %mul3A_447 : i32 to vector<16xi32>
      %add3A_457 = arith.addi %get3A_455, %add3A_456 : vector<16xi32>
      %swap3A_458 = arith.constant 16 : index
      %swap3A_459 = tpu.vector_load %arg11[%swap3A_458] {strides = array<i32>} : memref<1024xi32, #tpu.memory_space<vmem>>, vector<16xi32>,
      tpu.vector_store %arg11[%swap3A_458], %add3A_457 {strides = array<i32>} : memref<1024xi32, #tpu.memory_space<vmem>>, vector<16xi32>,
      %get3A_460 = arith.constant 32 : index
      %get3A_461 = tpu.vector_load %arg8[%get3A_460] {strides = array<i32>} : memref<1024xi32, #tpu.memory_space<vmem>>, vector<16xi32>,
      %add3A_462 = vector.broadcast %mul3A_447 : i32 to vector<16xi32>
      %add3A_463 = arith.addi %get3A_461, %add3A_462 : vector<16xi32>
      %swap3A_464 = arith.constant 32 : index
      %swap3A_465 = tpu.vector_load %arg11[%swap3A_464] {strides = array<i32>} : memref<1024xi32, #tpu.memory_space<vmem>>, vector<16xi32>,
      tpu.vector_store %arg11[%swap3A_464], %add3A_463 {strides = array<i32>} : memref<1024xi32, #tpu.memory_space<vmem>>, vector<16xi32>,
      %get3A_466 = arith.constant 48 : index
      %get3A_467 = tpu.vector_load %arg8[%get3A_466] {strides = array<i32>} : memref<1024xi32, #tpu.memory_space<vmem>>, vector<16xi32>,
      %add3A_468 = vector.broadcast %mul3A_447 : i32 to vector<16xi32>
      %add3A_469 = arith.addi %get3A_467, %add3A_468 : vector<16xi32>
      %swap3A_470 = arith.constant 48 : index
      %swap3A_471 = tpu.vector_load %arg11[%swap3A_470] {strides = array<i32>} : memref<1024xi32, #tpu.memory_space<vmem>>, vector<16xi32>,
      tpu.vector_store %arg11[%swap3A_470], %add3A_469 {strides = array<i32>} : memref<1024xi32, #tpu.memory_space<vmem>>, vector<16xi32>,
      %get3A_472 = arith.constant 64 : index
      %get3A_473 = tpu.vector_load %arg8[%get3A_472] {strides = array<i32>} : memref<1024xi32, #tpu.memory_space<vmem>>, vector<16xi32>,
      %add3A_474 = vector.broadcast %mul3A_447 : i32 to vector<16xi32>
      %add3A_475 = arith.addi %get3A_473, %add3A_474 : vector<16xi32>
      %swap3A_476 = arith.constant 64 : index
      %swap3A_477 = tpu.vector_load %arg11[%swap3A_476] {strides = array<i32>} : memref<1024xi32, #tpu.memory_space<vmem>>, vector<16xi32>,
      tpu.vector_store %arg11[%swap3A_476], %add3A_475 {strides = array<i32>} : memref<1024xi32, #tpu.memory_space<vmem>>, vector<16xi32>,
      %get3A_478 = arith.constant 80 : index
      %get3A_479 = tpu.vector_load %arg8[%get3A_478] {strides = array<i32>} : memref<1024xi32, #tpu.memory_space<vmem>>, vector<16xi32>,
      %add3A_480 = vector.broadcast %mul3A_447 : i32 to vector<16xi32>
      %add3A_481 = arith.addi %get3A_479, %add3A_480 : vector<16xi32>
      %swap3A_482 = arith.constant 80 : index
      %swap3A_483 = tpu.vector_load %arg11[%swap3A_482] {strides = array<i32>} : memref<1024xi32, #tpu.memory_space<vmem>>, vector<16xi32>,
      tpu.vector_store %arg11[%swap3A_482], %add3A_481 {strides = array<i32>} : memref<1024xi32, #tpu.memory_space<vmem>>, vector<16xi32>,
      %get3A_484 = arith.constant 96 : index
      %get3A_485 = tpu.vector_load %arg8[%get3A_484] {strides = array<i32>} : memref<1024xi32, #tpu.memory_space<vmem>>, vector<16xi32>,
      %add3A_486 = vector.broadcast %mul3A_447 : i32 to vector<16xi32>
      %add3A_487 = arith.addi %get3A_485, %add3A_486 : vector<16xi32>
      %swap3A_488 = arith.constant 96 : index
      %swap3A_489 = tpu.vector_load %arg11[%swap3A_488] {strides = array<i32>} : memref<1024xi32, #tpu.memory_space<vmem>>, vector<16xi32>,
      tpu.vector_store %arg11[%swap3A_488], %add3A_487 {strides = array<i32>} : memref<1024xi32, #tpu.memory_space<vmem>>, vector<16xi32>,
      %get3A_490 = arith.constant 112 : index
      %get3A_491 = tpu.vector_load %arg8[%get3A_490] {strides = array<i32>} : memref<1024xi32, #tpu.memory_space<vmem>>, vector<16xi32>,
      %add3A_492 = vector.broadcast %mul3A_447 : i32 to vector<16xi32>
      %add3A_493 = arith.addi %get3A_491, %add3A_492 : vector<16xi32>
      %swap3A_494 = arith.constant 112 : index
      %swap3A_495 = tpu.vector_load %arg11[%swap3A_494] {strides = array<i32>} : memref<1024xi32, #tpu.memory_space<vmem>>, vector<16xi32>,
      tpu.vector_store %arg11[%swap3A_494], %add3A_493 {strides = array<i32>} : memref<1024xi32, #tpu.memory_space<vmem>>, vector<16xi32>,
      %get3A_496 = arith.constant 128 : index
      %get3A_497 = tpu.vector_load %arg8[%get3A_496] {strides = array<i32>} : memref<1024xi32, #tpu.memory_space<vmem>>, vector<16xi32>,
      %add3A_498 = vector.broadcast %mul3A_447 : i32 to vector<16xi32>
      %add3A_499 = arith.addi %get3A_497, %add3A_498 : vector<16xi32>
      %swap3A_500 = arith.constant 128 : index
      %swap3A_501 = tpu.vector_load %arg11[%swap3A_500] {strides = array<i32>} : memref<1024xi32, #tpu.memory_space<vmem>>, vector<16xi32>,
      tpu.vector_store %arg11[%swap3A_500], %add3A_499 {strides = array<i32>} : memref<1024xi32, #tpu.memory_space<vmem>>, vector<16xi32>,
      %get3A_502 = arith.constant 144 : index
      %get3A_503 = tpu.vector_load %arg8[%get3A_502] {strides = array<i32>} : memref<1024xi32, #tpu.memory_space<vmem>>, vector<16xi32>,
      %add3A_504 = vector.broadcast %mul3A_447 : i32 to vector<16xi32>
      %add3A_505 = arith.addi %get3A_503, %add3A_504 : vector<16xi32>
      %swap3A_506 = arith.constant 144 : index
      %swap3A_507 = tpu.vector_load %arg11[%swap3A_506] {strides = array<i32>} : memref<1024xi32, #tpu.memory_space<vmem>>, vector<16xi32>,
      tpu.vector_store %arg11[%swap3A_506], %add3A_505 {strides = array<i32>} : memref<1024xi32, #tpu.memory_space<vmem>>, vector<16xi32>,
      %get3A_508 = arith.constant 160 : index
      %get3A_509 = tpu.vector_load %arg8[%get3A_508] {strides = array<i32>} : memref<1024xi32, #tpu.memory_space<vmem>>, vector<16xi32>,
      %add3A_510 = vector.broadcast %mul3A_447 : i32 to vector<16xi32>
      %add3A_511 = arith.addi %get3A_509, %add3A_510 : vector<16xi32>
      %swap3A_512 = arith.constant 160 : index
      %swap3A_513 = tpu.vector_load %arg11[%swap3A_512] {strides = array<i32>} : memref<1024xi32, #tpu.memory_space<vmem>>, vector<16xi32>,
      tpu.vector_store %arg11[%swap3A_512], %add3A_511 {strides = array<i32>} : memref<1024xi32, #tpu.memory_space<vmem>>, vector<16xi32>,
      %get3A_514 = arith.constant 176 : index
      %get3A_515 = tpu.vector_load %arg8[%get3A_514] {strides = array<i32>} : memref<1024xi32, #tpu.memory_space<vmem>>, vector<16xi32>,
      %add3A_516 = vector.broadcast %mul3A_447 : i32 to vector<16xi32>
      %add3A_517 = arith.addi %get3A_515, %add3A_516 : vector<16xi32>
      %swap3A_518 = arith.constant 176 : index
      %swap3A_519 = tpu.vector_load %arg11[%swap3A_518] {strides = array<i32>} : memref<1024xi32, #tpu.memory_space<vmem>>, vector<16xi32>,
      tpu.vector_store %arg11[%swap3A_518], %add3A_517 {strides = array<i32>} : memref<1024xi32, #tpu.memory_space<vmem>>, vector<16xi32>,
      %get3A_520 = arith.constant 192 : index
      %get3A_521 = tpu.vector_load %arg8[%get3A_520] {strides = array<i32>} : memref<1024xi32, #tpu.memory_space<vmem>>, vector<16xi32>,
      %add3A_522 = vector.broadcast %mul3A_447 : i32 to vector<16xi32>
      %add3A_523 = arith.addi %get3A_521, %add3A_522 : vector<16xi32>
      %swap3A_524 = arith.constant 192 : index
      %swap3A_525 = tpu.vector_load %arg11[%swap3A_524] {strides = array<i32>} : memref<1024xi32, #tpu.memory_space<vmem>>, vector<16xi32>,
      tpu.vector_store %arg11[%swap3A_524], %add3A_523 {strides = array<i32>} : memref<1024xi32, #tpu.memory_space<vmem>>, vector<16xi32>,
      %get3A_526 = arith.constant 208 : index
      %get3A_527 = tpu.vector_load %arg8[%get3A_526] {strides = array<i32>} : memref<1024xi32, #tpu.memory_space<vmem>>, vector<16xi32>,
      %add3A_528 = vector.broadcast %mul3A_447 : i32 to vector<16xi32>
      %add3A_529 = arith.addi %get3A_527, %add3A_528 : vector<16xi32>
      %swap3A_530 = arith.constant 208 : index
      %swap3A_531 = tpu.vector_load %arg11[%swap3A_530] {strides = array<i32>} : memref<1024xi32, #tpu.memory_space<vmem>>, vector<16xi32>,
      tpu.vector_store %arg11[%swap3A_530], %add3A_529 {strides = array<i32>} : memref<1024xi32, #tpu.memory_space<vmem>>, vector<16xi32>,
      %get3A_532 = arith.constant 224 : index
      %get3A_533 = tpu.vector_load %arg8[%get3A_532] {strides = array<i32>} : memref<1024xi32, #tpu.memory_space<vmem>>, vector<16xi32>,
      %add3A_534 = vector.broadcast %mul3A_447 : i32 to vector<16xi32>
      %add3A_535 = arith.addi %get3A_533, %add3A_534 : vector<16xi32>
      %swap3A_536 = arith.constant 224 : index
      %swap3A_537 = tpu.vector_load %arg11[%swap3A_536] {strides = array<i32>} : memref<1024xi32, #tpu.memory_space<vmem>>, vector<16xi32>,
      tpu.vector_store %arg11[%swap3A_536], %add3A_535 {strides = array<i32>} : memref<1024xi32, #tpu.memory_space<vmem>>, vector<16xi32>,
      %get3A_538 = arith.constant 240 : index
      %get3A_539 = tpu.vector_load %arg8[%get3A_538] {strides = array<i32>} : memref<1024xi32, #tpu.memory_space<vmem>>, vector<16xi32>,
      %add3A_540 = vector.broadcast %mul3A_447 : i32 to vector<16xi32>
      %add3A_541 = arith.addi %get3A_539, %add3A_540 : vector<16xi32>
      %swap3A_542 = arith.constant 240 : index
      %swap3A_543 = tpu.vector_load %arg11[%swap3A_542] {strides = array<i32>} : memref<1024xi32, #tpu.memory_space<vmem>>, vector<16xi32>,
      tpu.vector_store %arg11[%swap3A_542], %add3A_541 {strides = array<i32>} : memref<1024xi32, #tpu.memory_space<vmem>>, vector<16xi32>,
      %get3A_544 = arith.constant 256 : index
      %get3A_545 = tpu.vector_load %arg8[%get3A_544] {strides = array<i32>} : memref<1024xi32, #tpu.memory_space<vmem>>, vector<16xi32>,
      %add3A_546 = vector.broadcast %mul3A_447 : i32 to vector<16xi32>
      %add3A_547 = arith.addi %get3A_545, %add3A_546 : vector<16xi32>
      %swap3A_548 = arith.constant 256 : index
      %swap3A_549 = tpu.vector_load %arg11[%swap3A_548] {strides = array<i32>} : memref<1024xi32, #tpu.memory_space<vmem>>, vector<16xi32>,
      tpu.vector_store %arg11[%swap3A_548], %add3A_547 {strides = array<i32>} : memref<1024xi32, #tpu.memory_space<vmem>>, vector<16xi32>,
      %get3A_550 = arith.constant 272 : index
      %get3A_551 = tpu.vector_load %arg8[%get3A_550] {strides = array<i32>} : memref<1024xi32, #tpu.memory_space<vmem>>, vector<16xi32>,
      %add3A_552 = vector.broadcast %mul3A_447 : i32 to vector<16xi32>
      %add3A_553 = arith.addi %get3A_551, %add3A_552 : vector<16xi32>
      %swap3A_554 = arith.constant 272 : index
      %swap3A_555 = tpu.vector_load %arg11[%swap3A_554] {strides = array<i32>} : memref<1024xi32, #tpu.memory_space<vmem>>, vector<16xi32>,
      tpu.vector_store %arg11[%swap3A_554], %add3A_553 {strides = array<i32>} : memref<1024xi32, #tpu.memory_space<vmem>>, vector<16xi32>,
      %get3A_556 = arith.constant 288 : index
      %get3A_557 = tpu.vector_load %arg8[%get3A_556] {strides = array<i32>} : memref<1024xi32, #tpu.memory_space<vmem>>, vector<16xi32>,
      %add3A_558 = vector.broadcast %mul3A_447 : i32 to vector<16xi32>
      %add3A_559 = arith.addi %get3A_557, %add3A_558 : vector<16xi32>
      %swap3A_560 = arith.constant 288 : index
      %swap3A_561 = tpu.vector_load %arg11[%swap3A_560] {strides = array<i32>} : memref<1024xi32, #tpu.memory_space<vmem>>, vector<16xi32>,
      tpu.vector_store %arg11[%swap3A_560], %add3A_559 {strides = array<i32>} : memref<1024xi32, #tpu.memory_space<vmem>>, vector<16xi32>,
      %get3A_562 = arith.constant 304 : index
      %get3A_563 = tpu.vector_load %arg8[%get3A_562] {strides = array<i32>} : memref<1024xi32, #tpu.memory_space<vmem>>, vector<16xi32>,
      %add3A_564 = vector.broadcast %mul3A_447 : i32 to vector<16xi32>
      %add3A_565 = arith.addi %get3A_563, %add3A_564 : vector<16xi32>
      %swap3A_566 = arith.constant 304 : index
      %swap3A_567 = tpu.vector_load %arg11[%swap3A_566] {strides = array<i32>} : memref<1024xi32, #tpu.memory_space<vmem>>, vector<16xi32>,
      tpu.vector_store %arg11[%swap3A_566], %add3A_565 {strides = array<i32>} : memref<1024xi32, #tpu.memory_space<vmem>>, vector<16xi32>,
      %get3A_568 = arith.constant 320 : index
      %get3A_569 = tpu.vector_load %arg8[%get3A_568] {strides = array<i32>} : memref<1024xi32, #tpu.memory_space<vmem>>, vector<16xi32>,
      %add3A_570 = vector.broadcast %mul3A_447 : i32 to vector<16xi32>
      %add3A_571 = arith.addi %get3A_569, %add3A_570 : vector<16xi32>
      %swap3A_572 = arith.constant 320 : index
      %swap3A_573 = tpu.vector_load %arg11[%swap3A_572] {strides = array<i32>} : memref<1024xi32, #tpu.memory_space<vmem>>, vector<16xi32>,
      tpu.vector_store %arg11[%swap3A_572], %add3A_571 {strides = array<i32>} : memref<1024xi32, #tpu.memory_space<vmem>>, vector<16xi32>,
      %get3A_574 = arith.constant 336 : index
      %get3A_575 = tpu.vector_load %arg8[%get3A_574] {strides = array<i32>} : memref<1024xi32, #tpu.memory_space<vmem>>, vector<16xi32>,
      %add3A_576 = vector.broadcast %mul3A_447 : i32 to vector<16xi32>
      %add3A_577 = arith.addi %get3A_575, %add3A_576 : vector<16xi32>
      %swap3A_578 = arith.constant 336 : index
      %swap3A_579 = tpu.vector_load %arg11[%swap3A_578] {strides = array<i32>} : memref<1024xi32, #tpu.memory_space<vmem>>, vector<16xi32>,
      tpu.vector_store %arg11[%swap3A_578], %add3A_577 {strides = array<i32>} : memref<1024xi32, #tpu.memory_space<vmem>>, vector<16xi32>,
      %get3A_580 = arith.constant 352 : index
      %get3A_581 = tpu.vector_load %arg8[%get3A_580] {strides = array<i32>} : memref<1024xi32, #tpu.memory_space<vmem>>, vector<16xi32>,
      %add3A_582 = vector.broadcast %mul3A_447 : i32 to vector<16xi32>
      %add3A_583 = arith.addi %get3A_581, %add3A_582 : vector<16xi32>
      %swap3A_584 = arith.constant 352 : index
      %swap3A_585 = tpu.vector_load %arg11[%swap3A_584] {strides = array<i32>} : memref<1024xi32, #tpu.memory_space<vmem>>, vector<16xi32>,
      tpu.vector_store %arg11[%swap3A_584], %add3A_583 {strides = array<i32>} : memref<1024xi32, #tpu.memory_space<vmem>>, vector<16xi32>,
      %get3A_586 = arith.constant 368 : index
      %get3A_587 = tpu.vector_load %arg8[%get3A_586] {strides = array<i32>} : memref<1024xi32, #tpu.memory_space<vmem>>, vector<16xi32>,
      %add3A_588 = vector.broadcast %mul3A_447 : i32 to vector<16xi32>
      %add3A_589 = arith.addi %get3A_587, %add3A_588 : vector<16xi32>
      %swap3A_590 = arith.constant 368 : index
      %swap3A_591 = tpu.vector_load %arg11[%swap3A_590] {strides = array<i32>} : memref<1024xi32, #tpu.memory_space<vmem>>, vector<16xi32>,
      tpu.vector_store %arg11[%swap3A_590], %add3A_589 {strides = array<i32>} : memref<1024xi32, #tpu.memory_space<vmem>>, vector<16xi32>,
      %get3A_592 = arith.constant 384 : index
      %get3A_593 = tpu.vector_load %arg8[%get3A_592] {strides = array<i32>} : memref<1024xi32, #tpu.memory_space<vmem>>, vector<16xi32>,
      %add3A_594 = vector.broadcast %mul3A_447 : i32 to vector<16xi32>
      %add3A_595 = arith.addi %get3A_593, %add3A_594 : vector<16xi32>
      %swap3A_596 = arith.constant 384 : index
      %swap3A_597 = tpu.vector_load %arg11[%swap3A_596] {strides = array<i32>} : memref<1024xi32, #tpu.memory_space<vmem>>, vector<16xi32>,
      tpu.vector_store %arg11[%swap3A_596], %add3A_595 {strides = array<i32>} : memref<1024xi32, #tpu.memory_space<vmem>>, vector<16xi32>,
      %get3A_598 = arith.constant 400 : index
      %get3A_599 = tpu.vector_load %arg8[%get3A_598] {strides = array<i32>} : memref<1024xi32, #tpu.memory_space<vmem>>, vector<16xi32>,
      %add3A_600 = vector.broadcast %mul3A_447 : i32 to vector<16xi32>
      %add3A_601 = arith.addi %get3A_599, %add3A_600 : vector<16xi32>
      %swap3A_602 = arith.constant 400 : index
      %swap3A_603 = tpu.vector_load %arg11[%swap3A_602] {strides = array<i32>} : memref<1024xi32, #tpu.memory_space<vmem>>, vector<16xi32>,
      tpu.vector_store %arg11[%swap3A_602], %add3A_601 {strides = array<i32>} : memref<1024xi32, #tpu.memory_space<vmem>>, vector<16xi32>,
      %get3A_604 = arith.constant 416 : index
      %get3A_605 = tpu.vector_load %arg8[%get3A_604] {strides = array<i32>} : memref<1024xi32, #tpu.memory_space<vmem>>, vector<16xi32>,
      %add3A_606 = vector.broadcast %mul3A_447 : i32 to vector<16xi32>
      %add3A_607 = arith.addi %get3A_605, %add3A_606 : vector<16xi32>
      %swap3A_608 = arith.constant 416 : index
      %swap3A_609 = tpu.vector_load %arg11[%swap3A_608] {strides = array<i32>} : memref<1024xi32, #tpu.memory_space<vmem>>, vector<16xi32>,
      tpu.vector_store %arg11[%swap3A_608], %add3A_607 {strides = array<i32>} : memref<1024xi32, #tpu.memory_space<vmem>>, vector<16xi32>,
      %get3A_610 = arith.constant 432 : index
      %get3A_611 = tpu.vector_load %arg8[%get3A_610] {strides = array<i32>} : memref<1024xi32, #tpu.memory_space<vmem>>, vector<16xi32>,
      %add3A_612 = vector.broadcast %mul3A_447 : i32 to vector<16xi32>
      %add3A_613 = arith.addi %get3A_611, %add3A_612 : vector<16xi32>
      %swap3A_614 = arith.constant 432 : index
      %swap3A_615 = tpu.vector_load %arg11[%swap3A_614] {strides = array<i32>} : memref<1024xi32, #tpu.memory_space<vmem>>, vector<16xi32>,
      tpu.vector_store %arg11[%swap3A_614], %add3A_613 {strides = array<i32>} : memref<1024xi32, #tpu.memory_space<vmem>>, vector<16xi32>,
      %get3A_616 = arith.constant 448 : index
      %get3A_617 = tpu.vector_load %arg8[%get3A_616] {strides = array<i32>} : memref<1024xi32, #tpu.memory_space<vmem>>, vector<16xi32>,
      %add3A_618 = vector.broadcast %mul3A_447 : i32 to vector<16xi32>
      %add3A_619 = arith.addi %get3A_617, %add3A_618 : vector<16xi32>
      %swap3A_620 = arith.constant 448 : index
      %swap3A_621 = tpu.vector_load %arg11[%swap3A_620] {strides = array<i32>} : memref<1024xi32, #tpu.memory_space<vmem>>, vector<16xi32>,
      tpu.vector_store %arg11[%swap3A_620], %add3A_619 {strides = array<i32>} : memref<1024xi32, #tpu.memory_space<vmem>>, vector<16xi32>,
      %get3A_622 = arith.constant 464 : index
      %get3A_623 = tpu.vector_load %arg8[%get3A_622] {strides = array<i32>} : memref<1024xi32, #tpu.memory_space<vmem>>, vector<16xi32>,
      %add3A_624 = vector.broadcast %mul3A_447 : i32 to vector<16xi32>
      %add3A_625 = arith.addi %get3A_623, %add3A_624 : vector<16xi32>
      %swap3A_626 = arith.constant 464 : index
      %swap3A_627 = tpu.vector_load %arg11[%swap3A_626] {strides = array<i32>} : memref<1024xi32, #tpu.memory_space<vmem>>, vector<16xi32>,
      tpu.vector_store %arg11[%swap3A_626], %add3A_625 {strides = array<i32>} : memref<1024xi32, #tpu.memory_space<vmem>>, vector<16xi32>,
      %get3A_628 = arith.constant 480 : index
      %get3A_629 = tpu.vector_load %arg8[%get3A_628] {strides = array<i32>} : memref<1024xi32, #tpu.memory_space<vmem>>, vector<16xi32>,
      %add3A_630 = vector.broadcast %mul3A_447 : i32 to vector<16xi32>
      %add3A_631 = arith.addi %get3A_629, %add3A_630 : vector<16xi32>
      %swap3A_632 = arith.constant 480 : index
      %swap3A_633 = tpu.vector_load %arg11[%swap3A_632] {strides = array<i32>} : memref<1024xi32, #tpu.memory_space<vmem>>, vector<16xi32>,
      tpu.vector_store %arg11[%swap3A_632], %add3A_631 {strides = array<i32>} : memref<1024xi32, #tpu.memory_space<vmem>>, vector<16xi32>,
      %get3A_634 = arith.constant 496 : index
      %get3A_635 = tpu.vector_load %arg8[%get3A_634] {strides = array<i32>} : memref<1024xi32, #tpu.memory_space<vmem>>, vector<16xi32>,
      %add3A_636 = vector.broadcast %mul3A_447 : i32 to vector<16xi32>
      %add3A_637 = arith.addi %get3A_635, %add3A_636 : vector<16xi32>
      %swap3A_638 = arith.constant 496 : index
      %swap3A_639 = tpu.vector_load %arg11[%swap3A_638] {strides = array<i32>} : memref<1024xi32, #tpu.memory_space<vmem>>, vector<16xi32>,
      tpu.vector_store %arg11[%swap3A_638], %add3A_637 {strides = array<i32>} : memref<1024xi32, #tpu.memory_space<vmem>>, vector<16xi32>,
      %get3A_640 = arith.constant 512 : index
      %get3A_641 = tpu.vector_load %arg8[%get3A_640] {strides = array<i32>} : memref<1024xi32, #tpu.memory_space<vmem>>, vector<16xi32>,
      %add3A_642 = vector.broadcast %mul3A_447 : i32 to vector<16xi32>
      %add3A_643 = arith.addi %get3A_641, %add3A_642 : vector<16xi32>
      %swap3A_644 = arith.constant 512 : index
      %swap3A_645 = tpu.vector_load %arg11[%swap3A_644] {strides = array<i32>} : memref<1024xi32, #tpu.memory_space<vmem>>, vector<16xi32>,
      tpu.vector_store %arg11[%swap3A_644], %add3A_643 {strides = array<i32>} : memref<1024xi32, #tpu.memory_space<vmem>>, vector<16xi32>,
      %get3A_646 = arith.constant 528 : index
      %get3A_647 = tpu.vector_load %arg8[%get3A_646] {strides = array<i32>} : memref<1024xi32, #tpu.memory_space<vmem>>, vector<16xi32>,
      %add3A_648 = vector.broadcast %mul3A_447 : i32 to vector<16xi32>
      %add3A_649 = arith.addi %get3A_647, %add3A_648 : vector<16xi32>
      %swap3A_650 = arith.constant 528 : index
      %swap3A_651 = tpu.vector_load %arg11[%swap3A_650] {strides = array<i32>} : memref<1024xi32, #tpu.memory_space<vmem>>, vector<16xi32>,
      tpu.vector_store %arg11[%swap3A_650], %add3A_649 {strides = array<i32>} : memref<1024xi32, #tpu.memory_space<vmem>>, vector<16xi32>,
      %get3A_652 = arith.constant 544 : index
      %get3A_653 = tpu.vector_load %arg8[%get3A_652] {strides = array<i32>} : memref<1024xi32, #tpu.memory_space<vmem>>, vector<16xi32>,
      %add3A_654 = vector.broadcast %mul3A_447 : i32 to vector<16xi32>
      %add3A_655 = arith.addi %get3A_653, %add3A_654 : vector<16xi32>
      %swap3A_656 = arith.constant 544 : index
      %swap3A_657 = tpu.vector_load %arg11[%swap3A_656] {strides = array<i32>} : memref<1024xi32, #tpu.memory_space<vmem>>, vector<16xi32>,
      tpu.vector_store %arg11[%swap3A_656], %add3A_655 {strides = array<i32>} : memref<1024xi32, #tpu.memory_space<vmem>>, vector<16xi32>,
      %get3A_658 = arith.constant 560 : index
      %get3A_659 = tpu.vector_load %arg8[%get3A_658] {strides = array<i32>} : memref<1024xi32, #tpu.memory_space<vmem>>, vector<16xi32>,
      %add3A_660 = vector.broadcast %mul3A_447 : i32 to vector<16xi32>
      %add3A_661 = arith.addi %get3A_659, %add3A_660 : vector<16xi32>
      %swap3A_662 = arith.constant 560 : index
      %swap3A_663 = tpu.vector_load %arg11[%swap3A_662] {strides = array<i32>} : memref<1024xi32, #tpu.memory_space<vmem>>, vector<16xi32>,
      tpu.vector_store %arg11[%swap3A_662], %add3A_661 {strides = array<i32>} : memref<1024xi32, #tpu.memory_space<vmem>>, vector<16xi32>,
      %get3A_664 = arith.constant 576 : index
      %get3A_665 = tpu.vector_load %arg8[%get3A_664] {strides = array<i32>} : memref<1024xi32, #tpu.memory_space<vmem>>, vector<16xi32>,
      %add3A_666 = vector.broadcast %mul3A_447 : i32 to vector<16xi32>
      %add3A_667 = arith.addi %get3A_665, %add3A_666 : vector<16xi32>
      %swap3A_668 = arith.constant 576 : index
      %swap3A_669 = tpu.vector_load %arg11[%swap3A_668] {strides = array<i32>} : memref<1024xi32, #tpu.memory_space<vmem>>, vector<16xi32>,
      tpu.vector_store %arg11[%swap3A_668], %add3A_667 {strides = array<i32>} : memref<1024xi32, #tpu.memory_space<vmem>>, vector<16xi32>,
      %get3A_670 = arith.constant 592 : index
      %get3A_671 = tpu.vector_load %arg8[%get3A_670] {strides = array<i32>} : memref<1024xi32, #tpu.memory_space<vmem>>, vector<16xi32>,
      %add3A_672 = vector.broadcast %mul3A_447 : i32 to vector<16xi32>
      %add3A_673 = arith.addi %get3A_671, %add3A_672 : vector<16xi32>
      %swap3A_674 = arith.constant 592 : index
      %swap3A_675 = tpu.vector_load %arg11[%swap3A_674] {strides = array<i32>} : memref<1024xi32, #tpu.memory_space<vmem>>, vector<16xi32>,
      tpu.vector_store %arg11[%swap3A_674], %add3A_673 {strides = array<i32>} : memref<1024xi32, #tpu.memory_space<vmem>>, vector<16xi32>,
      %get3A_676 = arith.constant 608 : index
      %get3A_677 = tpu.vector_load %arg8[%get3A_676] {strides = array<i32>} : memref<1024xi32, #tpu.memory_space<vmem>>, vector<16xi32>,
      %add3A_678 = vector.broadcast %mul3A_447 : i32 to vector<16xi32>
      %add3A_679 = arith.addi %get3A_677, %add3A_678 : vector<16xi32>
      %swap3A_680 = arith.constant 608 : index
      %swap3A_681 = tpu.vector_load %arg11[%swap3A_680] {strides = array<i32>} : memref<1024xi32, #tpu.memory_space<vmem>>, vector<16xi32>,
      tpu.vector_store %arg11[%swap3A_680], %add3A_679 {strides = array<i32>} : memref<1024xi32, #tpu.memory_space<vmem>>, vector<16xi32>,
      %get3A_682 = arith.constant 624 : index
      %get3A_683 = tpu.vector_load %arg8[%get3A_682] {strides = array<i32>} : memref<1024xi32, #tpu.memory_space<vmem>>, vector<16xi32>,
      %add3A_684 = vector.broadcast %mul3A_447 : i32 to vector<16xi32>
      %add3A_685 = arith.addi %get3A_683, %add3A_684 : vector<16xi32>
      %swap3A_686 = arith.constant 624 : index
      %swap3A_687 = tpu.vector_load %arg11[%swap3A_686] {strides = array<i32>} : memref<1024xi32, #tpu.memory_space<vmem>>, vector<16xi32>,
      tpu.vector_store %arg11[%swap3A_686], %add3A_685 {strides = array<i32>} : memref<1024xi32, #tpu.memory_space<vmem>>, vector<16xi32>,
      %get3A_688 = arith.constant 640 : index
      %get3A_689 = tpu.vector_load %arg8[%get3A_688] {strides = array<i32>} : memref<1024xi32, #tpu.memory_space<vmem>>, vector<16xi32>,
      %add3A_690 = vector.broadcast %mul3A_447 : i32 to vector<16xi32>
      %add3A_691 = arith.addi %get3A_689, %add3A_690 : vector<16xi32>
      %swap3A_692 = arith.constant 640 : index
      %swap3A_693 = tpu.vector_load %arg11[%swap3A_692] {strides = array<i32>} : memref<1024xi32, #tpu.memory_space<vmem>>, vector<16xi32>,
      tpu.vector_store %arg11[%swap3A_692], %add3A_691 {strides = array<i32>} : memref<1024xi32, #tpu.memory_space<vmem>>, vector<16xi32>,
      %get3A_694 = arith.constant 656 : index
      %get3A_695 = tpu.vector_load %arg8[%get3A_694] {strides = array<i32>} : memref<1024xi32, #tpu.memory_space<vmem>>, vector<16xi32>,
      %add3A_696 = vector.broadcast %mul3A_447 : i32 to vector<16xi32>
      %add3A_697 = arith.addi %get3A_695, %add3A_696 : vector<16xi32>
      %swap3A_698 = arith.constant 656 : index
      %swap3A_699 = tpu.vector_load %arg11[%swap3A_698] {strides = array<i32>} : memref<1024xi32, #tpu.memory_space<vmem>>, vector<16xi32>,
      tpu.vector_store %arg11[%swap3A_698], %add3A_697 {strides = array<i32>} : memref<1024xi32, #tpu.memory_space<vmem>>, vector<16xi32>,
      %get3A_700 = arith.constant 672 : index
      %get3A_701 = tpu.vector_load %arg8[%get3A_700] {strides = array<i32>} : memref<1024xi32, #tpu.memory_space<vmem>>, vector<16xi32>,
      %add3A_702 = vector.broadcast %mul3A_447 : i32 to vector<16xi32>
      %add3A_703 = arith.addi %get3A_701, %add3A_702 : vector<16xi32>
      %swap3A_704 = arith.constant 672 : index
      %swap3A_705 = tpu.vector_load %arg11[%swap3A_704] {strides = array<i32>} : memref<1024xi32, #tpu.memory_space<vmem>>, vector<16xi32>,
      tpu.vector_store %arg11[%swap3A_704], %add3A_703 {strides = array<i32>} : memref<1024xi32, #tpu.memory_space<vmem>>, vector<16xi32>,
      %get3A_706 = arith.constant 688 : index
      %get3A_707 = tpu.vector_load %arg8[%get3A_706] {strides = array<i32>} : memref<1024xi32, #tpu.memory_space<vmem>>, vector<16xi32>,
      %add3A_708 = vector.broadcast %mul3A_447 : i32 to vector<16xi32>
      %add3A_709 = arith.addi %get3A_707, %add3A_708 : vector<16xi32>
      %swap3A_710 = arith.constant 688 : index
      %swap3A_711 = tpu.vector_load %arg11[%swap3A_710] {strides = array<i32>} : memref<1024xi32, #tpu.memory_space<vmem>>, vector<16xi32>,
      tpu.vector_store %arg11[%swap3A_710], %add3A_709 {strides = array<i32>} : memref<1024xi32, #tpu.memory_space<vmem>>, vector<16xi32>,
      %get3A_712 = arith.constant 704 : index
      %get3A_713 = tpu.vector_load %arg8[%get3A_712] {strides = array<i32>} : memref<1024xi32, #tpu.memory_space<vmem>>, vector<16xi32>,
      %add3A_714 = vector.broadcast %mul3A_447 : i32 to vector<16xi32>
      %add3A_715 = arith.addi %get3A_713, %add3A_714 : vector<16xi32>
      %swap3A_716 = arith.constant 704 : index
      %swap3A_717 = tpu.vector_load %arg11[%swap3A_716] {strides = array<i32>} : memref<1024xi32, #tpu.memory_space<vmem>>, vector<16xi32>,
      tpu.vector_store %arg11[%swap3A_716], %add3A_715 {strides = array<i32>} : memref<1024xi32, #tpu.memory_space<vmem>>, vector<16xi32>,
      %get3A_718 = arith.constant 720 : index
      %get3A_719 = tpu.vector_load %arg8[%get3A_718] {strides = array<i32>} : memref<1024xi32, #tpu.memory_space<vmem>>, vector<16xi32>,
      %add3A_720 = vector.broadcast %mul3A_447 : i32 to vector<16xi32>
      %add3A_721 = arith.addi %get3A_719, %add3A_720 : vector<16xi32>
      %swap3A_722 = arith.constant 720 : index
      %swap3A_723 = tpu.vector_load %arg11[%swap3A_722] {strides = array<i32>} : memref<1024xi32, #tpu.memory_space<vmem>>, vector<16xi32>,
      tpu.vector_store %arg11[%swap3A_722], %add3A_721 {strides = array<i32>} : memref<1024xi32, #tpu.memory_space<vmem>>, vector<16xi32>,
      %get3A_724 = arith.constant 736 : index
      %get3A_725 = tpu.vector_load %arg8[%get3A_724] {strides = array<i32>} : memref<1024xi32, #tpu.memory_space<vmem>>, vector<16xi32>,
      %add3A_726 = vector.broadcast %mul3A_447 : i32 to vector<16xi32>
      %add3A_727 = arith.addi %get3A_725, %add3A_726 : vector<16xi32>
      %swap3A_728 = arith.constant 736 : index
      %swap3A_729 = tpu.vector_load %arg11[%swap3A_728] {strides = array<i32>} : memref<1024xi32, #tpu.memory_space<vmem>>, vector<16xi32>,
      tpu.vector_store %arg11[%swap3A_728], %add3A_727 {strides = array<i32>} : memref<1024xi32, #tpu.memory_space<vmem>>, vector<16xi32>,
      %get3A_730 = arith.constant 752 : index
      %get3A_731 = tpu.vector_load %arg8[%get3A_730] {strides = array<i32>} : memref<1024xi32, #tpu.memory_space<vmem>>, vector<16xi32>,
      %add3A_732 = vector.broadcast %mul3A_447 : i32 to vector<16xi32>
      %add3A_733 = arith.addi %get3A_731, %add3A_732 : vector<16xi32>
      %swap3A_734 = arith.constant 752 : index
      %swap3A_735 = tpu.vector_load %arg11[%swap3A_734] {strides = array<i32>} : memref<1024xi32, #tpu.memory_space<vmem>>, vector<16xi32>,
      tpu.vector_store %arg11[%swap3A_734], %add3A_733 {strides = array<i32>} : memref<1024xi32, #tpu.memory_space<vmem>>, vector<16xi32>,
      %get3A_736 = arith.constant 768 : index
      %get3A_737 = tpu.vector_load %arg8[%get3A_736] {strides = array<i32>} : memref<1024xi32, #tpu.memory_space<vmem>>, vector<16xi32>,
      %add3A_738 = vector.broadcast %mul3A_447 : i32 to vector<16xi32>
      %add3A_739 = arith.addi %get3A_737, %add3A_738 : vector<16xi32>
      %swap3A_740 = arith.constant 768 : index
      %swap3A_741 = tpu.vector_load %arg11[%swap3A_740] {strides = array<i32>} : memref<1024xi32, #tpu.memory_space<vmem>>, vector<16xi32>,
      tpu.vector_store %arg11[%swap3A_740], %add3A_739 {strides = array<i32>} : memref<1024xi32, #tpu.memory_space<vmem>>, vector<16xi32>,
      %get3A_742 = arith.constant 784 : index
      %get3A_743 = tpu.vector_load %arg8[%get3A_742] {strides = array<i32>} : memref<1024xi32, #tpu.memory_space<vmem>>, vector<16xi32>,
      %add3A_744 = vector.broadcast %mul3A_447 : i32 to vector<16xi32>
      %add3A_745 = arith.addi %get3A_743, %add3A_744 : vector<16xi32>
      %swap3A_746 = arith.constant 784 : index
      %swap3A_747 = tpu.vector_load %arg11[%swap3A_746] {strides = array<i32>} : memref<1024xi32, #tpu.memory_space<vmem>>, vector<16xi32>,
      tpu.vector_store %arg11[%swap3A_746], %add3A_745 {strides = array<i32>} : memref<1024xi32, #tpu.memory_space<vmem>>, vector<16xi32>,
      %get3A_748 = arith.constant 800 : index
      %get3A_749 = tpu.vector_load %arg8[%get3A_748] {strides = array<i32>} : memref<1024xi32, #tpu.memory_space<vmem>>, vector<16xi32>,
      %add3A_750 = vector.broadcast %mul3A_447 : i32 to vector<16xi32>
      %add3A_751 = arith.addi %get3A_749, %add3A_750 : vector<16xi32>
      %swap3A_752 = arith.constant 800 : index
      %swap3A_753 = tpu.vector_load %arg11[%swap3A_752] {strides = array<i32>} : memref<1024xi32, #tpu.memory_space<vmem>>, vector<16xi32>,
      tpu.vector_store %arg11[%swap3A_752], %add3A_751 {strides = array<i32>} : memref<1024xi32, #tpu.memory_space<vmem>>, vector<16xi32>,
      %get3A_754 = arith.constant 816 : index
      %get3A_755 = tpu.vector_load %arg8[%get3A_754] {strides = array<i32>} : memref<1024xi32, #tpu.memory_space<vmem>>, vector<16xi32>,
      %add3A_756 = vector.broadcast %mul3A_447 : i32 to vector<16xi32>
      %add3A_757 = arith.addi %get3A_755, %add3A_756 : vector<16xi32>
      %swap3A_758 = arith.constant 816 : index
      %swap3A_759 = tpu.vector_load %arg11[%swap3A_758] {strides = array<i32>} : memref<1024xi32, #tpu.memory_space<vmem>>, vector<16xi32>,
      tpu.vector_store %arg11[%swap3A_758], %add3A_757 {strides = array<i32>} : memref<1024xi32, #tpu.memory_space<vmem>>, vector<16xi32>,
      %get3A_760 = arith.constant 832 : index
      %get3A_761 = tpu.vector_load %arg8[%get3A_760] {strides = array<i32>} : memref<1024xi32, #tpu.memory_space<vmem>>, vector<16xi32>,
      %add3A_762 = vector.broadcast %mul3A_447 : i32 to vector<16xi32>
      %add3A_763 = arith.addi %get3A_761, %add3A_762 : vector<16xi32>
      %swap3A_764 = arith.constant 832 : index
      %swap3A_765 = tpu.vector_load %arg11[%swap3A_764] {strides = array<i32>} : memref<1024xi32, #tpu.memory_space<vmem>>, vector<16xi32>,
      tpu.vector_store %arg11[%swap3A_764], %add3A_763 {strides = array<i32>} : memref<1024xi32, #tpu.memory_space<vmem>>, vector<16xi32>,
      %get3A_766 = arith.constant 848 : index
      %get3A_767 = tpu.vector_load %arg8[%get3A_766] {strides = array<i32>} : memref<1024xi32, #tpu.memory_space<vmem>>, vector<16xi32>,
      %add3A_768 = vector.broadcast %mul3A_447 : i32 to vector<16xi32>
      %add3A_769 = arith.addi %get3A_767, %add3A_768 : vector<16xi32>
      %swap3A_770 = arith.constant 848 : index
      %swap3A_771 = tpu.vector_load %arg11[%swap3A_770] {strides = array<i32>} : memref<1024xi32, #tpu.memory_space<vmem>>, vector<16xi32>,
      tpu.vector_store %arg11[%swap3A_770], %add3A_769 {strides = array<i32>} : memref<1024xi32, #tpu.memory_space<vmem>>, vector<16xi32>,
      %get3A_772 = arith.constant 864 : index
      %get3A_773 = tpu.vector_load %arg8[%get3A_772] {strides = array<i32>} : memref<1024xi32, #tpu.memory_space<vmem>>, vector<16xi32>,
      %add3A_774 = vector.broadcast %mul3A_447 : i32 to vector<16xi32>
      %add3A_775 = arith.addi %get3A_773, %add3A_774 : vector<16xi32>
      %swap3A_776 = arith.constant 864 : index
      %swap3A_777 = tpu.vector_load %arg11[%swap3A_776] {strides = array<i32>} : memref<1024xi32, #tpu.memory_space<vmem>>, vector<16xi32>,
      tpu.vector_store %arg11[%swap3A_776], %add3A_775 {strides = array<i32>} : memref<1024xi32, #tpu.memory_space<vmem>>, vector<16xi32>,
      %get3A_778 = arith.constant 880 : index
      %get3A_779 = tpu.vector_load %arg8[%get3A_778] {strides = array<i32>} : memref<1024xi32, #tpu.memory_space<vmem>>, vector<16xi32>,
      %add3A_780 = vector.broadcast %mul3A_447 : i32 to vector<16xi32>
      %add3A_781 = arith.addi %get3A_779, %add3A_780 : vector<16xi32>
      %swap3A_782 = arith.constant 880 : index
      %swap3A_783 = tpu.vector_load %arg11[%swap3A_782] {strides = array<i32>} : memref<1024xi32, #tpu.memory_space<vmem>>, vector<16xi32>,
      tpu.vector_store %arg11[%swap3A_782], %add3A_781 {strides = array<i32>} : memref<1024xi32, #tpu.memory_space<vmem>>, vector<16xi32>,
      %get3A_784 = arith.constant 896 : index
      %get3A_785 = tpu.vector_load %arg8[%get3A_784] {strides = array<i32>} : memref<1024xi32, #tpu.memory_space<vmem>>, vector<16xi32>,
      %add3A_786 = vector.broadcast %mul3A_447 : i32 to vector<16xi32>
      %add3A_787 = arith.addi %get3A_785, %add3A_786 : vector<16xi32>
      %swap3A_788 = arith.constant 896 : index
      %swap3A_789 = tpu.vector_load %arg11[%swap3A_788] {strides = array<i32>} : memref<1024xi32, #tpu.memory_space<vmem>>, vector<16xi32>,
      tpu.vector_store %arg11[%swap3A_788], %add3A_787 {strides = array<i32>} : memref<1024xi32, #tpu.memory_space<vmem>>, vector<16xi32>,
      %get3A_790 = arith.constant 912 : index
      %get3A_791 = tpu.vector_load %arg8[%get3A_790] {strides = array<i32>} : memref<1024xi32, #tpu.memory_space<vmem>>, vector<16xi32>,
      %add3A_792 = vector.broadcast %mul3A_447 : i32 to vector<16xi32>
      %add3A_793 = arith.addi %get3A_791, %add3A_792 : vector<16xi32>
      %swap3A_794 = arith.constant 912 : index
      %swap3A_795 = tpu.vector_load %arg11[%swap3A_794] {strides = array<i32>} : memref<1024xi32, #tpu.memory_space<vmem>>, vector<16xi32>,
      tpu.vector_store %arg11[%swap3A_794], %add3A_793 {strides = array<i32>} : memref<1024xi32, #tpu.memory_space<vmem>>, vector<16xi32>,
      %get3A_796 = arith.constant 928 : index
      %get3A_797 = tpu.vector_load %arg8[%get3A_796] {strides = array<i32>} : memref<1024xi32, #tpu.memory_space<vmem>>, vector<16xi32>,
      %add3A_798 = vector.broadcast %mul3A_447 : i32 to vector<16xi32>
      %add3A_799 = arith.addi %get3A_797, %add3A_798 : vector<16xi32>
      %swap3A_800 = arith.constant 928 : index
      %swap3A_801 = tpu.vector_load %arg11[%swap3A_800] {strides = array<i32>} : memref<1024xi32, #tpu.memory_space<vmem>>, vector<16xi32>,
      tpu.vector_store %arg11[%swap3A_800], %add3A_799 {strides = array<i32>} : memref<1024xi32, #tpu.memory_space<vmem>>, vector<16xi32>,
      %get3A_802 = arith.constant 944 : index
      %get3A_803 = tpu.vector_load %arg8[%get3A_802] {strides = array<i32>} : memref<1024xi32, #tpu.memory_space<vmem>>, vector<16xi32>,
      %add3A_804 = vector.broadcast %mul3A_447 : i32 to vector<16xi32>
      %add3A_805 = arith.addi %get3A_803, %add3A_804 : vector<16xi32>
      %swap3A_806 = arith.constant 944 : index
      %swap3A_807 = tpu.vector_load %arg11[%swap3A_806] {strides = array<i32>} : memref<1024xi32, #tpu.memory_space<vmem>>, vector<16xi32>,
      tpu.vector_store %arg11[%swap3A_806], %add3A_805 {strides = array<i32>} : memref<1024xi32, #tpu.memory_space<vmem>>, vector<16xi32>,
      %get3A_808 = arith.constant 960 : index
      %get3A_809 = tpu.vector_load %arg8[%get3A_808] {strides = array<i32>} : memref<1024xi32, #tpu.memory_space<vmem>>, vector<16xi32>,
      %add3A_810 = vector.broadcast %mul3A_447 : i32 to vector<16xi32>
      %add3A_811 = arith.addi %get3A_809, %add3A_810 : vector<16xi32>
      %swap3A_812 = arith.constant 960 : index
      %swap3A_813 = tpu.vector_load %arg11[%swap3A_812] {strides = array<i32>} : memref<1024xi32, #tpu.memory_space<vmem>>, vector<16xi32>,
      tpu.vector_store %arg11[%swap3A_812], %add3A_811 {strides = array<i32>} : memref<1024xi32, #tpu.memory_space<vmem>>, vector<16xi32>,
      %get3A_814 = arith.constant 976 : index
      %get3A_815 = tpu.vector_load %arg8[%get3A_814] {strides = array<i32>} : memref<1024xi32, #tpu.memory_space<vmem>>, vector<16xi32>,
      %add3A_816 = vector.broadcast %mul3A_447 : i32 to vector<16xi32>
      %add3A_817 = arith.addi %get3A_815, %add3A_816 : vector<16xi32>
      %swap3A_818 = arith.constant 976 : index
      %swap3A_819 = tpu.vector_load %arg11[%swap3A_818] {strides = array<i32>} : memref<1024xi32, #tpu.memory_space<vmem>>, vector<16xi32>,
      tpu.vector_store %arg11[%swap3A_818], %add3A_817 {strides = array<i32>} : memref<1024xi32, #tpu.memory_space<vmem>>, vector<16xi32>,
      %get3A_820 = arith.constant 992 : index
      %get3A_821 = tpu.vector_load %arg8[%get3A_820] {strides = array<i32>} : memref<1024xi32, #tpu.memory_space<vmem>>, vector<16xi32>,
      %add3A_822 = vector.broadcast %mul3A_447 : i32 to vector<16xi32>
      %add3A_823 = arith.addi %get3A_821, %add3A_822 : vector<16xi32>
      %swap3A_824 = arith.constant 992 : index
      %swap3A_825 = tpu.vector_load %arg11[%swap3A_824] {strides = array<i32>} : memref<1024xi32, #tpu.memory_space<vmem>>, vector<16xi32>,
      tpu.vector_store %arg11[%swap3A_824], %add3A_823 {strides = array<i32>} : memref<1024xi32, #tpu.memory_space<vmem>>, vector<16xi32>,
      %get3A_826 = arith.constant 1008 : index
      %get3A_827 = tpu.vector_load %arg8[%get3A_826] {strides = array<i32>} : memref<1024xi32, #tpu.memory_space<vmem>>, vector<16xi32>,
      %add3A_828 = vector.broadcast %mul3A_447 : i32 to vector<16xi32>
      %add3A_829 = arith.addi %get3A_827, %add3A_828 : vector<16xi32>
      %swap3A_830 = arith.constant 1008 : index
      %swap3A_831 = tpu.vector_load %arg11[%swap3A_830] {strides = array<i32>} : memref<1024xi32, #tpu.memory_space<vmem>>, vector<16xi32>,
      tpu.vector_store %arg11[%swap3A_830], %add3A_829 {strides = array<i32>} : memref<1024xi32, #tpu.memory_space<vmem>>, vector<16xi32>,
      %dma_start3A_832 = arith.constant 0 : i32
      %dma_start3A_833 = tpu.memref_slice %arg2[%dma_start3A_832] : memref<113246208xf32, #tpu.memory_space<hbm>> -> memref<113246208xf32, #tpu.memory_space<hbm>>
      tpu.enqueue_indirect_dma source(%dma_start3A_833 : memref<113246208xf32, #tpu.memory_space<hbm>>) target(%arg12 : memref<1024xf32, #tpu.memory_space<vmem>>) offsets(%arg11 : memref<1024xi32, #tpu.memory_space<vmem>>) semaphore(%arg17 : memref<!tpu.dma_semaphore, #tpu.memory_space<semaphore_mem>>)
      %dma_wait3A = arith.constant 0 : i32
      %dma_wait3A_834 = tpu.memref_slice %arg2[%dma_wait3A] : memref<113246208xf32, #tpu.memory_space<hbm>> -> memref<113246208xf32, #tpu.memory_space<hbm>>
      tpu.wait_indirect_dma semaphore(%arg16 : memref<!tpu.dma_semaphore, #tpu.memory_space<semaphore_mem>>) src(%dma_wait3A_834 : memref<113246208xf32, #tpu.memory_space<hbm>>) dst(%arg10 : memref<1024xf32, #tpu.memory_space<vmem>>)
      %broadcast_in_dim3A_835 = arith.constant 0.000000e+00 : f32
      %broadcast_in_dim3A_836 = vector.broadcast %broadcast_in_dim3A_835 : f32 to vector<16xf32>
      %get3A_837 = arith.constant 0 : index
      %get3A_838 = tpu.vector_load %arg10[%get3A_837] {strides = array<i32>} : memref<1024xf32, #tpu.memory_space<vmem>>, vector<16xf32>,
      %add3A_839 = arith.constant 0 : i32
      %add3A_840 = vector.broadcast %add3A_839 : i32 to vector<16xi32>
      %add3A_841 = arith.addi %iota3A, %add3A_840 : vector<16xi32>
      %lt3A_842 = arith.cmpi slt, %add3A_841, %scan3A_40 : vector<16xi32>
      %jit3A_843 = arith.constant 0.000000e+00 : f32
      %broadcast_in_dim3A_844 = vector.broadcast %jit3A_843 : f32 to vector<16xf32>
      %select_n3A_845 = arith.select %lt3A_842, %get3A_838, %broadcast_in_dim3A_844 : vector<16xi1>, vector<16xf32>
      %add3A_846 = arith.addf %broadcast_in_dim3A_836, %select_n3A_845 : vector<16xf32>
      %get3A_847 = arith.constant 16 : index
      %get3A_848 = tpu.vector_load %arg10[%get3A_847] {strides = array<i32>} : memref<1024xf32, #tpu.memory_space<vmem>>, vector<16xf32>,
      %add3A_849 = arith.constant 16 : i32
      %add3A_850 = vector.broadcast %add3A_849 : i32 to vector<16xi32>
      %add3A_851 = arith.addi %iota3A, %add3A_850 : vector<16xi32>
      %lt3A_852 = arith.cmpi slt, %add3A_851, %scan3A_40 : vector<16xi32>
      %jit3A_853 = arith.constant 0.000000e+00 : f32
      %broadcast_in_dim3A_854 = vector.broadcast %jit3A_853 : f32 to vector<16xf32>
      %select_n3A_855 = arith.select %lt3A_852, %get3A_848, %broadcast_in_dim3A_854 : vector<16xi1>, vector<16xf32>
      %add3A_856 = arith.addf %add3A_846, %select_n3A_855 : vector<16xf32>
      %get3A_857 = arith.constant 32 : index
      %get3A_858 = tpu.vector_load %arg10[%get3A_857] {strides = array<i32>} : memref<1024xf32, #tpu.memory_space<vmem>>, vector<16xf32>,
      %add3A_859 = arith.constant 32 : i32
      %add3A_860 = vector.broadcast %add3A_859 : i32 to vector<16xi32>
      %add3A_861 = arith.addi %iota3A, %add3A_860 : vector<16xi32>
      %lt3A_862 = arith.cmpi slt, %add3A_861, %scan3A_40 : vector<16xi32>
      %jit3A_863 = arith.constant 0.000000e+00 : f32
      %broadcast_in_dim3A_864 = vector.broadcast %jit3A_863 : f32 to vector<16xf32>
      %select_n3A_865 = arith.select %lt3A_862, %get3A_858, %broadcast_in_dim3A_864 : vector<16xi1>, vector<16xf32>
      %add3A_866 = arith.addf %add3A_856, %select_n3A_865 : vector<16xf32>
      %get3A_867 = arith.constant 48 : index
      %get3A_868 = tpu.vector_load %arg10[%get3A_867] {strides = array<i32>} : memref<1024xf32, #tpu.memory_space<vmem>>, vector<16xf32>,
      %add3A_869 = arith.constant 48 : i32
      %add3A_870 = vector.broadcast %add3A_869 : i32 to vector<16xi32>
      %add3A_871 = arith.addi %iota3A, %add3A_870 : vector<16xi32>
      %lt3A_872 = arith.cmpi slt, %add3A_871, %scan3A_40 : vector<16xi32>
      %jit3A_873 = arith.constant 0.000000e+00 : f32
      %broadcast_in_dim3A_874 = vector.broadcast %jit3A_873 : f32 to vector<16xf32>
      %select_n3A_875 = arith.select %lt3A_872, %get3A_868, %broadcast_in_dim3A_874 : vector<16xi1>, vector<16xf32>
      %add3A_876 = arith.addf %add3A_866, %select_n3A_875 : vector<16xf32>
      %get3A_877 = arith.constant 64 : index
      %get3A_878 = tpu.vector_load %arg10[%get3A_877] {strides = array<i32>} : memref<1024xf32, #tpu.memory_space<vmem>>, vector<16xf32>,
      %add3A_879 = arith.constant 64 : i32
      %add3A_880 = vector.broadcast %add3A_879 : i32 to vector<16xi32>
      %add3A_881 = arith.addi %iota3A, %add3A_880 : vector<16xi32>
      %lt3A_882 = arith.cmpi slt, %add3A_881, %scan3A_40 : vector<16xi32>
      %jit3A_883 = arith.constant 0.000000e+00 : f32
      %broadcast_in_dim3A_884 = vector.broadcast %jit3A_883 : f32 to vector<16xf32>
      %select_n3A_885 = arith.select %lt3A_882, %get3A_878, %broadcast_in_dim3A_884 : vector<16xi1>, vector<16xf32>
      %add3A_886 = arith.addf %add3A_876, %select_n3A_885 : vector<16xf32>
      %get3A_887 = arith.constant 80 : index
      %get3A_888 = tpu.vector_load %arg10[%get3A_887] {strides = array<i32>} : memref<1024xf32, #tpu.memory_space<vmem>>, vector<16xf32>,
      %add3A_889 = arith.constant 80 : i32
      %add3A_890 = vector.broadcast %add3A_889 : i32 to vector<16xi32>
      %add3A_891 = arith.addi %iota3A, %add3A_890 : vector<16xi32>
      %lt3A_892 = arith.cmpi slt, %add3A_891, %scan3A_40 : vector<16xi32>
      %jit3A_893 = arith.constant 0.000000e+00 : f32
      %broadcast_in_dim3A_894 = vector.broadcast %jit3A_893 : f32 to vector<16xf32>
      %select_n3A_895 = arith.select %lt3A_892, %get3A_888, %broadcast_in_dim3A_894 : vector<16xi1>, vector<16xf32>
      %add3A_896 = arith.addf %add3A_886, %select_n3A_895 : vector<16xf32>
      %get3A_897 = arith.constant 96 : index
      %get3A_898 = tpu.vector_load %arg10[%get3A_897] {strides = array<i32>} : memref<1024xf32, #tpu.memory_space<vmem>>, vector<16xf32>,
      %add3A_899 = arith.constant 96 : i32
      %add3A_900 = vector.broadcast %add3A_899 : i32 to vector<16xi32>
      %add3A_901 = arith.addi %iota3A, %add3A_900 : vector<16xi32>
      %lt3A_902 = arith.cmpi slt, %add3A_901, %scan3A_40 : vector<16xi32>
      %jit3A_903 = arith.constant 0.000000e+00 : f32
      %broadcast_in_dim3A_904 = vector.broadcast %jit3A_903 : f32 to vector<16xf32>
      %select_n3A_905 = arith.select %lt3A_902, %get3A_898, %broadcast_in_dim3A_904 : vector<16xi1>, vector<16xf32>
      %add3A_906 = arith.addf %add3A_896, %select_n3A_905 : vector<16xf32>
      %get3A_907 = arith.constant 112 : index
      %get3A_908 = tpu.vector_load %arg10[%get3A_907] {strides = array<i32>} : memref<1024xf32, #tpu.memory_space<vmem>>, vector<16xf32>,
      %add3A_909 = arith.constant 112 : i32
      %add3A_910 = vector.broadcast %add3A_909 : i32 to vector<16xi32>
      %add3A_911 = arith.addi %iota3A, %add3A_910 : vector<16xi32>
      %lt3A_912 = arith.cmpi slt, %add3A_911, %scan3A_40 : vector<16xi32>
      %jit3A_913 = arith.constant 0.000000e+00 : f32
      %broadcast_in_dim3A_914 = vector.broadcast %jit3A_913 : f32 to vector<16xf32>
      %select_n3A_915 = arith.select %lt3A_912, %get3A_908, %broadcast_in_dim3A_914 : vector<16xi1>, vector<16xf32>
      %add3A_916 = arith.addf %add3A_906, %select_n3A_915 : vector<16xf32>
      %get3A_917 = arith.constant 128 : index
      %get3A_918 = tpu.vector_load %arg10[%get3A_917] {strides = array<i32>} : memref<1024xf32, #tpu.memory_space<vmem>>, vector<16xf32>,
      %add3A_919 = arith.constant 128 : i32
      %add3A_920 = vector.broadcast %add3A_919 : i32 to vector<16xi32>
      %add3A_921 = arith.addi %iota3A, %add3A_920 : vector<16xi32>
      %lt3A_922 = arith.cmpi slt, %add3A_921, %scan3A_40 : vector<16xi32>
      %jit3A_923 = arith.constant 0.000000e+00 : f32
      %broadcast_in_dim3A_924 = vector.broadcast %jit3A_923 : f32 to vector<16xf32>
      %select_n3A_925 = arith.select %lt3A_922, %get3A_918, %broadcast_in_dim3A_924 : vector<16xi1>, vector<16xf32>
      %add3A_926 = arith.addf %add3A_916, %select_n3A_925 : vector<16xf32>
      %get3A_927 = arith.constant 144 : index
      %get3A_928 = tpu.vector_load %arg10[%get3A_927] {strides = array<i32>} : memref<1024xf32, #tpu.memory_space<vmem>>, vector<16xf32>,
      %add3A_929 = arith.constant 144 : i32
      %add3A_930 = vector.broadcast %add3A_929 : i32 to vector<16xi32>
      %add3A_931 = arith.addi %iota3A, %add3A_930 : vector<16xi32>
      %lt3A_932 = arith.cmpi slt, %add3A_931, %scan3A_40 : vector<16xi32>
      %jit3A_933 = arith.constant 0.000000e+00 : f32
      %broadcast_in_dim3A_934 = vector.broadcast %jit3A_933 : f32 to vector<16xf32>
      %select_n3A_935 = arith.select %lt3A_932, %get3A_928, %broadcast_in_dim3A_934 : vector<16xi1>, vector<16xf32>
      %add3A_936 = arith.addf %add3A_926, %select_n3A_935 : vector<16xf32>
      %get3A_937 = arith.constant 160 : index
      %get3A_938 = tpu.vector_load %arg10[%get3A_937] {strides = array<i32>} : memref<1024xf32, #tpu.memory_space<vmem>>, vector<16xf32>,
      %add3A_939 = arith.constant 160 : i32
      %add3A_940 = vector.broadcast %add3A_939 : i32 to vector<16xi32>
      %add3A_941 = arith.addi %iota3A, %add3A_940 : vector<16xi32>
      %lt3A_942 = arith.cmpi slt, %add3A_941, %scan3A_40 : vector<16xi32>
      %jit3A_943 = arith.constant 0.000000e+00 : f32
      %broadcast_in_dim3A_944 = vector.broadcast %jit3A_943 : f32 to vector<16xf32>
      %select_n3A_945 = arith.select %lt3A_942, %get3A_938, %broadcast_in_dim3A_944 : vector<16xi1>, vector<16xf32>
      %add3A_946 = arith.addf %add3A_936, %select_n3A_945 : vector<16xf32>
      %get3A_947 = arith.constant 176 : index
      %get3A_948 = tpu.vector_load %arg10[%get3A_947] {strides = array<i32>} : memref<1024xf32, #tpu.memory_space<vmem>>, vector<16xf32>,
      %add3A_949 = arith.constant 176 : i32
      %add3A_950 = vector.broadcast %add3A_949 : i32 to vector<16xi32>
      %add3A_951 = arith.addi %iota3A, %add3A_950 : vector<16xi32>
      %lt3A_952 = arith.cmpi slt, %add3A_951, %scan3A_40 : vector<16xi32>
      %jit3A_953 = arith.constant 0.000000e+00 : f32
      %broadcast_in_dim3A_954 = vector.broadcast %jit3A_953 : f32 to vector<16xf32>
      %select_n3A_955 = arith.select %lt3A_952, %get3A_948, %broadcast_in_dim3A_954 : vector<16xi1>, vector<16xf32>
      %add3A_956 = arith.addf %add3A_946, %select_n3A_955 : vector<16xf32>
      %get3A_957 = arith.constant 192 : index
      %get3A_958 = tpu.vector_load %arg10[%get3A_957] {strides = array<i32>} : memref<1024xf32, #tpu.memory_space<vmem>>, vector<16xf32>,
      %add3A_959 = arith.constant 192 : i32
      %add3A_960 = vector.broadcast %add3A_959 : i32 to vector<16xi32>
      %add3A_961 = arith.addi %iota3A, %add3A_960 : vector<16xi32>
      %lt3A_962 = arith.cmpi slt, %add3A_961, %scan3A_40 : vector<16xi32>
      %jit3A_963 = arith.constant 0.000000e+00 : f32
      %broadcast_in_dim3A_964 = vector.broadcast %jit3A_963 : f32 to vector<16xf32>
      %select_n3A_965 = arith.select %lt3A_962, %get3A_958, %broadcast_in_dim3A_964 : vector<16xi1>, vector<16xf32>
      %add3A_966 = arith.addf %add3A_956, %select_n3A_965 : vector<16xf32>
      %get3A_967 = arith.constant 208 : index
      %get3A_968 = tpu.vector_load %arg10[%get3A_967] {strides = array<i32>} : memref<1024xf32, #tpu.memory_space<vmem>>, vector<16xf32>,
      %add3A_969 = arith.constant 208 : i32
      %add3A_970 = vector.broadcast %add3A_969 : i32 to vector<16xi32>
      %add3A_971 = arith.addi %iota3A, %add3A_970 : vector<16xi32>
      %lt3A_972 = arith.cmpi slt, %add3A_971, %scan3A_40 : vector<16xi32>
      %jit3A_973 = arith.constant 0.000000e+00 : f32
      %broadcast_in_dim3A_974 = vector.broadcast %jit3A_973 : f32 to vector<16xf32>
      %select_n3A_975 = arith.select %lt3A_972, %get3A_968, %broadcast_in_dim3A_974 : vector<16xi1>, vector<16xf32>
      %add3A_976 = arith.addf %add3A_966, %select_n3A_975 : vector<16xf32>
      %get3A_977 = arith.constant 224 : index
      %get3A_978 = tpu.vector_load %arg10[%get3A_977] {strides = array<i32>} : memref<1024xf32, #tpu.memory_space<vmem>>, vector<16xf32>,
      %add3A_979 = arith.constant 224 : i32
      %add3A_980 = vector.broadcast %add3A_979 : i32 to vector<16xi32>
      %add3A_981 = arith.addi %iota3A, %add3A_980 : vector<16xi32>
      %lt3A_982 = arith.cmpi slt, %add3A_981, %scan3A_40 : vector<16xi32>
      %jit3A_983 = arith.constant 0.000000e+00 : f32
      %broadcast_in_dim3A_984 = vector.broadcast %jit3A_983 : f32 to vector<16xf32>
      %select_n3A_985 = arith.select %lt3A_982, %get3A_978, %broadcast_in_dim3A_984 : vector<16xi1>, vector<16xf32>
      %add3A_986 = arith.addf %add3A_976, %select_n3A_985 : vector<16xf32>
      %get3A_987 = arith.constant 240 : index
      %get3A_988 = tpu.vector_load %arg10[%get3A_987] {strides = array<i32>} : memref<1024xf32, #tpu.memory_space<vmem>>, vector<16xf32>,
      %add3A_989 = arith.constant 240 : i32
      %add3A_990 = vector.broadcast %add3A_989 : i32 to vector<16xi32>
      %add3A_991 = arith.addi %iota3A, %add3A_990 : vector<16xi32>
      %lt3A_992 = arith.cmpi slt, %add3A_991, %scan3A_40 : vector<16xi32>
      %jit3A_993 = arith.constant 0.000000e+00 : f32
      %broadcast_in_dim3A_994 = vector.broadcast %jit3A_993 : f32 to vector<16xf32>
      %select_n3A_995 = arith.select %lt3A_992, %get3A_988, %broadcast_in_dim3A_994 : vector<16xi1>, vector<16xf32>
      %add3A_996 = arith.addf %add3A_986, %select_n3A_995 : vector<16xf32>
      %get3A_997 = arith.constant 256 : index
      %get3A_998 = tpu.vector_load %arg10[%get3A_997] {strides = array<i32>} : memref<1024xf32, #tpu.memory_space<vmem>>, vector<16xf32>,
      %add3A_999 = arith.constant 256 : i32
      %add3A_1000 = vector.broadcast %add3A_999 : i32 to vector<16xi32>
      %add3A_1001 = arith.addi %iota3A, %add3A_1000 : vector<16xi32>
      %lt3A_1002 = arith.cmpi slt, %add3A_1001, %scan3A_40 : vector<16xi32>
      %jit3A_1003 = arith.constant 0.000000e+00 : f32
      %broadcast_in_dim3A_1004 = vector.broadcast %jit3A_1003 : f32 to vector<16xf32>
      %select_n3A_1005 = arith.select %lt3A_1002, %get3A_998, %broadcast_in_dim3A_1004 : vector<16xi1>, vector<16xf32>
      %add3A_1006 = arith.addf %add3A_996, %select_n3A_1005 : vector<16xf32>
      %get3A_1007 = arith.constant 272 : index
      %get3A_1008 = tpu.vector_load %arg10[%get3A_1007] {strides = array<i32>} : memref<1024xf32, #tpu.memory_space<vmem>>, vector<16xf32>,
      %add3A_1009 = arith.constant 272 : i32
      %add3A_1010 = vector.broadcast %add3A_1009 : i32 to vector<16xi32>
      %add3A_1011 = arith.addi %iota3A, %add3A_1010 : vector<16xi32>
      %lt3A_1012 = arith.cmpi slt, %add3A_1011, %scan3A_40 : vector<16xi32>
      %jit3A_1013 = arith.constant 0.000000e+00 : f32
      %broadcast_in_dim3A_1014 = vector.broadcast %jit3A_1013 : f32 to vector<16xf32>
      %select_n3A_1015 = arith.select %lt3A_1012, %get3A_1008, %broadcast_in_dim3A_1014 : vector<16xi1>, vector<16xf32>
      %add3A_1016 = arith.addf %add3A_1006, %select_n3A_1015 : vector<16xf32>
      %get3A_1017 = arith.constant 288 : index
      %get3A_1018 = tpu.vector_load %arg10[%get3A_1017] {strides = array<i32>} : memref<1024xf32, #tpu.memory_space<vmem>>, vector<16xf32>,
      %add3A_1019 = arith.constant 288 : i32
      %add3A_1020 = vector.broadcast %add3A_1019 : i32 to vector<16xi32>
      %add3A_1021 = arith.addi %iota3A, %add3A_1020 : vector<16xi32>
      %lt3A_1022 = arith.cmpi slt, %add3A_1021, %scan3A_40 : vector<16xi32>
      %jit3A_1023 = arith.constant 0.000000e+00 : f32
      %broadcast_in_dim3A_1024 = vector.broadcast %jit3A_1023 : f32 to vector<16xf32>
      %select_n3A_1025 = arith.select %lt3A_1022, %get3A_1018, %broadcast_in_dim3A_1024 : vector<16xi1>, vector<16xf32>
      %add3A_1026 = arith.addf %add3A_1016, %select_n3A_1025 : vector<16xf32>
      %get3A_1027 = arith.constant 304 : index
      %get3A_1028 = tpu.vector_load %arg10[%get3A_1027] {strides = array<i32>} : memref<1024xf32, #tpu.memory_space<vmem>>, vector<16xf32>,
      %add3A_1029 = arith.constant 304 : i32
      %add3A_1030 = vector.broadcast %add3A_1029 : i32 to vector<16xi32>
      %add3A_1031 = arith.addi %iota3A, %add3A_1030 : vector<16xi32>
      %lt3A_1032 = arith.cmpi slt, %add3A_1031, %scan3A_40 : vector<16xi32>
      %jit3A_1033 = arith.constant 0.000000e+00 : f32
      %broadcast_in_dim3A_1034 = vector.broadcast %jit3A_1033 : f32 to vector<16xf32>
      %select_n3A_1035 = arith.select %lt3A_1032, %get3A_1028, %broadcast_in_dim3A_1034 : vector<16xi1>, vector<16xf32>
      %add3A_1036 = arith.addf %add3A_1026, %select_n3A_1035 : vector<16xf32>
      %get3A_1037 = arith.constant 320 : index
      %get3A_1038 = tpu.vector_load %arg10[%get3A_1037] {strides = array<i32>} : memref<1024xf32, #tpu.memory_space<vmem>>, vector<16xf32>,
      %add3A_1039 = arith.constant 320 : i32
      %add3A_1040 = vector.broadcast %add3A_1039 : i32 to vector<16xi32>
      %add3A_1041 = arith.addi %iota3A, %add3A_1040 : vector<16xi32>
      %lt3A_1042 = arith.cmpi slt, %add3A_1041, %scan3A_40 : vector<16xi32>
      %jit3A_1043 = arith.constant 0.000000e+00 : f32
      %broadcast_in_dim3A_1044 = vector.broadcast %jit3A_1043 : f32 to vector<16xf32>
      %select_n3A_1045 = arith.select %lt3A_1042, %get3A_1038, %broadcast_in_dim3A_1044 : vector<16xi1>, vector<16xf32>
      %add3A_1046 = arith.addf %add3A_1036, %select_n3A_1045 : vector<16xf32>
      %get3A_1047 = arith.constant 336 : index
      %get3A_1048 = tpu.vector_load %arg10[%get3A_1047] {strides = array<i32>} : memref<1024xf32, #tpu.memory_space<vmem>>, vector<16xf32>,
      %add3A_1049 = arith.constant 336 : i32
      %add3A_1050 = vector.broadcast %add3A_1049 : i32 to vector<16xi32>
      %add3A_1051 = arith.addi %iota3A, %add3A_1050 : vector<16xi32>
      %lt3A_1052 = arith.cmpi slt, %add3A_1051, %scan3A_40 : vector<16xi32>
      %jit3A_1053 = arith.constant 0.000000e+00 : f32
      %broadcast_in_dim3A_1054 = vector.broadcast %jit3A_1053 : f32 to vector<16xf32>
      %select_n3A_1055 = arith.select %lt3A_1052, %get3A_1048, %broadcast_in_dim3A_1054 : vector<16xi1>, vector<16xf32>
      %add3A_1056 = arith.addf %add3A_1046, %select_n3A_1055 : vector<16xf32>
      %get3A_1057 = arith.constant 352 : index
      %get3A_1058 = tpu.vector_load %arg10[%get3A_1057] {strides = array<i32>} : memref<1024xf32, #tpu.memory_space<vmem>>, vector<16xf32>,
      %add3A_1059 = arith.constant 352 : i32
      %add3A_1060 = vector.broadcast %add3A_1059 : i32 to vector<16xi32>
      %add3A_1061 = arith.addi %iota3A, %add3A_1060 : vector<16xi32>
      %lt3A_1062 = arith.cmpi slt, %add3A_1061, %scan3A_40 : vector<16xi32>
      %jit3A_1063 = arith.constant 0.000000e+00 : f32
      %broadcast_in_dim3A_1064 = vector.broadcast %jit3A_1063 : f32 to vector<16xf32>
      %select_n3A_1065 = arith.select %lt3A_1062, %get3A_1058, %broadcast_in_dim3A_1064 : vector<16xi1>, vector<16xf32>
      %add3A_1066 = arith.addf %add3A_1056, %select_n3A_1065 : vector<16xf32>
      %get3A_1067 = arith.constant 368 : index
      %get3A_1068 = tpu.vector_load %arg10[%get3A_1067] {strides = array<i32>} : memref<1024xf32, #tpu.memory_space<vmem>>, vector<16xf32>,
      %add3A_1069 = arith.constant 368 : i32
      %add3A_1070 = vector.broadcast %add3A_1069 : i32 to vector<16xi32>
      %add3A_1071 = arith.addi %iota3A, %add3A_1070 : vector<16xi32>
      %lt3A_1072 = arith.cmpi slt, %add3A_1071, %scan3A_40 : vector<16xi32>
      %jit3A_1073 = arith.constant 0.000000e+00 : f32
      %broadcast_in_dim3A_1074 = vector.broadcast %jit3A_1073 : f32 to vector<16xf32>
      %select_n3A_1075 = arith.select %lt3A_1072, %get3A_1068, %broadcast_in_dim3A_1074 : vector<16xi1>, vector<16xf32>
      %add3A_1076 = arith.addf %add3A_1066, %select_n3A_1075 : vector<16xf32>
      %get3A_1077 = arith.constant 384 : index
      %get3A_1078 = tpu.vector_load %arg10[%get3A_1077] {strides = array<i32>} : memref<1024xf32, #tpu.memory_space<vmem>>, vector<16xf32>,
      %add3A_1079 = arith.constant 384 : i32
      %add3A_1080 = vector.broadcast %add3A_1079 : i32 to vector<16xi32>
      %add3A_1081 = arith.addi %iota3A, %add3A_1080 : vector<16xi32>
      %lt3A_1082 = arith.cmpi slt, %add3A_1081, %scan3A_40 : vector<16xi32>
      %jit3A_1083 = arith.constant 0.000000e+00 : f32
      %broadcast_in_dim3A_1084 = vector.broadcast %jit3A_1083 : f32 to vector<16xf32>
      %select_n3A_1085 = arith.select %lt3A_1082, %get3A_1078, %broadcast_in_dim3A_1084 : vector<16xi1>, vector<16xf32>
      %add3A_1086 = arith.addf %add3A_1076, %select_n3A_1085 : vector<16xf32>
      %get3A_1087 = arith.constant 400 : index
      %get3A_1088 = tpu.vector_load %arg10[%get3A_1087] {strides = array<i32>} : memref<1024xf32, #tpu.memory_space<vmem>>, vector<16xf32>,
      %add3A_1089 = arith.constant 400 : i32
      %add3A_1090 = vector.broadcast %add3A_1089 : i32 to vector<16xi32>
      %add3A_1091 = arith.addi %iota3A, %add3A_1090 : vector<16xi32>
      %lt3A_1092 = arith.cmpi slt, %add3A_1091, %scan3A_40 : vector<16xi32>
      %jit3A_1093 = arith.constant 0.000000e+00 : f32
      %broadcast_in_dim3A_1094 = vector.broadcast %jit3A_1093 : f32 to vector<16xf32>
      %select_n3A_1095 = arith.select %lt3A_1092, %get3A_1088, %broadcast_in_dim3A_1094 : vector<16xi1>, vector<16xf32>
      %add3A_1096 = arith.addf %add3A_1086, %select_n3A_1095 : vector<16xf32>
      %get3A_1097 = arith.constant 416 : index
      %get3A_1098 = tpu.vector_load %arg10[%get3A_1097] {strides = array<i32>} : memref<1024xf32, #tpu.memory_space<vmem>>, vector<16xf32>,
      %add3A_1099 = arith.constant 416 : i32
      %add3A_1100 = vector.broadcast %add3A_1099 : i32 to vector<16xi32>
      %add3A_1101 = arith.addi %iota3A, %add3A_1100 : vector<16xi32>
      %lt3A_1102 = arith.cmpi slt, %add3A_1101, %scan3A_40 : vector<16xi32>
      %jit3A_1103 = arith.constant 0.000000e+00 : f32
      %broadcast_in_dim3A_1104 = vector.broadcast %jit3A_1103 : f32 to vector<16xf32>
      %select_n3A_1105 = arith.select %lt3A_1102, %get3A_1098, %broadcast_in_dim3A_1104 : vector<16xi1>, vector<16xf32>
      %add3A_1106 = arith.addf %add3A_1096, %select_n3A_1105 : vector<16xf32>
      %get3A_1107 = arith.constant 432 : index
      %get3A_1108 = tpu.vector_load %arg10[%get3A_1107] {strides = array<i32>} : memref<1024xf32, #tpu.memory_space<vmem>>, vector<16xf32>,
      %add3A_1109 = arith.constant 432 : i32
      %add3A_1110 = vector.broadcast %add3A_1109 : i32 to vector<16xi32>
      %add3A_1111 = arith.addi %iota3A, %add3A_1110 : vector<16xi32>
      %lt3A_1112 = arith.cmpi slt, %add3A_1111, %scan3A_40 : vector<16xi32>
      %jit3A_1113 = arith.constant 0.000000e+00 : f32
      %broadcast_in_dim3A_1114 = vector.broadcast %jit3A_1113 : f32 to vector<16xf32>
      %select_n3A_1115 = arith.select %lt3A_1112, %get3A_1108, %broadcast_in_dim3A_1114 : vector<16xi1>, vector<16xf32>
      %add3A_1116 = arith.addf %add3A_1106, %select_n3A_1115 : vector<16xf32>
      %get3A_1117 = arith.constant 448 : index
      %get3A_1118 = tpu.vector_load %arg10[%get3A_1117] {strides = array<i32>} : memref<1024xf32, #tpu.memory_space<vmem>>, vector<16xf32>,
      %add3A_1119 = arith.constant 448 : i32
      %add3A_1120 = vector.broadcast %add3A_1119 : i32 to vector<16xi32>
      %add3A_1121 = arith.addi %iota3A, %add3A_1120 : vector<16xi32>
      %lt3A_1122 = arith.cmpi slt, %add3A_1121, %scan3A_40 : vector<16xi32>
      %jit3A_1123 = arith.constant 0.000000e+00 : f32
      %broadcast_in_dim3A_1124 = vector.broadcast %jit3A_1123 : f32 to vector<16xf32>
      %select_n3A_1125 = arith.select %lt3A_1122, %get3A_1118, %broadcast_in_dim3A_1124 : vector<16xi1>, vector<16xf32>
      %add3A_1126 = arith.addf %add3A_1116, %select_n3A_1125 : vector<16xf32>
      %get3A_1127 = arith.constant 464 : index
      %get3A_1128 = tpu.vector_load %arg10[%get3A_1127] {strides = array<i32>} : memref<1024xf32, #tpu.memory_space<vmem>>, vector<16xf32>,
      %add3A_1129 = arith.constant 464 : i32
      %add3A_1130 = vector.broadcast %add3A_1129 : i32 to vector<16xi32>
      %add3A_1131 = arith.addi %iota3A, %add3A_1130 : vector<16xi32>
      %lt3A_1132 = arith.cmpi slt, %add3A_1131, %scan3A_40 : vector<16xi32>
      %jit3A_1133 = arith.constant 0.000000e+00 : f32
      %broadcast_in_dim3A_1134 = vector.broadcast %jit3A_1133 : f32 to vector<16xf32>
      %select_n3A_1135 = arith.select %lt3A_1132, %get3A_1128, %broadcast_in_dim3A_1134 : vector<16xi1>, vector<16xf32>
      %add3A_1136 = arith.addf %add3A_1126, %select_n3A_1135 : vector<16xf32>
      %get3A_1137 = arith.constant 480 : index
      %get3A_1138 = tpu.vector_load %arg10[%get3A_1137] {strides = array<i32>} : memref<1024xf32, #tpu.memory_space<vmem>>, vector<16xf32>,
      %add3A_1139 = arith.constant 480 : i32
      %add3A_1140 = vector.broadcast %add3A_1139 : i32 to vector<16xi32>
      %add3A_1141 = arith.addi %iota3A, %add3A_1140 : vector<16xi32>
      %lt3A_1142 = arith.cmpi slt, %add3A_1141, %scan3A_40 : vector<16xi32>
      %jit3A_1143 = arith.constant 0.000000e+00 : f32
      %broadcast_in_dim3A_1144 = vector.broadcast %jit3A_1143 : f32 to vector<16xf32>
      %select_n3A_1145 = arith.select %lt3A_1142, %get3A_1138, %broadcast_in_dim3A_1144 : vector<16xi1>, vector<16xf32>
      %add3A_1146 = arith.addf %add3A_1136, %select_n3A_1145 : vector<16xf32>
      %get3A_1147 = arith.constant 496 : index
      %get3A_1148 = tpu.vector_load %arg10[%get3A_1147] {strides = array<i32>} : memref<1024xf32, #tpu.memory_space<vmem>>, vector<16xf32>,
      %add3A_1149 = arith.constant 496 : i32
      %add3A_1150 = vector.broadcast %add3A_1149 : i32 to vector<16xi32>
      %add3A_1151 = arith.addi %iota3A, %add3A_1150 : vector<16xi32>
      %lt3A_1152 = arith.cmpi slt, %add3A_1151, %scan3A_40 : vector<16xi32>
      %jit3A_1153 = arith.constant 0.000000e+00 : f32
      %broadcast_in_dim3A_1154 = vector.broadcast %jit3A_1153 : f32 to vector<16xf32>
      %select_n3A_1155 = arith.select %lt3A_1152, %get3A_1148, %broadcast_in_dim3A_1154 : vector<16xi1>, vector<16xf32>
      %add3A_1156 = arith.addf %add3A_1146, %select_n3A_1155 : vector<16xf32>
      %get3A_1157 = arith.constant 512 : index
      %get3A_1158 = tpu.vector_load %arg10[%get3A_1157] {strides = array<i32>} : memref<1024xf32, #tpu.memory_space<vmem>>, vector<16xf32>,
      %add3A_1159 = arith.constant 512 : i32
      %add3A_1160 = vector.broadcast %add3A_1159 : i32 to vector<16xi32>
      %add3A_1161 = arith.addi %iota3A, %add3A_1160 : vector<16xi32>
      %lt3A_1162 = arith.cmpi slt, %add3A_1161, %scan3A_40 : vector<16xi32>
      %jit3A_1163 = arith.constant 0.000000e+00 : f32
      %broadcast_in_dim3A_1164 = vector.broadcast %jit3A_1163 : f32 to vector<16xf32>
      %select_n3A_1165 = arith.select %lt3A_1162, %get3A_1158, %broadcast_in_dim3A_1164 : vector<16xi1>, vector<16xf32>
      %add3A_1166 = arith.addf %add3A_1156, %select_n3A_1165 : vector<16xf32>
      %get3A_1167 = arith.constant 528 : index
      %get3A_1168 = tpu.vector_load %arg10[%get3A_1167] {strides = array<i32>} : memref<1024xf32, #tpu.memory_space<vmem>>, vector<16xf32>,
      %add3A_1169 = arith.constant 528 : i32
      %add3A_1170 = vector.broadcast %add3A_1169 : i32 to vector<16xi32>
      %add3A_1171 = arith.addi %iota3A, %add3A_1170 : vector<16xi32>
      %lt3A_1172 = arith.cmpi slt, %add3A_1171, %scan3A_40 : vector<16xi32>
      %jit3A_1173 = arith.constant 0.000000e+00 : f32
      %broadcast_in_dim3A_1174 = vector.broadcast %jit3A_1173 : f32 to vector<16xf32>
      %select_n3A_1175 = arith.select %lt3A_1172, %get3A_1168, %broadcast_in_dim3A_1174 : vector<16xi1>, vector<16xf32>
      %add3A_1176 = arith.addf %add3A_1166, %select_n3A_1175 : vector<16xf32>
      %get3A_1177 = arith.constant 544 : index
      %get3A_1178 = tpu.vector_load %arg10[%get3A_1177] {strides = array<i32>} : memref<1024xf32, #tpu.memory_space<vmem>>, vector<16xf32>,
      %add3A_1179 = arith.constant 544 : i32
      %add3A_1180 = vector.broadcast %add3A_1179 : i32 to vector<16xi32>
      %add3A_1181 = arith.addi %iota3A, %add3A_1180 : vector<16xi32>
      %lt3A_1182 = arith.cmpi slt, %add3A_1181, %scan3A_40 : vector<16xi32>
      %jit3A_1183 = arith.constant 0.000000e+00 : f32
      %broadcast_in_dim3A_1184 = vector.broadcast %jit3A_1183 : f32 to vector<16xf32>
      %select_n3A_1185 = arith.select %lt3A_1182, %get3A_1178, %broadcast_in_dim3A_1184 : vector<16xi1>, vector<16xf32>
      %add3A_1186 = arith.addf %add3A_1176, %select_n3A_1185 : vector<16xf32>
      %get3A_1187 = arith.constant 560 : index
      %get3A_1188 = tpu.vector_load %arg10[%get3A_1187] {strides = array<i32>} : memref<1024xf32, #tpu.memory_space<vmem>>, vector<16xf32>,
      %add3A_1189 = arith.constant 560 : i32
      %add3A_1190 = vector.broadcast %add3A_1189 : i32 to vector<16xi32>
      %add3A_1191 = arith.addi %iota3A, %add3A_1190 : vector<16xi32>
      %lt3A_1192 = arith.cmpi slt, %add3A_1191, %scan3A_40 : vector<16xi32>
      %jit3A_1193 = arith.constant 0.000000e+00 : f32
      %broadcast_in_dim3A_1194 = vector.broadcast %jit3A_1193 : f32 to vector<16xf32>
      %select_n3A_1195 = arith.select %lt3A_1192, %get3A_1188, %broadcast_in_dim3A_1194 : vector<16xi1>, vector<16xf32>
      %add3A_1196 = arith.addf %add3A_1186, %select_n3A_1195 : vector<16xf32>
      %get3A_1197 = arith.constant 576 : index
      %get3A_1198 = tpu.vector_load %arg10[%get3A_1197] {strides = array<i32>} : memref<1024xf32, #tpu.memory_space<vmem>>, vector<16xf32>,
      %add3A_1199 = arith.constant 576 : i32
      %add3A_1200 = vector.broadcast %add3A_1199 : i32 to vector<16xi32>
      %add3A_1201 = arith.addi %iota3A, %add3A_1200 : vector<16xi32>
      %lt3A_1202 = arith.cmpi slt, %add3A_1201, %scan3A_40 : vector<16xi32>
      %jit3A_1203 = arith.constant 0.000000e+00 : f32
      %broadcast_in_dim3A_1204 = vector.broadcast %jit3A_1203 : f32 to vector<16xf32>
      %select_n3A_1205 = arith.select %lt3A_1202, %get3A_1198, %broadcast_in_dim3A_1204 : vector<16xi1>, vector<16xf32>
      %add3A_1206 = arith.addf %add3A_1196, %select_n3A_1205 : vector<16xf32>
      %get3A_1207 = arith.constant 592 : index
      %get3A_1208 = tpu.vector_load %arg10[%get3A_1207] {strides = array<i32>} : memref<1024xf32, #tpu.memory_space<vmem>>, vector<16xf32>,
      %add3A_1209 = arith.constant 592 : i32
      %add3A_1210 = vector.broadcast %add3A_1209 : i32 to vector<16xi32>
      %add3A_1211 = arith.addi %iota3A, %add3A_1210 : vector<16xi32>
      %lt3A_1212 = arith.cmpi slt, %add3A_1211, %scan3A_40 : vector<16xi32>
      %jit3A_1213 = arith.constant 0.000000e+00 : f32
      %broadcast_in_dim3A_1214 = vector.broadcast %jit3A_1213 : f32 to vector<16xf32>
      %select_n3A_1215 = arith.select %lt3A_1212, %get3A_1208, %broadcast_in_dim3A_1214 : vector<16xi1>, vector<16xf32>
      %add3A_1216 = arith.addf %add3A_1206, %select_n3A_1215 : vector<16xf32>
      %get3A_1217 = arith.constant 608 : index
      %get3A_1218 = tpu.vector_load %arg10[%get3A_1217] {strides = array<i32>} : memref<1024xf32, #tpu.memory_space<vmem>>, vector<16xf32>,
      %add3A_1219 = arith.constant 608 : i32
      %add3A_1220 = vector.broadcast %add3A_1219 : i32 to vector<16xi32>
      %add3A_1221 = arith.addi %iota3A, %add3A_1220 : vector<16xi32>
      %lt3A_1222 = arith.cmpi slt, %add3A_1221, %scan3A_40 : vector<16xi32>
      %jit3A_1223 = arith.constant 0.000000e+00 : f32
      %broadcast_in_dim3A_1224 = vector.broadcast %jit3A_1223 : f32 to vector<16xf32>
      %select_n3A_1225 = arith.select %lt3A_1222, %get3A_1218, %broadcast_in_dim3A_1224 : vector<16xi1>, vector<16xf32>
      %add3A_1226 = arith.addf %add3A_1216, %select_n3A_1225 : vector<16xf32>
      %get3A_1227 = arith.constant 624 : index
      %get3A_1228 = tpu.vector_load %arg10[%get3A_1227] {strides = array<i32>} : memref<1024xf32, #tpu.memory_space<vmem>>, vector<16xf32>,
      %add3A_1229 = arith.constant 624 : i32
      %add3A_1230 = vector.broadcast %add3A_1229 : i32 to vector<16xi32>
      %add3A_1231 = arith.addi %iota3A, %add3A_1230 : vector<16xi32>
      %lt3A_1232 = arith.cmpi slt, %add3A_1231, %scan3A_40 : vector<16xi32>
      %jit3A_1233 = arith.constant 0.000000e+00 : f32
      %broadcast_in_dim3A_1234 = vector.broadcast %jit3A_1233 : f32 to vector<16xf32>
      %select_n3A_1235 = arith.select %lt3A_1232, %get3A_1228, %broadcast_in_dim3A_1234 : vector<16xi1>, vector<16xf32>
      %add3A_1236 = arith.addf %add3A_1226, %select_n3A_1235 : vector<16xf32>
      %get3A_1237 = arith.constant 640 : index
      %get3A_1238 = tpu.vector_load %arg10[%get3A_1237] {strides = array<i32>} : memref<1024xf32, #tpu.memory_space<vmem>>, vector<16xf32>,
      %add3A_1239 = arith.constant 640 : i32
      %add3A_1240 = vector.broadcast %add3A_1239 : i32 to vector<16xi32>
      %add3A_1241 = arith.addi %iota3A, %add3A_1240 : vector<16xi32>
      %lt3A_1242 = arith.cmpi slt, %add3A_1241, %scan3A_40 : vector<16xi32>
      %jit3A_1243 = arith.constant 0.000000e+00 : f32
      %broadcast_in_dim3A_1244 = vector.broadcast %jit3A_1243 : f32 to vector<16xf32>
      %select_n3A_1245 = arith.select %lt3A_1242, %get3A_1238, %broadcast_in_dim3A_1244 : vector<16xi1>, vector<16xf32>
      %add3A_1246 = arith.addf %add3A_1236, %select_n3A_1245 : vector<16xf32>
      %get3A_1247 = arith.constant 656 : index
      %get3A_1248 = tpu.vector_load %arg10[%get3A_1247] {strides = array<i32>} : memref<1024xf32, #tpu.memory_space<vmem>>, vector<16xf32>,
      %add3A_1249 = arith.constant 656 : i32
      %add3A_1250 = vector.broadcast %add3A_1249 : i32 to vector<16xi32>
      %add3A_1251 = arith.addi %iota3A, %add3A_1250 : vector<16xi32>
      %lt3A_1252 = arith.cmpi slt, %add3A_1251, %scan3A_40 : vector<16xi32>
      %jit3A_1253 = arith.constant 0.000000e+00 : f32
      %broadcast_in_dim3A_1254 = vector.broadcast %jit3A_1253 : f32 to vector<16xf32>
      %select_n3A_1255 = arith.select %lt3A_1252, %get3A_1248, %broadcast_in_dim3A_1254 : vector<16xi1>, vector<16xf32>
      %add3A_1256 = arith.addf %add3A_1246, %select_n3A_1255 : vector<16xf32>
      %get3A_1257 = arith.constant 672 : index
      %get3A_1258 = tpu.vector_load %arg10[%get3A_1257] {strides = array<i32>} : memref<1024xf32, #tpu.memory_space<vmem>>, vector<16xf32>,
      %add3A_1259 = arith.constant 672 : i32
      %add3A_1260 = vector.broadcast %add3A_1259 : i32 to vector<16xi32>
      %add3A_1261 = arith.addi %iota3A, %add3A_1260 : vector<16xi32>
      %lt3A_1262 = arith.cmpi slt, %add3A_1261, %scan3A_40 : vector<16xi32>
      %jit3A_1263 = arith.constant 0.000000e+00 : f32
      %broadcast_in_dim3A_1264 = vector.broadcast %jit3A_1263 : f32 to vector<16xf32>
      %select_n3A_1265 = arith.select %lt3A_1262, %get3A_1258, %broadcast_in_dim3A_1264 : vector<16xi1>, vector<16xf32>
      %add3A_1266 = arith.addf %add3A_1256, %select_n3A_1265 : vector<16xf32>
      %get3A_1267 = arith.constant 688 : index
      %get3A_1268 = tpu.vector_load %arg10[%get3A_1267] {strides = array<i32>} : memref<1024xf32, #tpu.memory_space<vmem>>, vector<16xf32>,
      %add3A_1269 = arith.constant 688 : i32
      %add3A_1270 = vector.broadcast %add3A_1269 : i32 to vector<16xi32>
      %add3A_1271 = arith.addi %iota3A, %add3A_1270 : vector<16xi32>
      %lt3A_1272 = arith.cmpi slt, %add3A_1271, %scan3A_40 : vector<16xi32>
      %jit3A_1273 = arith.constant 0.000000e+00 : f32
      %broadcast_in_dim3A_1274 = vector.broadcast %jit3A_1273 : f32 to vector<16xf32>
      %select_n3A_1275 = arith.select %lt3A_1272, %get3A_1268, %broadcast_in_dim3A_1274 : vector<16xi1>, vector<16xf32>
      %add3A_1276 = arith.addf %add3A_1266, %select_n3A_1275 : vector<16xf32>
      %get3A_1277 = arith.constant 704 : index
      %get3A_1278 = tpu.vector_load %arg10[%get3A_1277] {strides = array<i32>} : memref<1024xf32, #tpu.memory_space<vmem>>, vector<16xf32>,
      %add3A_1279 = arith.constant 704 : i32
      %add3A_1280 = vector.broadcast %add3A_1279 : i32 to vector<16xi32>
      %add3A_1281 = arith.addi %iota3A, %add3A_1280 : vector<16xi32>
      %lt3A_1282 = arith.cmpi slt, %add3A_1281, %scan3A_40 : vector<16xi32>
      %jit3A_1283 = arith.constant 0.000000e+00 : f32
      %broadcast_in_dim3A_1284 = vector.broadcast %jit3A_1283 : f32 to vector<16xf32>
      %select_n3A_1285 = arith.select %lt3A_1282, %get3A_1278, %broadcast_in_dim3A_1284 : vector<16xi1>, vector<16xf32>
      %add3A_1286 = arith.addf %add3A_1276, %select_n3A_1285 : vector<16xf32>
      %get3A_1287 = arith.constant 720 : index
      %get3A_1288 = tpu.vector_load %arg10[%get3A_1287] {strides = array<i32>} : memref<1024xf32, #tpu.memory_space<vmem>>, vector<16xf32>,
      %add3A_1289 = arith.constant 720 : i32
      %add3A_1290 = vector.broadcast %add3A_1289 : i32 to vector<16xi32>
      %add3A_1291 = arith.addi %iota3A, %add3A_1290 : vector<16xi32>
      %lt3A_1292 = arith.cmpi slt, %add3A_1291, %scan3A_40 : vector<16xi32>
      %jit3A_1293 = arith.constant 0.000000e+00 : f32
      %broadcast_in_dim3A_1294 = vector.broadcast %jit3A_1293 : f32 to vector<16xf32>
      %select_n3A_1295 = arith.select %lt3A_1292, %get3A_1288, %broadcast_in_dim3A_1294 : vector<16xi1>, vector<16xf32>
      %add3A_1296 = arith.addf %add3A_1286, %select_n3A_1295 : vector<16xf32>
      %get3A_1297 = arith.constant 736 : index
      %get3A_1298 = tpu.vector_load %arg10[%get3A_1297] {strides = array<i32>} : memref<1024xf32, #tpu.memory_space<vmem>>, vector<16xf32>,
      %add3A_1299 = arith.constant 736 : i32
      %add3A_1300 = vector.broadcast %add3A_1299 : i32 to vector<16xi32>
      %add3A_1301 = arith.addi %iota3A, %add3A_1300 : vector<16xi32>
      %lt3A_1302 = arith.cmpi slt, %add3A_1301, %scan3A_40 : vector<16xi32>
      %jit3A_1303 = arith.constant 0.000000e+00 : f32
      %broadcast_in_dim3A_1304 = vector.broadcast %jit3A_1303 : f32 to vector<16xf32>
      %select_n3A_1305 = arith.select %lt3A_1302, %get3A_1298, %broadcast_in_dim3A_1304 : vector<16xi1>, vector<16xf32>
      %add3A_1306 = arith.addf %add3A_1296, %select_n3A_1305 : vector<16xf32>
      %get3A_1307 = arith.constant 752 : index
      %get3A_1308 = tpu.vector_load %arg10[%get3A_1307] {strides = array<i32>} : memref<1024xf32, #tpu.memory_space<vmem>>, vector<16xf32>,
      %add3A_1309 = arith.constant 752 : i32
      %add3A_1310 = vector.broadcast %add3A_1309 : i32 to vector<16xi32>
      %add3A_1311 = arith.addi %iota3A, %add3A_1310 : vector<16xi32>
      %lt3A_1312 = arith.cmpi slt, %add3A_1311, %scan3A_40 : vector<16xi32>
      %jit3A_1313 = arith.constant 0.000000e+00 : f32
      %broadcast_in_dim3A_1314 = vector.broadcast %jit3A_1313 : f32 to vector<16xf32>
      %select_n3A_1315 = arith.select %lt3A_1312, %get3A_1308, %broadcast_in_dim3A_1314 : vector<16xi1>, vector<16xf32>
      %add3A_1316 = arith.addf %add3A_1306, %select_n3A_1315 : vector<16xf32>
      %get3A_1317 = arith.constant 768 : index
      %get3A_1318 = tpu.vector_load %arg10[%get3A_1317] {strides = array<i32>} : memref<1024xf32, #tpu.memory_space<vmem>>, vector<16xf32>,
      %add3A_1319 = arith.constant 768 : i32
      %add3A_1320 = vector.broadcast %add3A_1319 : i32 to vector<16xi32>
      %add3A_1321 = arith.addi %iota3A, %add3A_1320 : vector<16xi32>
      %lt3A_1322 = arith.cmpi slt, %add3A_1321, %scan3A_40 : vector<16xi32>
      %jit3A_1323 = arith.constant 0.000000e+00 : f32
      %broadcast_in_dim3A_1324 = vector.broadcast %jit3A_1323 : f32 to vector<16xf32>
      %select_n3A_1325 = arith.select %lt3A_1322, %get3A_1318, %broadcast_in_dim3A_1324 : vector<16xi1>, vector<16xf32>
      %add3A_1326 = arith.addf %add3A_1316, %select_n3A_1325 : vector<16xf32>
      %get3A_1327 = arith.constant 784 : index
      %get3A_1328 = tpu.vector_load %arg10[%get3A_1327] {strides = array<i32>} : memref<1024xf32, #tpu.memory_space<vmem>>, vector<16xf32>,
      %add3A_1329 = arith.constant 784 : i32
      %add3A_1330 = vector.broadcast %add3A_1329 : i32 to vector<16xi32>
      %add3A_1331 = arith.addi %iota3A, %add3A_1330 : vector<16xi32>
      %lt3A_1332 = arith.cmpi slt, %add3A_1331, %scan3A_40 : vector<16xi32>
      %jit3A_1333 = arith.constant 0.000000e+00 : f32
      %broadcast_in_dim3A_1334 = vector.broadcast %jit3A_1333 : f32 to vector<16xf32>
      %select_n3A_1335 = arith.select %lt3A_1332, %get3A_1328, %broadcast_in_dim3A_1334 : vector<16xi1>, vector<16xf32>
      %add3A_1336 = arith.addf %add3A_1326, %select_n3A_1335 : vector<16xf32>
      %get3A_1337 = arith.constant 800 : index
      %get3A_1338 = tpu.vector_load %arg10[%get3A_1337] {strides = array<i32>} : memref<1024xf32, #tpu.memory_space<vmem>>, vector<16xf32>,
      %add3A_1339 = arith.constant 800 : i32
      %add3A_1340 = vector.broadcast %add3A_1339 : i32 to vector<16xi32>
      %add3A_1341 = arith.addi %iota3A, %add3A_1340 : vector<16xi32>
      %lt3A_1342 = arith.cmpi slt, %add3A_1341, %scan3A_40 : vector<16xi32>
      %jit3A_1343 = arith.constant 0.000000e+00 : f32
      %broadcast_in_dim3A_1344 = vector.broadcast %jit3A_1343 : f32 to vector<16xf32>
      %select_n3A_1345 = arith.select %lt3A_1342, %get3A_1338, %broadcast_in_dim3A_1344 : vector<16xi1>, vector<16xf32>
      %add3A_1346 = arith.addf %add3A_1336, %select_n3A_1345 : vector<16xf32>
      %get3A_1347 = arith.constant 816 : index
      %get3A_1348 = tpu.vector_load %arg10[%get3A_1347] {strides = array<i32>} : memref<1024xf32, #tpu.memory_space<vmem>>, vector<16xf32>,
      %add3A_1349 = arith.constant 816 : i32
      %add3A_1350 = vector.broadcast %add3A_1349 : i32 to vector<16xi32>
      %add3A_1351 = arith.addi %iota3A, %add3A_1350 : vector<16xi32>
      %lt3A_1352 = arith.cmpi slt, %add3A_1351, %scan3A_40 : vector<16xi32>
      %jit3A_1353 = arith.constant 0.000000e+00 : f32
      %broadcast_in_dim3A_1354 = vector.broadcast %jit3A_1353 : f32 to vector<16xf32>
      %select_n3A_1355 = arith.select %lt3A_1352, %get3A_1348, %broadcast_in_dim3A_1354 : vector<16xi1>, vector<16xf32>
      %add3A_1356 = arith.addf %add3A_1346, %select_n3A_1355 : vector<16xf32>
      %get3A_1357 = arith.constant 832 : index
      %get3A_1358 = tpu.vector_load %arg10[%get3A_1357] {strides = array<i32>} : memref<1024xf32, #tpu.memory_space<vmem>>, vector<16xf32>,
      %add3A_1359 = arith.constant 832 : i32
      %add3A_1360 = vector.broadcast %add3A_1359 : i32 to vector<16xi32>
      %add3A_1361 = arith.addi %iota3A, %add3A_1360 : vector<16xi32>
      %lt3A_1362 = arith.cmpi slt, %add3A_1361, %scan3A_40 : vector<16xi32>
      %jit3A_1363 = arith.constant 0.000000e+00 : f32
      %broadcast_in_dim3A_1364 = vector.broadcast %jit3A_1363 : f32 to vector<16xf32>
      %select_n3A_1365 = arith.select %lt3A_1362, %get3A_1358, %broadcast_in_dim3A_1364 : vector<16xi1>, vector<16xf32>
      %add3A_1366 = arith.addf %add3A_1356, %select_n3A_1365 : vector<16xf32>
      %get3A_1367 = arith.constant 848 : index
      %get3A_1368 = tpu.vector_load %arg10[%get3A_1367] {strides = array<i32>} : memref<1024xf32, #tpu.memory_space<vmem>>, vector<16xf32>,
      %add3A_1369 = arith.constant 848 : i32
      %add3A_1370 = vector.broadcast %add3A_1369 : i32 to vector<16xi32>
      %add3A_1371 = arith.addi %iota3A, %add3A_1370 : vector<16xi32>
      %lt3A_1372 = arith.cmpi slt, %add3A_1371, %scan3A_40 : vector<16xi32>
      %jit3A_1373 = arith.constant 0.000000e+00 : f32
      %broadcast_in_dim3A_1374 = vector.broadcast %jit3A_1373 : f32 to vector<16xf32>
      %select_n3A_1375 = arith.select %lt3A_1372, %get3A_1368, %broadcast_in_dim3A_1374 : vector<16xi1>, vector<16xf32>
      %add3A_1376 = arith.addf %add3A_1366, %select_n3A_1375 : vector<16xf32>
      %get3A_1377 = arith.constant 864 : index
      %get3A_1378 = tpu.vector_load %arg10[%get3A_1377] {strides = array<i32>} : memref<1024xf32, #tpu.memory_space<vmem>>, vector<16xf32>,
      %add3A_1379 = arith.constant 864 : i32
      %add3A_1380 = vector.broadcast %add3A_1379 : i32 to vector<16xi32>
      %add3A_1381 = arith.addi %iota3A, %add3A_1380 : vector<16xi32>
      %lt3A_1382 = arith.cmpi slt, %add3A_1381, %scan3A_40 : vector<16xi32>
      %jit3A_1383 = arith.constant 0.000000e+00 : f32
      %broadcast_in_dim3A_1384 = vector.broadcast %jit3A_1383 : f32 to vector<16xf32>
      %select_n3A_1385 = arith.select %lt3A_1382, %get3A_1378, %broadcast_in_dim3A_1384 : vector<16xi1>, vector<16xf32>
      %add3A_1386 = arith.addf %add3A_1376, %select_n3A_1385 : vector<16xf32>
      %get3A_1387 = arith.constant 880 : index
      %get3A_1388 = tpu.vector_load %arg10[%get3A_1387] {strides = array<i32>} : memref<1024xf32, #tpu.memory_space<vmem>>, vector<16xf32>,
      %add3A_1389 = arith.constant 880 : i32
      %add3A_1390 = vector.broadcast %add3A_1389 : i32 to vector<16xi32>
      %add3A_1391 = arith.addi %iota3A, %add3A_1390 : vector<16xi32>
      %lt3A_1392 = arith.cmpi slt, %add3A_1391, %scan3A_40 : vector<16xi32>
      %jit3A_1393 = arith.constant 0.000000e+00 : f32
      %broadcast_in_dim3A_1394 = vector.broadcast %jit3A_1393 : f32 to vector<16xf32>
      %select_n3A_1395 = arith.select %lt3A_1392, %get3A_1388, %broadcast_in_dim3A_1394 : vector<16xi1>, vector<16xf32>
      %add3A_1396 = arith.addf %add3A_1386, %select_n3A_1395 : vector<16xf32>
      %get3A_1397 = arith.constant 896 : index
      %get3A_1398 = tpu.vector_load %arg10[%get3A_1397] {strides = array<i32>} : memref<1024xf32, #tpu.memory_space<vmem>>, vector<16xf32>,
      %add3A_1399 = arith.constant 896 : i32
      %add3A_1400 = vector.broadcast %add3A_1399 : i32 to vector<16xi32>
      %add3A_1401 = arith.addi %iota3A, %add3A_1400 : vector<16xi32>
      %lt3A_1402 = arith.cmpi slt, %add3A_1401, %scan3A_40 : vector<16xi32>
      %jit3A_1403 = arith.constant 0.000000e+00 : f32
      %broadcast_in_dim3A_1404 = vector.broadcast %jit3A_1403 : f32 to vector<16xf32>
      %select_n3A_1405 = arith.select %lt3A_1402, %get3A_1398, %broadcast_in_dim3A_1404 : vector<16xi1>, vector<16xf32>
      %add3A_1406 = arith.addf %add3A_1396, %select_n3A_1405 : vector<16xf32>
      %get3A_1407 = arith.constant 912 : index
      %get3A_1408 = tpu.vector_load %arg10[%get3A_1407] {strides = array<i32>} : memref<1024xf32, #tpu.memory_space<vmem>>, vector<16xf32>,
      %add3A_1409 = arith.constant 912 : i32
      %add3A_1410 = vector.broadcast %add3A_1409 : i32 to vector<16xi32>
      %add3A_1411 = arith.addi %iota3A, %add3A_1410 : vector<16xi32>
      %lt3A_1412 = arith.cmpi slt, %add3A_1411, %scan3A_40 : vector<16xi32>
      %jit3A_1413 = arith.constant 0.000000e+00 : f32
      %broadcast_in_dim3A_1414 = vector.broadcast %jit3A_1413 : f32 to vector<16xf32>
      %select_n3A_1415 = arith.select %lt3A_1412, %get3A_1408, %broadcast_in_dim3A_1414 : vector<16xi1>, vector<16xf32>
      %add3A_1416 = arith.addf %add3A_1406, %select_n3A_1415 : vector<16xf32>
      %get3A_1417 = arith.constant 928 : index
      %get3A_1418 = tpu.vector_load %arg10[%get3A_1417] {strides = array<i32>} : memref<1024xf32, #tpu.memory_space<vmem>>, vector<16xf32>,
      %add3A_1419 = arith.constant 928 : i32
      %add3A_1420 = vector.broadcast %add3A_1419 : i32 to vector<16xi32>
      %add3A_1421 = arith.addi %iota3A, %add3A_1420 : vector<16xi32>
      %lt3A_1422 = arith.cmpi slt, %add3A_1421, %scan3A_40 : vector<16xi32>
      %jit3A_1423 = arith.constant 0.000000e+00 : f32
      %broadcast_in_dim3A_1424 = vector.broadcast %jit3A_1423 : f32 to vector<16xf32>
      %select_n3A_1425 = arith.select %lt3A_1422, %get3A_1418, %broadcast_in_dim3A_1424 : vector<16xi1>, vector<16xf32>
      %add3A_1426 = arith.addf %add3A_1416, %select_n3A_1425 : vector<16xf32>
      %get3A_1427 = arith.constant 944 : index
      %get3A_1428 = tpu.vector_load %arg10[%get3A_1427] {strides = array<i32>} : memref<1024xf32, #tpu.memory_space<vmem>>, vector<16xf32>,
      %add3A_1429 = arith.constant 944 : i32
      %add3A_1430 = vector.broadcast %add3A_1429 : i32 to vector<16xi32>
      %add3A_1431 = arith.addi %iota3A, %add3A_1430 : vector<16xi32>
      %lt3A_1432 = arith.cmpi slt, %add3A_1431, %scan3A_40 : vector<16xi32>
      %jit3A_1433 = arith.constant 0.000000e+00 : f32
      %broadcast_in_dim3A_1434 = vector.broadcast %jit3A_1433 : f32 to vector<16xf32>
      %select_n3A_1435 = arith.select %lt3A_1432, %get3A_1428, %broadcast_in_dim3A_1434 : vector<16xi1>, vector<16xf32>
      %add3A_1436 = arith.addf %add3A_1426, %select_n3A_1435 : vector<16xf32>
      %get3A_1437 = arith.constant 960 : index
      %get3A_1438 = tpu.vector_load %arg10[%get3A_1437] {strides = array<i32>} : memref<1024xf32, #tpu.memory_space<vmem>>, vector<16xf32>,
      %add3A_1439 = arith.constant 960 : i32
      %add3A_1440 = vector.broadcast %add3A_1439 : i32 to vector<16xi32>
      %add3A_1441 = arith.addi %iota3A, %add3A_1440 : vector<16xi32>
      %lt3A_1442 = arith.cmpi slt, %add3A_1441, %scan3A_40 : vector<16xi32>
      %jit3A_1443 = arith.constant 0.000000e+00 : f32
      %broadcast_in_dim3A_1444 = vector.broadcast %jit3A_1443 : f32 to vector<16xf32>
      %select_n3A_1445 = arith.select %lt3A_1442, %get3A_1438, %broadcast_in_dim3A_1444 : vector<16xi1>, vector<16xf32>
      %add3A_1446 = arith.addf %add3A_1436, %select_n3A_1445 : vector<16xf32>
      %get3A_1447 = arith.constant 976 : index
      %get3A_1448 = tpu.vector_load %arg10[%get3A_1447] {strides = array<i32>} : memref<1024xf32, #tpu.memory_space<vmem>>, vector<16xf32>,
      %add3A_1449 = arith.constant 976 : i32
      %add3A_1450 = vector.broadcast %add3A_1449 : i32 to vector<16xi32>
      %add3A_1451 = arith.addi %iota3A, %add3A_1450 : vector<16xi32>
      %lt3A_1452 = arith.cmpi slt, %add3A_1451, %scan3A_40 : vector<16xi32>
      %jit3A_1453 = arith.constant 0.000000e+00 : f32
      %broadcast_in_dim3A_1454 = vector.broadcast %jit3A_1453 : f32 to vector<16xf32>
      %select_n3A_1455 = arith.select %lt3A_1452, %get3A_1448, %broadcast_in_dim3A_1454 : vector<16xi1>, vector<16xf32>
      %add3A_1456 = arith.addf %add3A_1446, %select_n3A_1455 : vector<16xf32>
      %get3A_1457 = arith.constant 992 : index
      %get3A_1458 = tpu.vector_load %arg10[%get3A_1457] {strides = array<i32>} : memref<1024xf32, #tpu.memory_space<vmem>>, vector<16xf32>,
      %add3A_1459 = arith.constant 992 : i32
      %add3A_1460 = vector.broadcast %add3A_1459 : i32 to vector<16xi32>
      %add3A_1461 = arith.addi %iota3A, %add3A_1460 : vector<16xi32>
      %lt3A_1462 = arith.cmpi slt, %add3A_1461, %scan3A_40 : vector<16xi32>
      %jit3A_1463 = arith.constant 0.000000e+00 : f32
      %broadcast_in_dim3A_1464 = vector.broadcast %jit3A_1463 : f32 to vector<16xf32>
      %select_n3A_1465 = arith.select %lt3A_1462, %get3A_1458, %broadcast_in_dim3A_1464 : vector<16xi1>, vector<16xf32>
      %add3A_1466 = arith.addf %add3A_1456, %select_n3A_1465 : vector<16xf32>
      %get3A_1467 = arith.constant 1008 : index
      %get3A_1468 = tpu.vector_load %arg10[%get3A_1467] {strides = array<i32>} : memref<1024xf32, #tpu.memory_space<vmem>>, vector<16xf32>,
      %add3A_1469 = arith.constant 1008 : i32
      %add3A_1470 = vector.broadcast %add3A_1469 : i32 to vector<16xi32>
      %add3A_1471 = arith.addi %iota3A, %add3A_1470 : vector<16xi32>
      %lt3A_1472 = arith.cmpi slt, %add3A_1471, %scan3A_40 : vector<16xi32>
      %jit3A_1473 = arith.constant 0.000000e+00 : f32
      %broadcast_in_dim3A_1474 = vector.broadcast %jit3A_1473 : f32 to vector<16xf32>
      %select_n3A_1475 = arith.select %lt3A_1472, %get3A_1468, %broadcast_in_dim3A_1474 : vector<16xi1>, vector<16xf32>
      %add3A_1476 = arith.addf %add3A_1466, %select_n3A_1475 : vector<16xf32>
      %mul3A_1477 = arith.constant 16 : i32
      %mul3A_1478 = arith.muli %mul3A_440, %mul3A_1477 : i32
      %swap3A_1479 = arith.index_cast %mul3A_1478 : i32 to index
      %swap3A_1480 = tpu.vector_load %arg13[%swap3A_1479] {strides = array<i32>} : memref<1536xf32, #tpu.memory_space<vmem>>, vector<16xf32>,
      tpu.vector_store %arg13[%swap3A_1479], %add3A_1476 {strides = array<i32>} : memref<1536xf32, #tpu.memory_space<vmem>>, vector<16xf32>,
      %add3A_1481 = arith.constant 2 : i32
      %add3A_1482 = arith.addi %mul3A_440, %add3A_1481 : i32
      %lt3A_1483 = arith.constant 96 : i32
      %lt3A_1484 = arith.cmpi slt, %add3A_1482, %lt3A_1483 : i32
      %convert_element_type3A = arith.extui %lt3A_1484 : i1 to i32
      %cond3A = arith.constant 0 : i32
      %cond3A_1485 = arith.cmpi ne, %convert_element_type3A, %cond3A : i32
      scf.if %cond3A_1485 {
        %add3A_2136 = arith.constant 2 : i32
        %add3A_2137 = arith.addi %mul3A_440, %add3A_2136 : i32
        %mul3A_2138 = arith.constant 96 : i32
        %mul3A_2139 = arith.muli %select_n3A, %mul3A_2138 : i32
        %add3A_2140 = arith.addi %mul3A_2139, %add3A_2137 : i32
        %mul3A_2141 = arith.constant 147456 : i32
        %mul3A_2142 = arith.muli %add3A_2140, %mul3A_2141 : i32
        %get3A_2143 = arith.constant 0 : index
        %get3A_2144 = tpu.vector_load %arg8[%get3A_2143] {strides = array<i32>} : memref<1024xi32, #tpu.memory_space<vmem>>, vector<16xi32>,
        %add3A_2145 = vector.broadcast %mul3A_2142 : i32 to vector<16xi32>
        %add3A_2146 = arith.addi %get3A_2144, %add3A_2145 : vector<16xi32>
        %swap3A_2147 = arith.constant 0 : index
        %swap3A_2148 = tpu.vector_load %arg9[%swap3A_2147] {strides = array<i32>} : memref<1024xi32, #tpu.memory_space<vmem>>, vector<16xi32>,
        tpu.vector_store %arg9[%swap3A_2147], %add3A_2146 {strides = array<i32>} : memref<1024xi32, #tpu.memory_space<vmem>>, vector<16xi32>,
        %get3A_2149 = arith.constant 16 : index
        %get3A_2150 = tpu.vector_load %arg8[%get3A_2149] {strides = array<i32>} : memref<1024xi32, #tpu.memory_space<vmem>>, vector<16xi32>,
        %add3A_2151 = vector.broadcast %mul3A_2142 : i32 to vector<16xi32>
        %add3A_2152 = arith.addi %get3A_2150, %add3A_2151 : vector<16xi32>
        %swap3A_2153 = arith.constant 16 : index
        %swap3A_2154 = tpu.vector_load %arg9[%swap3A_2153] {strides = array<i32>} : memref<1024xi32, #tpu.memory_space<vmem>>, vector<16xi32>,
        tpu.vector_store %arg9[%swap3A_2153], %add3A_2152 {strides = array<i32>} : memref<1024xi32, #tpu.memory_space<vmem>>, vector<16xi32>,
        %get3A_2155 = arith.constant 32 : index
        %get3A_2156 = tpu.vector_load %arg8[%get3A_2155] {strides = array<i32>} : memref<1024xi32, #tpu.memory_space<vmem>>, vector<16xi32>,
        %add3A_2157 = vector.broadcast %mul3A_2142 : i32 to vector<16xi32>
        %add3A_2158 = arith.addi %get3A_2156, %add3A_2157 : vector<16xi32>
        %swap3A_2159 = arith.constant 32 : index
        %swap3A_2160 = tpu.vector_load %arg9[%swap3A_2159] {strides = array<i32>} : memref<1024xi32, #tpu.memory_space<vmem>>, vector<16xi32>,
        tpu.vector_store %arg9[%swap3A_2159], %add3A_2158 {strides = array<i32>} : memref<1024xi32, #tpu.memory_space<vmem>>, vector<16xi32>,
        %get3A_2161 = arith.constant 48 : index
        %get3A_2162 = tpu.vector_load %arg8[%get3A_2161] {strides = array<i32>} : memref<1024xi32, #tpu.memory_space<vmem>>, vector<16xi32>,
        %add3A_2163 = vector.broadcast %mul3A_2142 : i32 to vector<16xi32>
        %add3A_2164 = arith.addi %get3A_2162, %add3A_2163 : vector<16xi32>
        %swap3A_2165 = arith.constant 48 : index
        %swap3A_2166 = tpu.vector_load %arg9[%swap3A_2165] {strides = array<i32>} : memref<1024xi32, #tpu.memory_space<vmem>>, vector<16xi32>,
        tpu.vector_store %arg9[%swap3A_2165], %add3A_2164 {strides = array<i32>} : memref<1024xi32, #tpu.memory_space<vmem>>, vector<16xi32>,
        %get3A_2167 = arith.constant 64 : index
        %get3A_2168 = tpu.vector_load %arg8[%get3A_2167] {strides = array<i32>} : memref<1024xi32, #tpu.memory_space<vmem>>, vector<16xi32>,
        %add3A_2169 = vector.broadcast %mul3A_2142 : i32 to vector<16xi32>
        %add3A_2170 = arith.addi %get3A_2168, %add3A_2169 : vector<16xi32>
        %swap3A_2171 = arith.constant 64 : index
        %swap3A_2172 = tpu.vector_load %arg9[%swap3A_2171] {strides = array<i32>} : memref<1024xi32, #tpu.memory_space<vmem>>, vector<16xi32>,
        tpu.vector_store %arg9[%swap3A_2171], %add3A_2170 {strides = array<i32>} : memref<1024xi32, #tpu.memory_space<vmem>>, vector<16xi32>,
        %get3A_2173 = arith.constant 80 : index
        %get3A_2174 = tpu.vector_load %arg8[%get3A_2173] {strides = array<i32>} : memref<1024xi32, #tpu.memory_space<vmem>>, vector<16xi32>,
        %add3A_2175 = vector.broadcast %mul3A_2142 : i32 to vector<16xi32>
        %add3A_2176 = arith.addi %get3A_2174, %add3A_2175 : vector<16xi32>
        %swap3A_2177 = arith.constant 80 : index
        %swap3A_2178 = tpu.vector_load %arg9[%swap3A_2177] {strides = array<i32>} : memref<1024xi32, #tpu.memory_space<vmem>>, vector<16xi32>,
        tpu.vector_store %arg9[%swap3A_2177], %add3A_2176 {strides = array<i32>} : memref<1024xi32, #tpu.memory_space<vmem>>, vector<16xi32>,
        %get3A_2179 = arith.constant 96 : index
        %get3A_2180 = tpu.vector_load %arg8[%get3A_2179] {strides = array<i32>} : memref<1024xi32, #tpu.memory_space<vmem>>, vector<16xi32>,
        %add3A_2181 = vector.broadcast %mul3A_2142 : i32 to vector<16xi32>
        %add3A_2182 = arith.addi %get3A_2180, %add3A_2181 : vector<16xi32>
        %swap3A_2183 = arith.constant 96 : index
        %swap3A_2184 = tpu.vector_load %arg9[%swap3A_2183] {strides = array<i32>} : memref<1024xi32, #tpu.memory_space<vmem>>, vector<16xi32>,
        tpu.vector_store %arg9[%swap3A_2183], %add3A_2182 {strides = array<i32>} : memref<1024xi32, #tpu.memory_space<vmem>>, vector<16xi32>,
        %get3A_2185 = arith.constant 112 : index
        %get3A_2186 = tpu.vector_load %arg8[%get3A_2185] {strides = array<i32>} : memref<1024xi32, #tpu.memory_space<vmem>>, vector<16xi32>,
        %add3A_2187 = vector.broadcast %mul3A_2142 : i32 to vector<16xi32>
        %add3A_2188 = arith.addi %get3A_2186, %add3A_2187 : vector<16xi32>
        %swap3A_2189 = arith.constant 112 : index
        %swap3A_2190 = tpu.vector_load %arg9[%swap3A_2189] {strides = array<i32>} : memref<1024xi32, #tpu.memory_space<vmem>>, vector<16xi32>,
        tpu.vector_store %arg9[%swap3A_2189], %add3A_2188 {strides = array<i32>} : memref<1024xi32, #tpu.memory_space<vmem>>, vector<16xi32>,
        %get3A_2191 = arith.constant 128 : index
        %get3A_2192 = tpu.vector_load %arg8[%get3A_2191] {strides = array<i32>} : memref<1024xi32, #tpu.memory_space<vmem>>, vector<16xi32>,
        %add3A_2193 = vector.broadcast %mul3A_2142 : i32 to vector<16xi32>
        %add3A_2194 = arith.addi %get3A_2192, %add3A_2193 : vector<16xi32>
        %swap3A_2195 = arith.constant 128 : index
        %swap3A_2196 = tpu.vector_load %arg9[%swap3A_2195] {strides = array<i32>} : memref<1024xi32, #tpu.memory_space<vmem>>, vector<16xi32>,
        tpu.vector_store %arg9[%swap3A_2195], %add3A_2194 {strides = array<i32>} : memref<1024xi32, #tpu.memory_space<vmem>>, vector<16xi32>,
        %get3A_2197 = arith.constant 144 : index
        %get3A_2198 = tpu.vector_load %arg8[%get3A_2197] {strides = array<i32>} : memref<1024xi32, #tpu.memory_space<vmem>>, vector<16xi32>,
        %add3A_2199 = vector.broadcast %mul3A_2142 : i32 to vector<16xi32>
        %add3A_2200 = arith.addi %get3A_2198, %add3A_2199 : vector<16xi32>
        %swap3A_2201 = arith.constant 144 : index
        %swap3A_2202 = tpu.vector_load %arg9[%swap3A_2201] {strides = array<i32>} : memref<1024xi32, #tpu.memory_space<vmem>>, vector<16xi32>,
        tpu.vector_store %arg9[%swap3A_2201], %add3A_2200 {strides = array<i32>} : memref<1024xi32, #tpu.memory_space<vmem>>, vector<16xi32>,
        %get3A_2203 = arith.constant 160 : index
        %get3A_2204 = tpu.vector_load %arg8[%get3A_2203] {strides = array<i32>} : memref<1024xi32, #tpu.memory_space<vmem>>, vector<16xi32>,
        %add3A_2205 = vector.broadcast %mul3A_2142 : i32 to vector<16xi32>
        %add3A_2206 = arith.addi %get3A_2204, %add3A_2205 : vector<16xi32>
        %swap3A_2207 = arith.constant 160 : index
        %swap3A_2208 = tpu.vector_load %arg9[%swap3A_2207] {strides = array<i32>} : memref<1024xi32, #tpu.memory_space<vmem>>, vector<16xi32>,
        tpu.vector_store %arg9[%swap3A_2207], %add3A_2206 {strides = array<i32>} : memref<1024xi32, #tpu.memory_space<vmem>>, vector<16xi32>,
        %get3A_2209 = arith.constant 176 : index
        %get3A_2210 = tpu.vector_load %arg8[%get3A_2209] {strides = array<i32>} : memref<1024xi32, #tpu.memory_space<vmem>>, vector<16xi32>,
        %add3A_2211 = vector.broadcast %mul3A_2142 : i32 to vector<16xi32>
        %add3A_2212 = arith.addi %get3A_2210, %add3A_2211 : vector<16xi32>
        %swap3A_2213 = arith.constant 176 : index
        %swap3A_2214 = tpu.vector_load %arg9[%swap3A_2213] {strides = array<i32>} : memref<1024xi32, #tpu.memory_space<vmem>>, vector<16xi32>,
        tpu.vector_store %arg9[%swap3A_2213], %add3A_2212 {strides = array<i32>} : memref<1024xi32, #tpu.memory_space<vmem>>, vector<16xi32>,
        %get3A_2215 = arith.constant 192 : index
        %get3A_2216 = tpu.vector_load %arg8[%get3A_2215] {strides = array<i32>} : memref<1024xi32, #tpu.memory_space<vmem>>, vector<16xi32>,
        %add3A_2217 = vector.broadcast %mul3A_2142 : i32 to vector<16xi32>
        %add3A_2218 = arith.addi %get3A_2216, %add3A_2217 : vector<16xi32>
        %swap3A_2219 = arith.constant 192 : index
        %swap3A_2220 = tpu.vector_load %arg9[%swap3A_2219] {strides = array<i32>} : memref<1024xi32, #tpu.memory_space<vmem>>, vector<16xi32>,
        tpu.vector_store %arg9[%swap3A_2219], %add3A_2218 {strides = array<i32>} : memref<1024xi32, #tpu.memory_space<vmem>>, vector<16xi32>,
        %get3A_2221 = arith.constant 208 : index
        %get3A_2222 = tpu.vector_load %arg8[%get3A_2221] {strides = array<i32>} : memref<1024xi32, #tpu.memory_space<vmem>>, vector<16xi32>,
        %add3A_2223 = vector.broadcast %mul3A_2142 : i32 to vector<16xi32>
        %add3A_2224 = arith.addi %get3A_2222, %add3A_2223 : vector<16xi32>
        %swap3A_2225 = arith.constant 208 : index
        %swap3A_2226 = tpu.vector_load %arg9[%swap3A_2225] {strides = array<i32>} : memref<1024xi32, #tpu.memory_space<vmem>>, vector<16xi32>,
        tpu.vector_store %arg9[%swap3A_2225], %add3A_2224 {strides = array<i32>} : memref<1024xi32, #tpu.memory_space<vmem>>, vector<16xi32>,
        %get3A_2227 = arith.constant 224 : index
        %get3A_2228 = tpu.vector_load %arg8[%get3A_2227] {strides = array<i32>} : memref<1024xi32, #tpu.memory_space<vmem>>, vector<16xi32>,
        %add3A_2229 = vector.broadcast %mul3A_2142 : i32 to vector<16xi32>
        %add3A_2230 = arith.addi %get3A_2228, %add3A_2229 : vector<16xi32>
        %swap3A_2231 = arith.constant 224 : index
        %swap3A_2232 = tpu.vector_load %arg9[%swap3A_2231] {strides = array<i32>} : memref<1024xi32, #tpu.memory_space<vmem>>, vector<16xi32>,
        tpu.vector_store %arg9[%swap3A_2231], %add3A_2230 {strides = array<i32>} : memref<1024xi32, #tpu.memory_space<vmem>>, vector<16xi32>,
        %get3A_2233 = arith.constant 240 : index
        %get3A_2234 = tpu.vector_load %arg8[%get3A_2233] {strides = array<i32>} : memref<1024xi32, #tpu.memory_space<vmem>>, vector<16xi32>,
        %add3A_2235 = vector.broadcast %mul3A_2142 : i32 to vector<16xi32>
        %add3A_2236 = arith.addi %get3A_2234, %add3A_2235 : vector<16xi32>
        %swap3A_2237 = arith.constant 240 : index
        %swap3A_2238 = tpu.vector_load %arg9[%swap3A_2237] {strides = array<i32>} : memref<1024xi32, #tpu.memory_space<vmem>>, vector<16xi32>,
        tpu.vector_store %arg9[%swap3A_2237], %add3A_2236 {strides = array<i32>} : memref<1024xi32, #tpu.memory_space<vmem>>, vector<16xi32>,
        %get3A_2239 = arith.constant 256 : index
        %get3A_2240 = tpu.vector_load %arg8[%get3A_2239] {strides = array<i32>} : memref<1024xi32, #tpu.memory_space<vmem>>, vector<16xi32>,
        %add3A_2241 = vector.broadcast %mul3A_2142 : i32 to vector<16xi32>
        %add3A_2242 = arith.addi %get3A_2240, %add3A_2241 : vector<16xi32>
        %swap3A_2243 = arith.constant 256 : index
        %swap3A_2244 = tpu.vector_load %arg9[%swap3A_2243] {strides = array<i32>} : memref<1024xi32, #tpu.memory_space<vmem>>, vector<16xi32>,
        tpu.vector_store %arg9[%swap3A_2243], %add3A_2242 {strides = array<i32>} : memref<1024xi32, #tpu.memory_space<vmem>>, vector<16xi32>,
        %get3A_2245 = arith.constant 272 : index
        %get3A_2246 = tpu.vector_load %arg8[%get3A_2245] {strides = array<i32>} : memref<1024xi32, #tpu.memory_space<vmem>>, vector<16xi32>,
        %add3A_2247 = vector.broadcast %mul3A_2142 : i32 to vector<16xi32>
        %add3A_2248 = arith.addi %get3A_2246, %add3A_2247 : vector<16xi32>
        %swap3A_2249 = arith.constant 272 : index
        %swap3A_2250 = tpu.vector_load %arg9[%swap3A_2249] {strides = array<i32>} : memref<1024xi32, #tpu.memory_space<vmem>>, vector<16xi32>,
        tpu.vector_store %arg9[%swap3A_2249], %add3A_2248 {strides = array<i32>} : memref<1024xi32, #tpu.memory_space<vmem>>, vector<16xi32>,
        %get3A_2251 = arith.constant 288 : index
        %get3A_2252 = tpu.vector_load %arg8[%get3A_2251] {strides = array<i32>} : memref<1024xi32, #tpu.memory_space<vmem>>, vector<16xi32>,
        %add3A_2253 = vector.broadcast %mul3A_2142 : i32 to vector<16xi32>
        %add3A_2254 = arith.addi %get3A_2252, %add3A_2253 : vector<16xi32>
        %swap3A_2255 = arith.constant 288 : index
        %swap3A_2256 = tpu.vector_load %arg9[%swap3A_2255] {strides = array<i32>} : memref<1024xi32, #tpu.memory_space<vmem>>, vector<16xi32>,
        tpu.vector_store %arg9[%swap3A_2255], %add3A_2254 {strides = array<i32>} : memref<1024xi32, #tpu.memory_space<vmem>>, vector<16xi32>,
        %get3A_2257 = arith.constant 304 : index
        %get3A_2258 = tpu.vector_load %arg8[%get3A_2257] {strides = array<i32>} : memref<1024xi32, #tpu.memory_space<vmem>>, vector<16xi32>,
        %add3A_2259 = vector.broadcast %mul3A_2142 : i32 to vector<16xi32>
        %add3A_2260 = arith.addi %get3A_2258, %add3A_2259 : vector<16xi32>
        %swap3A_2261 = arith.constant 304 : index
        %swap3A_2262 = tpu.vector_load %arg9[%swap3A_2261] {strides = array<i32>} : memref<1024xi32, #tpu.memory_space<vmem>>, vector<16xi32>,
        tpu.vector_store %arg9[%swap3A_2261], %add3A_2260 {strides = array<i32>} : memref<1024xi32, #tpu.memory_space<vmem>>, vector<16xi32>,
        %get3A_2263 = arith.constant 320 : index
        %get3A_2264 = tpu.vector_load %arg8[%get3A_2263] {strides = array<i32>} : memref<1024xi32, #tpu.memory_space<vmem>>, vector<16xi32>,
        %add3A_2265 = vector.broadcast %mul3A_2142 : i32 to vector<16xi32>
        %add3A_2266 = arith.addi %get3A_2264, %add3A_2265 : vector<16xi32>
        %swap3A_2267 = arith.constant 320 : index
        %swap3A_2268 = tpu.vector_load %arg9[%swap3A_2267] {strides = array<i32>} : memref<1024xi32, #tpu.memory_space<vmem>>, vector<16xi32>,
        tpu.vector_store %arg9[%swap3A_2267], %add3A_2266 {strides = array<i32>} : memref<1024xi32, #tpu.memory_space<vmem>>, vector<16xi32>,
        %get3A_2269 = arith.constant 336 : index
        %get3A_2270 = tpu.vector_load %arg8[%get3A_2269] {strides = array<i32>} : memref<1024xi32, #tpu.memory_space<vmem>>, vector<16xi32>,
        %add3A_2271 = vector.broadcast %mul3A_2142 : i32 to vector<16xi32>
        %add3A_2272 = arith.addi %get3A_2270, %add3A_2271 : vector<16xi32>
        %swap3A_2273 = arith.constant 336 : index
        %swap3A_2274 = tpu.vector_load %arg9[%swap3A_2273] {strides = array<i32>} : memref<1024xi32, #tpu.memory_space<vmem>>, vector<16xi32>,
        tpu.vector_store %arg9[%swap3A_2273], %add3A_2272 {strides = array<i32>} : memref<1024xi32, #tpu.memory_space<vmem>>, vector<16xi32>,
        %get3A_2275 = arith.constant 352 : index
        %get3A_2276 = tpu.vector_load %arg8[%get3A_2275] {strides = array<i32>} : memref<1024xi32, #tpu.memory_space<vmem>>, vector<16xi32>,
        %add3A_2277 = vector.broadcast %mul3A_2142 : i32 to vector<16xi32>
        %add3A_2278 = arith.addi %get3A_2276, %add3A_2277 : vector<16xi32>
        %swap3A_2279 = arith.constant 352 : index
        %swap3A_2280 = tpu.vector_load %arg9[%swap3A_2279] {strides = array<i32>} : memref<1024xi32, #tpu.memory_space<vmem>>, vector<16xi32>,
        tpu.vector_store %arg9[%swap3A_2279], %add3A_2278 {strides = array<i32>} : memref<1024xi32, #tpu.memory_space<vmem>>, vector<16xi32>,
        %get3A_2281 = arith.constant 368 : index
        %get3A_2282 = tpu.vector_load %arg8[%get3A_2281] {strides = array<i32>} : memref<1024xi32, #tpu.memory_space<vmem>>, vector<16xi32>,
        %add3A_2283 = vector.broadcast %mul3A_2142 : i32 to vector<16xi32>
        %add3A_2284 = arith.addi %get3A_2282, %add3A_2283 : vector<16xi32>
        %swap3A_2285 = arith.constant 368 : index
        %swap3A_2286 = tpu.vector_load %arg9[%swap3A_2285] {strides = array<i32>} : memref<1024xi32, #tpu.memory_space<vmem>>, vector<16xi32>,
        tpu.vector_store %arg9[%swap3A_2285], %add3A_2284 {strides = array<i32>} : memref<1024xi32, #tpu.memory_space<vmem>>, vector<16xi32>,
        %get3A_2287 = arith.constant 384 : index
        %get3A_2288 = tpu.vector_load %arg8[%get3A_2287] {strides = array<i32>} : memref<1024xi32, #tpu.memory_space<vmem>>, vector<16xi32>,
        %add3A_2289 = vector.broadcast %mul3A_2142 : i32 to vector<16xi32>
        %add3A_2290 = arith.addi %get3A_2288, %add3A_2289 : vector<16xi32>
        %swap3A_2291 = arith.constant 384 : index
        %swap3A_2292 = tpu.vector_load %arg9[%swap3A_2291] {strides = array<i32>} : memref<1024xi32, #tpu.memory_space<vmem>>, vector<16xi32>,
        tpu.vector_store %arg9[%swap3A_2291], %add3A_2290 {strides = array<i32>} : memref<1024xi32, #tpu.memory_space<vmem>>, vector<16xi32>,
        %get3A_2293 = arith.constant 400 : index
        %get3A_2294 = tpu.vector_load %arg8[%get3A_2293] {strides = array<i32>} : memref<1024xi32, #tpu.memory_space<vmem>>, vector<16xi32>,
        %add3A_2295 = vector.broadcast %mul3A_2142 : i32 to vector<16xi32>
        %add3A_2296 = arith.addi %get3A_2294, %add3A_2295 : vector<16xi32>
        %swap3A_2297 = arith.constant 400 : index
        %swap3A_2298 = tpu.vector_load %arg9[%swap3A_2297] {strides = array<i32>} : memref<1024xi32, #tpu.memory_space<vmem>>, vector<16xi32>,
        tpu.vector_store %arg9[%swap3A_2297], %add3A_2296 {strides = array<i32>} : memref<1024xi32, #tpu.memory_space<vmem>>, vector<16xi32>,
        %get3A_2299 = arith.constant 416 : index
        %get3A_2300 = tpu.vector_load %arg8[%get3A_2299] {strides = array<i32>} : memref<1024xi32, #tpu.memory_space<vmem>>, vector<16xi32>,
        %add3A_2301 = vector.broadcast %mul3A_2142 : i32 to vector<16xi32>
        %add3A_2302 = arith.addi %get3A_2300, %add3A_2301 : vector<16xi32>
        %swap3A_2303 = arith.constant 416 : index
        %swap3A_2304 = tpu.vector_load %arg9[%swap3A_2303] {strides = array<i32>} : memref<1024xi32, #tpu.memory_space<vmem>>, vector<16xi32>,
        tpu.vector_store %arg9[%swap3A_2303], %add3A_2302 {strides = array<i32>} : memref<1024xi32, #tpu.memory_space<vmem>>, vector<16xi32>,
        %get3A_2305 = arith.constant 432 : index
        %get3A_2306 = tpu.vector_load %arg8[%get3A_2305] {strides = array<i32>} : memref<1024xi32, #tpu.memory_space<vmem>>, vector<16xi32>,
        %add3A_2307 = vector.broadcast %mul3A_2142 : i32 to vector<16xi32>
        %add3A_2308 = arith.addi %get3A_2306, %add3A_2307 : vector<16xi32>
        %swap3A_2309 = arith.constant 432 : index
        %swap3A_2310 = tpu.vector_load %arg9[%swap3A_2309] {strides = array<i32>} : memref<1024xi32, #tpu.memory_space<vmem>>, vector<16xi32>,
        tpu.vector_store %arg9[%swap3A_2309], %add3A_2308 {strides = array<i32>} : memref<1024xi32, #tpu.memory_space<vmem>>, vector<16xi32>,
        %get3A_2311 = arith.constant 448 : index
        %get3A_2312 = tpu.vector_load %arg8[%get3A_2311] {strides = array<i32>} : memref<1024xi32, #tpu.memory_space<vmem>>, vector<16xi32>,
        %add3A_2313 = vector.broadcast %mul3A_2142 : i32 to vector<16xi32>
        %add3A_2314 = arith.addi %get3A_2312, %add3A_2313 : vector<16xi32>
        %swap3A_2315 = arith.constant 448 : index
        %swap3A_2316 = tpu.vector_load %arg9[%swap3A_2315] {strides = array<i32>} : memref<1024xi32, #tpu.memory_space<vmem>>, vector<16xi32>,
        tpu.vector_store %arg9[%swap3A_2315], %add3A_2314 {strides = array<i32>} : memref<1024xi32, #tpu.memory_space<vmem>>, vector<16xi32>,
        %get3A_2317 = arith.constant 464 : index
        %get3A_2318 = tpu.vector_load %arg8[%get3A_2317] {strides = array<i32>} : memref<1024xi32, #tpu.memory_space<vmem>>, vector<16xi32>,
        %add3A_2319 = vector.broadcast %mul3A_2142 : i32 to vector<16xi32>
        %add3A_2320 = arith.addi %get3A_2318, %add3A_2319 : vector<16xi32>
        %swap3A_2321 = arith.constant 464 : index
        %swap3A_2322 = tpu.vector_load %arg9[%swap3A_2321] {strides = array<i32>} : memref<1024xi32, #tpu.memory_space<vmem>>, vector<16xi32>,
        tpu.vector_store %arg9[%swap3A_2321], %add3A_2320 {strides = array<i32>} : memref<1024xi32, #tpu.memory_space<vmem>>, vector<16xi32>,
        %get3A_2323 = arith.constant 480 : index
        %get3A_2324 = tpu.vector_load %arg8[%get3A_2323] {strides = array<i32>} : memref<1024xi32, #tpu.memory_space<vmem>>, vector<16xi32>,
        %add3A_2325 = vector.broadcast %mul3A_2142 : i32 to vector<16xi32>
        %add3A_2326 = arith.addi %get3A_2324, %add3A_2325 : vector<16xi32>
        %swap3A_2327 = arith.constant 480 : index
        %swap3A_2328 = tpu.vector_load %arg9[%swap3A_2327] {strides = array<i32>} : memref<1024xi32, #tpu.memory_space<vmem>>, vector<16xi32>,
        tpu.vector_store %arg9[%swap3A_2327], %add3A_2326 {strides = array<i32>} : memref<1024xi32, #tpu.memory_space<vmem>>, vector<16xi32>,
        %get3A_2329 = arith.constant 496 : index
        %get3A_2330 = tpu.vector_load %arg8[%get3A_2329] {strides = array<i32>} : memref<1024xi32, #tpu.memory_space<vmem>>, vector<16xi32>,
        %add3A_2331 = vector.broadcast %mul3A_2142 : i32 to vector<16xi32>
        %add3A_2332 = arith.addi %get3A_2330, %add3A_2331 : vector<16xi32>
        %swap3A_2333 = arith.constant 496 : index
        %swap3A_2334 = tpu.vector_load %arg9[%swap3A_2333] {strides = array<i32>} : memref<1024xi32, #tpu.memory_space<vmem>>, vector<16xi32>,
        tpu.vector_store %arg9[%swap3A_2333], %add3A_2332 {strides = array<i32>} : memref<1024xi32, #tpu.memory_space<vmem>>, vector<16xi32>,
        %get3A_2335 = arith.constant 512 : index
        %get3A_2336 = tpu.vector_load %arg8[%get3A_2335] {strides = array<i32>} : memref<1024xi32, #tpu.memory_space<vmem>>, vector<16xi32>,
        %add3A_2337 = vector.broadcast %mul3A_2142 : i32 to vector<16xi32>
        %add3A_2338 = arith.addi %get3A_2336, %add3A_2337 : vector<16xi32>
        %swap3A_2339 = arith.constant 512 : index
        %swap3A_2340 = tpu.vector_load %arg9[%swap3A_2339] {strides = array<i32>} : memref<1024xi32, #tpu.memory_space<vmem>>, vector<16xi32>,
        tpu.vector_store %arg9[%swap3A_2339], %add3A_2338 {strides = array<i32>} : memref<1024xi32, #tpu.memory_space<vmem>>, vector<16xi32>,
        %get3A_2341 = arith.constant 528 : index
        %get3A_2342 = tpu.vector_load %arg8[%get3A_2341] {strides = array<i32>} : memref<1024xi32, #tpu.memory_space<vmem>>, vector<16xi32>,
        %add3A_2343 = vector.broadcast %mul3A_2142 : i32 to vector<16xi32>
        %add3A_2344 = arith.addi %get3A_2342, %add3A_2343 : vector<16xi32>
        %swap3A_2345 = arith.constant 528 : index
        %swap3A_2346 = tpu.vector_load %arg9[%swap3A_2345] {strides = array<i32>} : memref<1024xi32, #tpu.memory_space<vmem>>, vector<16xi32>,
        tpu.vector_store %arg9[%swap3A_2345], %add3A_2344 {strides = array<i32>} : memref<1024xi32, #tpu.memory_space<vmem>>, vector<16xi32>,
        %get3A_2347 = arith.constant 544 : index
        %get3A_2348 = tpu.vector_load %arg8[%get3A_2347] {strides = array<i32>} : memref<1024xi32, #tpu.memory_space<vmem>>, vector<16xi32>,
        %add3A_2349 = vector.broadcast %mul3A_2142 : i32 to vector<16xi32>
        %add3A_2350 = arith.addi %get3A_2348, %add3A_2349 : vector<16xi32>
        %swap3A_2351 = arith.constant 544 : index
        %swap3A_2352 = tpu.vector_load %arg9[%swap3A_2351] {strides = array<i32>} : memref<1024xi32, #tpu.memory_space<vmem>>, vector<16xi32>,
        tpu.vector_store %arg9[%swap3A_2351], %add3A_2350 {strides = array<i32>} : memref<1024xi32, #tpu.memory_space<vmem>>, vector<16xi32>,
        %get3A_2353 = arith.constant 560 : index
        %get3A_2354 = tpu.vector_load %arg8[%get3A_2353] {strides = array<i32>} : memref<1024xi32, #tpu.memory_space<vmem>>, vector<16xi32>,
        %add3A_2355 = vector.broadcast %mul3A_2142 : i32 to vector<16xi32>
        %add3A_2356 = arith.addi %get3A_2354, %add3A_2355 : vector<16xi32>
        %swap3A_2357 = arith.constant 560 : index
        %swap3A_2358 = tpu.vector_load %arg9[%swap3A_2357] {strides = array<i32>} : memref<1024xi32, #tpu.memory_space<vmem>>, vector<16xi32>,
        tpu.vector_store %arg9[%swap3A_2357], %add3A_2356 {strides = array<i32>} : memref<1024xi32, #tpu.memory_space<vmem>>, vector<16xi32>,
        %get3A_2359 = arith.constant 576 : index
        %get3A_2360 = tpu.vector_load %arg8[%get3A_2359] {strides = array<i32>} : memref<1024xi32, #tpu.memory_space<vmem>>, vector<16xi32>,
        %add3A_2361 = vector.broadcast %mul3A_2142 : i32 to vector<16xi32>
        %add3A_2362 = arith.addi %get3A_2360, %add3A_2361 : vector<16xi32>
        %swap3A_2363 = arith.constant 576 : index
        %swap3A_2364 = tpu.vector_load %arg9[%swap3A_2363] {strides = array<i32>} : memref<1024xi32, #tpu.memory_space<vmem>>, vector<16xi32>,
        tpu.vector_store %arg9[%swap3A_2363], %add3A_2362 {strides = array<i32>} : memref<1024xi32, #tpu.memory_space<vmem>>, vector<16xi32>,
        %get3A_2365 = arith.constant 592 : index
        %get3A_2366 = tpu.vector_load %arg8[%get3A_2365] {strides = array<i32>} : memref<1024xi32, #tpu.memory_space<vmem>>, vector<16xi32>,
        %add3A_2367 = vector.broadcast %mul3A_2142 : i32 to vector<16xi32>
        %add3A_2368 = arith.addi %get3A_2366, %add3A_2367 : vector<16xi32>
        %swap3A_2369 = arith.constant 592 : index
        %swap3A_2370 = tpu.vector_load %arg9[%swap3A_2369] {strides = array<i32>} : memref<1024xi32, #tpu.memory_space<vmem>>, vector<16xi32>,
        tpu.vector_store %arg9[%swap3A_2369], %add3A_2368 {strides = array<i32>} : memref<1024xi32, #tpu.memory_space<vmem>>, vector<16xi32>,
        %get3A_2371 = arith.constant 608 : index
        %get3A_2372 = tpu.vector_load %arg8[%get3A_2371] {strides = array<i32>} : memref<1024xi32, #tpu.memory_space<vmem>>, vector<16xi32>,
        %add3A_2373 = vector.broadcast %mul3A_2142 : i32 to vector<16xi32>
        %add3A_2374 = arith.addi %get3A_2372, %add3A_2373 : vector<16xi32>
        %swap3A_2375 = arith.constant 608 : index
        %swap3A_2376 = tpu.vector_load %arg9[%swap3A_2375] {strides = array<i32>} : memref<1024xi32, #tpu.memory_space<vmem>>, vector<16xi32>,
        tpu.vector_store %arg9[%swap3A_2375], %add3A_2374 {strides = array<i32>} : memref<1024xi32, #tpu.memory_space<vmem>>, vector<16xi32>,
        %get3A_2377 = arith.constant 624 : index
        %get3A_2378 = tpu.vector_load %arg8[%get3A_2377] {strides = array<i32>} : memref<1024xi32, #tpu.memory_space<vmem>>, vector<16xi32>,
        %add3A_2379 = vector.broadcast %mul3A_2142 : i32 to vector<16xi32>
        %add3A_2380 = arith.addi %get3A_2378, %add3A_2379 : vector<16xi32>
        %swap3A_2381 = arith.constant 624 : index
        %swap3A_2382 = tpu.vector_load %arg9[%swap3A_2381] {strides = array<i32>} : memref<1024xi32, #tpu.memory_space<vmem>>, vector<16xi32>,
        tpu.vector_store %arg9[%swap3A_2381], %add3A_2380 {strides = array<i32>} : memref<1024xi32, #tpu.memory_space<vmem>>, vector<16xi32>,
        %get3A_2383 = arith.constant 640 : index
        %get3A_2384 = tpu.vector_load %arg8[%get3A_2383] {strides = array<i32>} : memref<1024xi32, #tpu.memory_space<vmem>>, vector<16xi32>,
        %add3A_2385 = vector.broadcast %mul3A_2142 : i32 to vector<16xi32>
        %add3A_2386 = arith.addi %get3A_2384, %add3A_2385 : vector<16xi32>
        %swap3A_2387 = arith.constant 640 : index
        %swap3A_2388 = tpu.vector_load %arg9[%swap3A_2387] {strides = array<i32>} : memref<1024xi32, #tpu.memory_space<vmem>>, vector<16xi32>,
        tpu.vector_store %arg9[%swap3A_2387], %add3A_2386 {strides = array<i32>} : memref<1024xi32, #tpu.memory_space<vmem>>, vector<16xi32>,
        %get3A_2389 = arith.constant 656 : index
        %get3A_2390 = tpu.vector_load %arg8[%get3A_2389] {strides = array<i32>} : memref<1024xi32, #tpu.memory_space<vmem>>, vector<16xi32>,
        %add3A_2391 = vector.broadcast %mul3A_2142 : i32 to vector<16xi32>
        %add3A_2392 = arith.addi %get3A_2390, %add3A_2391 : vector<16xi32>
        %swap3A_2393 = arith.constant 656 : index
        %swap3A_2394 = tpu.vector_load %arg9[%swap3A_2393] {strides = array<i32>} : memref<1024xi32, #tpu.memory_space<vmem>>, vector<16xi32>,
        tpu.vector_store %arg9[%swap3A_2393], %add3A_2392 {strides = array<i32>} : memref<1024xi32, #tpu.memory_space<vmem>>, vector<16xi32>,
        %get3A_2395 = arith.constant 672 : index
        %get3A_2396 = tpu.vector_load %arg8[%get3A_2395] {strides = array<i32>} : memref<1024xi32, #tpu.memory_space<vmem>>, vector<16xi32>,
        %add3A_2397 = vector.broadcast %mul3A_2142 : i32 to vector<16xi32>
        %add3A_2398 = arith.addi %get3A_2396, %add3A_2397 : vector<16xi32>
        %swap3A_2399 = arith.constant 672 : index
        %swap3A_2400 = tpu.vector_load %arg9[%swap3A_2399] {strides = array<i32>} : memref<1024xi32, #tpu.memory_space<vmem>>, vector<16xi32>,
        tpu.vector_store %arg9[%swap3A_2399], %add3A_2398 {strides = array<i32>} : memref<1024xi32, #tpu.memory_space<vmem>>, vector<16xi32>,
        %get3A_2401 = arith.constant 688 : index
        %get3A_2402 = tpu.vector_load %arg8[%get3A_2401] {strides = array<i32>} : memref<1024xi32, #tpu.memory_space<vmem>>, vector<16xi32>,
        %add3A_2403 = vector.broadcast %mul3A_2142 : i32 to vector<16xi32>
        %add3A_2404 = arith.addi %get3A_2402, %add3A_2403 : vector<16xi32>
        %swap3A_2405 = arith.constant 688 : index
        %swap3A_2406 = tpu.vector_load %arg9[%swap3A_2405] {strides = array<i32>} : memref<1024xi32, #tpu.memory_space<vmem>>, vector<16xi32>,
        tpu.vector_store %arg9[%swap3A_2405], %add3A_2404 {strides = array<i32>} : memref<1024xi32, #tpu.memory_space<vmem>>, vector<16xi32>,
        %get3A_2407 = arith.constant 704 : index
        %get3A_2408 = tpu.vector_load %arg8[%get3A_2407] {strides = array<i32>} : memref<1024xi32, #tpu.memory_space<vmem>>, vector<16xi32>,
        %add3A_2409 = vector.broadcast %mul3A_2142 : i32 to vector<16xi32>
        %add3A_2410 = arith.addi %get3A_2408, %add3A_2409 : vector<16xi32>
        %swap3A_2411 = arith.constant 704 : index
        %swap3A_2412 = tpu.vector_load %arg9[%swap3A_2411] {strides = array<i32>} : memref<1024xi32, #tpu.memory_space<vmem>>, vector<16xi32>,
        tpu.vector_store %arg9[%swap3A_2411], %add3A_2410 {strides = array<i32>} : memref<1024xi32, #tpu.memory_space<vmem>>, vector<16xi32>,
        %get3A_2413 = arith.constant 720 : index
        %get3A_2414 = tpu.vector_load %arg8[%get3A_2413] {strides = array<i32>} : memref<1024xi32, #tpu.memory_space<vmem>>, vector<16xi32>,
        %add3A_2415 = vector.broadcast %mul3A_2142 : i32 to vector<16xi32>
        %add3A_2416 = arith.addi %get3A_2414, %add3A_2415 : vector<16xi32>
        %swap3A_2417 = arith.constant 720 : index
        %swap3A_2418 = tpu.vector_load %arg9[%swap3A_2417] {strides = array<i32>} : memref<1024xi32, #tpu.memory_space<vmem>>, vector<16xi32>,
        tpu.vector_store %arg9[%swap3A_2417], %add3A_2416 {strides = array<i32>} : memref<1024xi32, #tpu.memory_space<vmem>>, vector<16xi32>,
        %get3A_2419 = arith.constant 736 : index
        %get3A_2420 = tpu.vector_load %arg8[%get3A_2419] {strides = array<i32>} : memref<1024xi32, #tpu.memory_space<vmem>>, vector<16xi32>,
        %add3A_2421 = vector.broadcast %mul3A_2142 : i32 to vector<16xi32>
        %add3A_2422 = arith.addi %get3A_2420, %add3A_2421 : vector<16xi32>
        %swap3A_2423 = arith.constant 736 : index
        %swap3A_2424 = tpu.vector_load %arg9[%swap3A_2423] {strides = array<i32>} : memref<1024xi32, #tpu.memory_space<vmem>>, vector<16xi32>,
        tpu.vector_store %arg9[%swap3A_2423], %add3A_2422 {strides = array<i32>} : memref<1024xi32, #tpu.memory_space<vmem>>, vector<16xi32>,
        %get3A_2425 = arith.constant 752 : index
        %get3A_2426 = tpu.vector_load %arg8[%get3A_2425] {strides = array<i32>} : memref<1024xi32, #tpu.memory_space<vmem>>, vector<16xi32>,
        %add3A_2427 = vector.broadcast %mul3A_2142 : i32 to vector<16xi32>
        %add3A_2428 = arith.addi %get3A_2426, %add3A_2427 : vector<16xi32>
        %swap3A_2429 = arith.constant 752 : index
        %swap3A_2430 = tpu.vector_load %arg9[%swap3A_2429] {strides = array<i32>} : memref<1024xi32, #tpu.memory_space<vmem>>, vector<16xi32>,
        tpu.vector_store %arg9[%swap3A_2429], %add3A_2428 {strides = array<i32>} : memref<1024xi32, #tpu.memory_space<vmem>>, vector<16xi32>,
        %get3A_2431 = arith.constant 768 : index
        %get3A_2432 = tpu.vector_load %arg8[%get3A_2431] {strides = array<i32>} : memref<1024xi32, #tpu.memory_space<vmem>>, vector<16xi32>,
        %add3A_2433 = vector.broadcast %mul3A_2142 : i32 to vector<16xi32>
        %add3A_2434 = arith.addi %get3A_2432, %add3A_2433 : vector<16xi32>
        %swap3A_2435 = arith.constant 768 : index
        %swap3A_2436 = tpu.vector_load %arg9[%swap3A_2435] {strides = array<i32>} : memref<1024xi32, #tpu.memory_space<vmem>>, vector<16xi32>,
        tpu.vector_store %arg9[%swap3A_2435], %add3A_2434 {strides = array<i32>} : memref<1024xi32, #tpu.memory_space<vmem>>, vector<16xi32>,
        %get3A_2437 = arith.constant 784 : index
        %get3A_2438 = tpu.vector_load %arg8[%get3A_2437] {strides = array<i32>} : memref<1024xi32, #tpu.memory_space<vmem>>, vector<16xi32>,
        %add3A_2439 = vector.broadcast %mul3A_2142 : i32 to vector<16xi32>
        %add3A_2440 = arith.addi %get3A_2438, %add3A_2439 : vector<16xi32>
        %swap3A_2441 = arith.constant 784 : index
        %swap3A_2442 = tpu.vector_load %arg9[%swap3A_2441] {strides = array<i32>} : memref<1024xi32, #tpu.memory_space<vmem>>, vector<16xi32>,
        tpu.vector_store %arg9[%swap3A_2441], %add3A_2440 {strides = array<i32>} : memref<1024xi32, #tpu.memory_space<vmem>>, vector<16xi32>,
        %get3A_2443 = arith.constant 800 : index
        %get3A_2444 = tpu.vector_load %arg8[%get3A_2443] {strides = array<i32>} : memref<1024xi32, #tpu.memory_space<vmem>>, vector<16xi32>,
        %add3A_2445 = vector.broadcast %mul3A_2142 : i32 to vector<16xi32>
        %add3A_2446 = arith.addi %get3A_2444, %add3A_2445 : vector<16xi32>
        %swap3A_2447 = arith.constant 800 : index
        %swap3A_2448 = tpu.vector_load %arg9[%swap3A_2447] {strides = array<i32>} : memref<1024xi32, #tpu.memory_space<vmem>>, vector<16xi32>,
        tpu.vector_store %arg9[%swap3A_2447], %add3A_2446 {strides = array<i32>} : memref<1024xi32, #tpu.memory_space<vmem>>, vector<16xi32>,
        %get3A_2449 = arith.constant 816 : index
        %get3A_2450 = tpu.vector_load %arg8[%get3A_2449] {strides = array<i32>} : memref<1024xi32, #tpu.memory_space<vmem>>, vector<16xi32>,
        %add3A_2451 = vector.broadcast %mul3A_2142 : i32 to vector<16xi32>
        %add3A_2452 = arith.addi %get3A_2450, %add3A_2451 : vector<16xi32>
        %swap3A_2453 = arith.constant 816 : index
        %swap3A_2454 = tpu.vector_load %arg9[%swap3A_2453] {strides = array<i32>} : memref<1024xi32, #tpu.memory_space<vmem>>, vector<16xi32>,
        tpu.vector_store %arg9[%swap3A_2453], %add3A_2452 {strides = array<i32>} : memref<1024xi32, #tpu.memory_space<vmem>>, vector<16xi32>,
        %get3A_2455 = arith.constant 832 : index
        %get3A_2456 = tpu.vector_load %arg8[%get3A_2455] {strides = array<i32>} : memref<1024xi32, #tpu.memory_space<vmem>>, vector<16xi32>,
        %add3A_2457 = vector.broadcast %mul3A_2142 : i32 to vector<16xi32>
        %add3A_2458 = arith.addi %get3A_2456, %add3A_2457 : vector<16xi32>
        %swap3A_2459 = arith.constant 832 : index
        %swap3A_2460 = tpu.vector_load %arg9[%swap3A_2459] {strides = array<i32>} : memref<1024xi32, #tpu.memory_space<vmem>>, vector<16xi32>,
        tpu.vector_store %arg9[%swap3A_2459], %add3A_2458 {strides = array<i32>} : memref<1024xi32, #tpu.memory_space<vmem>>, vector<16xi32>,
        %get3A_2461 = arith.constant 848 : index
        %get3A_2462 = tpu.vector_load %arg8[%get3A_2461] {strides = array<i32>} : memref<1024xi32, #tpu.memory_space<vmem>>, vector<16xi32>,
        %add3A_2463 = vector.broadcast %mul3A_2142 : i32 to vector<16xi32>
        %add3A_2464 = arith.addi %get3A_2462, %add3A_2463 : vector<16xi32>
        %swap3A_2465 = arith.constant 848 : index
        %swap3A_2466 = tpu.vector_load %arg9[%swap3A_2465] {strides = array<i32>} : memref<1024xi32, #tpu.memory_space<vmem>>, vector<16xi32>,
        tpu.vector_store %arg9[%swap3A_2465], %add3A_2464 {strides = array<i32>} : memref<1024xi32, #tpu.memory_space<vmem>>, vector<16xi32>,
        %get3A_2467 = arith.constant 864 : index
        %get3A_2468 = tpu.vector_load %arg8[%get3A_2467] {strides = array<i32>} : memref<1024xi32, #tpu.memory_space<vmem>>, vector<16xi32>,
        %add3A_2469 = vector.broadcast %mul3A_2142 : i32 to vector<16xi32>
        %add3A_2470 = arith.addi %get3A_2468, %add3A_2469 : vector<16xi32>
        %swap3A_2471 = arith.constant 864 : index
        %swap3A_2472 = tpu.vector_load %arg9[%swap3A_2471] {strides = array<i32>} : memref<1024xi32, #tpu.memory_space<vmem>>, vector<16xi32>,
        tpu.vector_store %arg9[%swap3A_2471], %add3A_2470 {strides = array<i32>} : memref<1024xi32, #tpu.memory_space<vmem>>, vector<16xi32>,
        %get3A_2473 = arith.constant 880 : index
        %get3A_2474 = tpu.vector_load %arg8[%get3A_2473] {strides = array<i32>} : memref<1024xi32, #tpu.memory_space<vmem>>, vector<16xi32>,
        %add3A_2475 = vector.broadcast %mul3A_2142 : i32 to vector<16xi32>
        %add3A_2476 = arith.addi %get3A_2474, %add3A_2475 : vector<16xi32>
        %swap3A_2477 = arith.constant 880 : index
        %swap3A_2478 = tpu.vector_load %arg9[%swap3A_2477] {strides = array<i32>} : memref<1024xi32, #tpu.memory_space<vmem>>, vector<16xi32>,
        tpu.vector_store %arg9[%swap3A_2477], %add3A_2476 {strides = array<i32>} : memref<1024xi32, #tpu.memory_space<vmem>>, vector<16xi32>,
        %get3A_2479 = arith.constant 896 : index
        %get3A_2480 = tpu.vector_load %arg8[%get3A_2479] {strides = array<i32>} : memref<1024xi32, #tpu.memory_space<vmem>>, vector<16xi32>,
        %add3A_2481 = vector.broadcast %mul3A_2142 : i32 to vector<16xi32>
        %add3A_2482 = arith.addi %get3A_2480, %add3A_2481 : vector<16xi32>
        %swap3A_2483 = arith.constant 896 : index
        %swap3A_2484 = tpu.vector_load %arg9[%swap3A_2483] {strides = array<i32>} : memref<1024xi32, #tpu.memory_space<vmem>>, vector<16xi32>,
        tpu.vector_store %arg9[%swap3A_2483], %add3A_2482 {strides = array<i32>} : memref<1024xi32, #tpu.memory_space<vmem>>, vector<16xi32>,
        %get3A_2485 = arith.constant 912 : index
        %get3A_2486 = tpu.vector_load %arg8[%get3A_2485] {strides = array<i32>} : memref<1024xi32, #tpu.memory_space<vmem>>, vector<16xi32>,
        %add3A_2487 = vector.broadcast %mul3A_2142 : i32 to vector<16xi32>
        %add3A_2488 = arith.addi %get3A_2486, %add3A_2487 : vector<16xi32>
        %swap3A_2489 = arith.constant 912 : index
        %swap3A_2490 = tpu.vector_load %arg9[%swap3A_2489] {strides = array<i32>} : memref<1024xi32, #tpu.memory_space<vmem>>, vector<16xi32>,
        tpu.vector_store %arg9[%swap3A_2489], %add3A_2488 {strides = array<i32>} : memref<1024xi32, #tpu.memory_space<vmem>>, vector<16xi32>,
        %get3A_2491 = arith.constant 928 : index
        %get3A_2492 = tpu.vector_load %arg8[%get3A_2491] {strides = array<i32>} : memref<1024xi32, #tpu.memory_space<vmem>>, vector<16xi32>,
        %add3A_2493 = vector.broadcast %mul3A_2142 : i32 to vector<16xi32>
        %add3A_2494 = arith.addi %get3A_2492, %add3A_2493 : vector<16xi32>
        %swap3A_2495 = arith.constant 928 : index
        %swap3A_2496 = tpu.vector_load %arg9[%swap3A_2495] {strides = array<i32>} : memref<1024xi32, #tpu.memory_space<vmem>>, vector<16xi32>,
        tpu.vector_store %arg9[%swap3A_2495], %add3A_2494 {strides = array<i32>} : memref<1024xi32, #tpu.memory_space<vmem>>, vector<16xi32>,
        %get3A_2497 = arith.constant 944 : index
        %get3A_2498 = tpu.vector_load %arg8[%get3A_2497] {strides = array<i32>} : memref<1024xi32, #tpu.memory_space<vmem>>, vector<16xi32>,
        %add3A_2499 = vector.broadcast %mul3A_2142 : i32 to vector<16xi32>
        %add3A_2500 = arith.addi %get3A_2498, %add3A_2499 : vector<16xi32>
        %swap3A_2501 = arith.constant 944 : index
        %swap3A_2502 = tpu.vector_load %arg9[%swap3A_2501] {strides = array<i32>} : memref<1024xi32, #tpu.memory_space<vmem>>, vector<16xi32>,
        tpu.vector_store %arg9[%swap3A_2501], %add3A_2500 {strides = array<i32>} : memref<1024xi32, #tpu.memory_space<vmem>>, vector<16xi32>,
        %get3A_2503 = arith.constant 960 : index
        %get3A_2504 = tpu.vector_load %arg8[%get3A_2503] {strides = array<i32>} : memref<1024xi32, #tpu.memory_space<vmem>>, vector<16xi32>,
        %add3A_2505 = vector.broadcast %mul3A_2142 : i32 to vector<16xi32>
        %add3A_2506 = arith.addi %get3A_2504, %add3A_2505 : vector<16xi32>
        %swap3A_2507 = arith.constant 960 : index
        %swap3A_2508 = tpu.vector_load %arg9[%swap3A_2507] {strides = array<i32>} : memref<1024xi32, #tpu.memory_space<vmem>>, vector<16xi32>,
        tpu.vector_store %arg9[%swap3A_2507], %add3A_2506 {strides = array<i32>} : memref<1024xi32, #tpu.memory_space<vmem>>, vector<16xi32>,
        %get3A_2509 = arith.constant 976 : index
        %get3A_2510 = tpu.vector_load %arg8[%get3A_2509] {strides = array<i32>} : memref<1024xi32, #tpu.memory_space<vmem>>, vector<16xi32>,
        %add3A_2511 = vector.broadcast %mul3A_2142 : i32 to vector<16xi32>
        %add3A_2512 = arith.addi %get3A_2510, %add3A_2511 : vector<16xi32>
        %swap3A_2513 = arith.constant 976 : index
        %swap3A_2514 = tpu.vector_load %arg9[%swap3A_2513] {strides = array<i32>} : memref<1024xi32, #tpu.memory_space<vmem>>, vector<16xi32>,
        tpu.vector_store %arg9[%swap3A_2513], %add3A_2512 {strides = array<i32>} : memref<1024xi32, #tpu.memory_space<vmem>>, vector<16xi32>,
        %get3A_2515 = arith.constant 992 : index
        %get3A_2516 = tpu.vector_load %arg8[%get3A_2515] {strides = array<i32>} : memref<1024xi32, #tpu.memory_space<vmem>>, vector<16xi32>,
        %add3A_2517 = vector.broadcast %mul3A_2142 : i32 to vector<16xi32>
        %add3A_2518 = arith.addi %get3A_2516, %add3A_2517 : vector<16xi32>
        %swap3A_2519 = arith.constant 992 : index
        %swap3A_2520 = tpu.vector_load %arg9[%swap3A_2519] {strides = array<i32>} : memref<1024xi32, #tpu.memory_space<vmem>>, vector<16xi32>,
        tpu.vector_store %arg9[%swap3A_2519], %add3A_2518 {strides = array<i32>} : memref<1024xi32, #tpu.memory_space<vmem>>, vector<16xi32>,
        %get3A_2521 = arith.constant 1008 : index
        %get3A_2522 = tpu.vector_load %arg8[%get3A_2521] {strides = array<i32>} : memref<1024xi32, #tpu.memory_space<vmem>>, vector<16xi32>,
        %add3A_2523 = vector.broadcast %mul3A_2142 : i32 to vector<16xi32>
        %add3A_2524 = arith.addi %get3A_2522, %add3A_2523 : vector<16xi32>
        %swap3A_2525 = arith.constant 1008 : index
        %swap3A_2526 = tpu.vector_load %arg9[%swap3A_2525] {strides = array<i32>} : memref<1024xi32, #tpu.memory_space<vmem>>, vector<16xi32>,
        tpu.vector_store %arg9[%swap3A_2525], %add3A_2524 {strides = array<i32>} : memref<1024xi32, #tpu.memory_space<vmem>>, vector<16xi32>,
        %dma_start3A_2527 = arith.constant 0 : i32
        %dma_start3A_2528 = tpu.memref_slice %arg2[%dma_start3A_2527] : memref<113246208xf32, #tpu.memory_space<hbm>> -> memref<113246208xf32, #tpu.memory_space<hbm>>
        tpu.enqueue_indirect_dma source(%dma_start3A_2528 : memref<113246208xf32, #tpu.memory_space<hbm>>) target(%arg10 : memref<1024xf32, #tpu.memory_space<vmem>>) offsets(%arg9 : memref<1024xi32, #tpu.memory_space<vmem>>) semaphore(%arg16 : memref<!tpu.dma_semaphore, #tpu.memory_space<semaphore_mem>>)
      } else {
      }
      %add3A_1486 = arith.constant 1 : i32
      %add3A_1487 = arith.addi %mul3A_440, %add3A_1486 : i32
      %dma_wait3A_1488 = arith.constant 0 : i32
      %dma_wait3A_1489 = tpu.memref_slice %arg2[%dma_wait3A_1488] : memref<113246208xf32, #tpu.memory_space<hbm>> -> memref<113246208xf32, #tpu.memory_space<hbm>>
      tpu.wait_indirect_dma semaphore(%arg17 : memref<!tpu.dma_semaphore, #tpu.memory_space<semaphore_mem>>) src(%dma_wait3A_1489 : memref<113246208xf32, #tpu.memory_space<hbm>>) dst(%arg12 : memref<1024xf32, #tpu.memory_space<vmem>>)
      %broadcast_in_dim3A_1490 = arith.constant 0.000000e+00 : f32
      %broadcast_in_dim3A_1491 = vector.broadcast %broadcast_in_dim3A_1490 : f32 to vector<16xf32>
      %get3A_1492 = arith.constant 0 : index
      %get3A_1493 = tpu.vector_load %arg12[%get3A_1492] {strides = array<i32>} : memref<1024xf32, #tpu.memory_space<vmem>>, vector<16xf32>,
      %add3A_1494 = arith.constant 0 : i32
      %add3A_1495 = vector.broadcast %add3A_1494 : i32 to vector<16xi32>
      %add3A_1496 = arith.addi %iota3A, %add3A_1495 : vector<16xi32>
      %lt3A_1497 = arith.cmpi slt, %add3A_1496, %scan3A_40 : vector<16xi32>
      %jit3A_1498 = arith.constant 0.000000e+00 : f32
      %broadcast_in_dim3A_1499 = vector.broadcast %jit3A_1498 : f32 to vector<16xf32>
      %select_n3A_1500 = arith.select %lt3A_1497, %get3A_1493, %broadcast_in_dim3A_1499 : vector<16xi1>, vector<16xf32>
      %add3A_1501 = arith.addf %broadcast_in_dim3A_1491, %select_n3A_1500 : vector<16xf32>
      %get3A_1502 = arith.constant 16 : index
      %get3A_1503 = tpu.vector_load %arg12[%get3A_1502] {strides = array<i32>} : memref<1024xf32, #tpu.memory_space<vmem>>, vector<16xf32>,
      %add3A_1504 = arith.constant 16 : i32
      %add3A_1505 = vector.broadcast %add3A_1504 : i32 to vector<16xi32>
      %add3A_1506 = arith.addi %iota3A, %add3A_1505 : vector<16xi32>
      %lt3A_1507 = arith.cmpi slt, %add3A_1506, %scan3A_40 : vector<16xi32>
      %jit3A_1508 = arith.constant 0.000000e+00 : f32
      %broadcast_in_dim3A_1509 = vector.broadcast %jit3A_1508 : f32 to vector<16xf32>
      %select_n3A_1510 = arith.select %lt3A_1507, %get3A_1503, %broadcast_in_dim3A_1509 : vector<16xi1>, vector<16xf32>
      %add3A_1511 = arith.addf %add3A_1501, %select_n3A_1510 : vector<16xf32>
      %get3A_1512 = arith.constant 32 : index
      %get3A_1513 = tpu.vector_load %arg12[%get3A_1512] {strides = array<i32>} : memref<1024xf32, #tpu.memory_space<vmem>>, vector<16xf32>,
      %add3A_1514 = arith.constant 32 : i32
      %add3A_1515 = vector.broadcast %add3A_1514 : i32 to vector<16xi32>
      %add3A_1516 = arith.addi %iota3A, %add3A_1515 : vector<16xi32>
      %lt3A_1517 = arith.cmpi slt, %add3A_1516, %scan3A_40 : vector<16xi32>
      %jit3A_1518 = arith.constant 0.000000e+00 : f32
      %broadcast_in_dim3A_1519 = vector.broadcast %jit3A_1518 : f32 to vector<16xf32>
      %select_n3A_1520 = arith.select %lt3A_1517, %get3A_1513, %broadcast_in_dim3A_1519 : vector<16xi1>, vector<16xf32>
      %add3A_1521 = arith.addf %add3A_1511, %select_n3A_1520 : vector<16xf32>
      %get3A_1522 = arith.constant 48 : index
      %get3A_1523 = tpu.vector_load %arg12[%get3A_1522] {strides = array<i32>} : memref<1024xf32, #tpu.memory_space<vmem>>, vector<16xf32>,
      %add3A_1524 = arith.constant 48 : i32
      %add3A_1525 = vector.broadcast %add3A_1524 : i32 to vector<16xi32>
      %add3A_1526 = arith.addi %iota3A, %add3A_1525 : vector<16xi32>
      %lt3A_1527 = arith.cmpi slt, %add3A_1526, %scan3A_40 : vector<16xi32>
      %jit3A_1528 = arith.constant 0.000000e+00 : f32
      %broadcast_in_dim3A_1529 = vector.broadcast %jit3A_1528 : f32 to vector<16xf32>
      %select_n3A_1530 = arith.select %lt3A_1527, %get3A_1523, %broadcast_in_dim3A_1529 : vector<16xi1>, vector<16xf32>
      %add3A_1531 = arith.addf %add3A_1521, %select_n3A_1530 : vector<16xf32>
      %get3A_1532 = arith.constant 64 : index
      %get3A_1533 = tpu.vector_load %arg12[%get3A_1532] {strides = array<i32>} : memref<1024xf32, #tpu.memory_space<vmem>>, vector<16xf32>,
      %add3A_1534 = arith.constant 64 : i32
      %add3A_1535 = vector.broadcast %add3A_1534 : i32 to vector<16xi32>
      %add3A_1536 = arith.addi %iota3A, %add3A_1535 : vector<16xi32>
      %lt3A_1537 = arith.cmpi slt, %add3A_1536, %scan3A_40 : vector<16xi32>
      %jit3A_1538 = arith.constant 0.000000e+00 : f32
      %broadcast_in_dim3A_1539 = vector.broadcast %jit3A_1538 : f32 to vector<16xf32>
      %select_n3A_1540 = arith.select %lt3A_1537, %get3A_1533, %broadcast_in_dim3A_1539 : vector<16xi1>, vector<16xf32>
      %add3A_1541 = arith.addf %add3A_1531, %select_n3A_1540 : vector<16xf32>
      %get3A_1542 = arith.constant 80 : index
      %get3A_1543 = tpu.vector_load %arg12[%get3A_1542] {strides = array<i32>} : memref<1024xf32, #tpu.memory_space<vmem>>, vector<16xf32>,
      %add3A_1544 = arith.constant 80 : i32
      %add3A_1545 = vector.broadcast %add3A_1544 : i32 to vector<16xi32>
      %add3A_1546 = arith.addi %iota3A, %add3A_1545 : vector<16xi32>
      %lt3A_1547 = arith.cmpi slt, %add3A_1546, %scan3A_40 : vector<16xi32>
      %jit3A_1548 = arith.constant 0.000000e+00 : f32
      %broadcast_in_dim3A_1549 = vector.broadcast %jit3A_1548 : f32 to vector<16xf32>
      %select_n3A_1550 = arith.select %lt3A_1547, %get3A_1543, %broadcast_in_dim3A_1549 : vector<16xi1>, vector<16xf32>
      %add3A_1551 = arith.addf %add3A_1541, %select_n3A_1550 : vector<16xf32>
      %get3A_1552 = arith.constant 96 : index
      %get3A_1553 = tpu.vector_load %arg12[%get3A_1552] {strides = array<i32>} : memref<1024xf32, #tpu.memory_space<vmem>>, vector<16xf32>,
      %add3A_1554 = arith.constant 96 : i32
      %add3A_1555 = vector.broadcast %add3A_1554 : i32 to vector<16xi32>
      %add3A_1556 = arith.addi %iota3A, %add3A_1555 : vector<16xi32>
      %lt3A_1557 = arith.cmpi slt, %add3A_1556, %scan3A_40 : vector<16xi32>
      %jit3A_1558 = arith.constant 0.000000e+00 : f32
      %broadcast_in_dim3A_1559 = vector.broadcast %jit3A_1558 : f32 to vector<16xf32>
      %select_n3A_1560 = arith.select %lt3A_1557, %get3A_1553, %broadcast_in_dim3A_1559 : vector<16xi1>, vector<16xf32>
      %add3A_1561 = arith.addf %add3A_1551, %select_n3A_1560 : vector<16xf32>
      %get3A_1562 = arith.constant 112 : index
      %get3A_1563 = tpu.vector_load %arg12[%get3A_1562] {strides = array<i32>} : memref<1024xf32, #tpu.memory_space<vmem>>, vector<16xf32>,
      %add3A_1564 = arith.constant 112 : i32
      %add3A_1565 = vector.broadcast %add3A_1564 : i32 to vector<16xi32>
      %add3A_1566 = arith.addi %iota3A, %add3A_1565 : vector<16xi32>
      %lt3A_1567 = arith.cmpi slt, %add3A_1566, %scan3A_40 : vector<16xi32>
      %jit3A_1568 = arith.constant 0.000000e+00 : f32
      %broadcast_in_dim3A_1569 = vector.broadcast %jit3A_1568 : f32 to vector<16xf32>
      %select_n3A_1570 = arith.select %lt3A_1567, %get3A_1563, %broadcast_in_dim3A_1569 : vector<16xi1>, vector<16xf32>
      %add3A_1571 = arith.addf %add3A_1561, %select_n3A_1570 : vector<16xf32>
      %get3A_1572 = arith.constant 128 : index
      %get3A_1573 = tpu.vector_load %arg12[%get3A_1572] {strides = array<i32>} : memref<1024xf32, #tpu.memory_space<vmem>>, vector<16xf32>,
      %add3A_1574 = arith.constant 128 : i32
      %add3A_1575 = vector.broadcast %add3A_1574 : i32 to vector<16xi32>
      %add3A_1576 = arith.addi %iota3A, %add3A_1575 : vector<16xi32>
      %lt3A_1577 = arith.cmpi slt, %add3A_1576, %scan3A_40 : vector<16xi32>
      %jit3A_1578 = arith.constant 0.000000e+00 : f32
      %broadcast_in_dim3A_1579 = vector.broadcast %jit3A_1578 : f32 to vector<16xf32>
      %select_n3A_1580 = arith.select %lt3A_1577, %get3A_1573, %broadcast_in_dim3A_1579 : vector<16xi1>, vector<16xf32>
      %add3A_1581 = arith.addf %add3A_1571, %select_n3A_1580 : vector<16xf32>
      %get3A_1582 = arith.constant 144 : index
      %get3A_1583 = tpu.vector_load %arg12[%get3A_1582] {strides = array<i32>} : memref<1024xf32, #tpu.memory_space<vmem>>, vector<16xf32>,
      %add3A_1584 = arith.constant 144 : i32
      %add3A_1585 = vector.broadcast %add3A_1584 : i32 to vector<16xi32>
      %add3A_1586 = arith.addi %iota3A, %add3A_1585 : vector<16xi32>
      %lt3A_1587 = arith.cmpi slt, %add3A_1586, %scan3A_40 : vector<16xi32>
      %jit3A_1588 = arith.constant 0.000000e+00 : f32
      %broadcast_in_dim3A_1589 = vector.broadcast %jit3A_1588 : f32 to vector<16xf32>
      %select_n3A_1590 = arith.select %lt3A_1587, %get3A_1583, %broadcast_in_dim3A_1589 : vector<16xi1>, vector<16xf32>
      %add3A_1591 = arith.addf %add3A_1581, %select_n3A_1590 : vector<16xf32>
      %get3A_1592 = arith.constant 160 : index
      %get3A_1593 = tpu.vector_load %arg12[%get3A_1592] {strides = array<i32>} : memref<1024xf32, #tpu.memory_space<vmem>>, vector<16xf32>,
      %add3A_1594 = arith.constant 160 : i32
      %add3A_1595 = vector.broadcast %add3A_1594 : i32 to vector<16xi32>
      %add3A_1596 = arith.addi %iota3A, %add3A_1595 : vector<16xi32>
      %lt3A_1597 = arith.cmpi slt, %add3A_1596, %scan3A_40 : vector<16xi32>
      %jit3A_1598 = arith.constant 0.000000e+00 : f32
      %broadcast_in_dim3A_1599 = vector.broadcast %jit3A_1598 : f32 to vector<16xf32>
      %select_n3A_1600 = arith.select %lt3A_1597, %get3A_1593, %broadcast_in_dim3A_1599 : vector<16xi1>, vector<16xf32>
      %add3A_1601 = arith.addf %add3A_1591, %select_n3A_1600 : vector<16xf32>
      %get3A_1602 = arith.constant 176 : index
      %get3A_1603 = tpu.vector_load %arg12[%get3A_1602] {strides = array<i32>} : memref<1024xf32, #tpu.memory_space<vmem>>, vector<16xf32>,
      %add3A_1604 = arith.constant 176 : i32
      %add3A_1605 = vector.broadcast %add3A_1604 : i32 to vector<16xi32>
      %add3A_1606 = arith.addi %iota3A, %add3A_1605 : vector<16xi32>
      %lt3A_1607 = arith.cmpi slt, %add3A_1606, %scan3A_40 : vector<16xi32>
      %jit3A_1608 = arith.constant 0.000000e+00 : f32
      %broadcast_in_dim3A_1609 = vector.broadcast %jit3A_1608 : f32 to vector<16xf32>
      %select_n3A_1610 = arith.select %lt3A_1607, %get3A_1603, %broadcast_in_dim3A_1609 : vector<16xi1>, vector<16xf32>
      %add3A_1611 = arith.addf %add3A_1601, %select_n3A_1610 : vector<16xf32>
      %get3A_1612 = arith.constant 192 : index
      %get3A_1613 = tpu.vector_load %arg12[%get3A_1612] {strides = array<i32>} : memref<1024xf32, #tpu.memory_space<vmem>>, vector<16xf32>,
      %add3A_1614 = arith.constant 192 : i32
      %add3A_1615 = vector.broadcast %add3A_1614 : i32 to vector<16xi32>
      %add3A_1616 = arith.addi %iota3A, %add3A_1615 : vector<16xi32>
      %lt3A_1617 = arith.cmpi slt, %add3A_1616, %scan3A_40 : vector<16xi32>
      %jit3A_1618 = arith.constant 0.000000e+00 : f32
      %broadcast_in_dim3A_1619 = vector.broadcast %jit3A_1618 : f32 to vector<16xf32>
      %select_n3A_1620 = arith.select %lt3A_1617, %get3A_1613, %broadcast_in_dim3A_1619 : vector<16xi1>, vector<16xf32>
      %add3A_1621 = arith.addf %add3A_1611, %select_n3A_1620 : vector<16xf32>
      %get3A_1622 = arith.constant 208 : index
      %get3A_1623 = tpu.vector_load %arg12[%get3A_1622] {strides = array<i32>} : memref<1024xf32, #tpu.memory_space<vmem>>, vector<16xf32>,
      %add3A_1624 = arith.constant 208 : i32
      %add3A_1625 = vector.broadcast %add3A_1624 : i32 to vector<16xi32>
      %add3A_1626 = arith.addi %iota3A, %add3A_1625 : vector<16xi32>
      %lt3A_1627 = arith.cmpi slt, %add3A_1626, %scan3A_40 : vector<16xi32>
      %jit3A_1628 = arith.constant 0.000000e+00 : f32
      %broadcast_in_dim3A_1629 = vector.broadcast %jit3A_1628 : f32 to vector<16xf32>
      %select_n3A_1630 = arith.select %lt3A_1627, %get3A_1623, %broadcast_in_dim3A_1629 : vector<16xi1>, vector<16xf32>
      %add3A_1631 = arith.addf %add3A_1621, %select_n3A_1630 : vector<16xf32>
      %get3A_1632 = arith.constant 224 : index
      %get3A_1633 = tpu.vector_load %arg12[%get3A_1632] {strides = array<i32>} : memref<1024xf32, #tpu.memory_space<vmem>>, vector<16xf32>,
      %add3A_1634 = arith.constant 224 : i32
      %add3A_1635 = vector.broadcast %add3A_1634 : i32 to vector<16xi32>
      %add3A_1636 = arith.addi %iota3A, %add3A_1635 : vector<16xi32>
      %lt3A_1637 = arith.cmpi slt, %add3A_1636, %scan3A_40 : vector<16xi32>
      %jit3A_1638 = arith.constant 0.000000e+00 : f32
      %broadcast_in_dim3A_1639 = vector.broadcast %jit3A_1638 : f32 to vector<16xf32>
      %select_n3A_1640 = arith.select %lt3A_1637, %get3A_1633, %broadcast_in_dim3A_1639 : vector<16xi1>, vector<16xf32>
      %add3A_1641 = arith.addf %add3A_1631, %select_n3A_1640 : vector<16xf32>
      %get3A_1642 = arith.constant 240 : index
      %get3A_1643 = tpu.vector_load %arg12[%get3A_1642] {strides = array<i32>} : memref<1024xf32, #tpu.memory_space<vmem>>, vector<16xf32>,
      %add3A_1644 = arith.constant 240 : i32
      %add3A_1645 = vector.broadcast %add3A_1644 : i32 to vector<16xi32>
      %add3A_1646 = arith.addi %iota3A, %add3A_1645 : vector<16xi32>
      %lt3A_1647 = arith.cmpi slt, %add3A_1646, %scan3A_40 : vector<16xi32>
      %jit3A_1648 = arith.constant 0.000000e+00 : f32
      %broadcast_in_dim3A_1649 = vector.broadcast %jit3A_1648 : f32 to vector<16xf32>
      %select_n3A_1650 = arith.select %lt3A_1647, %get3A_1643, %broadcast_in_dim3A_1649 : vector<16xi1>, vector<16xf32>
      %add3A_1651 = arith.addf %add3A_1641, %select_n3A_1650 : vector<16xf32>
      %get3A_1652 = arith.constant 256 : index
      %get3A_1653 = tpu.vector_load %arg12[%get3A_1652] {strides = array<i32>} : memref<1024xf32, #tpu.memory_space<vmem>>, vector<16xf32>,
      %add3A_1654 = arith.constant 256 : i32
      %add3A_1655 = vector.broadcast %add3A_1654 : i32 to vector<16xi32>
      %add3A_1656 = arith.addi %iota3A, %add3A_1655 : vector<16xi32>
      %lt3A_1657 = arith.cmpi slt, %add3A_1656, %scan3A_40 : vector<16xi32>
      %jit3A_1658 = arith.constant 0.000000e+00 : f32
      %broadcast_in_dim3A_1659 = vector.broadcast %jit3A_1658 : f32 to vector<16xf32>
      %select_n3A_1660 = arith.select %lt3A_1657, %get3A_1653, %broadcast_in_dim3A_1659 : vector<16xi1>, vector<16xf32>
      %add3A_1661 = arith.addf %add3A_1651, %select_n3A_1660 : vector<16xf32>
      %get3A_1662 = arith.constant 272 : index
      %get3A_1663 = tpu.vector_load %arg12[%get3A_1662] {strides = array<i32>} : memref<1024xf32, #tpu.memory_space<vmem>>, vector<16xf32>,
      %add3A_1664 = arith.constant 272 : i32
      %add3A_1665 = vector.broadcast %add3A_1664 : i32 to vector<16xi32>
      %add3A_1666 = arith.addi %iota3A, %add3A_1665 : vector<16xi32>
      %lt3A_1667 = arith.cmpi slt, %add3A_1666, %scan3A_40 : vector<16xi32>
      %jit3A_1668 = arith.constant 0.000000e+00 : f32
      %broadcast_in_dim3A_1669 = vector.broadcast %jit3A_1668 : f32 to vector<16xf32>
      %select_n3A_1670 = arith.select %lt3A_1667, %get3A_1663, %broadcast_in_dim3A_1669 : vector<16xi1>, vector<16xf32>
      %add3A_1671 = arith.addf %add3A_1661, %select_n3A_1670 : vector<16xf32>
      %get3A_1672 = arith.constant 288 : index
      %get3A_1673 = tpu.vector_load %arg12[%get3A_1672] {strides = array<i32>} : memref<1024xf32, #tpu.memory_space<vmem>>, vector<16xf32>,
      %add3A_1674 = arith.constant 288 : i32
      %add3A_1675 = vector.broadcast %add3A_1674 : i32 to vector<16xi32>
      %add3A_1676 = arith.addi %iota3A, %add3A_1675 : vector<16xi32>
      %lt3A_1677 = arith.cmpi slt, %add3A_1676, %scan3A_40 : vector<16xi32>
      %jit3A_1678 = arith.constant 0.000000e+00 : f32
      %broadcast_in_dim3A_1679 = vector.broadcast %jit3A_1678 : f32 to vector<16xf32>
      %select_n3A_1680 = arith.select %lt3A_1677, %get3A_1673, %broadcast_in_dim3A_1679 : vector<16xi1>, vector<16xf32>
      %add3A_1681 = arith.addf %add3A_1671, %select_n3A_1680 : vector<16xf32>
      %get3A_1682 = arith.constant 304 : index
      %get3A_1683 = tpu.vector_load %arg12[%get3A_1682] {strides = array<i32>} : memref<1024xf32, #tpu.memory_space<vmem>>, vector<16xf32>,
      %add3A_1684 = arith.constant 304 : i32
      %add3A_1685 = vector.broadcast %add3A_1684 : i32 to vector<16xi32>
      %add3A_1686 = arith.addi %iota3A, %add3A_1685 : vector<16xi32>
      %lt3A_1687 = arith.cmpi slt, %add3A_1686, %scan3A_40 : vector<16xi32>
      %jit3A_1688 = arith.constant 0.000000e+00 : f32
      %broadcast_in_dim3A_1689 = vector.broadcast %jit3A_1688 : f32 to vector<16xf32>
      %select_n3A_1690 = arith.select %lt3A_1687, %get3A_1683, %broadcast_in_dim3A_1689 : vector<16xi1>, vector<16xf32>
      %add3A_1691 = arith.addf %add3A_1681, %select_n3A_1690 : vector<16xf32>
      %get3A_1692 = arith.constant 320 : index
      %get3A_1693 = tpu.vector_load %arg12[%get3A_1692] {strides = array<i32>} : memref<1024xf32, #tpu.memory_space<vmem>>, vector<16xf32>,
      %add3A_1694 = arith.constant 320 : i32
      %add3A_1695 = vector.broadcast %add3A_1694 : i32 to vector<16xi32>
      %add3A_1696 = arith.addi %iota3A, %add3A_1695 : vector<16xi32>
      %lt3A_1697 = arith.cmpi slt, %add3A_1696, %scan3A_40 : vector<16xi32>
      %jit3A_1698 = arith.constant 0.000000e+00 : f32
      %broadcast_in_dim3A_1699 = vector.broadcast %jit3A_1698 : f32 to vector<16xf32>
      %select_n3A_1700 = arith.select %lt3A_1697, %get3A_1693, %broadcast_in_dim3A_1699 : vector<16xi1>, vector<16xf32>
      %add3A_1701 = arith.addf %add3A_1691, %select_n3A_1700 : vector<16xf32>
      %get3A_1702 = arith.constant 336 : index
      %get3A_1703 = tpu.vector_load %arg12[%get3A_1702] {strides = array<i32>} : memref<1024xf32, #tpu.memory_space<vmem>>, vector<16xf32>,
      %add3A_1704 = arith.constant 336 : i32
      %add3A_1705 = vector.broadcast %add3A_1704 : i32 to vector<16xi32>
      %add3A_1706 = arith.addi %iota3A, %add3A_1705 : vector<16xi32>
      %lt3A_1707 = arith.cmpi slt, %add3A_1706, %scan3A_40 : vector<16xi32>
      %jit3A_1708 = arith.constant 0.000000e+00 : f32
      %broadcast_in_dim3A_1709 = vector.broadcast %jit3A_1708 : f32 to vector<16xf32>
      %select_n3A_1710 = arith.select %lt3A_1707, %get3A_1703, %broadcast_in_dim3A_1709 : vector<16xi1>, vector<16xf32>
      %add3A_1711 = arith.addf %add3A_1701, %select_n3A_1710 : vector<16xf32>
      %get3A_1712 = arith.constant 352 : index
      %get3A_1713 = tpu.vector_load %arg12[%get3A_1712] {strides = array<i32>} : memref<1024xf32, #tpu.memory_space<vmem>>, vector<16xf32>,
      %add3A_1714 = arith.constant 352 : i32
      %add3A_1715 = vector.broadcast %add3A_1714 : i32 to vector<16xi32>
      %add3A_1716 = arith.addi %iota3A, %add3A_1715 : vector<16xi32>
      %lt3A_1717 = arith.cmpi slt, %add3A_1716, %scan3A_40 : vector<16xi32>
      %jit3A_1718 = arith.constant 0.000000e+00 : f32
      %broadcast_in_dim3A_1719 = vector.broadcast %jit3A_1718 : f32 to vector<16xf32>
      %select_n3A_1720 = arith.select %lt3A_1717, %get3A_1713, %broadcast_in_dim3A_1719 : vector<16xi1>, vector<16xf32>
      %add3A_1721 = arith.addf %add3A_1711, %select_n3A_1720 : vector<16xf32>
      %get3A_1722 = arith.constant 368 : index
      %get3A_1723 = tpu.vector_load %arg12[%get3A_1722] {strides = array<i32>} : memref<1024xf32, #tpu.memory_space<vmem>>, vector<16xf32>,
      %add3A_1724 = arith.constant 368 : i32
      %add3A_1725 = vector.broadcast %add3A_1724 : i32 to vector<16xi32>
      %add3A_1726 = arith.addi %iota3A, %add3A_1725 : vector<16xi32>
      %lt3A_1727 = arith.cmpi slt, %add3A_1726, %scan3A_40 : vector<16xi32>
      %jit3A_1728 = arith.constant 0.000000e+00 : f32
      %broadcast_in_dim3A_1729 = vector.broadcast %jit3A_1728 : f32 to vector<16xf32>
      %select_n3A_1730 = arith.select %lt3A_1727, %get3A_1723, %broadcast_in_dim3A_1729 : vector<16xi1>, vector<16xf32>
      %add3A_1731 = arith.addf %add3A_1721, %select_n3A_1730 : vector<16xf32>
      %get3A_1732 = arith.constant 384 : index
      %get3A_1733 = tpu.vector_load %arg12[%get3A_1732] {strides = array<i32>} : memref<1024xf32, #tpu.memory_space<vmem>>, vector<16xf32>,
      %add3A_1734 = arith.constant 384 : i32
      %add3A_1735 = vector.broadcast %add3A_1734 : i32 to vector<16xi32>
      %add3A_1736 = arith.addi %iota3A, %add3A_1735 : vector<16xi32>
      %lt3A_1737 = arith.cmpi slt, %add3A_1736, %scan3A_40 : vector<16xi32>
      %jit3A_1738 = arith.constant 0.000000e+00 : f32
      %broadcast_in_dim3A_1739 = vector.broadcast %jit3A_1738 : f32 to vector<16xf32>
      %select_n3A_1740 = arith.select %lt3A_1737, %get3A_1733, %broadcast_in_dim3A_1739 : vector<16xi1>, vector<16xf32>
      %add3A_1741 = arith.addf %add3A_1731, %select_n3A_1740 : vector<16xf32>
      %get3A_1742 = arith.constant 400 : index
      %get3A_1743 = tpu.vector_load %arg12[%get3A_1742] {strides = array<i32>} : memref<1024xf32, #tpu.memory_space<vmem>>, vector<16xf32>,
      %add3A_1744 = arith.constant 400 : i32
      %add3A_1745 = vector.broadcast %add3A_1744 : i32 to vector<16xi32>
      %add3A_1746 = arith.addi %iota3A, %add3A_1745 : vector<16xi32>
      %lt3A_1747 = arith.cmpi slt, %add3A_1746, %scan3A_40 : vector<16xi32>
      %jit3A_1748 = arith.constant 0.000000e+00 : f32
      %broadcast_in_dim3A_1749 = vector.broadcast %jit3A_1748 : f32 to vector<16xf32>
      %select_n3A_1750 = arith.select %lt3A_1747, %get3A_1743, %broadcast_in_dim3A_1749 : vector<16xi1>, vector<16xf32>
      %add3A_1751 = arith.addf %add3A_1741, %select_n3A_1750 : vector<16xf32>
      %get3A_1752 = arith.constant 416 : index
      %get3A_1753 = tpu.vector_load %arg12[%get3A_1752] {strides = array<i32>} : memref<1024xf32, #tpu.memory_space<vmem>>, vector<16xf32>,
      %add3A_1754 = arith.constant 416 : i32
      %add3A_1755 = vector.broadcast %add3A_1754 : i32 to vector<16xi32>
      %add3A_1756 = arith.addi %iota3A, %add3A_1755 : vector<16xi32>
      %lt3A_1757 = arith.cmpi slt, %add3A_1756, %scan3A_40 : vector<16xi32>
      %jit3A_1758 = arith.constant 0.000000e+00 : f32
      %broadcast_in_dim3A_1759 = vector.broadcast %jit3A_1758 : f32 to vector<16xf32>
      %select_n3A_1760 = arith.select %lt3A_1757, %get3A_1753, %broadcast_in_dim3A_1759 : vector<16xi1>, vector<16xf32>
      %add3A_1761 = arith.addf %add3A_1751, %select_n3A_1760 : vector<16xf32>
      %get3A_1762 = arith.constant 432 : index
      %get3A_1763 = tpu.vector_load %arg12[%get3A_1762] {strides = array<i32>} : memref<1024xf32, #tpu.memory_space<vmem>>, vector<16xf32>,
      %add3A_1764 = arith.constant 432 : i32
      %add3A_1765 = vector.broadcast %add3A_1764 : i32 to vector<16xi32>
      %add3A_1766 = arith.addi %iota3A, %add3A_1765 : vector<16xi32>
      %lt3A_1767 = arith.cmpi slt, %add3A_1766, %scan3A_40 : vector<16xi32>
      %jit3A_1768 = arith.constant 0.000000e+00 : f32
      %broadcast_in_dim3A_1769 = vector.broadcast %jit3A_1768 : f32 to vector<16xf32>
      %select_n3A_1770 = arith.select %lt3A_1767, %get3A_1763, %broadcast_in_dim3A_1769 : vector<16xi1>, vector<16xf32>
      %add3A_1771 = arith.addf %add3A_1761, %select_n3A_1770 : vector<16xf32>
      %get3A_1772 = arith.constant 448 : index
      %get3A_1773 = tpu.vector_load %arg12[%get3A_1772] {strides = array<i32>} : memref<1024xf32, #tpu.memory_space<vmem>>, vector<16xf32>,
      %add3A_1774 = arith.constant 448 : i32
      %add3A_1775 = vector.broadcast %add3A_1774 : i32 to vector<16xi32>
      %add3A_1776 = arith.addi %iota3A, %add3A_1775 : vector<16xi32>
      %lt3A_1777 = arith.cmpi slt, %add3A_1776, %scan3A_40 : vector<16xi32>
      %jit3A_1778 = arith.constant 0.000000e+00 : f32
      %broadcast_in_dim3A_1779 = vector.broadcast %jit3A_1778 : f32 to vector<16xf32>
      %select_n3A_1780 = arith.select %lt3A_1777, %get3A_1773, %broadcast_in_dim3A_1779 : vector<16xi1>, vector<16xf32>
      %add3A_1781 = arith.addf %add3A_1771, %select_n3A_1780 : vector<16xf32>
      %get3A_1782 = arith.constant 464 : index
      %get3A_1783 = tpu.vector_load %arg12[%get3A_1782] {strides = array<i32>} : memref<1024xf32, #tpu.memory_space<vmem>>, vector<16xf32>,
      %add3A_1784 = arith.constant 464 : i32
      %add3A_1785 = vector.broadcast %add3A_1784 : i32 to vector<16xi32>
      %add3A_1786 = arith.addi %iota3A, %add3A_1785 : vector<16xi32>
      %lt3A_1787 = arith.cmpi slt, %add3A_1786, %scan3A_40 : vector<16xi32>
      %jit3A_1788 = arith.constant 0.000000e+00 : f32
      %broadcast_in_dim3A_1789 = vector.broadcast %jit3A_1788 : f32 to vector<16xf32>
      %select_n3A_1790 = arith.select %lt3A_1787, %get3A_1783, %broadcast_in_dim3A_1789 : vector<16xi1>, vector<16xf32>
      %add3A_1791 = arith.addf %add3A_1781, %select_n3A_1790 : vector<16xf32>
      %get3A_1792 = arith.constant 480 : index
      %get3A_1793 = tpu.vector_load %arg12[%get3A_1792] {strides = array<i32>} : memref<1024xf32, #tpu.memory_space<vmem>>, vector<16xf32>,
      %add3A_1794 = arith.constant 480 : i32
      %add3A_1795 = vector.broadcast %add3A_1794 : i32 to vector<16xi32>
      %add3A_1796 = arith.addi %iota3A, %add3A_1795 : vector<16xi32>
      %lt3A_1797 = arith.cmpi slt, %add3A_1796, %scan3A_40 : vector<16xi32>
      %jit3A_1798 = arith.constant 0.000000e+00 : f32
      %broadcast_in_dim3A_1799 = vector.broadcast %jit3A_1798 : f32 to vector<16xf32>
      %select_n3A_1800 = arith.select %lt3A_1797, %get3A_1793, %broadcast_in_dim3A_1799 : vector<16xi1>, vector<16xf32>
      %add3A_1801 = arith.addf %add3A_1791, %select_n3A_1800 : vector<16xf32>
      %get3A_1802 = arith.constant 496 : index
      %get3A_1803 = tpu.vector_load %arg12[%get3A_1802] {strides = array<i32>} : memref<1024xf32, #tpu.memory_space<vmem>>, vector<16xf32>,
      %add3A_1804 = arith.constant 496 : i32
      %add3A_1805 = vector.broadcast %add3A_1804 : i32 to vector<16xi32>
      %add3A_1806 = arith.addi %iota3A, %add3A_1805 : vector<16xi32>
      %lt3A_1807 = arith.cmpi slt, %add3A_1806, %scan3A_40 : vector<16xi32>
      %jit3A_1808 = arith.constant 0.000000e+00 : f32
      %broadcast_in_dim3A_1809 = vector.broadcast %jit3A_1808 : f32 to vector<16xf32>
      %select_n3A_1810 = arith.select %lt3A_1807, %get3A_1803, %broadcast_in_dim3A_1809 : vector<16xi1>, vector<16xf32>
      %add3A_1811 = arith.addf %add3A_1801, %select_n3A_1810 : vector<16xf32>
      %get3A_1812 = arith.constant 512 : index
      %get3A_1813 = tpu.vector_load %arg12[%get3A_1812] {strides = array<i32>} : memref<1024xf32, #tpu.memory_space<vmem>>, vector<16xf32>,
      %add3A_1814 = arith.constant 512 : i32
      %add3A_1815 = vector.broadcast %add3A_1814 : i32 to vector<16xi32>
      %add3A_1816 = arith.addi %iota3A, %add3A_1815 : vector<16xi32>
      %lt3A_1817 = arith.cmpi slt, %add3A_1816, %scan3A_40 : vector<16xi32>
      %jit3A_1818 = arith.constant 0.000000e+00 : f32
      %broadcast_in_dim3A_1819 = vector.broadcast %jit3A_1818 : f32 to vector<16xf32>
      %select_n3A_1820 = arith.select %lt3A_1817, %get3A_1813, %broadcast_in_dim3A_1819 : vector<16xi1>, vector<16xf32>
      %add3A_1821 = arith.addf %add3A_1811, %select_n3A_1820 : vector<16xf32>
      %get3A_1822 = arith.constant 528 : index
      %get3A_1823 = tpu.vector_load %arg12[%get3A_1822] {strides = array<i32>} : memref<1024xf32, #tpu.memory_space<vmem>>, vector<16xf32>,
      %add3A_1824 = arith.constant 528 : i32
      %add3A_1825 = vector.broadcast %add3A_1824 : i32 to vector<16xi32>
      %add3A_1826 = arith.addi %iota3A, %add3A_1825 : vector<16xi32>
      %lt3A_1827 = arith.cmpi slt, %add3A_1826, %scan3A_40 : vector<16xi32>
      %jit3A_1828 = arith.constant 0.000000e+00 : f32
      %broadcast_in_dim3A_1829 = vector.broadcast %jit3A_1828 : f32 to vector<16xf32>
      %select_n3A_1830 = arith.select %lt3A_1827, %get3A_1823, %broadcast_in_dim3A_1829 : vector<16xi1>, vector<16xf32>
      %add3A_1831 = arith.addf %add3A_1821, %select_n3A_1830 : vector<16xf32>
      %get3A_1832 = arith.constant 544 : index
      %get3A_1833 = tpu.vector_load %arg12[%get3A_1832] {strides = array<i32>} : memref<1024xf32, #tpu.memory_space<vmem>>, vector<16xf32>,
      %add3A_1834 = arith.constant 544 : i32
      %add3A_1835 = vector.broadcast %add3A_1834 : i32 to vector<16xi32>
      %add3A_1836 = arith.addi %iota3A, %add3A_1835 : vector<16xi32>
      %lt3A_1837 = arith.cmpi slt, %add3A_1836, %scan3A_40 : vector<16xi32>
      %jit3A_1838 = arith.constant 0.000000e+00 : f32
      %broadcast_in_dim3A_1839 = vector.broadcast %jit3A_1838 : f32 to vector<16xf32>
      %select_n3A_1840 = arith.select %lt3A_1837, %get3A_1833, %broadcast_in_dim3A_1839 : vector<16xi1>, vector<16xf32>
      %add3A_1841 = arith.addf %add3A_1831, %select_n3A_1840 : vector<16xf32>
      %get3A_1842 = arith.constant 560 : index
      %get3A_1843 = tpu.vector_load %arg12[%get3A_1842] {strides = array<i32>} : memref<1024xf32, #tpu.memory_space<vmem>>, vector<16xf32>,
      %add3A_1844 = arith.constant 560 : i32
      %add3A_1845 = vector.broadcast %add3A_1844 : i32 to vector<16xi32>
      %add3A_1846 = arith.addi %iota3A, %add3A_1845 : vector<16xi32>
      %lt3A_1847 = arith.cmpi slt, %add3A_1846, %scan3A_40 : vector<16xi32>
      %jit3A_1848 = arith.constant 0.000000e+00 : f32
      %broadcast_in_dim3A_1849 = vector.broadcast %jit3A_1848 : f32 to vector<16xf32>
      %select_n3A_1850 = arith.select %lt3A_1847, %get3A_1843, %broadcast_in_dim3A_1849 : vector<16xi1>, vector<16xf32>
      %add3A_1851 = arith.addf %add3A_1841, %select_n3A_1850 : vector<16xf32>
      %get3A_1852 = arith.constant 576 : index
      %get3A_1853 = tpu.vector_load %arg12[%get3A_1852] {strides = array<i32>} : memref<1024xf32, #tpu.memory_space<vmem>>, vector<16xf32>,
      %add3A_1854 = arith.constant 576 : i32
      %add3A_1855 = vector.broadcast %add3A_1854 : i32 to vector<16xi32>
      %add3A_1856 = arith.addi %iota3A, %add3A_1855 : vector<16xi32>
      %lt3A_1857 = arith.cmpi slt, %add3A_1856, %scan3A_40 : vector<16xi32>
      %jit3A_1858 = arith.constant 0.000000e+00 : f32
      %broadcast_in_dim3A_1859 = vector.broadcast %jit3A_1858 : f32 to vector<16xf32>
      %select_n3A_1860 = arith.select %lt3A_1857, %get3A_1853, %broadcast_in_dim3A_1859 : vector<16xi1>, vector<16xf32>
      %add3A_1861 = arith.addf %add3A_1851, %select_n3A_1860 : vector<16xf32>
      %get3A_1862 = arith.constant 592 : index
      %get3A_1863 = tpu.vector_load %arg12[%get3A_1862] {strides = array<i32>} : memref<1024xf32, #tpu.memory_space<vmem>>, vector<16xf32>,
      %add3A_1864 = arith.constant 592 : i32
      %add3A_1865 = vector.broadcast %add3A_1864 : i32 to vector<16xi32>
      %add3A_1866 = arith.addi %iota3A, %add3A_1865 : vector<16xi32>
      %lt3A_1867 = arith.cmpi slt, %add3A_1866, %scan3A_40 : vector<16xi32>
      %jit3A_1868 = arith.constant 0.000000e+00 : f32
      %broadcast_in_dim3A_1869 = vector.broadcast %jit3A_1868 : f32 to vector<16xf32>
      %select_n3A_1870 = arith.select %lt3A_1867, %get3A_1863, %broadcast_in_dim3A_1869 : vector<16xi1>, vector<16xf32>
      %add3A_1871 = arith.addf %add3A_1861, %select_n3A_1870 : vector<16xf32>
      %get3A_1872 = arith.constant 608 : index
      %get3A_1873 = tpu.vector_load %arg12[%get3A_1872] {strides = array<i32>} : memref<1024xf32, #tpu.memory_space<vmem>>, vector<16xf32>,
      %add3A_1874 = arith.constant 608 : i32
      %add3A_1875 = vector.broadcast %add3A_1874 : i32 to vector<16xi32>
      %add3A_1876 = arith.addi %iota3A, %add3A_1875 : vector<16xi32>
      %lt3A_1877 = arith.cmpi slt, %add3A_1876, %scan3A_40 : vector<16xi32>
      %jit3A_1878 = arith.constant 0.000000e+00 : f32
      %broadcast_in_dim3A_1879 = vector.broadcast %jit3A_1878 : f32 to vector<16xf32>
      %select_n3A_1880 = arith.select %lt3A_1877, %get3A_1873, %broadcast_in_dim3A_1879 : vector<16xi1>, vector<16xf32>
      %add3A_1881 = arith.addf %add3A_1871, %select_n3A_1880 : vector<16xf32>
      %get3A_1882 = arith.constant 624 : index
      %get3A_1883 = tpu.vector_load %arg12[%get3A_1882] {strides = array<i32>} : memref<1024xf32, #tpu.memory_space<vmem>>, vector<16xf32>,
      %add3A_1884 = arith.constant 624 : i32
      %add3A_1885 = vector.broadcast %add3A_1884 : i32 to vector<16xi32>
      %add3A_1886 = arith.addi %iota3A, %add3A_1885 : vector<16xi32>
      %lt3A_1887 = arith.cmpi slt, %add3A_1886, %scan3A_40 : vector<16xi32>
      %jit3A_1888 = arith.constant 0.000000e+00 : f32
      %broadcast_in_dim3A_1889 = vector.broadcast %jit3A_1888 : f32 to vector<16xf32>
      %select_n3A_1890 = arith.select %lt3A_1887, %get3A_1883, %broadcast_in_dim3A_1889 : vector<16xi1>, vector<16xf32>
      %add3A_1891 = arith.addf %add3A_1881, %select_n3A_1890 : vector<16xf32>
      %get3A_1892 = arith.constant 640 : index
      %get3A_1893 = tpu.vector_load %arg12[%get3A_1892] {strides = array<i32>} : memref<1024xf32, #tpu.memory_space<vmem>>, vector<16xf32>,
      %add3A_1894 = arith.constant 640 : i32
      %add3A_1895 = vector.broadcast %add3A_1894 : i32 to vector<16xi32>
      %add3A_1896 = arith.addi %iota3A, %add3A_1895 : vector<16xi32>
      %lt3A_1897 = arith.cmpi slt, %add3A_1896, %scan3A_40 : vector<16xi32>
      %jit3A_1898 = arith.constant 0.000000e+00 : f32
      %broadcast_in_dim3A_1899 = vector.broadcast %jit3A_1898 : f32 to vector<16xf32>
      %select_n3A_1900 = arith.select %lt3A_1897, %get3A_1893, %broadcast_in_dim3A_1899 : vector<16xi1>, vector<16xf32>
      %add3A_1901 = arith.addf %add3A_1891, %select_n3A_1900 : vector<16xf32>
      %get3A_1902 = arith.constant 656 : index
      %get3A_1903 = tpu.vector_load %arg12[%get3A_1902] {strides = array<i32>} : memref<1024xf32, #tpu.memory_space<vmem>>, vector<16xf32>,
      %add3A_1904 = arith.constant 656 : i32
      %add3A_1905 = vector.broadcast %add3A_1904 : i32 to vector<16xi32>
      %add3A_1906 = arith.addi %iota3A, %add3A_1905 : vector<16xi32>
      %lt3A_1907 = arith.cmpi slt, %add3A_1906, %scan3A_40 : vector<16xi32>
      %jit3A_1908 = arith.constant 0.000000e+00 : f32
      %broadcast_in_dim3A_1909 = vector.broadcast %jit3A_1908 : f32 to vector<16xf32>
      %select_n3A_1910 = arith.select %lt3A_1907, %get3A_1903, %broadcast_in_dim3A_1909 : vector<16xi1>, vector<16xf32>
      %add3A_1911 = arith.addf %add3A_1901, %select_n3A_1910 : vector<16xf32>
      %get3A_1912 = arith.constant 672 : index
      %get3A_1913 = tpu.vector_load %arg12[%get3A_1912] {strides = array<i32>} : memref<1024xf32, #tpu.memory_space<vmem>>, vector<16xf32>,
      %add3A_1914 = arith.constant 672 : i32
      %add3A_1915 = vector.broadcast %add3A_1914 : i32 to vector<16xi32>
      %add3A_1916 = arith.addi %iota3A, %add3A_1915 : vector<16xi32>
      %lt3A_1917 = arith.cmpi slt, %add3A_1916, %scan3A_40 : vector<16xi32>
      %jit3A_1918 = arith.constant 0.000000e+00 : f32
      %broadcast_in_dim3A_1919 = vector.broadcast %jit3A_1918 : f32 to vector<16xf32>
      %select_n3A_1920 = arith.select %lt3A_1917, %get3A_1913, %broadcast_in_dim3A_1919 : vector<16xi1>, vector<16xf32>
      %add3A_1921 = arith.addf %add3A_1911, %select_n3A_1920 : vector<16xf32>
      %get3A_1922 = arith.constant 688 : index
      %get3A_1923 = tpu.vector_load %arg12[%get3A_1922] {strides = array<i32>} : memref<1024xf32, #tpu.memory_space<vmem>>, vector<16xf32>,
      %add3A_1924 = arith.constant 688 : i32
      %add3A_1925 = vector.broadcast %add3A_1924 : i32 to vector<16xi32>
      %add3A_1926 = arith.addi %iota3A, %add3A_1925 : vector<16xi32>
      %lt3A_1927 = arith.cmpi slt, %add3A_1926, %scan3A_40 : vector<16xi32>
      %jit3A_1928 = arith.constant 0.000000e+00 : f32
      %broadcast_in_dim3A_1929 = vector.broadcast %jit3A_1928 : f32 to vector<16xf32>
      %select_n3A_1930 = arith.select %lt3A_1927, %get3A_1923, %broadcast_in_dim3A_1929 : vector<16xi1>, vector<16xf32>
      %add3A_1931 = arith.addf %add3A_1921, %select_n3A_1930 : vector<16xf32>
      %get3A_1932 = arith.constant 704 : index
      %get3A_1933 = tpu.vector_load %arg12[%get3A_1932] {strides = array<i32>} : memref<1024xf32, #tpu.memory_space<vmem>>, vector<16xf32>,
      %add3A_1934 = arith.constant 704 : i32
      %add3A_1935 = vector.broadcast %add3A_1934 : i32 to vector<16xi32>
      %add3A_1936 = arith.addi %iota3A, %add3A_1935 : vector<16xi32>
      %lt3A_1937 = arith.cmpi slt, %add3A_1936, %scan3A_40 : vector<16xi32>
      %jit3A_1938 = arith.constant 0.000000e+00 : f32
      %broadcast_in_dim3A_1939 = vector.broadcast %jit3A_1938 : f32 to vector<16xf32>
      %select_n3A_1940 = arith.select %lt3A_1937, %get3A_1933, %broadcast_in_dim3A_1939 : vector<16xi1>, vector<16xf32>
      %add3A_1941 = arith.addf %add3A_1931, %select_n3A_1940 : vector<16xf32>
      %get3A_1942 = arith.constant 720 : index
      %get3A_1943 = tpu.vector_load %arg12[%get3A_1942] {strides = array<i32>} : memref<1024xf32, #tpu.memory_space<vmem>>, vector<16xf32>,
      %add3A_1944 = arith.constant 720 : i32
      %add3A_1945 = vector.broadcast %add3A_1944 : i32 to vector<16xi32>
      %add3A_1946 = arith.addi %iota3A, %add3A_1945 : vector<16xi32>
      %lt3A_1947 = arith.cmpi slt, %add3A_1946, %scan3A_40 : vector<16xi32>
      %jit3A_1948 = arith.constant 0.000000e+00 : f32
      %broadcast_in_dim3A_1949 = vector.broadcast %jit3A_1948 : f32 to vector<16xf32>
      %select_n3A_1950 = arith.select %lt3A_1947, %get3A_1943, %broadcast_in_dim3A_1949 : vector<16xi1>, vector<16xf32>
      %add3A_1951 = arith.addf %add3A_1941, %select_n3A_1950 : vector<16xf32>
      %get3A_1952 = arith.constant 736 : index
      %get3A_1953 = tpu.vector_load %arg12[%get3A_1952] {strides = array<i32>} : memref<1024xf32, #tpu.memory_space<vmem>>, vector<16xf32>,
      %add3A_1954 = arith.constant 736 : i32
      %add3A_1955 = vector.broadcast %add3A_1954 : i32 to vector<16xi32>
      %add3A_1956 = arith.addi %iota3A, %add3A_1955 : vector<16xi32>
      %lt3A_1957 = arith.cmpi slt, %add3A_1956, %scan3A_40 : vector<16xi32>
      %jit3A_1958 = arith.constant 0.000000e+00 : f32
      %broadcast_in_dim3A_1959 = vector.broadcast %jit3A_1958 : f32 to vector<16xf32>
      %select_n3A_1960 = arith.select %lt3A_1957, %get3A_1953, %broadcast_in_dim3A_1959 : vector<16xi1>, vector<16xf32>
      %add3A_1961 = arith.addf %add3A_1951, %select_n3A_1960 : vector<16xf32>
      %get3A_1962 = arith.constant 752 : index
      %get3A_1963 = tpu.vector_load %arg12[%get3A_1962] {strides = array<i32>} : memref<1024xf32, #tpu.memory_space<vmem>>, vector<16xf32>,
      %add3A_1964 = arith.constant 752 : i32
      %add3A_1965 = vector.broadcast %add3A_1964 : i32 to vector<16xi32>
      %add3A_1966 = arith.addi %iota3A, %add3A_1965 : vector<16xi32>
      %lt3A_1967 = arith.cmpi slt, %add3A_1966, %scan3A_40 : vector<16xi32>
      %jit3A_1968 = arith.constant 0.000000e+00 : f32
      %broadcast_in_dim3A_1969 = vector.broadcast %jit3A_1968 : f32 to vector<16xf32>
      %select_n3A_1970 = arith.select %lt3A_1967, %get3A_1963, %broadcast_in_dim3A_1969 : vector<16xi1>, vector<16xf32>
      %add3A_1971 = arith.addf %add3A_1961, %select_n3A_1970 : vector<16xf32>
      %get3A_1972 = arith.constant 768 : index
      %get3A_1973 = tpu.vector_load %arg12[%get3A_1972] {strides = array<i32>} : memref<1024xf32, #tpu.memory_space<vmem>>, vector<16xf32>,
      %add3A_1974 = arith.constant 768 : i32
      %add3A_1975 = vector.broadcast %add3A_1974 : i32 to vector<16xi32>
      %add3A_1976 = arith.addi %iota3A, %add3A_1975 : vector<16xi32>
      %lt3A_1977 = arith.cmpi slt, %add3A_1976, %scan3A_40 : vector<16xi32>
      %jit3A_1978 = arith.constant 0.000000e+00 : f32
      %broadcast_in_dim3A_1979 = vector.broadcast %jit3A_1978 : f32 to vector<16xf32>
      %select_n3A_1980 = arith.select %lt3A_1977, %get3A_1973, %broadcast_in_dim3A_1979 : vector<16xi1>, vector<16xf32>
      %add3A_1981 = arith.addf %add3A_1971, %select_n3A_1980 : vector<16xf32>
      %get3A_1982 = arith.constant 784 : index
      %get3A_1983 = tpu.vector_load %arg12[%get3A_1982] {strides = array<i32>} : memref<1024xf32, #tpu.memory_space<vmem>>, vector<16xf32>,
      %add3A_1984 = arith.constant 784 : i32
      %add3A_1985 = vector.broadcast %add3A_1984 : i32 to vector<16xi32>
      %add3A_1986 = arith.addi %iota3A, %add3A_1985 : vector<16xi32>
      %lt3A_1987 = arith.cmpi slt, %add3A_1986, %scan3A_40 : vector<16xi32>
      %jit3A_1988 = arith.constant 0.000000e+00 : f32
      %broadcast_in_dim3A_1989 = vector.broadcast %jit3A_1988 : f32 to vector<16xf32>
      %select_n3A_1990 = arith.select %lt3A_1987, %get3A_1983, %broadcast_in_dim3A_1989 : vector<16xi1>, vector<16xf32>
      %add3A_1991 = arith.addf %add3A_1981, %select_n3A_1990 : vector<16xf32>
      %get3A_1992 = arith.constant 800 : index
      %get3A_1993 = tpu.vector_load %arg12[%get3A_1992] {strides = array<i32>} : memref<1024xf32, #tpu.memory_space<vmem>>, vector<16xf32>,
      %add3A_1994 = arith.constant 800 : i32
      %add3A_1995 = vector.broadcast %add3A_1994 : i32 to vector<16xi32>
      %add3A_1996 = arith.addi %iota3A, %add3A_1995 : vector<16xi32>
      %lt3A_1997 = arith.cmpi slt, %add3A_1996, %scan3A_40 : vector<16xi32>
      %jit3A_1998 = arith.constant 0.000000e+00 : f32
      %broadcast_in_dim3A_1999 = vector.broadcast %jit3A_1998 : f32 to vector<16xf32>
      %select_n3A_2000 = arith.select %lt3A_1997, %get3A_1993, %broadcast_in_dim3A_1999 : vector<16xi1>, vector<16xf32>
      %add3A_2001 = arith.addf %add3A_1991, %select_n3A_2000 : vector<16xf32>
      %get3A_2002 = arith.constant 816 : index
      %get3A_2003 = tpu.vector_load %arg12[%get3A_2002] {strides = array<i32>} : memref<1024xf32, #tpu.memory_space<vmem>>, vector<16xf32>,
      %add3A_2004 = arith.constant 816 : i32
      %add3A_2005 = vector.broadcast %add3A_2004 : i32 to vector<16xi32>
      %add3A_2006 = arith.addi %iota3A, %add3A_2005 : vector<16xi32>
      %lt3A_2007 = arith.cmpi slt, %add3A_2006, %scan3A_40 : vector<16xi32>
      %jit3A_2008 = arith.constant 0.000000e+00 : f32
      %broadcast_in_dim3A_2009 = vector.broadcast %jit3A_2008 : f32 to vector<16xf32>
      %select_n3A_2010 = arith.select %lt3A_2007, %get3A_2003, %broadcast_in_dim3A_2009 : vector<16xi1>, vector<16xf32>
      %add3A_2011 = arith.addf %add3A_2001, %select_n3A_2010 : vector<16xf32>
      %get3A_2012 = arith.constant 832 : index
      %get3A_2013 = tpu.vector_load %arg12[%get3A_2012] {strides = array<i32>} : memref<1024xf32, #tpu.memory_space<vmem>>, vector<16xf32>,
      %add3A_2014 = arith.constant 832 : i32
      %add3A_2015 = vector.broadcast %add3A_2014 : i32 to vector<16xi32>
      %add3A_2016 = arith.addi %iota3A, %add3A_2015 : vector<16xi32>
      %lt3A_2017 = arith.cmpi slt, %add3A_2016, %scan3A_40 : vector<16xi32>
      %jit3A_2018 = arith.constant 0.000000e+00 : f32
      %broadcast_in_dim3A_2019 = vector.broadcast %jit3A_2018 : f32 to vector<16xf32>
      %select_n3A_2020 = arith.select %lt3A_2017, %get3A_2013, %broadcast_in_dim3A_2019 : vector<16xi1>, vector<16xf32>
      %add3A_2021 = arith.addf %add3A_2011, %select_n3A_2020 : vector<16xf32>
      %get3A_2022 = arith.constant 848 : index
      %get3A_2023 = tpu.vector_load %arg12[%get3A_2022] {strides = array<i32>} : memref<1024xf32, #tpu.memory_space<vmem>>, vector<16xf32>,
      %add3A_2024 = arith.constant 848 : i32
      %add3A_2025 = vector.broadcast %add3A_2024 : i32 to vector<16xi32>
      %add3A_2026 = arith.addi %iota3A, %add3A_2025 : vector<16xi32>
      %lt3A_2027 = arith.cmpi slt, %add3A_2026, %scan3A_40 : vector<16xi32>
      %jit3A_2028 = arith.constant 0.000000e+00 : f32
      %broadcast_in_dim3A_2029 = vector.broadcast %jit3A_2028 : f32 to vector<16xf32>
      %select_n3A_2030 = arith.select %lt3A_2027, %get3A_2023, %broadcast_in_dim3A_2029 : vector<16xi1>, vector<16xf32>
      %add3A_2031 = arith.addf %add3A_2021, %select_n3A_2030 : vector<16xf32>
      %get3A_2032 = arith.constant 864 : index
      %get3A_2033 = tpu.vector_load %arg12[%get3A_2032] {strides = array<i32>} : memref<1024xf32, #tpu.memory_space<vmem>>, vector<16xf32>,
      %add3A_2034 = arith.constant 864 : i32
      %add3A_2035 = vector.broadcast %add3A_2034 : i32 to vector<16xi32>
      %add3A_2036 = arith.addi %iota3A, %add3A_2035 : vector<16xi32>
      %lt3A_2037 = arith.cmpi slt, %add3A_2036, %scan3A_40 : vector<16xi32>
      %jit3A_2038 = arith.constant 0.000000e+00 : f32
      %broadcast_in_dim3A_2039 = vector.broadcast %jit3A_2038 : f32 to vector<16xf32>
      %select_n3A_2040 = arith.select %lt3A_2037, %get3A_2033, %broadcast_in_dim3A_2039 : vector<16xi1>, vector<16xf32>
      %add3A_2041 = arith.addf %add3A_2031, %select_n3A_2040 : vector<16xf32>
      %get3A_2042 = arith.constant 880 : index
      %get3A_2043 = tpu.vector_load %arg12[%get3A_2042] {strides = array<i32>} : memref<1024xf32, #tpu.memory_space<vmem>>, vector<16xf32>,
      %add3A_2044 = arith.constant 880 : i32
      %add3A_2045 = vector.broadcast %add3A_2044 : i32 to vector<16xi32>
      %add3A_2046 = arith.addi %iota3A, %add3A_2045 : vector<16xi32>
      %lt3A_2047 = arith.cmpi slt, %add3A_2046, %scan3A_40 : vector<16xi32>
      %jit3A_2048 = arith.constant 0.000000e+00 : f32
      %broadcast_in_dim3A_2049 = vector.broadcast %jit3A_2048 : f32 to vector<16xf32>
      %select_n3A_2050 = arith.select %lt3A_2047, %get3A_2043, %broadcast_in_dim3A_2049 : vector<16xi1>, vector<16xf32>
      %add3A_2051 = arith.addf %add3A_2041, %select_n3A_2050 : vector<16xf32>
      %get3A_2052 = arith.constant 896 : index
      %get3A_2053 = tpu.vector_load %arg12[%get3A_2052] {strides = array<i32>} : memref<1024xf32, #tpu.memory_space<vmem>>, vector<16xf32>,
      %add3A_2054 = arith.constant 896 : i32
      %add3A_2055 = vector.broadcast %add3A_2054 : i32 to vector<16xi32>
      %add3A_2056 = arith.addi %iota3A, %add3A_2055 : vector<16xi32>
      %lt3A_2057 = arith.cmpi slt, %add3A_2056, %scan3A_40 : vector<16xi32>
      %jit3A_2058 = arith.constant 0.000000e+00 : f32
      %broadcast_in_dim3A_2059 = vector.broadcast %jit3A_2058 : f32 to vector<16xf32>
      %select_n3A_2060 = arith.select %lt3A_2057, %get3A_2053, %broadcast_in_dim3A_2059 : vector<16xi1>, vector<16xf32>
      %add3A_2061 = arith.addf %add3A_2051, %select_n3A_2060 : vector<16xf32>
      %get3A_2062 = arith.constant 912 : index
      %get3A_2063 = tpu.vector_load %arg12[%get3A_2062] {strides = array<i32>} : memref<1024xf32, #tpu.memory_space<vmem>>, vector<16xf32>,
      %add3A_2064 = arith.constant 912 : i32
      %add3A_2065 = vector.broadcast %add3A_2064 : i32 to vector<16xi32>
      %add3A_2066 = arith.addi %iota3A, %add3A_2065 : vector<16xi32>
      %lt3A_2067 = arith.cmpi slt, %add3A_2066, %scan3A_40 : vector<16xi32>
      %jit3A_2068 = arith.constant 0.000000e+00 : f32
      %broadcast_in_dim3A_2069 = vector.broadcast %jit3A_2068 : f32 to vector<16xf32>
      %select_n3A_2070 = arith.select %lt3A_2067, %get3A_2063, %broadcast_in_dim3A_2069 : vector<16xi1>, vector<16xf32>
      %add3A_2071 = arith.addf %add3A_2061, %select_n3A_2070 : vector<16xf32>
      %get3A_2072 = arith.constant 928 : index
      %get3A_2073 = tpu.vector_load %arg12[%get3A_2072] {strides = array<i32>} : memref<1024xf32, #tpu.memory_space<vmem>>, vector<16xf32>,
      %add3A_2074 = arith.constant 928 : i32
      %add3A_2075 = vector.broadcast %add3A_2074 : i32 to vector<16xi32>
      %add3A_2076 = arith.addi %iota3A, %add3A_2075 : vector<16xi32>
      %lt3A_2077 = arith.cmpi slt, %add3A_2076, %scan3A_40 : vector<16xi32>
      %jit3A_2078 = arith.constant 0.000000e+00 : f32
      %broadcast_in_dim3A_2079 = vector.broadcast %jit3A_2078 : f32 to vector<16xf32>
      %select_n3A_2080 = arith.select %lt3A_2077, %get3A_2073, %broadcast_in_dim3A_2079 : vector<16xi1>, vector<16xf32>
      %add3A_2081 = arith.addf %add3A_2071, %select_n3A_2080 : vector<16xf32>
      %get3A_2082 = arith.constant 944 : index
      %get3A_2083 = tpu.vector_load %arg12[%get3A_2082] {strides = array<i32>} : memref<1024xf32, #tpu.memory_space<vmem>>, vector<16xf32>,
      %add3A_2084 = arith.constant 944 : i32
      %add3A_2085 = vector.broadcast %add3A_2084 : i32 to vector<16xi32>
      %add3A_2086 = arith.addi %iota3A, %add3A_2085 : vector<16xi32>
      %lt3A_2087 = arith.cmpi slt, %add3A_2086, %scan3A_40 : vector<16xi32>
      %jit3A_2088 = arith.constant 0.000000e+00 : f32
      %broadcast_in_dim3A_2089 = vector.broadcast %jit3A_2088 : f32 to vector<16xf32>
      %select_n3A_2090 = arith.select %lt3A_2087, %get3A_2083, %broadcast_in_dim3A_2089 : vector<16xi1>, vector<16xf32>
      %add3A_2091 = arith.addf %add3A_2081, %select_n3A_2090 : vector<16xf32>
      %get3A_2092 = arith.constant 960 : index
      %get3A_2093 = tpu.vector_load %arg12[%get3A_2092] {strides = array<i32>} : memref<1024xf32, #tpu.memory_space<vmem>>, vector<16xf32>,
      %add3A_2094 = arith.constant 960 : i32
      %add3A_2095 = vector.broadcast %add3A_2094 : i32 to vector<16xi32>
      %add3A_2096 = arith.addi %iota3A, %add3A_2095 : vector<16xi32>
      %lt3A_2097 = arith.cmpi slt, %add3A_2096, %scan3A_40 : vector<16xi32>
      %jit3A_2098 = arith.constant 0.000000e+00 : f32
      %broadcast_in_dim3A_2099 = vector.broadcast %jit3A_2098 : f32 to vector<16xf32>
      %select_n3A_2100 = arith.select %lt3A_2097, %get3A_2093, %broadcast_in_dim3A_2099 : vector<16xi1>, vector<16xf32>
      %add3A_2101 = arith.addf %add3A_2091, %select_n3A_2100 : vector<16xf32>
      %get3A_2102 = arith.constant 976 : index
      %get3A_2103 = tpu.vector_load %arg12[%get3A_2102] {strides = array<i32>} : memref<1024xf32, #tpu.memory_space<vmem>>, vector<16xf32>,
      %add3A_2104 = arith.constant 976 : i32
      %add3A_2105 = vector.broadcast %add3A_2104 : i32 to vector<16xi32>
      %add3A_2106 = arith.addi %iota3A, %add3A_2105 : vector<16xi32>
      %lt3A_2107 = arith.cmpi slt, %add3A_2106, %scan3A_40 : vector<16xi32>
      %jit3A_2108 = arith.constant 0.000000e+00 : f32
      %broadcast_in_dim3A_2109 = vector.broadcast %jit3A_2108 : f32 to vector<16xf32>
      %select_n3A_2110 = arith.select %lt3A_2107, %get3A_2103, %broadcast_in_dim3A_2109 : vector<16xi1>, vector<16xf32>
      %add3A_2111 = arith.addf %add3A_2101, %select_n3A_2110 : vector<16xf32>
      %get3A_2112 = arith.constant 992 : index
      %get3A_2113 = tpu.vector_load %arg12[%get3A_2112] {strides = array<i32>} : memref<1024xf32, #tpu.memory_space<vmem>>, vector<16xf32>,
      %add3A_2114 = arith.constant 992 : i32
      %add3A_2115 = vector.broadcast %add3A_2114 : i32 to vector<16xi32>
      %add3A_2116 = arith.addi %iota3A, %add3A_2115 : vector<16xi32>
      %lt3A_2117 = arith.cmpi slt, %add3A_2116, %scan3A_40 : vector<16xi32>
      %jit3A_2118 = arith.constant 0.000000e+00 : f32
      %broadcast_in_dim3A_2119 = vector.broadcast %jit3A_2118 : f32 to vector<16xf32>
      %select_n3A_2120 = arith.select %lt3A_2117, %get3A_2113, %broadcast_in_dim3A_2119 : vector<16xi1>, vector<16xf32>
      %add3A_2121 = arith.addf %add3A_2111, %select_n3A_2120 : vector<16xf32>
      %get3A_2122 = arith.constant 1008 : index
      %get3A_2123 = tpu.vector_load %arg12[%get3A_2122] {strides = array<i32>} : memref<1024xf32, #tpu.memory_space<vmem>>, vector<16xf32>,
      %add3A_2124 = arith.constant 1008 : i32
      %add3A_2125 = vector.broadcast %add3A_2124 : i32 to vector<16xi32>
      %add3A_2126 = arith.addi %iota3A, %add3A_2125 : vector<16xi32>
      %lt3A_2127 = arith.cmpi slt, %add3A_2126, %scan3A_40 : vector<16xi32>
      %jit3A_2128 = arith.constant 0.000000e+00 : f32
      %broadcast_in_dim3A_2129 = vector.broadcast %jit3A_2128 : f32 to vector<16xf32>
      %select_n3A_2130 = arith.select %lt3A_2127, %get3A_2123, %broadcast_in_dim3A_2129 : vector<16xi1>, vector<16xf32>
      %add3A_2131 = arith.addf %add3A_2121, %select_n3A_2130 : vector<16xf32>
      %mul3A_2132 = arith.constant 16 : i32
      %mul3A_2133 = arith.muli %add3A_1487, %mul3A_2132 : i32
      %swap3A_2134 = arith.index_cast %mul3A_2133 : i32 to index
      %swap3A_2135 = tpu.vector_load %arg13[%swap3A_2134] {strides = array<i32>} : memref<1536xf32, #tpu.memory_space<vmem>>, vector<16xf32>,
      tpu.vector_store %arg13[%swap3A_2134], %add3A_2131 {strides = array<i32>} : memref<1536xf32, #tpu.memory_space<vmem>>, vector<16xf32>,
    }
    %scan3A_437 = arith.constant 48 : i32
    "tpu.region"() ({
      %run_scoped3A = tpu.sem_alloc : memref<!tpu.dma_semaphore, #tpu.memory_space<semaphore_mem>>
      %dma_start3A_438 = arith.constant 0 : i32
      %dma_start3A_439 = tpu.memref_slice %arg6[%select_n3A, %select_n3A_30, %dma_start3A_438] : memref<8x4x1536xf32, #tpu.memory_space<hbm>> -> memref<1x1x1536xf32, #tpu.memory_space<hbm>>
      %dma_start3A_440 = tpu.memref_squeeze %dma_start3A_439 : memref<1x1x1536xf32, #tpu.memory_space<hbm>> -> memref<1536xf32, #tpu.memory_space<hbm>>
      %dma_start3A_441 = arith.constant 0 : i32
      %dma_start3A_442 = tpu.memref_slice %arg6[%select_n3A, %select_n3A_30, %dma_start3A_441] : memref<8x4x1536xf32, #tpu.memory_space<hbm>> -> memref<1x1x1536xf32, #tpu.memory_space<hbm>>
      %dma_start3A_443 = tpu.memref_squeeze %dma_start3A_442 : memref<1x1x1536xf32, #tpu.memory_space<hbm>> -> memref<1536xf32, #tpu.memory_space<hbm>>
      tpu.enqueue_dma source(%arg13 : memref<1536xf32, #tpu.memory_space<vmem>>) target(%dma_start3A_443 : memref<1536xf32, #tpu.memory_space<hbm>>) target_semaphore(%run_scoped3A : memref<!tpu.dma_semaphore, #tpu.memory_space<semaphore_mem>>)
      %dma_wait3A = arith.constant 0 : i32
      %dma_wait3A_444 = tpu.memref_slice %arg6[%select_n3A, %select_n3A_30, %dma_wait3A] : memref<8x4x1536xf32, #tpu.memory_space<hbm>> -> memref<1x1x1536xf32, #tpu.memory_space<hbm>>
      %dma_wait3A_445 = tpu.memref_squeeze %dma_wait3A_444 : memref<1x1x1536xf32, #tpu.memory_space<hbm>> -> memref<1536xf32, #tpu.memory_space<hbm>>
      %dma_wait3A_446 = arith.constant 0 : i32
      %dma_wait3A_447 = tpu.memref_slice %arg6[%select_n3A, %select_n3A_30, %dma_wait3A_446] : memref<8x4x1536xf32, #tpu.memory_space<hbm>> -> memref<1x1x1536xf32, #tpu.memory_space<hbm>>
      %dma_wait3A_448 = tpu.memref_squeeze %dma_wait3A_447 : memref<1x1x1536xf32, #tpu.memory_space<hbm>> -> memref<1536xf32, #tpu.memory_space<hbm>>
      tpu.wait_dma2 semaphore(%run_scoped3A : memref<!tpu.dma_semaphore, #tpu.memory_space<semaphore_mem>>) src(%arg13 : memref<1536xf32, #tpu.memory_space<vmem>>) dst(%dma_wait3A_448 : memref<1536xf32, #tpu.memory_space<hbm>>)
      tpu.yield
    }) : () -> ()
    return
  }
}

module attributes {stable_mosaic.version = 14 : i64} {
  func.func @_score_body(%arg0: i32, %arg1: i32, %arg2: memref<1x96xf32, #tpu.memory_space<vmem>>, %arg3: memref<1x1xf32, #tpu.memory_space<smem>>, %arg4: memref<1x96x4096xf32, #tpu.memory_space<vmem>>, %arg5: memref<1x1x1x4096xi32, #tpu.memory_space<vmem>>) attributes {dimension_semantics = [#tpu.dimension_semantics<arbitrary>, #tpu.dimension_semantics<arbitrary>], iteration_bounds = array<i64: 8, 36>, scalar_prefetch = 0 : i64, scratch_operands = 0 : i64, tpu.core_type = #tpu.core_type<tc>, window_params = [{pipeline_mode = #tpu.pipeline_mode<synchronous>, transform_indices = @transform_0, window_bounds = array<i64: 1, 96>}, {transform_indices = @transform_1, window_bounds = array<i64: 1, 1>}, {transform_indices = @transform_2, window_bounds = array<i64: 1, 96, 4096>}, {transform_indices = @transform_3, window_bounds = array<i64: 1, 1, 1, 4096>}]} {
    %get3A = arith.constant 0 : index
    %get3A_0 = arith.constant 0 : index
    %get3A_1 = arith.constant 0 : index
    %get3A_2 = vector.load %arg4[%get3A, %get3A_0, %get3A_1] : memref<1x96x4096xf32, #tpu.memory_space<vmem>>, vector<1x96x4096xf32>
    %get3A_3 = vector.shape_cast %get3A_2 : vector<1x96x4096xf32> to vector<96x4096xf32>
    %get3A_4 = arith.constant 0 : index
    %get3A_5 = arith.constant 0 : index
    %get3A_6 = vector.load %arg2[%get3A_4, %get3A_5] : memref<1x96xf32, #tpu.memory_space<vmem>>, vector<1x96xf32>
    %dot_general3A = arith.constant dense<0.000000e+00> : vector<1x4096xf32>
    %dot_general3A_7 = tpu.matmul %get3A_6, %get3A_3, %dot_general3A {dimension_numbers = #tpu.dot_dimension_numbers<[1], [0], [0], [1], [0, 0, 1, 1], [], []>, transpose_lhs_hint = false} : vector<1x96xf32>, vector<96x4096xf32>, vector<1x4096xf32> -> vector<1x4096xf32>
    %get3A_8 = arith.constant 0 : index
    %get3A_9 = arith.constant 0 : index
    %get3A_10 = memref.load %arg3[%get3A_8, %get3A_9] : memref<1x1xf32, #tpu.memory_space<smem>>
    %add3A = vector.broadcast %get3A_10 : f32 to vector<1x4096xf32>
    %add3A_11 = arith.addf %dot_general3A_7, %add3A : vector<1x4096xf32>
    %bitcast_convert_type3A = tpu.bitcast %add3A_11 : vector<1x4096xf32> -> vector<1x4096xi32>
    %lt3A = arith.constant 0 : i32
    %lt3A_12 = vector.broadcast %lt3A : i32 to vector<1x4096xi32>
    %lt3A_13 = arith.cmpi slt, %bitcast_convert_type3A, %lt3A_12 : vector<1x4096xi32>
    %xor3A = arith.constant 2147483647 : i32
    %xor3A_14 = vector.broadcast %xor3A : i32 to vector<1x4096xi32>
    %xor3A_15 = arith.xori %bitcast_convert_type3A, %xor3A_14 : vector<1x4096xi32>
    %select_n3A = arith.select %lt3A_13, %xor3A_15, %bitcast_convert_type3A : vector<1x4096xi1>, vector<1x4096xi32>
    %broadcast_in_dim3A = vector.shape_cast %select_n3A : vector<1x4096xi32> to vector<1x1x1x4096xi32>
    %swap3A = arith.constant 0 : index
    %swap3A_16 = arith.constant 0 : index
    %swap3A_17 = arith.constant 0 : index
    %swap3A_18 = arith.constant 0 : index
    %swap3A_19 = vector.load %arg5[%swap3A, %swap3A_16, %swap3A_17, %swap3A_18] : memref<1x1x1x4096xi32, #tpu.memory_space<vmem>>, vector<1x1x1x4096xi32>
    tpu.vector_store %arg5[%swap3A, %swap3A_16, %swap3A_17, %swap3A_18], %broadcast_in_dim3A {strides = array<i32>} : memref<1x1x1x4096xi32, #tpu.memory_space<vmem>>, vector<1x1x1x4096xi32>,
    return
  }
  func.func @transform_0(%arg0: i32, %arg1: i32) -> (i32, i32) {
    %c0_i32 = arith.constant 0 : i32
    %c0_i32_0 = arith.constant 0 : i32
    %c0_i32_1 = arith.constant 0 : i32
    return %c0_i32, %c0_i32_0 : i32, i32
  }
  func.func @transform_1(%arg0: i32, %arg1: i32) -> (i32, i32) {
    %c0_i32 = arith.constant 0 : i32
    %c0_i32_0 = arith.constant 0 : i32
    %c0_i32_1 = arith.constant 0 : i32
    return %c0_i32, %c0_i32_0 : i32, i32
  }
  func.func @transform_2(%arg0: i32, %arg1: i32) -> (i32, i32, i32) {
    %c0_i32 = arith.constant 0 : i32
    %c0_i32_0 = arith.constant 0 : i32
    return %arg0, %c0_i32, %arg1 : i32, i32, i32
  }
  func.func @transform_3(%arg0: i32, %arg1: i32) -> (i32, i32, i32, i32) {
    %c0_i32 = arith.constant 0 : i32
    %c0_i32_0 = arith.constant 0 : i32
    %c0_i32_1 = arith.constant 0 : i32
    return %arg0, %arg1, %c0_i32, %c0_i32_0 : i32, i32, i32, i32
  }
}

module attributes {stable_mosaic.version = 14 : i64} {
  func.func @_select_body(%arg0: i32, %arg1: memref<8x147456xi32, #tpu.memory_space<vmem>>, %arg2: memref<8x128xi32, #tpu.memory_space<vmem>>, %arg3: memref<8x128xi32, #tpu.memory_space<vmem>>) attributes {dimension_semantics = [#tpu.dimension_semantics<arbitrary>], iteration_bounds = array<i64: 1>, scalar_prefetch = 0 : i64, scratch_operands = 0 : i64, tpu.core_type = #tpu.core_type<tc>, window_params = [{pipeline_mode = #tpu.pipeline_mode<synchronous>, transform_indices = @transform_0, window_bounds = array<i64: 8, 147456>}, {pipeline_mode = #tpu.pipeline_mode<synchronous>, transform_indices = @transform_1, window_bounds = array<i64: 8, 128>}, {pipeline_mode = #tpu.pipeline_mode<synchronous>, transform_indices = @transform_2, window_bounds = array<i64: 8, 128>}]} {
    %get3A = arith.constant 0 : index
    %get3A_0 = arith.constant 0 : index
    %get3A_1 = vector.load %arg1[%get3A, %get3A_0] : memref<8x147456xi32, #tpu.memory_space<vmem>>, vector<8x147456xi32>
    %broadcast_in_dim3A = arith.constant 0 : i32
    %broadcast_in_dim3A_2 = vector.broadcast %broadcast_in_dim3A : i32 to vector<8x1xi32>
    %ge3A = vector.broadcast %broadcast_in_dim3A_2 : vector<8x1xi32> to vector<8x147456xi32>
    %ge3A_3 = arith.cmpi sge, %get3A_1, %ge3A : vector<8x147456xi32>
    %convert_element_type3A = arith.extui %ge3A_3 : vector<8x147456xi1> to vector<8x147456xi32>
    %reduce_sum3A = arith.constant dense<0> : vector<8xi32>
    %reduce_sum3A_4 = vector.multi_reduction <add>, %convert_element_type3A, %reduce_sum3A [1] : vector<8x147456xi32> to vector<8xi32>
    %broadcast_in_dim3A_5 = vector.shape_cast %reduce_sum3A_4 : vector<8xi32> to vector<8x1xi32>
    %ge3A_6 = arith.constant 1024 : i32
    %ge3A_7 = vector.broadcast %ge3A_6 : i32 to vector<8x1xi32>
    %ge3A_8 = arith.cmpi sge, %broadcast_in_dim3A_5, %ge3A_7 : vector<8x1xi32>
    %jit3A = arith.constant 0 : i32
    %jit3A_9 = arith.constant -2147483648 : i32
    %broadcast_in_dim3A_10 = vector.broadcast %jit3A : i32 to vector<8x1xi32>
    %broadcast_in_dim3A_11 = vector.broadcast %jit3A_9 : i32 to vector<8x1xi32>
    %select_n3A = arith.select %ge3A_8, %broadcast_in_dim3A_10, %broadcast_in_dim3A_11 : vector<8x1xi1>, vector<8x1xi32>
    %scan3A = arith.constant 0 : i32
    %scan3A_12 = arith.constant 31 : i32
    %scan3A_13 = arith.addi %scan3A, %scan3A_12 : i32
    %scan3A_14 = arith.constant 1 : i32
    %scan3A_15 = scf.for %scan3A_50 = %scan3A to %scan3A_13 step %scan3A_14 iter_args(%scan3A_51 = %select_n3A) -> (vector<8x1xi32>)  : i32 {
      %sub3A_52 = arith.constant 30 : i32
      %sub3A_53 = arith.subi %sub3A_52, %scan3A_50 : i32
      %shift_left3A = arith.constant 1 : i32
      %shift_left3A_54 = arith.shli %shift_left3A, %sub3A_53 : i32
      %add3A_55 = vector.broadcast %shift_left3A_54 : i32 to vector<8x1xi32>
      %add3A_56 = arith.addi %scan3A_51, %add3A_55 : vector<8x1xi32>
      %ge3A_57 = vector.broadcast %add3A_56 : vector<8x1xi32> to vector<8x147456xi32>
      %ge3A_58 = arith.cmpi sge, %get3A_1, %ge3A_57 : vector<8x147456xi32>
      %convert_element_type3A_59 = arith.extui %ge3A_58 : vector<8x147456xi1> to vector<8x147456xi32>
      %reduce_sum3A_60 = arith.constant dense<0> : vector<8xi32>
      %reduce_sum3A_61 = vector.multi_reduction <add>, %convert_element_type3A_59, %reduce_sum3A_60 [1] : vector<8x147456xi32> to vector<8xi32>
      %broadcast_in_dim3A_62 = vector.shape_cast %reduce_sum3A_61 : vector<8xi32> to vector<8x1xi32>
      %ge3A_63 = arith.constant 1024 : i32
      %ge3A_64 = vector.broadcast %ge3A_63 : i32 to vector<8x1xi32>
      %ge3A_65 = arith.cmpi sge, %broadcast_in_dim3A_62, %ge3A_64 : vector<8x1xi32>
      %select_n3A_66 = arith.select %ge3A_65, %add3A_56, %scan3A_51 : vector<8x1xi1>, vector<8x1xi32>
      scf.yield %select_n3A_66 : vector<8x1xi32>
    }
    %scan3A_16 = arith.constant 31 : i32
    %gt3A = vector.broadcast %scan3A_15 : vector<8x1xi32> to vector<8x147456xi32>
    %gt3A_17 = arith.cmpi sgt, %get3A_1, %gt3A : vector<8x147456xi32>
    %convert_element_type3A_18 = arith.extui %gt3A_17 : vector<8x147456xi1> to vector<8x147456xi32>
    %reduce_sum3A_19 = arith.constant dense<0> : vector<8xi32>
    %reduce_sum3A_20 = vector.multi_reduction <add>, %convert_element_type3A_18, %reduce_sum3A_19 [1] : vector<8x147456xi32> to vector<8xi32>
    %broadcast_in_dim3A_21 = vector.shape_cast %reduce_sum3A_20 : vector<8xi32> to vector<8x1xi32>
    %sub3A = arith.constant 1024 : i32
    %sub3A_22 = vector.broadcast %sub3A : i32 to vector<8x1xi32>
    %sub3A_23 = arith.subi %sub3A_22, %broadcast_in_dim3A_21 : vector<8x1xi32>
    %eq3A = vector.broadcast %scan3A_15 : vector<8x1xi32> to vector<8x147456xi32>
    %eq3A_24 = arith.cmpi eq, %get3A_1, %eq3A : vector<8x147456xi32>
    %iota3A = tpu.iota {dimensions = array<i32: 1>} : vector<8x147456xi32>
    %broadcast_in_dim3A_25 = arith.constant 0 : i32
    %broadcast_in_dim3A_26 = vector.broadcast %broadcast_in_dim3A_25 : i32 to vector<8x1xi32>
    %scan3A_27 = arith.constant 0 : i32
    %scan3A_28 = arith.constant 18 : i32
    %scan3A_29 = arith.addi %scan3A_27, %scan3A_28 : i32
    %scan3A_30 = arith.constant 1 : i32
    %scan3A_31 = scf.for %scan3A_50 = %scan3A_27 to %scan3A_29 step %scan3A_30 iter_args(%scan3A_51 = %broadcast_in_dim3A_26) -> (vector<8x1xi32>)  : i32 {
      %sub3A_52 = arith.constant 17 : i32
      %sub3A_53 = arith.subi %sub3A_52, %scan3A_50 : i32
      %shift_left3A = arith.constant 1 : i32
      %shift_left3A_54 = arith.shli %shift_left3A, %sub3A_53 : i32
      %add3A_55 = vector.broadcast %shift_left3A_54 : i32 to vector<8x1xi32>
      %add3A_56 = arith.addi %scan3A_51, %add3A_55 : vector<8x1xi32>
      %lt3A = vector.broadcast %add3A_56 : vector<8x1xi32> to vector<8x147456xi32>
      %lt3A_57 = arith.cmpi slt, %iota3A, %lt3A : vector<8x147456xi32>
      %and3A = arith.andi %eq3A_24, %lt3A_57 : vector<8x147456xi1>
      %convert_element_type3A_58 = arith.extui %and3A : vector<8x147456xi1> to vector<8x147456xi32>
      %reduce_sum3A_59 = arith.constant dense<0> : vector<8xi32>
      %reduce_sum3A_60 = vector.multi_reduction <add>, %convert_element_type3A_58, %reduce_sum3A_59 [1] : vector<8x147456xi32> to vector<8xi32>
      %broadcast_in_dim3A_61 = vector.shape_cast %reduce_sum3A_60 : vector<8xi32> to vector<8x1xi32>
      %lt3A_62 = arith.cmpi slt, %broadcast_in_dim3A_61, %sub3A_23 : vector<8x1xi32>
      %select_n3A_63 = arith.select %lt3A_62, %add3A_56, %scan3A_51 : vector<8x1xi1>, vector<8x1xi32>
      scf.yield %select_n3A_63 : vector<8x1xi32>
    }
    %scan3A_32 = arith.constant 18 : i32
    %gt3A_33 = arith.constant 0 : i32
    %gt3A_34 = vector.broadcast %gt3A_33 : i32 to vector<8x1xi32>
    %gt3A_35 = arith.cmpi sgt, %sub3A_23, %gt3A_34 : vector<8x1xi32>
    %add3A = arith.constant 1 : i32
    %add3A_36 = vector.broadcast %add3A : i32 to vector<8x1xi32>
    %add3A_37 = arith.addi %scan3A_31, %add3A_36 : vector<8x1xi32>
    %jit3A_38 = arith.constant 0 : i32
    %broadcast_in_dim3A_39 = vector.broadcast %jit3A_38 : i32 to vector<8x1xi32>
    %select_n3A_40 = arith.select %gt3A_35, %add3A_37, %broadcast_in_dim3A_39 : vector<8x1xi1>, vector<8x1xi32>
    %broadcast_in_dim3A_41 = vector.shape_cast %scan3A_15 : vector<8x1xi32> to vector<8x1xi32>
    %broadcast_in_dim3A_42 = vector.broadcast %broadcast_in_dim3A_41 : vector<8x1xi32> to vector<8x128xi32>
    %swap3A = arith.constant 0 : index
    %swap3A_43 = arith.constant 0 : index
    %swap3A_44 = vector.load %arg2[%swap3A, %swap3A_43] : memref<8x128xi32, #tpu.memory_space<vmem>>, vector<8x128xi32>
    tpu.vector_store %arg2[%swap3A, %swap3A_43], %broadcast_in_dim3A_42 {strides = array<i32>} : memref<8x128xi32, #tpu.memory_space<vmem>>, vector<8x128xi32>,
    %broadcast_in_dim3A_45 = vector.shape_cast %select_n3A_40 : vector<8x1xi32> to vector<8x1xi32>
    %broadcast_in_dim3A_46 = vector.broadcast %broadcast_in_dim3A_45 : vector<8x1xi32> to vector<8x128xi32>
    %swap3A_47 = arith.constant 0 : index
    %swap3A_48 = arith.constant 0 : index
    %swap3A_49 = vector.load %arg3[%swap3A_47, %swap3A_48] : memref<8x128xi32, #tpu.memory_space<vmem>>, vector<8x128xi32>
    tpu.vector_store %arg3[%swap3A_47, %swap3A_48], %broadcast_in_dim3A_46 {strides = array<i32>} : memref<8x128xi32, #tpu.memory_space<vmem>>, vector<8x128xi32>,
    return
  }
  func.func @transform_0(%arg0: i32) -> (i32, i32) {
    %c0_i32 = arith.constant 0 : i32
    %c0_i32_0 = arith.constant 0 : i32
    %c0_i32_1 = arith.constant 0 : i32
    return %c0_i32, %c0_i32_0 : i32, i32
  }
  func.func @transform_1(%arg0: i32) -> (i32, i32) {
    %c0_i32 = arith.constant 0 : i32
    %c0_i32_0 = arith.constant 0 : i32
    %c0_i32_1 = arith.constant 0 : i32
    return %c0_i32, %c0_i32_0 : i32, i32
  }
  func.func @transform_2(%arg0: i32) -> (i32, i32) {
    %c0_i32 = arith.constant 0 : i32
    %c0_i32_0 = arith.constant 0 : i32
    %c0_i32_1 = arith.constant 0 : i32
    return %c0_i32, %c0_i32_0 : i32, i32
  }
}

module attributes {stable_mosaic.version = 14 : i64} {
  func.func @_finish_body(%arg0: i32, %arg1: memref<1x96xf32, #tpu.memory_space<vmem>>, %arg2: memref<1x1xf32, #tpu.memory_space<smem>>, %arg3: memref<8x4x96x16xf32, #tpu.memory_space<vmem>>, %arg4: memref<8x96xf32, #tpu.memory_space<vmem>>, %arg5: memref<8x128xf32, #tpu.memory_space<vmem>>) attributes {dimension_semantics = [#tpu.dimension_semantics<arbitrary>], iteration_bounds = array<i64: 1>, scalar_prefetch = 0 : i64, scratch_operands = 0 : i64, tpu.core_type = #tpu.core_type<tc>, window_params = [{pipeline_mode = #tpu.pipeline_mode<synchronous>, transform_indices = @transform_0, window_bounds = array<i64: 1, 96>}, {transform_indices = @transform_1, window_bounds = array<i64: 1, 1>}, {pipeline_mode = #tpu.pipeline_mode<synchronous>, transform_indices = @transform_2, window_bounds = array<i64: 8, 4, 96, 16>}, {pipeline_mode = #tpu.pipeline_mode<synchronous>, transform_indices = @transform_3, window_bounds = array<i64: 8, 96>}, {pipeline_mode = #tpu.pipeline_mode<synchronous>, transform_indices = @transform_4, window_bounds = array<i64: 8, 128>}]} {
    %get3A = arith.constant 0 : index
    %get3A_0 = arith.constant 0 : index
    %get3A_1 = arith.constant 0 : index
    %get3A_2 = arith.constant 0 : index
    %get3A_3 = vector.load %arg3[%get3A, %get3A_0, %get3A_1, %get3A_2] : memref<8x4x96x16xf32, #tpu.memory_space<vmem>>, vector<8x4x96x16xf32>
    %reduce_sum3A = arith.constant dense<0.000000e+00> : vector<8x4x96xf32>
    %reduce_sum3A_4 = vector.multi_reduction <add>, %get3A_3, %reduce_sum3A [3] : vector<8x4x96x16xf32> to vector<8x4x96xf32>
    %reduce_sum3A_5 = arith.constant dense<0.000000e+00> : vector<8x96xf32>
    %reduce_sum3A_6 = vector.multi_reduction <add>, %reduce_sum3A_4, %reduce_sum3A_5 [1] : vector<8x4x96xf32> to vector<8x96xf32>
    %mul3A = arith.constant 9.765625E-4 : f32
    %mul3A_7 = vector.broadcast %mul3A : f32 to vector<8x96xf32>
    %mul3A_8 = arith.mulf %reduce_sum3A_6, %mul3A_7 : vector<8x96xf32>
    %swap3A = arith.constant 0 : index
    %swap3A_9 = arith.constant 0 : index
    %swap3A_10 = vector.load %arg4[%swap3A, %swap3A_9] : memref<8x96xf32, #tpu.memory_space<vmem>>, vector<8x96xf32>
    tpu.vector_store %arg4[%swap3A, %swap3A_9], %mul3A_8 {strides = array<i32>} : memref<8x96xf32, #tpu.memory_space<vmem>>, vector<8x96xf32>,
    %get3A_11 = arith.constant 0 : index
    %get3A_12 = arith.constant 0 : index
    %get3A_13 = vector.load %arg1[%get3A_11, %get3A_12] : memref<1x96xf32, #tpu.memory_space<vmem>>, vector<1x96xf32>
    %mul3A_14 = vector.broadcast %get3A_13 : vector<1x96xf32> to vector<8x96xf32>
    %mul3A_15 = arith.mulf %mul3A_8, %mul3A_14 : vector<8x96xf32>
    %reduce_sum3A_16 = arith.constant dense<0.000000e+00> : vector<8xf32>
    %reduce_sum3A_17 = vector.multi_reduction <add>, %mul3A_15, %reduce_sum3A_16 [1] : vector<8x96xf32> to vector<8xf32>
    %broadcast_in_dim3A = vector.shape_cast %reduce_sum3A_17 : vector<8xf32> to vector<8x1xf32>
    %get3A_18 = arith.constant 0 : index
    %get3A_19 = arith.constant 0 : index
    %get3A_20 = memref.load %arg2[%get3A_18, %get3A_19] : memref<1x1xf32, #tpu.memory_space<smem>>
    %add3A = vector.broadcast %get3A_20 : f32 to vector<8x1xf32>
    %add3A_21 = arith.addf %broadcast_in_dim3A, %add3A : vector<8x1xf32>
    %broadcast_in_dim3A_22 = vector.shape_cast %add3A_21 : vector<8x1xf32> to vector<8x1xf32>
    %broadcast_in_dim3A_23 = vector.broadcast %broadcast_in_dim3A_22 : vector<8x1xf32> to vector<8x128xf32>
    %swap3A_24 = arith.constant 0 : index
    %swap3A_25 = arith.constant 0 : index
    %swap3A_26 = vector.load %arg5[%swap3A_24, %swap3A_25] : memref<8x128xf32, #tpu.memory_space<vmem>>, vector<8x128xf32>
    tpu.vector_store %arg5[%swap3A_24, %swap3A_25], %broadcast_in_dim3A_23 {strides = array<i32>} : memref<8x128xf32, #tpu.memory_space<vmem>>, vector<8x128xf32>,
    return
  }
  func.func @transform_0(%arg0: i32) -> (i32, i32) {
    %c0_i32 = arith.constant 0 : i32
    %c0_i32_0 = arith.constant 0 : i32
    %c0_i32_1 = arith.constant 0 : i32
    return %c0_i32, %c0_i32_0 : i32, i32
  }
  func.func @transform_1(%arg0: i32) -> (i32, i32) {
    %c0_i32 = arith.constant 0 : i32
    %c0_i32_0 = arith.constant 0 : i32
    %c0_i32_1 = arith.constant 0 : i32
    return %c0_i32, %c0_i32_0 : i32, i32
  }
  func.func @transform_2(%arg0: i32) -> (i32, i32, i32, i32) {
    %c0_i32 = arith.constant 0 : i32
    %c0_i32_0 = arith.constant 0 : i32
    %c0_i32_1 = arith.constant 0 : i32
    %c0_i32_2 = arith.constant 0 : i32
    %c0_i32_3 = arith.constant 0 : i32
    return %c0_i32, %c0_i32_0, %c0_i32_1, %c0_i32_2 : i32, i32, i32, i32
  }
  func.func @transform_3(%arg0: i32) -> (i32, i32) {
    %c0_i32 = arith.constant 0 : i32
    %c0_i32_0 = arith.constant 0 : i32
    %c0_i32_1 = arith.constant 0 : i32
    return %c0_i32, %c0_i32_0 : i32, i32
  }
  func.func @transform_4(%arg0: i32) -> (i32, i32) {
    %c0_i32 = arith.constant 0 : i32
    %c0_i32_0 = arith.constant 0 : i32
    %c0_i32_1 = arith.constant 0 : i32
    return %c0_i32, %c0_i32_0 : i32, i32
  }
}

</mosaic_0001>

<sc_bundles>
// kernel: kernel.6.cloned.1.call-start
scs
__scs_entry_jumppad:
0x0: {  	(pc) =	sbr.rel $0x88, $3  }
0x1: {  	(tag) =	ssettag $0x0;
	lr =	simm.s32 $0x1  }
0x2: {  	[smem:$0x3F9E] =	sst lr;
	_ =	strace $0xD0000000  }
0x3: {  	_ = 	snop  }
0x4: {  	_ = 	snop  }
0x5: {  	_ = 	snop  }
0x6: {  	_ = 	snop  }
0x7: {  	_ = 	snop  }
__scs_overlays_trampoline_lowered:
0x8: {  	[smem:$0x3FAD] =	sst s0  }
0x9: {  	[smem:$0x3FAE] =	sst s1  }
0xa: {  	[smem:$0x3FAF] =	sst s2  }
0xb: {  	[smem:$0x3FB0] =	sst s3  }
0xc: {  	[smem:$0x3FB1] =	sst s4  }
0xd: {  	[smem:$0x3FB2] =	sst s5  }
0xe: {  	[smem:$0x3FB3] =	sst s6  }
0xf: {  	[smem:$0x3FB4] =	sst s7  }
0x10: {  	[smem:$0x3FB5] =	sst s8  }
0x11: {  	[smem:$0x3FB6] =	sst s9;
	s0 =	simm.s32 @!p0 $0x0  }
0x12: {  	s1 =	sld [smem:$0x3F9C];
	s0 =	simm.s32 @p0 $0x1  }
0x13: {  	[smem:$0x3FB7] =	sst s0;
	s0 =	simm.s32 @!p1 $0x0  }
0x14: {  	s2 =	sld [smem:$0x3F9B];
	s0 =	simm.s32 @p1 $0x1  }
0x15: {  	[smem:$0x3FB8] =	sst s0;
	s0 =	simm.s32 @!p2 $0x0  }
0x16: {  	s3 =	sld [smem:$0x3FDB];
	s0 =	simm.s32 @p2 $0x1  }
0x17: {  	s4 =	simm.s32 $0x1BF5;
	[smem:$0x3FBA] =	sst s0  }
0x18: {  	s0 =	sld [smem:$0x3F9D];
	_ =	swait.ge [sflag:s4], $0x0  }
0x19: {  	s7 =	sld [smem:$0x3F9E]  }
0x1a: {  	s8 =	sadd.s32 $0xFFFFE003, lr  }
0x1b: {  	s9 =	sadd.s32 $0xFFFFFEF7, lr;
	s5 =	simm.s32 $0xFFFFFFFF;
	p2 =	slt.u32 s8, $0xFFFFF086  }
0x1c: {  	p1 =	slt.u32 s9, $0xF7A;
	s5 =	simm.s32 @!p2 $0x0  }
0x1d: {  	s5 =	simm.s32 @p1 $0x1;
	p0 =	seq.s32 s7, s2  }
0x1e: {  	s7 =	smul.u32 @!p0 $0xF7A, s2;
	p2 =	seq.s32 @!p0 s5, $0x0  }
0x1f: {  	s9 =	smul.u32 $0xF7A, s1;
	s8 =	simm.s32 @!p0 $0x1BF5;
	p2 =	por !p2, p0  }
0x20: {  	[sflag:s8] =	ssyncset.s32 @!p0 $0xFFFFF086;
	s6 =	sadd.s32 @!p0 s3, s7;
	s7 =	simm.s32 @!p0 $0x108  }
0x21: {  	s3 =	sadd.s32 s3, s9;
	s6 =	sadd.s32 @!p0 $0x88, s6;
	s7 =	simm.s32 @p2 $0x1082  }
0x22: {  	[simem:s7], [sflag:s8] =	dma.local @!p0 [hbm:s6], $0xF7A  }
0x23: {  	s9 =	sor.u32 $0xD0000000, s2;
	s6 =	simm.s32 $0x108;
	_ =	swait.ge @!p0 [sflag:s8], $0x0  }
0x24: {  	s3 =	sadd.s32 $0x88, s3;
	s6 =	simm.s32 @!p1 $0x1082;
	[sflag:s4] =	ssyncset.s32 $0xFFFFF086  }
0x25: {  	[simem:s6], [sflag:s4] =	dma.local [hbm:s3], $0xF7A  }
0x26: {  	[smem:$0x3F9E] =	sst s1;
	(tag) =	ssettag s2;
	_ =	strace s9  }
0x27: {  	s1 =	sld [smem:$0x3FAE]  }
0x28: {  	s2 =	sld [smem:$0x3FAF]  }
0x29: {  	s4 =	sld [smem:$0x3FB1]  }
0x2a: {  	p0 =	seq.s32 s5, $0x0;
	s5 =	sld [smem:$0x3FB2]  }
0x2b: {  	s6 =	sld [smem:$0x3FB3]  }
0x2c: {  	s7 =	sld [smem:$0x3FB4]  }
0x2d: {  	s3 =	simm.s32 $0x108;
	s8 =	sld [smem:$0x3FB5]  }
0x2e: {  	s3 =	simm.s32 @!p0 $0x1082;
	s9 =	sld [smem:$0x3FB6]  }
0x2f: {  	lr =	sadd.s32 s0, s3;
	s0 =	sld [smem:$0x3FAD]  }
0x30: {  	s3 =	sld [smem:$0x3FB0]  }
0x31: {  	[smem:$0x3FB9] =	sst s10  }
0x32: {  	s10 =	sld [smem:$0x3FB7];
	_ =	sdelay $0x3  }
0x33: {  	p0 =	seq.s32 s10, $0x1;
	s10 =	sld [smem:$0x3FB9];
	_ =	sdelay $0x3  }
0x34: {  	[smem:$0x3FB9] =	sst s10  }
0x35: {  	s10 =	sld [smem:$0x3FB8];
	_ =	sdelay $0x3  }
0x36: {  	p1 =	seq.s32 s10, $0x1;
	s10 =	sld [smem:$0x3FB9];
	_ =	sdelay $0x3  }
0x37: {  	[smem:$0x3FB9] =	sst s10  }
0x38: {  	s10 =	sld [smem:$0x3FBA]  }
0x39: {  	_ = 	snop;
	(pc) =	sbr.ind lr, $3  }
0x3a: {  	_ = 	snop  }
0x3b: {  	_ = 	snop  }
0x3c: {  	p2 =	seq.s32 s10, $0x1;
	s10 =	sld [smem:$0x3FB9]  }
0x3d: {  	_ =	shalt  }
0x3e: {  	_ =	shalt  }
0x3f: {  	_ =	shalt  }
0x40: {  	_ =	shalt  }
0x41: {  	_ =	shalt  }
0x42: {  	_ =	shalt  }
0x43: {  	_ =	shalt  }
0x44: {  	_ =	shalt  }
0x45: {  	_ =	shalt  }
0x46: {  	_ =	shalt  }
0x47: {  	_ =	shalt  }
0x48: {  	_ =	shalt  }
0x49: {  	_ =	shalt  }
0x4a: {  	_ =	shalt  }
0x4b: {  	_ =	shalt  }
0x4c: {  	_ =	shalt  }
0x4d: {  	_ =	shalt  }
0x4e: {  	_ =	shalt  }
0x4f: {  	_ =	shalt  }
0x50: {  	_ =	shalt  }
0x51: {  	_ =	shalt  }
0x52: {  	_ =	shalt  }
0x53: {  	_ =	shalt  }
0x54: {  	_ =	shalt  }
0x55: {  	_ =	shalt  }
0x56: {  	_ =	shalt  }
0x57: {  	_ =	shalt  }
0x58: {  	_ =	shalt  }
0x59: {  	_ =	shalt  }
0x5a: {  	_ =	shalt  }
0x5b: {  	_ =	shalt  }
0x5c: {  	_ =	shalt  }
0x5d: {  	_ =	shalt  }
0x5e: {  	_ =	shalt  }
0x5f: {  	_ =	shalt  }
0x60: {  	_ =	shalt  }
0x61: {  	_ =	shalt  }
0x62: {  	_ =	shalt  }
0x63: {  	_ =	shalt  }
0x64: {  	_ =	shalt  }
0x65: {  	_ =	shalt  }
0x66: {  	_ =	shalt  }
0x67: {  	_ =	shalt  }
0x68: {  	_ =	shalt  }
0x69: {  	_ =	shalt  }
0x6a: {  	_ =	shalt  }
0x6b: {  	_ =	shalt  }
0x6c: {  	_ =	shalt  }
0x6d: {  	_ =	shalt  }
0x6e: {  	_ =	shalt  }
0x6f: {  	_ =	shalt  }
0x70: {  	_ =	shalt  }
0x71: {  	_ =	shalt  }
0x72: {  	_ =	shalt  }
0x73: {  	_ =	shalt  }
0x74: {  	_ =	shalt  }
0x75: {  	_ =	shalt  }
0x76: {  	_ =	shalt  }
0x77: {  	_ =	shalt  }
0x78: {  	_ =	shalt  }
0x79: {  	_ =	shalt  }
0x7a: {  	_ =	shalt  }
0x7b: {  	_ =	shalt  }
0x7c: {  	_ =	shalt  }
0x7d: {  	_ =	shalt  }
0x7e: {  	_ =	shalt  }
0x7f: {  	_ =	shalt  }
0x80: {  	_ =	shalt  }
0x81: {  	_ =	shalt  }
0x82: {  	_ =	shalt  }
0x83: {  	_ =	shalt  }
0x84: {  	_ =	shalt  }
0x85: {  	_ =	shalt  }
0x86: {  	_ =	shalt  }
0x87: {  	_ =	shalt  }
.Lfunc_end0:
.L_simem_size_0:
called_computation_lowered:
.L_overlay_start_0:
0x88: {  	s2 =	sld [smem:$0x3FD9]  }
0x89: {  	s3 =	sld [smem:$0x3FFE];
	_ =	sdelay $0x1  }
0x8a: {  	s1 =	srdreg.scid  }
0x8b: {  	s0 =	sand.u32 $0x1, s1  }
0x8c: {  	s14 =	sshll.u32 s0, $0xA;
	s2 =	sadd.s32 s3, s2  }
0x8d: {  	s2 =	sadd.s32 s2, s14  }
0x8e: {  	[smem:$0x3FC5] =	sst s2  }
0x8f: {  	_ = 	snop  }
0x90: {  	s2 =	sld [smem:$0x3FD0];
	_ =	sdelay $0x2  }
0x91: {  	s15 =	simm.s32 $0xA;
	s4 =	simm.s32 $0x10  }
0x92: {  	[smem:s4], [sflag:s15] =	dma.local [hbm:s2], $0x1  }
0x93: {  	_ =	swait.eq [sflag:s15], $0x1  }
0x94: {  	[sflag:s15] =	ssyncset.done $0x0  }
0x95: {  	[sflag:s15] =	ssyncadd.s32 $0xFFFFFFFF  }
0x96: {  	s16 =	sld [smem:$0x10];
	(tm) =	ssettm $0x1  }
0x97: {  	s17 =	sld [smem:$0x3FFB];
	_ =	sdelay $0x3  }
0x98: {  	_ =	strace s17  }
0x99: {  	s3 =	sld [smem:$0x3FFC];
	_ =	sdelay $0x3  }
0x9a: {  	_ =	strace s3  }
0x9b: {  	s3 =	sld [smem:$0x3FFD];
	_ =	sdelay $0x3  }
0x9c: {  	_ =	strace s3  }
0x9d: {  	_ =	strace $0x8FFFFFFF  }
0x9e: {  	s18 =	sld [smem:$0x3FDB];
	_ =	sdelay $0x1  }
0x9f: {  	s19 =	simm.s32 $_scs_section_size  }
0xa0: {  	s5 =	simm.s32 $_size__tile_overlayer_lowered;
	s6 =	simm.s32 $_tile_overlayer_lowered  }
0xa1: {  	s22 =	simm.s32 $0x1BFF;
	s21 =	sshll.u32 s6, $0x1;
	s3 =	sadd.s32 s19, s18  }
0xa2: {  	s7 =	simm.s32 $0x0;
	s20 =	sshll.u32 s5, $0x1;
	s5 =	sadd.s32 s21, s3  }
0xa3: {  	[timem:s7], [sflag:s22] =	dma.local [hbm:s5], s20  }
0xa4: {  	_ =	swait.ge [sflag:s22], s20  }
0xa5: {  	s4 =	ssub.s32 $0x0, s20;
	[sflag:s22] =	ssyncset.done $0x0  }
0xa6: {  	[sflag:s22] =	ssyncadd.s32 s4;
	_ =	sdelay $0x1  }
0xa7: {  	s23 =	simm.s32 $0x1B8B  }
0xa8: {  	_ =	swait.ge [sflag:s23], $0x1  }
0xa9: {  	[sflag:s23] =	ssyncset.done $0x0  }
0xaa: {  	s25 =	simm.s32 $0x1B8E;
	s24 =	sld [smem:$0x3FFE];
	[sflag:s23] =	ssyncadd.s32 $0xFFFFFFFF  }
0xab: {  	s26 =	simm.s32 $execute0_lowered;
	[smem:$0x3FD2] =	sst s25  }
0xac: {  	s5 =	sshll.u32 s26, $0x1;
	_ =	strace $0x80000046;
	[dreg:$0x1] =	wrdreg $0xFFFFFFFF  }
0xad: {  	s28 =	simm.s32 $_size_execute0_lowered;
	s3 =	sadd.s32 s3, s5;
	[dreg:$0x0] =	wrdreg $0x0  }
0xae: {  	s5 =	sshll.u32 s28, $0x1;
	[dreg:$0x2] =	wrdreg s3  }
0xaf: {  	[dreg:$0x3] =	wrdreg s5  }
0xb0: {  	[dreg:$0x4] =	wrdreg $0xC0  }
0xb1: {  	_ =	task [dreg:s7], $0x5FFFF  }
0xb2: {  	[dreg:$0x1] =	wrdreg $0xFFFFFFFF  }
0xb3: {  	[dreg:$0x0] =	wrdreg $0x60  }
0xb4: {  	[dreg:$0x2] =	wrdreg s24  }
0xb5: {  	[dreg:$0x3] =	wrdreg s16  }
0xb6: {  	[dreg:$0x4] =	wrdreg $0x9  }
0xb7: {  	_ =	task.clear_ibuf [dreg:s7], $0x5FFFF;
	_ =	strace $0x90000046  }
0xb8: {  	s29 =	simm.s32 $0x9;
	_ =	strace $0x80000048  }
0xb9: {  	_ =	swait.ge [sflag:s29], $0x1  }
0xba: {  	[sflag:s29] =	ssyncadd.s32 $0xFFFFFFFF  }
0xbb: {  	_ =	strace $0x90000048  }
0xbc: {  	_ =	sfence  }
0xbd: {  	s30 =	sld [smem:$0x0];
	_ =	sdelay $0x2  }
0xbe: {  	s31 =	sshll.u32 s1, $0xD;
	s1 =	sshrl.u32 s1, $0x2  }
0xbf: {  	s3 =	sand.u32 $0x4000, s31;
	s1 =	sadd.s32 s1, s30  }
0xc0: {  	s0 =	sor.u32 s3, s0;
	s1 =	sshll.u32 s1, $0x11  }
0xc1: {  	s0 =	sor.u32 s1, s0  }
0xc2: {  	s0 =	sadd.s32 $0x8F2B, s0  }
0xc3: {  	[sflag:s0] =	ssyncadd.remote.s32 $0x1  }
0xc4: {  	_ =	sfence.sel $0xFFFF  }
0xc5: {  	[dreg:$0x0] =	wrdreg $0xFFFFFFFF;
	(pc) =	sbr.abs _section_cstart, $3  }
0xc6: {  	[dreg:$0x1] =	wrdreg $0xFFFFFFFF  }
0xc7: {  	_ =	task.clear_ibuf [dreg:s7], $0x2FFFF;
	_ =	strace $0x9FFFFFFF  }
0xc8: {  	(tm) =	ssettm $0x7FFFFFFF  }
0xc9: {  	_ =	shalt  }
tec
execute0_lowered:
.L_overlay_start_1:
0x0: {  	(tag) =	ssettag $0x1  }
0x1: {  	v1 =	vlaneseq.u32  }
0x2: {  	v3 =	vor.u32 $0x3F0, v1;
	v19 =	vor.u32 $0x2F0, v1;
	v20 =	vor.u32 $0x2E0, v1  }
0x3: {  	v21 =	vor.u32 $0x2D0, v1;
	v22 =	vor.u32 $0x2C0, v1;
	v23 =	vor.u32 $0x2B0, v1  }
0x4: {  	v24 =	vor.u32 $0x2A0, v1;
	v25 =	vor.u32 $0x290, v1;
	v26 =	vor.u32 $0x280, v1  }
0x5: {  	s0 =	stileid.u32;
	v27 =	vor.u32 $0x270, v1;
	v28 =	vor.u32 $0x260, v1;
	v29 =	vor.u32 $0x250, v1  }
0x6: {  	s6 =	rddreg [dreg:$0x0];
	s2 =	srdreg.scid;
	s16 =	simm.s32 $0x9000;
	v30 =	vor.u32 $0x240, v1;
	v31 =	vor.u32 $0x230, v1;
	v32 =	vor.u32 $0x220, v1  }
0x7: {  	s7 =	rddreg [dreg:$0x1];
	s17 =	simm.s32 $0x9400;
	s18 =	simm.s32 $0x9800;
	v33 =	vor.u32 $0x210, v1;
	v34 =	vor.u32 $0x200, v1;
	[tilespmem:$0x1FF00] =	vst v3;
	v3 =	vor.u32 $0x3E0, v1  }
0x8: {  	s19 =	simm.s32 $0x9C00;
	s20 =	simm.s32 $0xA000;
	s21 =	simm.s32 $0x1;
	v35 =	vor.u32 $0x1F0, v1;
	v36 =	vor.u32 $0x1E0, v1;
	[tilespmem:$0x1FF10] =	vst v3;
	v3 =	vor.u32 $0x3D0, v1  }
0x9: {  	s22 =	simm.s32 $0x2;
	s23 =	simm.s32 $0x200;
	s24 =	simm.s32 $0xA400;
	v37 =	vor.u32 $0x1D0, v1;
	v38 =	vor.u32 $0x1C0, v1;
	[tilespmem:$0x1FF20] =	vst v3;
	v3 =	vor.u32 $0x3C0, v1  }
0xa: {  	s25 =	simm.s32 $0x0;
	s5 =	sshrl.u32 s0, $0x1;
	s3 =	sshll.u32 s0, $0x1;
	v39 =	vor.u32 $0x1B0, v1;
	v40 =	vor.u32 $0x1A0, v1;
	[tilespmem:$0x1FF30] =	vst v3;
	v3 =	vor.u32 $0x3B0, v1  }
0xb: {  	s8 =	sand.u32 $0x1, s2;
	s13 =	sand.u32 $0x1, s0;
	v41 =	vor.u32 $0x190, v1;
	v42 =	vor.u32 $0x180, v1;
	s1 =	smul.u32 $0xD80000, s5;
	[tilespmem:$0x1FF40] =	vst v3;
	v3 =	vor.u32 $0x3A0, v1  }
0xc: {  	v43 =	vor.u32 $0x170, v1;
	v44 =	vor.u32 $0x160, v1;
	s11 =	sshll.u32 s5, $0x7;
	s29 =	sshll.u32 s5, $0x4;
	s5 =	smul.u32 $0x1800, s5;
	[tilespmem:$0x1FF50] =	vst v3;
	v3 =	vor.u32 $0x390, v1  }
0xd: {  	s2 =	rddreg [dreg:$0x2];
	v45 =	vor.u32 $0x150, v1;
	v46 =	vor.u32 $0x140, v1;
	s4 =	sand.u32 $0x2, s3;
	s13 =	smul.u32 $0x12000, s13;
	[tilespmem:$0x1FF60] =	vst v3;
	v3 =	vor.u32 $0x380, v1  }
0xe: {  	v47 =	vor.u32 $0x130, v1;
	v48 =	vor.u32 $0x120, v1;
	s3 =	simm.s32 $0x0;
	s30 =	ssub.s32 $0x2, s8;
	s31 =	smul.u32 $0x9000, s8;
	[tilespmem:$0x1FF70] =	vst v3;
	v3 =	vor.u32 $0x370, v1  }
0xf: {  	v49 =	vor.u32 $0x110, v1;
	s9 =	sor.u32 s8, s4;
	[smem:$0x7FF] =	sst s3;
	s4 =	sadd.s32 $0xD80E00, s6;
	[tilespmem:$0x1FF80] =	vst v3;
	v3 =	vor.u32 $0x360, v1  }
0x10: {  	v50 =	vor.u32 $0x100, v1;
	v51 =	vor.u32 $0xF0, v1;
	s14 =	sshrl.u32 s30, $0x1;
	s10 =	smul.u32 $0x48000, s9;
	s9 =	sshll.u32 s9, $0x7;
	[tilespmem:$0x1FF90] =	vst v3;
	v3 =	vor.u32 $0x350, v1  }
0x11: {  	v52 =	vor.u32 $0xE0, v1;
	v53 =	vor.u32 $0xD0, v1;
	s12 =	sadd.s32 s29, s6;
	s5 =	sor.u32 s5, s9;
	s9 =	ssub.s32 s30, s14;
	[tilespmem:$0x1FFA0] =	vst v3;
	v3 =	vor.u32 $0x340, v1  }
0x12: {  	v54 =	vor.u32 $0xC0, v1;
	v55 =	vor.u32 $0xB0, v1;
	s14 =	simm.s32 $0xAA00;
	s10 =	sor.u32 s11, s10;
	s5 =	sshrl.u32 s5, $0x3;
	[tilespmem:$0x1FFB0] =	vst v3;
	v3 =	vor.u32 $0x330, v1  }
.Ltmp0:
0x13: {  	v56 =	vor.u32 $0xA0, v1;
	v57 =	vor.u32 $0x90, v1;
	s9 =	smax.u32 s9, $0x1;
	s10 =	sshrl.u32 s10, $0x3;
	[tilespmem:$0x1FFC0] =	vst v3;
	v3 =	vor.u32 $0x320, v1;
	(pc) =	sbr.rel .LBB2_1-.Ltmp0, $4  }
0x14: {  	v58 =	vor.u32 $0x80, v1;
	v59 =	vor.u32 $0x70, v1;
	s11 =	simm.s32 $0x80;
	s15 =	sadd.s32 s5, s6;
	s10 =	sadd.s32 s10, s6;
	[tilespmem:$0x1FFD0] =	vst v3;
	v3 =	vor.u32 $0x310, v1  }
0x15: {  	v60 =	vor.u32 $0x60, v1;
	v61 =	vor.u32 $0x50, v1;
	s6 =	sadd.s32 s7, s29;
	s7 =	sadd.s32 $0x24E00, s12;
	s8 =	sadd.s32 $0x25000, s15;
	[tilespmem:$0x1FFE0] =	vst v3;
	v3 =	vor.u32 $0x300, v1  }
0x16: {  	v2 =	vimm.s32 $0x0;
	v62 =	vor.u32 $0x40, v1;
	v63 =	vor.u32 $0x30, v1;
	s12 =	simm.s32 $0x400;
	s15 =	simm.s32 $0xAA80;
	s5 =	sadd.s32 $0xE00, s10;
	[tilespmem:$0x1FFF0] =	vst v3  }
0x17: {  	v4 =	vor.u32 $0x10, v1;
	v0 =	vmov s1;
	s10 =	sadd.s32 s31, s13;
	s13 =	simm.s32 $0x3;
	v3 =	vor.u32 $0x20, v1;
	_ =	strace $0x80000047  }
.LBB2_7:
0x18: {  	s25 =	sadd.s32 $0x1, s25  }
0x19: {  	p0 =	sne.s32 s25, s9  }
.Ltmp1:
0x1a: {  	_ = 	snop;
	(pc) =	sbr.rel @!p0 .LBB2_8-.Ltmp1, $4  }
0x1b: {  	[hbm4b:s8+s11] =	stream.strided.scatter [tilespmem:s24], [sflag:$0x3], $0x600, s23, s11, $0x38;
	[tilespmem:$0xAB00] =	vst v63  }
0x1c: {  	_ =	swait.ge [sflag:s13], $0x600  }
0x1d: {  	[sflag:s13] =	ssyncset.done $0x0  }
0x1e: {  	[sflag:s13] =	ssyncadd.s32 $0xFFFFFA00  }
.LBB2_1:
0x1f: {  	[tilespmem:s3], [sflag:$0x3] =	stream.strided.gather [hbm4b:s5+s11], $0x9000, s12, s11, $0x38;
	[tilespmem:$0xAB00] =	vst v63  }
0x20: {  	_ =	swait.ge [sflag:s13], $0x9000  }
0x21: {  	[sflag:s13] =	ssyncset.done $0x0  }
0x22: {  	[sflag:s13] =	ssyncadd.s32 $0xFFFF7000  }
0x23: {  	[tilespmem:s14], [sflag:$0x3] =	stream.linear.gather [hbm4b:s6+s3], $0x10, $0x38;
	[tilespmem:$0xAB00] =	vst v63  }
0x24: {  	_ =	swait.ge [sflag:s13], $0x10  }
0x25: {  	[sflag:s13] =	ssyncset.done $0x0  }
0x26: {  	[sflag:s13] =	ssyncadd.s32 $0xFFFFFFF0  }
0x27: {  	[tilespmem:s15], [sflag:$0x3] =	stream.linear.gather [hbm4b:s7+s3], $0x10, $0x38;
	[tilespmem:$0xAB00] =	vst v63  }
0x28: {  	_ =	swait.ge [sflag:s13], $0x10  }
0x29: {  	[sflag:s13] =	ssyncset.done $0x0  }
0x2a: {  	[sflag:s13] =	ssyncadd.s32 $0xFFFFFFF0  }
0x2b: {  	v6 =	vld [tilespmem:$0xAA00]  }
0x2c: {  	s26 =	simm.s32 $0x0;
	v7 =	vld [tilespmem:$0xAA80]  }
0x2d: {  	v5 =	vld [tilespmem:s26+$0x0];
	_ =	sdelay $0x3  }
0x2e: {  	v9 =	vor.u32 s10, v1  }
0x2f: {  	vm0 =	veq.s32 v5, v6;
	vm1 =	vlt.s32 v9, v7  }
0x30: {  	vm2 =	vgt.s32 v5, v6;
	vm0 =	vmand vm1, vm0  }
0x31: {  	vm0 =	vmor vm2, vm0  }
0x32: {  	v5 =	vsel vm0, $0x1, v2  }
0x33: {  	(xrf0) =	vadd.scan.msk.s32 $0xffff, v5;
	_ =	sdelay $0x5  }
0x34: {  	v5, _, _ =	vpop (xrf0)  }
0x35: {  	v5 =	vadd.s32 v5, v2  }
0x36: {  	v5 =	vadd.s32 $0xFFFFFFFF, v5;
	_ =	sdelay $0x1  }
0x37: {  	v8 =	vmpcnt.ones.xlane vm0;
	_ =	sdelay $0x1  }
0x38: {  	v8 =	vadd.s32 v2, v8  }
0x39: {  	s29 =	simm.s32 $0x10;
	s28 =	simm.s32 $0x80;
	s26 =	smov.u32 s10;
	[tilespmem:v5+s16+$0x0] =	vst.idx.msk vm0, v9;
	v5 =	vmov v8  }
.LBB2_2:
0x3a: {  	p0 =	sne.s32 s28, $0x23FC0;
	v9 =	vld [tilespmem:s29+$0x0];
	_ =	sdelay $0x2  }
0x3b: {  	s26 =	sadd.s32 $0x10, s26  }
0x3c: {  	v10 =	vor.u32 s26, v1  }
0x3d: {  	vm1 =	vlt.s32 v10, v7;
	vm0 =	veq.s32 v9, v6  }
0x3e: {  	vm2 =	vgt.s32 v9, v6;
	vm0 =	vmand vm1, vm0  }
0x3f: {  	vm0 =	vmor vm2, vm0  }
0x40: {  	v9 =	vsel vm0, $0x1, v2;
	v11 =	vmpcnt.ones.xlane vm0  }
0x41: {  	(xrf0) =	vadd.scan.msk.s32 $0xffff, v9  }
0x42: {  	v8 =	vadd.s32 v8, v11;
	_ =	sdelay $0x4  }
0x43: {  	v9, _, _ =	vpop (xrf0)  }
0x44: {  	v9 =	vadd.s32 v9, v5;
	v5 =	vmov v8  }
0x45: {  	v9 =	vadd.s32 $0xFFFFFFFF, v9  }
.Ltmp2:
0x46: {  	(pc) =	sbr.rel @p0 .LBB2_2-.Ltmp2, $2  }
0x47: {  	_ =	sdelay $0x2  }
0x48: {  	s29 =	sshra.s32 s28, $0x2;
	s28 =	sadd.s32 $0x40, s28;
	[tilespmem:v9+s16+$0x0] =	vst.idx.msk vm0, v10  }
0x49: {  	v9 =	vld [tilespmem:s29+$0x0];
	_ =	sdelay $0x2  }
0x4a: {  	s26 =	sadd.s32 $0x10, s26  }
0x4b: {  	v10 =	vor.u32 s26, v1  }
0x4c: {  	vm1 =	vlt.s32 v10, v7;
	vm0 =	veq.s32 v9, v6  }
0x4d: {  	vm2 =	vgt.s32 v9, v6;
	vm0 =	vmand vm1, vm0  }
0x4e: {  	vm0 =	vmor vm2, vm0  }
0x4f: {  	v6 =	vsel vm0, $0x1, v2  }
0x50: {  	(xrf0) =	vadd.scan.msk.s32 $0xffff, v6;
	_ =	sdelay $0x5  }
0x51: {  	v6, _, _ =	vpop (xrf0)  }
0x52: {  	v5 =	vadd.s32 v6, v5  }
0x53: {  	v5 =	vadd.s32 $0xFFFFFFFF, v5;
	_ =	sdelay $0x4  }
0x54: {  	[tilespmem:v5+s16+$0x0] =	vst.idx.msk vm0, v10  }
0x55: {  	v5 =	vld [tilespmem:$0x9000]  }
0x56: {  	v6 =	vld [tilespmem:$0x9010]  }
0x57: {  	v7 =	vld [tilespmem:$0x9020]  }
0x58: {  	v9 =	vld [tilespmem:$0x9030]  }
0x59: {  	v10 =	vld [tilespmem:$0x9040]  }
0x5a: {  	v11 =	vld [tilespmem:$0x9050];
	v5 =	vadd.s32 v0, v5  }
0x5b: {  	v12 =	vld [tilespmem:$0x9060];
	[tilespmem:$0x9400] =	vst v5;
	v5 =	vadd.s32 v0, v6  }
0x5c: {  	v13 =	vld [tilespmem:$0x9070];
	[tilespmem:$0x9410] =	vst v5;
	v5 =	vadd.s32 v0, v7  }
0x5d: {  	v14 =	vld [tilespmem:$0x9080];
	[tilespmem:$0x9420] =	vst v5;
	v5 =	vadd.s32 v0, v9  }
0x5e: {  	v15 =	vld [tilespmem:$0x9090];
	[tilespmem:$0x9430] =	vst v5;
	v5 =	vadd.s32 v0, v10  }
0x5f: {  	v16 =	vld [tilespmem:$0x90A0];
	[tilespmem:$0x9440] =	vst v5;
	v5 =	vadd.s32 v0, v11  }
0x60: {  	v17 =	vld [tilespmem:$0x90B0];
	[tilespmem:$0x9450] =	vst v5;
	v5 =	vadd.s32 v0, v12  }
0x61: {  	v6 =	vld [tilespmem:$0x90C0];
	[tilespmem:$0x9460] =	vst v5;
	v5 =	vadd.s32 v0, v13  }
0x62: {  	v7 =	vld [tilespmem:$0x90D0];
	[tilespmem:$0x9470] =	vst v5;
	v5 =	vadd.s32 v0, v14  }
0x63: {  	v9 =	vld [tilespmem:$0x90E0];
	[tilespmem:$0x9480] =	vst v5;
	v5 =	vadd.s32 v0, v15  }
0x64: {  	v10 =	vld [tilespmem:$0x90F0];
	[tilespmem:$0x9490] =	vst v5;
	v5 =	vadd.s32 v0, v16  }
0x65: {  	v11 =	vld [tilespmem:$0x9100];
	[tilespmem:$0x94A0] =	vst v5;
	v5 =	vadd.s32 v0, v17  }
0x66: {  	v12 =	vld [tilespmem:$0x9110];
	[tilespmem:$0x94B0] =	vst v5;
	v5 =	vadd.s32 v0, v6  }
0x67: {  	v13 =	vld [tilespmem:$0x9120];
	[tilespmem:$0x94C0] =	vst v5;
	v5 =	vadd.s32 v0, v7  }
0x68: {  	v14 =	vld [tilespmem:$0x9130];
	[tilespmem:$0x94D0] =	vst v5;
	v5 =	vadd.s32 v0, v9  }
0x69: {  	v15 =	vld [tilespmem:$0x9140];
	[tilespmem:$0x94E0] =	vst v5;
	v5 =	vadd.s32 v0, v10  }
0x6a: {  	v16 =	vld [tilespmem:$0x9150];
	[tilespmem:$0x94F0] =	vst v5;
	v5 =	vadd.s32 v0, v11  }
0x6b: {  	v17 =	vld [tilespmem:$0x9160];
	[tilespmem:$0x9500] =	vst v5;
	v5 =	vadd.s32 v0, v12  }
0x6c: {  	v6 =	vld [tilespmem:$0x9170];
	[tilespmem:$0x9510] =	vst v5;
	v5 =	vadd.s32 v0, v13  }
0x6d: {  	v7 =	vld [tilespmem:$0x9180];
	[tilespmem:$0x9520] =	vst v5;
	v5 =	vadd.s32 v0, v14  }
0x6e: {  	v9 =	vld [tilespmem:$0x9190];
	[tilespmem:$0x9530] =	vst v5;
	v5 =	vadd.s32 v0, v15  }
0x6f: {  	v10 =	vld [tilespmem:$0x91A0];
	[tilespmem:$0x9540] =	vst v5;
	v5 =	vadd.s32 v0, v16  }
0x70: {  	v11 =	vld [tilespmem:$0x91B0];
	[tilespmem:$0x9550] =	vst v5;
	v5 =	vadd.s32 v0, v17  }
0x71: {  	v12 =	vld [tilespmem:$0x91C0];
	[tilespmem:$0x9560] =	vst v5;
	v5 =	vadd.s32 v0, v6  }
0x72: {  	v13 =	vld [tilespmem:$0x91D0];
	[tilespmem:$0x9570] =	vst v5;
	v5 =	vadd.s32 v0, v7  }
0x73: {  	v14 =	vld [tilespmem:$0x91E0];
	[tilespmem:$0x9580] =	vst v5;
	v5 =	vadd.s32 v0, v9  }
0x74: {  	v15 =	vld [tilespmem:$0x91F0];
	[tilespmem:$0x9590] =	vst v5;
	v5 =	vadd.s32 v0, v10  }
0x75: {  	v16 =	vld [tilespmem:$0x9200];
	[tilespmem:$0x95A0] =	vst v5;
	v5 =	vadd.s32 v0, v11  }
0x76: {  	v17 =	vld [tilespmem:$0x9210];
	[tilespmem:$0x95B0] =	vst v5;
	v5 =	vadd.s32 v0, v12  }
0x77: {  	v6 =	vld [tilespmem:$0x9220];
	[tilespmem:$0x95C0] =	vst v5;
	v5 =	vadd.s32 v0, v13  }
0x78: {  	v7 =	vld [tilespmem:$0x9230];
	[tilespmem:$0x95D0] =	vst v5;
	v5 =	vadd.s32 v0, v14  }
0x79: {  	v9 =	vld [tilespmem:$0x9240];
	[tilespmem:$0x95E0] =	vst v5;
	v5 =	vadd.s32 v0, v15  }
0x7a: {  	v10 =	vld [tilespmem:$0x9250];
	[tilespmem:$0x95F0] =	vst v5;
	v5 =	vadd.s32 v0, v16  }
0x7b: {  	v11 =	vld [tilespmem:$0x9260];
	[tilespmem:$0x9600] =	vst v5;
	v5 =	vadd.s32 v0, v17  }
0x7c: {  	v12 =	vld [tilespmem:$0x9270];
	[tilespmem:$0x9610] =	vst v5;
	v5 =	vadd.s32 v0, v6  }
0x7d: {  	v13 =	vld [tilespmem:$0x9280];
	[tilespmem:$0x9620] =	vst v5;
	v5 =	vadd.s32 v0, v7  }
0x7e: {  	v14 =	vld [tilespmem:$0x9290];
	[tilespmem:$0x9630] =	vst v5;
	v5 =	vadd.s32 v0, v9  }
0x7f: {  	v15 =	vld [tilespmem:$0x92A0];
	[tilespmem:$0x9640] =	vst v5;
	v5 =	vadd.s32 v0, v10  }
0x80: {  	v16 =	vld [tilespmem:$0x92B0];
	[tilespmem:$0x9650] =	vst v5;
	v5 =	vadd.s32 v0, v11  }
0x81: {  	v17 =	vld [tilespmem:$0x92C0];
	[tilespmem:$0x9660] =	vst v5;
	v5 =	vadd.s32 v0, v12  }
0x82: {  	v6 =	vld [tilespmem:$0x92D0];
	[tilespmem:$0x9670] =	vst v5;
	v5 =	vadd.s32 v0, v13  }
0x83: {  	v7 =	vld [tilespmem:$0x92E0];
	[tilespmem:$0x9680] =	vst v5;
	v5 =	vadd.s32 v0, v14  }
0x84: {  	v9 =	vld [tilespmem:$0x92F0];
	[tilespmem:$0x9690] =	vst v5;
	v5 =	vadd.s32 v0, v15  }
0x85: {  	v10 =	vld [tilespmem:$0x9300];
	[tilespmem:$0x96A0] =	vst v5;
	v5 =	vadd.s32 v0, v16  }
0x86: {  	v11 =	vld [tilespmem:$0x9310];
	[tilespmem:$0x96B0] =	vst v5;
	v5 =	vadd.s32 v0, v17  }
0x87: {  	v12 =	vld [tilespmem:$0x9320];
	[tilespmem:$0x96C0] =	vst v5;
	v5 =	vadd.s32 v0, v6  }
0x88: {  	[tilespmem:$0x96D0] =	vst v5;
	v5 =	vadd.s32 v0, v7  }
0x89: {  	[tilespmem:$0x96E0] =	vst v5;
	v5 =	vadd.s32 v0, v9  }
0x8a: {  	[tilespmem:$0x96F0] =	vst v5;
	v5 =	vadd.s32 v0, v10  }
0x8b: {  	v6 =	vld [tilespmem:$0x9380];
	[tilespmem:$0x9700] =	vst v5;
	v5 =	vadd.s32 v0, v11  }
0x8c: {  	[tilespmem:$0x9710] =	vst v5;
	v5 =	vadd.s32 v0, v12;
	v12 =	vld [tilespmem:$0x93D0];
	_ =	sdelay $0x2  }
0x8d: {  	v13 =	vld [tilespmem:$0x9330]  }
0x8e: {  	v14 =	vld [tilespmem:$0x9340];
	v6 =	vadd.s32 v0, v6  }
0x8f: {  	[tilespmem:$0x9780] =	vst v6;
	v6 =	vadd.s32 v0, v12  }
0x90: {  	[tilespmem:$0x97D0] =	vst v6;
	v6 =	vld [tilespmem:$0x1FFC0];
	_ =	sdelay $0x1  }
0x91: {  	v18 =	vmpcnt.ones.xlane vm0;
	[tilespmem:$0x9720] =	vst v5;
	v5 =	vadd.s32 v0, v13  }
0x92: {  	[tilespmem:$0x9730] =	vst v5;
	v5 =	vadd.s32 v0, v14  }
0x93: {  	v7 =	vld [tilespmem:$0x9390];
	[tilespmem:$0x9740] =	vst v5;
	v5 =	vadd.s32 v8, v18  }
0x94: {  	vm12 =	vgt.s32 v5, v6;
	v6 =	vld [tilespmem:$0x1FFD0];
	_ =	sdelay $0x4  }
0x95: {  	v7 =	vadd.s32 v0, v7;
	vm13 =	vgt.s32 v5, v6;
	v6 =	vld [tilespmem:$0x1FFE0]  }
0x96: {  	[tilespmem:$0x9790] =	vst v7;
	v7 =	vld [tilespmem:$0x1FF00];
	_ =	sdelay $0x3  }
0x97: {  	vm14 =	vgt.s32 v5, v6;
	v6 =	vimm.s32 $0x0  }
0x98: {  	vm0 =	vgt.s32 v5, v7;
	v7 =	vld [tilespmem:$0x1FF10];
	v6 =	vsel vm14, $0xFFFFFFFF, v6  }
0x99: {  	[tilespmem:$0x1FD20] =	vst v6;
	v6 =	vld [tilespmem:$0x1FFF0];
	_ =	sdelay $0x3  }
0x9a: {  	vm15 =	vgt.s32 v5, v19  }
0x9b: {  	vm1 =	vgt.s32 v5, v7;
	v7 =	vld [tilespmem:$0x1FF20];
	vm14 =	vgt.s32 v5, v6;
	v6 =	vimm.s32 $0x0  }
0x9c: {  	v6 =	vsel vm15, $0xFFFFFFFF, v6  }
0x9d: {  	vm15 =	vgt.s32 v5, v20;
	[tilespmem:$0x1FD30] =	vst v6;
	v6 =	vimm.s32 $0x0  }
0x9e: {  	v6 =	vsel vm15, $0xFFFFFFFF, v6  }
0x9f: {  	vm15 =	vgt.s32 v5, v21;
	[tilespmem:$0x1FD40] =	vst v6;
	v6 =	vimm.s32 $0x0  }
0xa0: {  	vm2 =	vgt.s32 v5, v7;
	v7 =	vld [tilespmem:$0x1FF30];
	v6 =	vsel vm15, $0xFFFFFFFF, v6  }
0xa1: {  	vm15 =	vgt.s32 v5, v22;
	[tilespmem:$0x1FD50] =	vst v6;
	v6 =	vimm.s32 $0x0  }
0xa2: {  	v6 =	vsel vm15, $0xFFFFFFFF, v6  }
0xa3: {  	vm15 =	vgt.s32 v5, v23;
	[tilespmem:$0x1FD60] =	vst v6;
	v6 =	vimm.s32 $0x0  }
0xa4: {  	v6 =	vsel vm15, $0xFFFFFFFF, v6  }
0xa5: {  	vm3 =	vgt.s32 v5, v7;
	v7 =	vld [tilespmem:$0x1FF40];
	vm15 =	vgt.s32 v5, v24;
	[tilespmem:$0x1FD70] =	vst v6;
	v6 =	vimm.s32 $0x0  }
0xa6: {  	v6 =	vsel vm15, $0xFFFFFFFF, v6  }
0xa7: {  	vm15 =	vgt.s32 v5, v25;
	[tilespmem:$0x1FD80] =	vst v6;
	v6 =	vimm.s32 $0x0  }
0xa8: {  	v6 =	vsel vm15, $0xFFFFFFFF, v6  }
0xa9: {  	vm15 =	vgt.s32 v5, v26;
	[tilespmem:$0x1FD90] =	vst v6;
	v6 =	vimm.s32 $0x0  }
0xaa: {  	vm4 =	vgt.s32 v5, v7;
	v7 =	vld [tilespmem:$0x1FF50];
	v6 =	vsel vm15, $0xFFFFFFFF, v6  }
0xab: {  	vm15 =	vgt.s32 v5, v27;
	[tilespmem:$0x1FDA0] =	vst v6;
	v6 =	vimm.s32 $0x0  }
0xac: {  	v6 =	vsel vm15, $0xFFFFFFFF, v6  }
0xad: {  	vm15 =	vgt.s32 v5, v28;
	[tilespmem:$0x1FDB0] =	vst v6;
	v6 =	vimm.s32 $0x0  }
0xae: {  	v6 =	vsel vm15, $0xFFFFFFFF, v6  }
0xaf: {  	vm5 =	vgt.s32 v5, v7;
	v7 =	vld [tilespmem:$0x1FF60];
	vm15 =	vgt.s32 v5, v29;
	[tilespmem:$0x1FDC0] =	vst v6;
	v6 =	vimm.s32 $0x0  }
0xb0: {  	v6 =	vsel vm15, $0xFFFFFFFF, v6  }
0xb1: {  	vm15 =	vgt.s32 v5, v30;
	[tilespmem:$0x1FDD0] =	vst v6;
	v6 =	vimm.s32 $0x0  }
0xb2: {  	v6 =	vsel vm15, $0xFFFFFFFF, v6  }
0xb3: {  	vm15 =	vgt.s32 v5, v31;
	[tilespmem:$0x1FDE0] =	vst v6;
	v6 =	vimm.s32 $0x0  }
0xb4: {  	vm6 =	vgt.s32 v5, v7;
	v7 =	vld [tilespmem:$0x1FF70];
	v6 =	vsel vm15, $0xFFFFFFFF, v6  }
0xb5: {  	vm15 =	vgt.s32 v5, v32;
	[tilespmem:$0x1FDF0] =	vst v6;
	v6 =	vimm.s32 $0x0  }
0xb6: {  	v6 =	vsel vm15, $0xFFFFFFFF, v6  }
0xb7: {  	[tilespmem:$0x1FE00] =	vst v6;
	v6 =	vimm.s32 $0x0  }
0xb8: {  	v6 =	vsel vm0, $0xFFFFFFFF, v6  }
0xb9: {  	vm7 =	vgt.s32 v5, v7;
	v7 =	vld [tilespmem:$0x1FF80];
	[tilespmem:$0x1FE10] =	vst v6;
	v6 =	vimm.s32 $0x0  }
0xba: {  	v6 =	vsel vm1, $0xFFFFFFFF, v6  }
0xbb: {  	[tilespmem:$0x1FE20] =	vst v6;
	v6 =	vimm.s32 $0x0  }
0xbc: {  	v6 =	vsel vm2, $0xFFFFFFFF, v6  }
0xbd: {  	v15 =	vld [tilespmem:$0x9350];
	[tilespmem:$0x1FE30] =	vst v6;
	v6 =	vimm.s32 $0x0  }
0xbe: {  	vm8 =	vgt.s32 v5, v7;
	v7 =	vld [tilespmem:$0x1FF90];
	v6 =	vsel vm3, $0xFFFFFFFF, v6  }
0xbf: {  	[tilespmem:$0x1FE40] =	vst v6;
	v6 =	vimm.s32 $0x0  }
0xc0: {  	v16 =	vld [tilespmem:$0x9360];
	v6 =	vsel vm4, $0xFFFFFFFF, v6  }
0xc1: {  	[tilespmem:$0x1FE50] =	vst v6;
	v6 =	vimm.s32 $0x0  }
0xc2: {  	v17 =	vld [tilespmem:$0x9370];
	v6 =	vsel vm5, $0xFFFFFFFF, v6  }
0xc3: {  	v15 =	vadd.s32 v0, v15;
	vm9 =	vgt.s32 v5, v7;
	v7 =	vld [tilespmem:$0x1FFA0];
	[tilespmem:$0x1FE60] =	vst v6;
	v6 =	vimm.s32 $0x0  }
0xc4: {  	v9 =	vld [tilespmem:$0x93A0];
	[tilespmem:$0x9750] =	vst v15;
	v6 =	vsel vm6, $0xFFFFFFFF, v6  }
0xc5: {  	v15 =	vadd.s32 v0, v16;
	[tilespmem:$0x1FE70] =	vst v6;
	v6 =	vimm.s32 $0x0  }
0xc6: {  	v10 =	vld [tilespmem:$0x93B0];
	[tilespmem:$0x9760] =	vst v15;
	v6 =	vsel vm7, $0xFFFFFFFF, v6  }
0xc7: {  	v11 =	vld [tilespmem:$0x93C0];
	v15 =	vadd.s32 v0, v17;
	[tilespmem:$0x1FE80] =	vst v6;
	v6 =	vimm.s32 $0x0  }
0xc8: {  	[tilespmem:$0x9770] =	vst v15;
	vm10 =	vgt.s32 v5, v7;
	v7 =	vld [tilespmem:$0x1FFB0];
	v6 =	vsel vm8, $0xFFFFFFFF, v6  }
0xc9: {  	v8 =	vadd.s32 v0, v9;
	[tilespmem:$0x1FE90] =	vst v6;
	v6 =	vimm.s32 $0x0  }
0xca: {  	v13 =	vld [tilespmem:$0x93E0];
	[tilespmem:$0x97A0] =	vst v8;
	v6 =	vsel vm9, $0xFFFFFFFF, v6  }
0xcb: {  	v9 =	vadd.s32 v0, v10;
	[tilespmem:$0x1FEA0] =	vst v6;
	v6 =	vimm.s32 $0x0  }
0xcc: {  	v14 =	vld [tilespmem:$0x93F0];
	[tilespmem:$0x97B0] =	vst v9;
	v6 =	vsel vm10, $0xFFFFFFFF, v6  }
0xcd: {  	v10 =	vadd.s32 v0, v11;
	vm11 =	vgt.s32 v5, v7;
	[tilespmem:$0x1FEB0] =	vst v6;
	v6 =	vimm.s32 $0x0  }
0xce: {  	[tilespmem:$0x97C0] =	vst v10;
	v6 =	vsel vm11, $0xFFFFFFFF, v6  }
0xcf: {  	v11 =	vadd.s32 v0, v13;
	[tilespmem:$0x1FEC0] =	vst v6;
	v6 =	vimm.s32 $0x0  }
0xd0: {  	[tilespmem:$0x97E0] =	vst v11;
	v6 =	vsel vm12, $0xFFFFFFFF, v6  }
.Ltmp3:
0xd1: {  	v12 =	vadd.s32 v0, v14;
	[tilespmem:$0x1FED0] =	vst v6;
	v6 =	vimm.s32 $0x0;
	(pc) =	sbr.rel .LBB2_4-.Ltmp3, $4  }
0xd2: {  	[tilespmem:$0x97F0] =	vst v12;
	v6 =	vsel vm13, $0xFFFFFFFF, v6  }
0xd3: {  	[tilespmem:$0x1FEE0] =	vst v6;
	v6 =	vimm.s32 $0x0  }
0xd4: {  	[tilespmem:s18], [sflag:$0x1] =	stream.indirect.gather [hbm4b:s4+s12], $0x1, s17, s12, $0xb8;
	v6 =	vsel vm14, $0xFFFFFFFF, v6;
	[tilespmem:$0xAB00] =	vst v63  }
0xd5: {  	s28 =	simm.s32 $0xA410;
	s26 =	simm.s32 $0x0;
	[tilespmem:$0x1FEF0] =	vst v6  }
.LBB2_6:
0xd6: {  	_ =	swait.ge [sflag:s22], $0x400  }
0xd7: {  	[sflag:s22] =	ssyncset.done $0x0  }
0xd8: {  	v10 =	vld [tilespmem:$0x1FB00];
	[sflag:s22] =	ssyncadd.s32 $0xFFFFFC00  }
0xd9: {  	v6 =	vld [tilespmem:$0xA000]  }
0xda: {  	v14 =	vld [tilespmem:$0x1FB10]  }
0xdb: {  	v15 =	vld [tilespmem:$0x1FB20]  }
0xdc: {  	v7 =	vld [tilespmem:$0xA010]  }
0xdd: {  	v13 =	vld [tilespmem:$0x1FB30]  }
0xde: {  	v8 =	vld [tilespmem:$0xA020];
	v6 =	vadd.f32 $0.0e+00, v6  }
0xdf: {  	v9 =	vld [tilespmem:$0xA030];
	vm0 =	vnez.u8 v10  }
0xe0: {  	v6 =	vnsel vm0, $0x0, v6;
	vm0 =	vnez.u8 v14;
	v14 =	vld [tilespmem:$0x1FB40]  }
0xe1: {  	v7 =	vnsel vm0, $0x0, v7;
	vm0 =	vnez.u8 v15;
	v15 =	vld [tilespmem:$0x1FB50]  }
0xe2: {  	v6 =	vadd.f32 v7, v6;
	v7 =	vld [tilespmem:$0xA040]  }
0xe3: {  	v12 =	vld [tilespmem:$0xA050];
	v8 =	vnsel vm0, $0x0, v8  }
0xe4: {  	vm0 =	vnez.u8 v13;
	v13 =	vld [tilespmem:$0x1FB60];
	v6 =	vadd.f32 v8, v6  }
0xe5: {  	v9 =	vnsel vm0, $0x0, v9;
	vm0 =	vnez.u8 v14;
	v14 =	vld [tilespmem:$0x1FB70]  }
0xe6: {  	v6 =	vadd.f32 v9, v6;
	v9 =	vld [tilespmem:$0xA060]  }
0xe7: {  	v7 =	vnsel vm0, $0x0, v7;
	vm0 =	vnez.u8 v15;
	v15 =	vld [tilespmem:$0x1FB80]  }
0xe8: {  	v6 =	vadd.f32 v7, v6;
	v7 =	vld [tilespmem:$0xA070]  }
0xe9: {  	v8 =	vnsel vm0, $0x0, v12;
	v12 =	vld [tilespmem:$0xA080]  }
0xea: {  	vm0 =	vnez.u8 v13;
	v13 =	vld [tilespmem:$0x1FB90];
	v6 =	vadd.f32 v8, v6  }
0xeb: {  	v9 =	vnsel vm0, $0x0, v9;
	vm0 =	vnez.u8 v14;
	v14 =	vld [tilespmem:$0x1FBA0]  }
0xec: {  	v6 =	vadd.f32 v9, v6;
	v9 =	vld [tilespmem:$0xA090]  }
0xed: {  	v7 =	vnsel vm0, $0x0, v7;
	vm0 =	vnez.u8 v15;
	v15 =	vld [tilespmem:$0x1FBB0]  }
0xee: {  	v6 =	vadd.f32 v7, v6;
	v7 =	vld [tilespmem:$0xA0A0]  }
0xef: {  	v8 =	vnsel vm0, $0x0, v12;
	v12 =	vld [tilespmem:$0xA0B0]  }
0xf0: {  	vm0 =	vnez.u8 v13;
	v13 =	vld [tilespmem:$0x1FBC0];
	v6 =	vadd.f32 v8, v6  }
0xf1: {  	v9 =	vnsel vm0, $0x0, v9;
	vm0 =	vnez.u8 v14;
	v14 =	vld [tilespmem:$0x1FBD0]  }
0xf2: {  	v6 =	vadd.f32 v9, v6;
	v9 =	vld [tilespmem:$0xA0C0]  }
0xf3: {  	v7 =	vnsel vm0, $0x0, v7;
	vm0 =	vnez.u8 v15;
	v15 =	vld [tilespmem:$0x1FBE0]  }
0xf4: {  	v6 =	vadd.f32 v7, v6;
	v7 =	vld [tilespmem:$0xA0D0]  }
0xf5: {  	v8 =	vnsel vm0, $0x0, v12;
	v12 =	vld [tilespmem:$0xA0E0]  }
0xf6: {  	vm0 =	vnez.u8 v13;
	v13 =	vld [tilespmem:$0x1FBF0];
	v6 =	vadd.f32 v8, v6  }
0xf7: {  	v9 =	vnsel vm0, $0x0, v9;
	vm0 =	vnez.u8 v14;
	v14 =	vld [tilespmem:$0x1FC00]  }
0xf8: {  	v6 =	vadd.f32 v9, v6;
	v9 =	vld [tilespmem:$0xA0F0]  }
0xf9: {  	v7 =	vnsel vm0, $0x0, v7;
	vm0 =	vnez.u8 v15;
	v15 =	vld [tilespmem:$0x1FC10]  }
0xfa: {  	v6 =	vadd.f32 v7, v6;
	v7 =	vld [tilespmem:$0xA100]  }
0xfb: {  	v8 =	vnsel vm0, $0x0, v12;
	v12 =	vld [tilespmem:$0xA110]  }
0xfc: {  	vm0 =	vnez.u8 v13;
	v13 =	vld [tilespmem:$0x1FC20];
	v6 =	vadd.f32 v8, v6  }
0xfd: {  	v9 =	vnsel vm0, $0x0, v9;
	vm0 =	vnez.u8 v14;
	v14 =	vld [tilespmem:$0x1FC30]  }
0xfe: {  	v6 =	vadd.f32 v9, v6;
	v9 =	vld [tilespmem:$0xA120]  }
0xff: {  	v7 =	vnsel vm0, $0x0, v7;
	vm0 =	vnez.u8 v15;
	v15 =	vld [tilespmem:$0x1FC40]  }
0x100: {  	v6 =	vadd.f32 v7, v6;
	v7 =	vld [tilespmem:$0xA130]  }
0x101: {  	v8 =	vnsel vm0, $0x0, v12;
	v12 =	vld [tilespmem:$0xA140]  }
0x102: {  	vm0 =	vnez.u8 v13;
	v13 =	vld [tilespmem:$0x1FC50];
	v6 =	vadd.f32 v8, v6  }
0x103: {  	v9 =	vnsel vm0, $0x0, v9;
	vm0 =	vnez.u8 v14;
	v14 =	vld [tilespmem:$0x1FC60]  }
0x104: {  	v6 =	vadd.f32 v9, v6;
	v9 =	vld [tilespmem:$0xA150]  }
0x105: {  	v7 =	vnsel vm0, $0x0, v7;
	vm0 =	vnez.u8 v15;
	v15 =	vld [tilespmem:$0x1FC70]  }
0x106: {  	v6 =	vadd.f32 v7, v6;
	v7 =	vld [tilespmem:$0xA160]  }
0x107: {  	v8 =	vnsel vm0, $0x0, v12;
	v12 =	vld [tilespmem:$0xA170]  }
0x108: {  	vm0 =	vnez.u8 v13;
	v13 =	vld [tilespmem:$0x1FC80];
	v6 =	vadd.f32 v8, v6  }
0x109: {  	v9 =	vnsel vm0, $0x0, v9;
	vm0 =	vnez.u8 v14;
	v14 =	vld [tilespmem:$0x1FC90]  }
0x10a: {  	v6 =	vadd.f32 v9, v6;
	v9 =	vld [tilespmem:$0xA180]  }
0x10b: {  	v7 =	vnsel vm0, $0x0, v7;
	vm0 =	vnez.u8 v15;
	v15 =	vld [tilespmem:$0x1FCA0]  }
0x10c: {  	v6 =	vadd.f32 v7, v6;
	v7 =	vld [tilespmem:$0xA190]  }
0x10d: {  	v8 =	vnsel vm0, $0x0, v12;
	v12 =	vld [tilespmem:$0xA1A0]  }
0x10e: {  	vm0 =	vnez.u8 v13;
	v13 =	vld [tilespmem:$0x1FCB0];
	v6 =	vadd.f32 v8, v6  }
0x10f: {  	v9 =	vnsel vm0, $0x0, v9;
	vm0 =	vnez.u8 v14;
	v14 =	vld [tilespmem:$0x1FCC0]  }
0x110: {  	v6 =	vadd.f32 v9, v6;
	v9 =	vld [tilespmem:$0xA1B0]  }
0x111: {  	v7 =	vnsel vm0, $0x0, v7;
	vm0 =	vnez.u8 v15;
	v15 =	vld [tilespmem:$0x1FCD0]  }
0x112: {  	v6 =	vadd.f32 v7, v6;
	v7 =	vld [tilespmem:$0xA1C0]  }
0x113: {  	v8 =	vnsel vm0, $0x0, v12;
	v12 =	vld [tilespmem:$0xA1D0]  }
0x114: {  	vm0 =	vnez.u8 v13;
	v13 =	vld [tilespmem:$0x1FCE0];
	v6 =	vadd.f32 v8, v6  }
0x115: {  	v9 =	vnsel vm0, $0x0, v9;
	vm0 =	vnez.u8 v14;
	v14 =	vld [tilespmem:$0x1FCF0]  }
0x116: {  	v6 =	vadd.f32 v9, v6;
	v9 =	vld [tilespmem:$0xA1E0]  }
0x117: {  	v7 =	vnsel vm0, $0x0, v7;
	vm0 =	vnez.u8 v15;
	v15 =	vld [tilespmem:$0x1FD00]  }
0x118: {  	v6 =	vadd.f32 v7, v6;
	v7 =	vld [tilespmem:$0xA1F0]  }
0x119: {  	v8 =	vnsel vm0, $0x0, v12;
	v12 =	vld [tilespmem:$0xA200]  }
0x11a: {  	vm0 =	vnez.u8 v13;
	v13 =	vld [tilespmem:$0x1FD10];
	v6 =	vadd.f32 v8, v6  }
0x11b: {  	v9 =	vnsel vm0, $0x0, v9;
	vm0 =	vnez.u8 v14;
	v14 =	vld [tilespmem:$0x1FE00]  }
0x11c: {  	v6 =	vadd.f32 v9, v6;
	v9 =	vld [tilespmem:$0xA210]  }
0x11d: {  	v7 =	vnsel vm0, $0x0, v7;
	vm0 =	vnez.u8 v15;
	v15 =	vld [tilespmem:$0x1FDF0]  }
0x11e: {  	v6 =	vadd.f32 v7, v6;
	v7 =	vld [tilespmem:$0xA220]  }
0x11f: {  	v8 =	vnsel vm0, $0x0, v12;
	v12 =	vld [tilespmem:$0xA230]  }
0x120: {  	vm0 =	vnez.u8 v13;
	v13 =	vld [tilespmem:$0x1FDE0];
	v6 =	vadd.f32 v8, v6  }
0x121: {  	v9 =	vnsel vm0, $0x0, v9;
	vm0 =	vnez.u8 v14;
	v14 =	vld [tilespmem:$0x1FDD0]  }
0x122: {  	v6 =	vadd.f32 v9, v6;
	v9 =	vld [tilespmem:$0xA240]  }
0x123: {  	v7 =	vnsel vm0, $0x0, v7;
	vm0 =	vnez.u8 v15;
	v15 =	vld [tilespmem:$0x1FDC0]  }
0x124: {  	v6 =	vadd.f32 v7, v6;
	v7 =	vld [tilespmem:$0xA250]  }
0x125: {  	v8 =	vnsel vm0, $0x0, v12;
	v12 =	vld [tilespmem:$0xA260]  }
0x126: {  	vm0 =	vnez.u8 v13;
	v13 =	vld [tilespmem:$0x1FDB0];
	v6 =	vadd.f32 v8, v6  }
0x127: {  	v9 =	vnsel vm0, $0x0, v9;
	vm0 =	vnez.u8 v14;
	v14 =	vld [tilespmem:$0x1FDA0]  }
0x128: {  	v6 =	vadd.f32 v9, v6;
	v9 =	vld [tilespmem:$0xA270]  }
0x129: {  	v7 =	vnsel vm0, $0x0, v7;
	vm0 =	vnez.u8 v15;
	v15 =	vld [tilespmem:$0x1FD90]  }
0x12a: {  	v6 =	vadd.f32 v7, v6;
	v7 =	vld [tilespmem:$0xA280]  }
0x12b: {  	v8 =	vnsel vm0, $0x0, v12;
	v12 =	vld [tilespmem:$0xA290]  }
0x12c: {  	vm0 =	vnez.u8 v13;
	v13 =	vld [tilespmem:$0x1FD80];
	v6 =	vadd.f32 v8, v6  }
0x12d: {  	v9 =	vnsel vm0, $0x0, v9;
	vm0 =	vnez.u8 v14;
	v14 =	vld [tilespmem:$0x1FD70]  }
0x12e: {  	v6 =	vadd.f32 v9, v6;
	v9 =	vld [tilespmem:$0xA2A0]  }
0x12f: {  	v7 =	vnsel vm0, $0x0, v7;
	vm0 =	vnez.u8 v15;
	v15 =	vld [tilespmem:$0x1FD60]  }
0x130: {  	v6 =	vadd.f32 v7, v6;
	v7 =	vld [tilespmem:$0xA2B0]  }
0x131: {  	v8 =	vnsel vm0, $0x0, v12;
	v12 =	vld [tilespmem:$0xA2C0]  }
0x132: {  	vm0 =	vnez.u8 v13;
	v13 =	vld [tilespmem:$0x1FD50];
	v6 =	vadd.f32 v8, v6  }
0x133: {  	v9 =	vnsel vm0, $0x0, v9;
	vm0 =	vnez.u8 v14;
	v14 =	vld [tilespmem:$0x1FD40]  }
0x134: {  	v6 =	vadd.f32 v9, v6;
	v9 =	vld [tilespmem:$0xA2D0]  }
0x135: {  	v7 =	vnsel vm0, $0x0, v7;
	vm0 =	vnez.u8 v15;
	v15 =	vld [tilespmem:$0x1FD30]  }
0x136: {  	v6 =	vadd.f32 v7, v6;
	v7 =	vld [tilespmem:$0xA2E0]  }
0x137: {  	v8 =	vnsel vm0, $0x0, v12;
	v12 =	vld [tilespmem:$0xA2F0]  }
0x138: {  	vm0 =	vnez.u8 v13;
	v13 =	vld [tilespmem:$0x1FEF0];
	v6 =	vadd.f32 v8, v6  }
0x139: {  	v9 =	vnsel vm0, $0x0, v9;
	vm0 =	vnez.u8 v14;
	v14 =	vld [tilespmem:$0x1FD20]  }
0x13a: {  	v6 =	vadd.f32 v9, v6;
	v9 =	vld [tilespmem:$0xA300]  }
0x13b: {  	v7 =	vnsel vm0, $0x0, v7;
	vm0 =	vnez.u8 v15;
	v15 =	vld [tilespmem:$0x1FEE0]  }
0x13c: {  	v6 =	vadd.f32 v7, v6;
	v7 =	vld [tilespmem:$0xA310]  }
0x13d: {  	vm14 =	vnez.u8 v13;
	v13 =	vld [tilespmem:$0x1FED0];
	v8 =	vnsel vm0, $0x0, v12  }
0x13e: {  	v12 =	vld [tilespmem:$0xA320];
	v6 =	vadd.f32 v8, v6  }
0x13f: {  	vm0 =	vnez.u8 v14;
	v14 =	vld [tilespmem:$0x1FEC0];
	v9 =	vnsel vm14, $0x0, v9  }
0x140: {  	v6 =	vadd.f32 v9, v6;
	v9 =	vld [tilespmem:$0xA330]  }
0x141: {  	vm13 =	vnez.u8 v15;
	v15 =	vld [tilespmem:$0x1FEB0];
	v7 =	vnsel vm0, $0x0, v7  }
0x142: {  	v6 =	vadd.f32 v7, v6;
	v7 =	vld [tilespmem:$0xA340]  }
0x143: {  	vm12 =	vnez.u8 v13;
	v13 =	vld [tilespmem:$0x1FEA0];
	v8 =	vnsel vm13, $0x0, v12  }
0x144: {  	v12 =	vld [tilespmem:$0xA350];
	v6 =	vadd.f32 v8, v6  }
0x145: {  	vm11 =	vnez.u8 v14;
	v14 =	vld [tilespmem:$0x1FE90];
	v9 =	vnsel vm12, $0x0, v9  }
0x146: {  	v6 =	vadd.f32 v9, v6;
	v9 =	vld [tilespmem:$0xA360]  }
0x147: {  	vm10 =	vnez.u8 v15;
	v15 =	vld [tilespmem:$0x1FE80];
	v7 =	vnsel vm11, $0x0, v7  }
0x148: {  	v6 =	vadd.f32 v7, v6;
	v7 =	vld [tilespmem:$0xA370]  }
0x149: {  	vm9 =	vnez.u8 v13;
	v13 =	vld [tilespmem:$0x1FE70];
	v8 =	vnsel vm10, $0x0, v12  }
0x14a: {  	v12 =	vld [tilespmem:$0xA380];
	v6 =	vadd.f32 v8, v6  }
0x14b: {  	vm8 =	vnez.u8 v14;
	v14 =	vld [tilespmem:$0x1FE60];
	v9 =	vnsel vm9, $0x0, v9  }
0x14c: {  	v6 =	vadd.f32 v9, v6;
	v9 =	vld [tilespmem:$0xA390]  }
0x14d: {  	vm7 =	vnez.u8 v15;
	v15 =	vld [tilespmem:$0x1FE50];
	v7 =	vnsel vm8, $0x0, v7  }
0x14e: {  	v6 =	vadd.f32 v7, v6;
	v7 =	vld [tilespmem:$0xA3A0]  }
0x14f: {  	v8 =	vnsel vm7, $0x0, v12  }
0x150: {  	vm6 =	vnez.u8 v13;
	v12 =	vld [tilespmem:$0xA3B0];
	v6 =	vadd.f32 v8, v6  }
0x151: {  	v13 =	vld [tilespmem:$0x1FE40];
	v9 =	vnsel vm6, $0x0, v9  }
0x152: {  	vm5 =	vnez.u8 v14;
	v6 =	vadd.f32 v9, v6;
	v9 =	vld [tilespmem:$0xA3C0]  }
0x153: {  	vm4 =	vnez.u8 v15;
	v15 =	vld [tilespmem:$0x1FE30];
	v7 =	vnsel vm5, $0x0, v7  }
0x154: {  	v6 =	vadd.f32 v7, v6;
	v7 =	vld [tilespmem:$0xA3D0]  }
0x155: {  	v8 =	vnsel vm4, $0x0, v12  }
0x156: {  	vm3 =	vnez.u8 v13;
	v6 =	vadd.f32 v8, v6  }
0x157: {  	v9 =	vnsel vm3, $0x0, v9  }
0x158: {  	vm2 =	vnez.u8 v15;
	v6 =	vadd.f32 v9, v6  }
0x159: {  	v7 =	vnsel vm2, $0x0, v7  }
0x15a: {  	v6 =	vadd.f32 v7, v6;
	v7 =	vld [tilespmem:$0x1FE20]  }
0x15b: {  	v12 =	vld [tilespmem:$0xA3E0];
	_ =	sdelay $0x3  }
0x15c: {  	vm1 =	vnez.u8 v7  }
0x15d: {  	v7 =	vnsel vm1, $0x0, v12  }
0x15e: {  	v6 =	vadd.f32 v7, v6;
	v7 =	vld [tilespmem:$0x1FE10]  }
0x15f: {  	v14 =	vld [tilespmem:$0xA3F0];
	_ =	sdelay $0x1  }
0x160: {  	s26 =	sadd.s32 $0x48000, s26  }
0x161: {  	p0 =	sne.s32 s26, $0xD80000  }
.Ltmp4:
0x162: {  	vm0 =	vnez.u8 v7;
	(pc) =	sbr.rel @!p0 .LBB2_7-.Ltmp4, $3  }
0x163: {  	v7 =	vnsel vm0, $0x0, v14  }
0x164: {  	v6 =	vadd.f32 v7, v6;
	_ =	sdelay $0x1  }
0x165: {  	[tilespmem:s28+$0x0] =	vst v6;
	s28 =	sadd.s32 $0x20, s28  }
.LBB2_4:
0x166: {  	v6 =	vld [tilespmem:$0x9000]  }
0x167: {  	v7 =	vld [tilespmem:$0x9010]  }
0x168: {  	v8 =	vld [tilespmem:$0x9020]  }
0x169: {  	s29 =	sadd.s32 s26, s1;
	v9 =	vld [tilespmem:$0x9030]  }
0x16a: {  	v10 =	vld [tilespmem:$0x9040];
	s30 =	sadd.s32 $0x24000, s29  }
0x16b: {  	v11 =	vld [tilespmem:$0x9050];
	v6 =	vadd.s32 s30, v6  }
0x16c: {  	[tilespmem:$0x9C00] =	vst v6;
	v6 =	vadd.s32 s30, v7;
	v7 =	vld [tilespmem:$0x9060]  }
0x16d: {  	v14 =	vld [tilespmem:$0x9070];
	[tilespmem:$0x9C10] =	vst v6;
	v6 =	vadd.s32 s30, v8  }
0x16e: {  	v15 =	vld [tilespmem:$0x9080];
	[tilespmem:$0x9C20] =	vst v6;
	v6 =	vadd.s32 s30, v9  }
0x16f: {  	v12 =	vld [tilespmem:$0x9090];
	[tilespmem:$0x9C30] =	vst v6;
	v6 =	vadd.s32 s30, v10  }
0x170: {  	v13 =	vld [tilespmem:$0x90A0];
	[tilespmem:$0x9C40] =	vst v6;
	v6 =	vadd.s32 s30, v11  }
0x171: {  	[tilespmem:$0x9C50] =	vst v6;
	v6 =	vadd.s32 s30, v7;
	v7 =	vld [tilespmem:$0x90B0]  }
0x172: {  	[tilespmem:$0x9C60] =	vst v6;
	v6 =	vadd.s32 s30, v14;
	v14 =	vld [tilespmem:$0x90C0]  }
0x173: {  	[tilespmem:$0x9C70] =	vst v6;
	v6 =	vadd.s32 s30, v15;
	v15 =	vld [tilespmem:$0x90D0]  }
0x174: {  	[tilespmem:$0x9C80] =	vst v6;
	v6 =	vadd.s32 s30, v12;
	v12 =	vld [tilespmem:$0x90E0]  }
0x175: {  	[tilespmem:$0x9C90] =	vst v6;
	v6 =	vadd.s32 s30, v13;
	v13 =	vld [tilespmem:$0x90F0]  }
0x176: {  	[tilespmem:$0x9CA0] =	vst v6;
	v6 =	vadd.s32 s30, v7;
	v7 =	vld [tilespmem:$0x9100]  }
0x177: {  	[tilespmem:$0x9CB0] =	vst v6;
	v6 =	vadd.s32 s30, v14;
	v14 =	vld [tilespmem:$0x9110]  }
0x178: {  	[tilespmem:$0x9CC0] =	vst v6;
	v6 =	vadd.s32 s30, v15;
	v15 =	vld [tilespmem:$0x9120]  }
0x179: {  	[tilespmem:$0x9CD0] =	vst v6;
	v6 =	vadd.s32 s30, v12;
	v12 =	vld [tilespmem:$0x9130]  }
0x17a: {  	[tilespmem:$0x9CE0] =	vst v6;
	v6 =	vadd.s32 s30, v13;
	v13 =	vld [tilespmem:$0x9140]  }
0x17b: {  	[tilespmem:$0x9CF0] =	vst v6;
	v6 =	vadd.s32 s30, v7;
	v7 =	vld [tilespmem:$0x9150]  }
0x17c: {  	[tilespmem:$0x9D00] =	vst v6;
	v6 =	vadd.s32 s30, v14;
	v14 =	vld [tilespmem:$0x9160]  }
0x17d: {  	[tilespmem:$0x9D10] =	vst v6;
	v6 =	vadd.s32 s30, v15;
	v15 =	vld [tilespmem:$0x9170]  }
0x17e: {  	[tilespmem:$0x9D20] =	vst v6;
	v6 =	vadd.s32 s30, v12;
	v12 =	vld [tilespmem:$0x9180]  }
0x17f: {  	[tilespmem:$0x9D30] =	vst v6;
	v6 =	vadd.s32 s30, v13;
	v13 =	vld [tilespmem:$0x9190]  }
0x180: {  	[tilespmem:$0x9D40] =	vst v6;
	v6 =	vadd.s32 s30, v7;
	v7 =	vld [tilespmem:$0x91A0]  }
0x181: {  	[tilespmem:$0x9D50] =	vst v6;
	v6 =	vadd.s32 s30, v14;
	v14 =	vld [tilespmem:$0x91B0]  }
0x182: {  	[tilespmem:$0x9D60] =	vst v6;
	v6 =	vadd.s32 s30, v15;
	v15 =	vld [tilespmem:$0x91C0]  }
0x183: {  	[tilespmem:$0x9D70] =	vst v6;
	v6 =	vadd.s32 s30, v12;
	v12 =	vld [tilespmem:$0x91D0]  }
0x184: {  	[tilespmem:$0x9D80] =	vst v6;
	v6 =	vadd.s32 s30, v13;
	v13 =	vld [tilespmem:$0x91E0]  }
0x185: {  	[tilespmem:$0x9D90] =	vst v6;
	v6 =	vadd.s32 s30, v7;
	v7 =	vld [tilespmem:$0x91F0]  }
0x186: {  	[tilespmem:$0x9DA0] =	vst v6;
	v6 =	vadd.s32 s30, v14;
	v14 =	vld [tilespmem:$0x9200]  }
0x187: {  	[tilespmem:$0x9DB0] =	vst v6;
	v6 =	vadd.s32 s30, v15;
	v15 =	vld [tilespmem:$0x9210]  }
0x188: {  	[tilespmem:$0x9DC0] =	vst v6;
	v6 =	vadd.s32 s30, v12;
	v12 =	vld [tilespmem:$0x9220]  }
0x189: {  	[tilespmem:$0x9DD0] =	vst v6;
	v6 =	vadd.s32 s30, v13;
	v13 =	vld [tilespmem:$0x9230]  }
0x18a: {  	[tilespmem:$0x9DE0] =	vst v6;
	v6 =	vadd.s32 s30, v7;
	v7 =	vld [tilespmem:$0x9240]  }
0x18b: {  	[tilespmem:$0x9DF0] =	vst v6;
	v6 =	vadd.s32 s30, v14;
	v14 =	vld [tilespmem:$0x9250]  }
0x18c: {  	[tilespmem:$0x9E00] =	vst v6;
	v6 =	vadd.s32 s30, v15;
	v15 =	vld [tilespmem:$0x9260]  }
0x18d: {  	[tilespmem:$0x9E10] =	vst v6;
	v6 =	vadd.s32 s30, v12;
	v12 =	vld [tilespmem:$0x9270]  }
0x18e: {  	[tilespmem:$0x9E20] =	vst v6;
	v6 =	vadd.s32 s30, v13;
	v13 =	vld [tilespmem:$0x9280]  }
0x18f: {  	[tilespmem:$0x9E30] =	vst v6;
	v6 =	vadd.s32 s30, v7;
	v7 =	vld [tilespmem:$0x9290]  }
0x190: {  	[tilespmem:$0x9E40] =	vst v6;
	v6 =	vadd.s32 s30, v14;
	v14 =	vld [tilespmem:$0x92A0]  }
0x191: {  	[tilespmem:$0x9E50] =	vst v6;
	v6 =	vadd.s32 s30, v15;
	v15 =	vld [tilespmem:$0x92B0]  }
0x192: {  	[tilespmem:$0x9E60] =	vst v6;
	v6 =	vadd.s32 s30, v12;
	v12 =	vld [tilespmem:$0x92C0]  }
0x193: {  	[tilespmem:$0x9E70] =	vst v6;
	v6 =	vadd.s32 s30, v13;
	v13 =	vld [tilespmem:$0x92D0]  }
0x194: {  	[tilespmem:$0x9E80] =	vst v6;
	v6 =	vadd.s32 s30, v7;
	v7 =	vld [tilespmem:$0x92E0]  }
0x195: {  	[tilespmem:$0x9E90] =	vst v6;
	v6 =	vadd.s32 s30, v14;
	v14 =	vld [tilespmem:$0x92F0]  }
0x196: {  	[tilespmem:$0x9EA0] =	vst v6;
	v6 =	vadd.s32 s30, v15;
	v15 =	vld [tilespmem:$0x9300]  }
0x197: {  	[tilespmem:$0x9EB0] =	vst v6;
	v6 =	vadd.s32 s30, v12;
	v12 =	vld [tilespmem:$0x9310]  }
0x198: {  	[tilespmem:$0x9EC0] =	vst v6;
	v6 =	vadd.s32 s30, v13;
	v13 =	vld [tilespmem:$0x9320]  }
0x199: {  	[tilespmem:$0x9ED0] =	vst v6;
	v6 =	vadd.s32 s30, v7;
	v7 =	vld [tilespmem:$0x9330]  }
0x19a: {  	[tilespmem:$0x9EE0] =	vst v6;
	v6 =	vadd.s32 s30, v14;
	v14 =	vld [tilespmem:$0x9340]  }
0x19b: {  	[tilespmem:$0x9EF0] =	vst v6;
	v6 =	vadd.s32 s30, v15;
	v15 =	vld [tilespmem:$0x9350]  }
0x19c: {  	[tilespmem:$0x9F00] =	vst v6;
	v6 =	vadd.s32 s30, v12;
	v12 =	vld [tilespmem:$0x9360]  }
0x19d: {  	[tilespmem:$0x9F10] =	vst v6;
	v6 =	vadd.s32 s30, v13;
	v13 =	vld [tilespmem:$0x9370]  }
0x19e: {  	[tilespmem:$0x9F20] =	vst v6;
	v6 =	vadd.s32 s30, v7;
	v7 =	vld [tilespmem:$0x9380]  }
0x19f: {  	[tilespmem:$0x9F30] =	vst v6;
	v6 =	vadd.s32 s30, v14;
	v14 =	vld [tilespmem:$0x9390]  }
0x1a0: {  	[tilespmem:$0x9F40] =	vst v6;
	v6 =	vadd.s32 s30, v15;
	v15 =	vld [tilespmem:$0x93A0]  }
0x1a1: {  	[tilespmem:$0x9F50] =	vst v6;
	v6 =	vadd.s32 s30, v12;
	v12 =	vld [tilespmem:$0x93B0]  }
0x1a2: {  	[tilespmem:$0x9F60] =	vst v6;
	v6 =	vadd.s32 s30, v13;
	v13 =	vld [tilespmem:$0x93C0]  }
0x1a3: {  	[tilespmem:$0x9F70] =	vst v6;
	v6 =	vadd.s32 s30, v7;
	v7 =	vld [tilespmem:$0x93D0]  }
0x1a4: {  	[tilespmem:$0x9F80] =	vst v6;
	v6 =	vadd.s32 s30, v14;
	v14 =	vld [tilespmem:$0x93E0]  }
0x1a5: {  	[tilespmem:$0x9F90] =	vst v6;
	v6 =	vadd.s32 s30, v15;
	v15 =	vld [tilespmem:$0x93F0]  }
0x1a6: {  	[tilespmem:$0x9FA0] =	vst v6;
	v6 =	vadd.s32 s30, v12  }
0x1a7: {  	[tilespmem:$0x9FB0] =	vst v6;
	v6 =	vadd.s32 s30, v13  }
0x1a8: {  	[tilespmem:$0x9FC0] =	vst v6;
	v6 =	vadd.s32 s30, v7  }
0x1a9: {  	[tilespmem:$0x9FD0] =	vst v6;
	v6 =	vadd.s32 s30, v14  }
0x1aa: {  	[tilespmem:$0x9FE0] =	vst v6;
	v6 =	vadd.s32 s30, v15  }
0x1ab: {  	[tilespmem:$0x9FF0] =	vst v6  }
0x1ac: {  	[tilespmem:s20], [sflag:$0x2] =	stream.indirect.gather [hbm4b:s4+s12], $0x1, s19, s12, $0xb8;
	[tilespmem:$0xAB00] =	vst v63  }
0x1ad: {  	_ =	swait.ge [sflag:s21], $0x400  }
0x1ae: {  	[sflag:s21] =	ssyncset.done $0x0  }
0x1af: {  	[sflag:s21] =	ssyncadd.s32 $0xFFFFFC00  }
0x1b0: {  	v6 =	vld [tilespmem:$0x9800];
	_ =	sdelay $0x1  }
0x1b1: {  	v7 =	vld [tilespmem:$0x9810];
	_ =	sdelay $0x1  }
0x1b2: {  	v12 =	vld [tilespmem:$0x9820]  }
0x1b3: {  	v6 =	vadd.f32 $0.0e+00, v6  }
0x1b4: {  	vm15 =	vgt.s32 v5, v4;
	vm14 =	vgt.s32 v5, v1;
	v9 =	vld [tilespmem:$0x9830]  }
0x1b5: {  	v7 =	vnsel vm15, $0x0, v7;
	v6 =	vnsel vm14, $0x0, v6  }
0x1b6: {  	vm4 =	vgt.s32 v5, v3;
	v6 =	vadd.f32 v7, v6;
	v7 =	vld [tilespmem:$0x9840]  }
0x1b7: {  	v8 =	vnsel vm4, $0x0, v12  }
0x1b8: {  	vm5 =	vgt.s32 v5, v63;
	v6 =	vadd.f32 v8, v6;
	v8 =	vld [tilespmem:$0x9850]  }
0x1b9: {  	v13 =	vimm.s32 $0x0;
	v9 =	vnsel vm5, $0x0, v9  }
0x1ba: {  	vm6 =	vgt.s32 v5, v62;
	v10 =	vsel vm14, $0xFFFFFFFF, v13;
	v13 =	vld [tilespmem:$0x9860];
	v6 =	vadd.f32 v9, v6  }
0x1bb: {  	v7 =	vnsel vm6, $0x0, v7  }
0x1bc: {  	vm7 =	vgt.s32 v5, v61;
	v6 =	vadd.f32 v7, v6;
	v7 =	vld [tilespmem:$0x9870]  }
0x1bd: {  	v8 =	vnsel vm7, $0x0, v8  }
0x1be: {  	vm8 =	vgt.s32 v5, v60;
	v6 =	vadd.f32 v8, v6;
	v8 =	vld [tilespmem:$0x9880]  }
0x1bf: {  	v9 =	vnsel vm8, $0x0, v13  }
0x1c0: {  	vm1 =	vgt.s32 v5, v59;
	v13 =	vld [tilespmem:$0x9890];
	v6 =	vadd.f32 v9, v6  }
0x1c1: {  	v7 =	vnsel vm1, $0x0, v7  }
0x1c2: {  	vm2 =	vgt.s32 v5, v58;
	v6 =	vadd.f32 v7, v6;
	v7 =	vld [tilespmem:$0x98A0]  }
0x1c3: {  	v8 =	vnsel vm2, $0x0, v8  }
0x1c4: {  	vm3 =	vgt.s32 v5, v57;
	v14 =	vimm.s32 $0x0;
	v6 =	vadd.f32 v8, v6;
	v8 =	vld [tilespmem:$0x98B0]  }
0x1c5: {  	v15 =	vimm.s32 $0x0;
	[tilespmem:$0x1FB00] =	vst v10;
	v10 =	vsel vm15, $0xFFFFFFFF, v14;
	v9 =	vnsel vm3, $0x0, v13  }
0x1c6: {  	[tilespmem:$0x1FB10] =	vst v10;
	v10 =	vsel vm4, $0xFFFFFFFF, v15;
	vm4 =	vgt.s32 v5, v56;
	v13 =	vld [tilespmem:$0x98C0];
	v6 =	vadd.f32 v9, v6  }
0x1c7: {  	v12 =	vimm.s32 $0x0;
	v7 =	vnsel vm4, $0x0, v7  }
0x1c8: {  	[tilespmem:$0x1FB20] =	vst v10;
	v10 =	vsel vm5, $0xFFFFFFFF, v12;
	vm5 =	vgt.s32 v5, v55;
	v6 =	vadd.f32 v7, v6;
	v7 =	vld [tilespmem:$0x98D0]  }
0x1c9: {  	v14 =	vimm.s32 $0x0;
	v15 =	vimm.s32 $0x0;
	v8 =	vnsel vm5, $0x0, v8  }
0x1ca: {  	[tilespmem:$0x1FB30] =	vst v10;
	v10 =	vsel vm6, $0xFFFFFFFF, v14;
	vm6 =	vgt.s32 v5, v54;
	v6 =	vadd.f32 v8, v6;
	v8 =	vld [tilespmem:$0x98E0]  }
0x1cb: {  	v12 =	vimm.s32 $0x0;
	v14 =	vimm.s32 $0x0;
	v9 =	vnsel vm6, $0x0, v13  }
0x1cc: {  	[tilespmem:$0x1FB40] =	vst v10;
	v10 =	vsel vm7, $0xFFFFFFFF, v15;
	vm7 =	vgt.s32 v5, v53;
	v13 =	vld [tilespmem:$0x98F0];
	v6 =	vadd.f32 v9, v6  }
0x1cd: {  	v15 =	vimm.s32 $0x0;
	[tilespmem:$0x1FB50] =	vst v10;
	v10 =	vsel vm8, $0xFFFFFFFF, v12;
	v7 =	vnsel vm7, $0x0, v7  }
0x1ce: {  	v12 =	vimm.s32 $0x0;
	vm8 =	vgt.s32 v5, v52;
	v6 =	vadd.f32 v7, v6;
	v7 =	vld [tilespmem:$0x9900]  }
0x1cf: {  	[tilespmem:$0x1FB60] =	vst v10;
	v10 =	vsel vm1, $0xFFFFFFFF, v14;
	v14 =	vimm.s32 $0x0;
	v8 =	vnsel vm8, $0x0, v8  }
0x1d0: {  	[tilespmem:$0x1FB70] =	vst v10;
	v10 =	vsel vm2, $0xFFFFFFFF, v15;
	vm1 =	vgt.s32 v5, v51;
	v6 =	vadd.f32 v8, v6;
	v8 =	vld [tilespmem:$0x9910]  }
0x1d1: {  	v15 =	vimm.s32 $0x0;
	[tilespmem:$0x1FB80] =	vst v10;
	v10 =	vsel vm3, $0xFFFFFFFF, v12;
	v9 =	vnsel vm1, $0x0, v13  }
0x1d2: {  	v12 =	vimm.s32 $0x0;
	vm2 =	vgt.s32 v5, v50;
	v13 =	vld [tilespmem:$0x9920];
	v6 =	vadd.f32 v9, v6  }
0x1d3: {  	[tilespmem:$0x1FB90] =	vst v10;
	v10 =	vsel vm4, $0xFFFFFFFF, v14;
	v14 =	vimm.s32 $0x0;
	v7 =	vnsel vm2, $0x0, v7  }
0x1d4: {  	[tilespmem:$0x1FBA0] =	vst v10;
	v10 =	vsel vm5, $0xFFFFFFFF, v15;
	vm3 =	vgt.s32 v5, v49;
	v6 =	vadd.f32 v7, v6;
	v7 =	vld [tilespmem:$0x9930]  }
0x1d5: {  	v15 =	vimm.s32 $0x0;
	[tilespmem:$0x1FBB0] =	vst v10;
	v10 =	vsel vm6, $0xFFFFFFFF, v12;
	v8 =	vnsel vm3, $0x0, v8  }
0x1d6: {  	[tilespmem:$0x1FBC0] =	vst v10;
	v10 =	vsel vm7, $0xFFFFFFFF, v14;
	vm4 =	vgt.s32 v5, v48;
	v6 =	vadd.f32 v8, v6;
	v8 =	vld [tilespmem:$0x9940]  }
0x1d7: {  	v12 =	vimm.s32 $0x0;
	[tilespmem:$0x1FBD0] =	vst v10;
	v10 =	vsel vm8, $0xFFFFFFFF, v15;
	v9 =	vnsel vm4, $0x0, v13  }
0x1d8: {  	[tilespmem:$0x1FBE0] =	vst v10;
	v10 =	vsel vm1, $0xFFFFFFFF, v12;
	vm1 =	vgt.s32 v5, v47;
	v13 =	vld [tilespmem:$0x9950];
	v6 =	vadd.f32 v9, v6  }
0x1d9: {  	vm15 =	vgt.s32 v5, v41;
	vm14 =	vgt.s32 v5, v42;
	v7 =	vnsel vm1, $0x0, v7  }
0x1da: {  	v14 =	vimm.s32 $0x0;
	vm5 =	vgt.s32 v5, v46;
	v6 =	vadd.f32 v7, v6;
	v7 =	vld [tilespmem:$0x9960]  }
0x1db: {  	v15 =	vimm.s32 $0x0;
	v12 =	vimm.s32 $0x0;
	v8 =	vnsel vm5, $0x0, v8  }
0x1dc: {  	[tilespmem:$0x1FBF0] =	vst v10;
	v10 =	vsel vm2, $0xFFFFFFFF, v14;
	vm6 =	vgt.s32 v5, v45;
	v6 =	vadd.f32 v8, v6;
	v8 =	vld [tilespmem:$0x9970]  }
0x1dd: {  	v14 =	vimm.s32 $0x0;
	[tilespmem:$0x1FC00] =	vst v10;
	v10 =	vsel vm3, $0xFFFFFFFF, v15;
	v9 =	vnsel vm6, $0x0, v13  }
0x1de: {  	v15 =	vimm.s32 $0x0;
	vm7 =	vgt.s32 v5, v44;
	v13 =	vld [tilespmem:$0x9980];
	v6 =	vadd.f32 v9, v6  }
0x1df: {  	[tilespmem:$0x1FC10] =	vst v10;
	v10 =	vsel vm4, $0xFFFFFFFF, v12;
	v12 =	vimm.s32 $0x0;
	v7 =	vnsel vm7, $0x0, v7  }
0x1e0: {  	[tilespmem:$0x1FC20] =	vst v10;
	v10 =	vsel vm1, $0xFFFFFFFF, v14;
	vm8 =	vgt.s32 v5, v43;
	v6 =	vadd.f32 v7, v6;
	v7 =	vld [tilespmem:$0x9990]  }
0x1e1: {  	v14 =	vimm.s32 $0x0;
	[tilespmem:$0x1FC30] =	vst v10;
	v10 =	vsel vm5, $0xFFFFFFFF, v15;
	v8 =	vnsel vm8, $0x0, v8  }
0x1e2: {  	v15 =	vimm.s32 $0x0;
	[tilespmem:$0x1FC40] =	vst v10;
	v10 =	vsel vm6, $0xFFFFFFFF, v12;
	v6 =	vadd.f32 v8, v6;
	v8 =	vld [tilespmem:$0x99A0]  }
0x1e3: {  	v12 =	vimm.s32 $0x0;
	[tilespmem:$0x1FC50] =	vst v10;
	v10 =	vsel vm7, $0xFFFFFFFF, v14;
	v9 =	vnsel vm14, $0x0, v13  }
0x1e4: {  	v14 =	vimm.s32 $0x0;
	[tilespmem:$0x1FC60] =	vst v10;
	v10 =	vsel vm8, $0xFFFFFFFF, v15;
	v13 =	vld [tilespmem:$0x99B0];
	v6 =	vadd.f32 v9, v6  }
0x1e5: {  	v15 =	vimm.s32 $0x0;
	[tilespmem:$0x1FC70] =	vst v10;
	v10 =	vsel vm14, $0xFFFFFFFF, v12;
	v7 =	vnsel vm15, $0x0, v7  }
0x1e6: {  	vm4 =	vgt.s32 v5, v40;
	v12 =	vimm.s32 $0x0;
	v6 =	vadd.f32 v7, v6;
	v7 =	vld [tilespmem:$0x99C0]  }
0x1e7: {  	[tilespmem:$0x1FC80] =	vst v10;
	v10 =	vsel vm15, $0xFFFFFFFF, v14;
	v14 =	vimm.s32 $0x0;
	v8 =	vnsel vm4, $0x0, v8  }
0x1e8: {  	[tilespmem:$0x1FC90] =	vst v10;
	v10 =	vsel vm4, $0xFFFFFFFF, v15;
	vm5 =	vgt.s32 v5, v39;
	v6 =	vadd.f32 v8, v6  }
0x1e9: {  	v15 =	vimm.s32 $0x0;
	vm6 =	vgt.s32 v5, v38;
	v9 =	vnsel vm5, $0x0, v13  }
0x1ea: {  	[tilespmem:$0x1FCA0] =	vst v10;
	v10 =	vsel vm5, $0xFFFFFFFF, v12;
	v12 =	vimm.s32 $0x0;
	v13 =	vld [tilespmem:$0x99E0];
	v6 =	vadd.f32 v9, v6  }
0x1eb: {  	[tilespmem:$0x1FCB0] =	vst v10;
	v10 =	vsel vm6, $0xFFFFFFFF, v14;
	v14 =	vld [tilespmem:$0x1FD20];
	vm7 =	vgt.s32 v5, v37;
	v7 =	vnsel vm6, $0x0, v7  }
0x1ec: {  	[tilespmem:$0x1FCC0] =	vst v10;
	v10 =	vsel vm7, $0xFFFFFFFF, v15;
	vm8 =	vgt.s32 v5, v36;
	v6 =	vadd.f32 v7, v6;
	v7 =	vld [tilespmem:$0x99F0]  }
0x1ed: {  	[tilespmem:$0x1FCD0] =	vst v10;
	v10 =	vsel vm8, $0xFFFFFFFF, v12;
	v12 =	vld [tilespmem:$0x1FD40]  }
0x1ee: {  	v8 =	vld [tilespmem:$0x99D0]  }
0x1ef: {  	vm14 =	vgt.s32 v5, v35;
	v9 =	vnsel vm8, $0x0, v13;
	v13 =	vimm.s32 $0x0  }
0x1f0: {  	v15 =	vimm.s32 $0x0;
	[tilespmem:$0x1FCE0] =	vst v10;
	v10 =	vsel vm14, $0xFFFFFFFF, v13;
	v13 =	vld [tilespmem:$0x1FD60]  }
0x1f1: {  	vm15 =	vgt.s32 v5, v34;
	v7 =	vnsel vm14, $0x0, v7;
	vm14 =	vnez.u8 v14;
	v14 =	vld [tilespmem:$0x1FD80]  }
0x1f2: {  	[tilespmem:$0x1FCF0] =	vst v10;
	v10 =	vsel vm15, $0xFFFFFFFF, v15;
	v15 =	vld [tilespmem:$0x1FDA0]  }
0x1f3: {  	v8 =	vnsel vm7, $0x0, v8;
	vm7 =	vnez.u8 v12;
	v12 =	vld [tilespmem:$0x1FDC0]  }
0x1f4: {  	v6 =	vadd.f32 v8, v6;
	v8 =	vld [tilespmem:$0x9A00]  }
0x1f5: {  	vm6 =	vnez.u8 v13;
	v13 =	vld [tilespmem:$0x1FDE0]  }
0x1f6: {  	vm5 =	vnez.u8 v14;
	v14 =	vld [tilespmem:$0x1FE00]  }
0x1f7: {  	v6 =	vadd.f32 v9, v6;
	v9 =	vld [tilespmem:$0x9A10]  }
0x1f8: {  	vm4 =	vnez.u8 v15;
	v15 =	vld [tilespmem:$0x1FEF0]  }
0x1f9: {  	v6 =	vadd.f32 v7, v6;
	v7 =	vld [tilespmem:$0x9A20]  }
0x1fa: {  	vm2 =	vnez.u8 v13;
	v13 =	vld [tilespmem:$0x9A40]  }
0x1fb: {  	v8 =	vnsel vm15, $0x0, v8;
	vm1 =	vnez.u8 v14;
	v14 =	vld [tilespmem:$0x1FDF0]  }
0x1fc: {  	vm8 =	vmmov vm0;
	vm0 =	vgt.s32 v5, v33;
	v6 =	vadd.f32 v8, v6;
	v8 =	vld [tilespmem:$0x9A30]  }
0x1fd: {  	v9 =	vnsel vm0, $0x0, v9;
	vm15 =	vnez.u8 v15;
	v15 =	vld [tilespmem:$0x9A60]  }
0x1fe: {  	vm3 =	vnez.u8 v12;
	v6 =	vadd.f32 v9, v6  }
0x1ff: {  	v12 =	vimm.s32 $0x0;
	v9 =	vnsel vm2, $0x0, v13;
	v13 =	vld [tilespmem:$0x1FDD0];
	v7 =	vnsel vm1, $0x0, v7  }
0x200: {  	[tilespmem:$0x1FD00] =	vst v10;
	v10 =	vsel vm0, $0xFFFFFFFF, v12;
	v6 =	vadd.f32 v7, v6;
	v7 =	vld [tilespmem:$0x9A50];
	vm0 =	vnez.u8 v14  }
0x201: {  	v8 =	vnsel vm0, $0x0, v8  }
0x202: {  	v6 =	vadd.f32 v8, v6;
	v8 =	vnsel vm3, $0x0, v15;
	v15 =	vld [tilespmem:$0x1FDB0]  }
0x203: {  	v12 =	vld [tilespmem:$0x9A70]  }
0x204: {  	vm0 =	vnez.u8 v13;
	v6 =	vadd.f32 v9, v6  }
0x205: {  	v13 =	vld [tilespmem:$0x1FD90];
	v7 =	vnsel vm0, $0x0, v7  }
0x206: {  	v6 =	vadd.f32 v7, v6;
	v7 =	vld [tilespmem:$0x9A80]  }
0x207: {  	v14 =	vld [tilespmem:$0x9A90];
	vm0 =	vnez.u8 v15  }
0x208: {  	v9 =	vnsel vm0, $0x0, v12;
	v12 =	vld [tilespmem:$0x9AA0];
	_ =	sdelay $0x1  }
0x209: {  	v6 =	vadd.f32 v8, v6  }
0x20a: {  	v7 =	vnsel vm4, $0x0, v7;
	vm4 =	vnez.u8 v13  }
0x20b: {  	v6 =	vadd.f32 v9, v6;
	v8 =	vnsel vm4, $0x0, v14;
	v14 =	vld [tilespmem:$0x9AC0]  }
0x20c: {  	v9 =	vnsel vm5, $0x0, v12;
	v12 =	vld [tilespmem:$0x1FD70]  }
0x20d: {  	v6 =	vadd.f32 v7, v6;
	v7 =	vld [tilespmem:$0x9AB0];
	_ =	sdelay $0x1  }
0x20e: {  	v6 =	vadd.f32 v8, v6  }
0x20f: {  	v8 =	vnsel vm6, $0x0, v14;
	v14 =	vld [tilespmem:$0x1FD50]  }
0x210: {  	v15 =	vld [tilespmem:$0x9AD0];
	v6 =	vadd.f32 v9, v6;
	vm4 =	vnez.u8 v12  }
0x211: {  	v7 =	vnsel vm4, $0x0, v7  }
0x212: {  	v6 =	vadd.f32 v7, v6;
	v7 =	vld [tilespmem:$0x9AE0]  }
0x213: {  	v12 =	vld [tilespmem:$0x1FD30]  }
0x214: {  	v13 =	vld [tilespmem:$0x9AF0];
	v6 =	vadd.f32 v8, v6;
	vm5 =	vnez.u8 v14  }
0x215: {  	v9 =	vnsel vm5, $0x0, v15  }
0x216: {  	v15 =	vld [tilespmem:$0x9B00];
	v6 =	vadd.f32 v9, v6  }
0x217: {  	v7 =	vnsel vm7, $0x0, v7  }
0x218: {  	vm6 =	vnez.u8 v12;
	v6 =	vadd.f32 v7, v6;
	v7 =	vld [tilespmem:$0x9B10]  }
0x219: {  	v8 =	vnsel vm6, $0x0, v13  }
0x21a: {  	v13 =	vld [tilespmem:$0x9B20];
	v6 =	vadd.f32 v8, v6  }
0x21b: {  	v14 =	vld [tilespmem:$0x9B30];
	v9 =	vnsel vm15, $0x0, v15  }
0x21c: {  	v15 =	vld [tilespmem:$0x9B50];
	v6 =	vadd.f32 v9, v6  }
0x21d: {  	v7 =	vnsel vm14, $0x0, v7  }
0x21e: {  	v6 =	vadd.f32 v7, v6;
	v7 =	vld [tilespmem:$0x9B40]  }
0x21f: {  	v12 =	vld [tilespmem:$0x9B60];
	v8 =	vnsel vm13, $0x0, v13  }
0x220: {  	v9 =	vnsel vm12, $0x0, v14;
	v14 =	vld [tilespmem:$0x1FE90];
	v6 =	vadd.f32 v8, v6  }
0x221: {  	v8 =	vnsel vm10, $0x0, v15;
	v15 =	vld [tilespmem:$0x1FE80]  }
0x222: {  	v13 =	vld [tilespmem:$0x9B80];
	v6 =	vadd.f32 v9, v6  }
0x223: {  	v7 =	vnsel vm11, $0x0, v7  }
0x224: {  	v6 =	vadd.f32 v7, v6;
	v7 =	vld [tilespmem:$0x9B70]  }
0x225: {  	vm7 =	vnez.u8 v14  }
0x226: {  	v14 =	vld [tilespmem:$0x1FE60];
	v9 =	vnsel vm9, $0x0, v12;
	vm9 =	vnez.u8 v15;
	v6 =	vadd.f32 v8, v6  }
0x227: {  	v8 =	vnsel vm9, $0x0, v13;
	v13 =	vld [tilespmem:$0x1FE70]  }
0x228: {  	v6 =	vadd.f32 v9, v6;
	v9 =	vld [tilespmem:$0x9B90]  }
0x229: {  	v15 =	vld [tilespmem:$0x1FE50];
	v7 =	vnsel vm7, $0x0, v7  }
0x22a: {  	v6 =	vadd.f32 v7, v6;
	v7 =	vld [tilespmem:$0x9BA0];
	_ =	sdelay $0x1  }
0x22b: {  	v12 =	vld [tilespmem:$0x9BB0];
	vm10 =	vnez.u8 v13;
	v6 =	vadd.f32 v8, v6  }
0x22c: {  	v13 =	vld [tilespmem:$0x1FE40];
	v9 =	vnsel vm10, $0x0, v9  }
0x22d: {  	vm11 =	vnez.u8 v14;
	v6 =	vadd.f32 v9, v6;
	v9 =	vld [tilespmem:$0x9BC0]  }
0x22e: {  	vm12 =	vnez.u8 v15;
	v15 =	vld [tilespmem:$0x1FE30];
	v7 =	vnsel vm11, $0x0, v7  }
0x22f: {  	v6 =	vadd.f32 v7, v6;
	v7 =	vld [tilespmem:$0x9BD0]  }
0x230: {  	v8 =	vnsel vm12, $0x0, v12  }
0x231: {  	vm13 =	vnez.u8 v13;
	v6 =	vadd.f32 v8, v6  }
0x232: {  	v9 =	vnsel vm13, $0x0, v9  }
0x233: {  	vm14 =	vnez.u8 v15;
	v6 =	vadd.f32 v9, v6  }
0x234: {  	v7 =	vnsel vm14, $0x0, v7  }
0x235: {  	v6 =	vadd.f32 v7, v6;
	v7 =	vld [tilespmem:$0x1FE20]  }
0x236: {  	v12 =	vld [tilespmem:$0x9BE0];
	_ =	sdelay $0x1  }
0x237: {  	v14 =	vld [tilespmem:$0x9BF0];
	_ =	sdelay $0x1  }
0x238: {  	vm15 =	vnez.u8 v7  }
0x239: {  	p0 =	seq.s32 s26, $0xD38000;
	v7 =	vnsel vm15, $0x0, v12  }
.Ltmp5:
0x23a: {  	v6 =	vadd.f32 v7, v6;
	(pc) =	sbr.rel @p0 .LBB2_6-.Ltmp5, $4  }
0x23b: {  	v7 =	vnsel vm8, $0x0, v14  }
0x23c: {  	v6 =	vadd.f32 v7, v6  }
0x23d: {  	[tilespmem:$0x1FD10] =	vst v10  }
0x23e: {  	[tilespmem:s28+$0xFFFFFFF0] =	vst v6  }
0x23f: {  	v6 =	vld [tilespmem:$0x9000]  }
0x240: {  	v7 =	vld [tilespmem:$0x9010]  }
0x241: {  	v8 =	vld [tilespmem:$0x9020]  }
0x242: {  	v9 =	vld [tilespmem:$0x9030]  }
0x243: {  	s29 =	sadd.s32 $0x48000, s29;
	v10 =	vld [tilespmem:$0x9040]  }
0x244: {  	v11 =	vld [tilespmem:$0x9050];
	v6 =	vadd.s32 s29, v6  }
0x245: {  	[tilespmem:$0x9400] =	vst v6;
	v6 =	vadd.s32 s29, v7;
	v7 =	vld [tilespmem:$0x9060]  }
0x246: {  	v14 =	vld [tilespmem:$0x9070];
	[tilespmem:$0x9410] =	vst v6;
	v6 =	vadd.s32 s29, v8  }
0x247: {  	v15 =	vld [tilespmem:$0x9080];
	[tilespmem:$0x9420] =	vst v6;
	v6 =	vadd.s32 s29, v9  }
0x248: {  	v12 =	vld [tilespmem:$0x9090];
	[tilespmem:$0x9430] =	vst v6;
	v6 =	vadd.s32 s29, v10  }
0x249: {  	v13 =	vld [tilespmem:$0x90A0];
	[tilespmem:$0x9440] =	vst v6;
	v6 =	vadd.s32 s29, v11  }
0x24a: {  	[tilespmem:$0x9450] =	vst v6;
	v6 =	vadd.s32 s29, v7;
	v7 =	vld [tilespmem:$0x90B0]  }
0x24b: {  	[tilespmem:$0x9460] =	vst v6;
	v6 =	vadd.s32 s29, v14;
	v14 =	vld [tilespmem:$0x90C0]  }
0x24c: {  	[tilespmem:$0x9470] =	vst v6;
	v6 =	vadd.s32 s29, v15;
	v15 =	vld [tilespmem:$0x90D0]  }
0x24d: {  	[tilespmem:$0x9480] =	vst v6;
	v6 =	vadd.s32 s29, v12;
	v12 =	vld [tilespmem:$0x90E0]  }
0x24e: {  	[tilespmem:$0x9490] =	vst v6;
	v6 =	vadd.s32 s29, v13;
	v13 =	vld [tilespmem:$0x90F0]  }
0x24f: {  	[tilespmem:$0x94A0] =	vst v6;
	v6 =	vadd.s32 s29, v7;
	v7 =	vld [tilespmem:$0x9100]  }
0x250: {  	[tilespmem:$0x94B0] =	vst v6;
	v6 =	vadd.s32 s29, v14;
	v14 =	vld [tilespmem:$0x9110]  }
0x251: {  	[tilespmem:$0x94C0] =	vst v6;
	v6 =	vadd.s32 s29, v15;
	v15 =	vld [tilespmem:$0x9120]  }
0x252: {  	[tilespmem:$0x94D0] =	vst v6;
	v6 =	vadd.s32 s29, v12;
	v12 =	vld [tilespmem:$0x9130]  }
0x253: {  	[tilespmem:$0x94E0] =	vst v6;
	v6 =	vadd.s32 s29, v13;
	v13 =	vld [tilespmem:$0x9140]  }
0x254: {  	[tilespmem:$0x94F0] =	vst v6;
	v6 =	vadd.s32 s29, v7;
	v7 =	vld [tilespmem:$0x9150]  }
0x255: {  	[tilespmem:$0x9500] =	vst v6;
	v6 =	vadd.s32 s29, v14;
	v14 =	vld [tilespmem:$0x9160]  }
0x256: {  	[tilespmem:$0x9510] =	vst v6;
	v6 =	vadd.s32 s29, v15;
	v15 =	vld [tilespmem:$0x9170]  }
0x257: {  	[tilespmem:$0x9520] =	vst v6;
	v6 =	vadd.s32 s29, v12;
	v12 =	vld [tilespmem:$0x9180]  }
0x258: {  	[tilespmem:$0x9530] =	vst v6;
	v6 =	vadd.s32 s29, v13;
	v13 =	vld [tilespmem:$0x9190]  }
0x259: {  	[tilespmem:$0x9540] =	vst v6;
	v6 =	vadd.s32 s29, v7;
	v7 =	vld [tilespmem:$0x91A0]  }
0x25a: {  	[tilespmem:$0x9550] =	vst v6;
	v6 =	vadd.s32 s29, v14;
	v14 =	vld [tilespmem:$0x91B0]  }
0x25b: {  	[tilespmem:$0x9560] =	vst v6;
	v6 =	vadd.s32 s29, v15;
	v15 =	vld [tilespmem:$0x91C0]  }
0x25c: {  	[tilespmem:$0x9570] =	vst v6;
	v6 =	vadd.s32 s29, v12;
	v12 =	vld [tilespmem:$0x91D0]  }
0x25d: {  	[tilespmem:$0x9580] =	vst v6;
	v6 =	vadd.s32 s29, v13;
	v13 =	vld [tilespmem:$0x91E0]  }
0x25e: {  	[tilespmem:$0x9590] =	vst v6;
	v6 =	vadd.s32 s29, v7;
	v7 =	vld [tilespmem:$0x91F0]  }
0x25f: {  	[tilespmem:$0x95A0] =	vst v6;
	v6 =	vadd.s32 s29, v14;
	v14 =	vld [tilespmem:$0x9200]  }
0x260: {  	[tilespmem:$0x95B0] =	vst v6;
	v6 =	vadd.s32 s29, v15;
	v15 =	vld [tilespmem:$0x9210]  }
0x261: {  	[tilespmem:$0x95C0] =	vst v6;
	v6 =	vadd.s32 s29, v12;
	v12 =	vld [tilespmem:$0x9220]  }
0x262: {  	[tilespmem:$0x95D0] =	vst v6;
	v6 =	vadd.s32 s29, v13;
	v13 =	vld [tilespmem:$0x9230]  }
0x263: {  	[tilespmem:$0x95E0] =	vst v6;
	v6 =	vadd.s32 s29, v7;
	v7 =	vld [tilespmem:$0x9240]  }
0x264: {  	[tilespmem:$0x95F0] =	vst v6;
	v6 =	vadd.s32 s29, v14;
	v14 =	vld [tilespmem:$0x9250]  }
0x265: {  	[tilespmem:$0x9600] =	vst v6;
	v6 =	vadd.s32 s29, v15;
	v15 =	vld [tilespmem:$0x9260]  }
0x266: {  	[tilespmem:$0x9610] =	vst v6;
	v6 =	vadd.s32 s29, v12;
	v12 =	vld [tilespmem:$0x9270]  }
0x267: {  	[tilespmem:$0x9620] =	vst v6;
	v6 =	vadd.s32 s29, v13;
	v13 =	vld [tilespmem:$0x9280]  }
0x268: {  	[tilespmem:$0x9630] =	vst v6;
	v6 =	vadd.s32 s29, v7;
	v7 =	vld [tilespmem:$0x9290]  }
0x269: {  	[tilespmem:$0x9640] =	vst v6;
	v6 =	vadd.s32 s29, v14;
	v14 =	vld [tilespmem:$0x92A0]  }
0x26a: {  	[tilespmem:$0x9650] =	vst v6;
	v6 =	vadd.s32 s29, v15;
	v15 =	vld [tilespmem:$0x92B0]  }
0x26b: {  	[tilespmem:$0x9660] =	vst v6;
	v6 =	vadd.s32 s29, v12;
	v12 =	vld [tilespmem:$0x92C0]  }
0x26c: {  	[tilespmem:$0x9670] =	vst v6;
	v6 =	vadd.s32 s29, v13;
	v13 =	vld [tilespmem:$0x92D0]  }
0x26d: {  	[tilespmem:$0x9680] =	vst v6;
	v6 =	vadd.s32 s29, v7;
	v7 =	vld [tilespmem:$0x92E0]  }
0x26e: {  	[tilespmem:$0x9690] =	vst v6;
	v6 =	vadd.s32 s29, v14;
	v14 =	vld [tilespmem:$0x92F0]  }
0x26f: {  	[tilespmem:$0x96A0] =	vst v6;
	v6 =	vadd.s32 s29, v15;
	v15 =	vld [tilespmem:$0x9300]  }
0x270: {  	[tilespmem:$0x96B0] =	vst v6;
	v6 =	vadd.s32 s29, v12;
	v12 =	vld [tilespmem:$0x9310]  }
0x271: {  	[tilespmem:$0x96C0] =	vst v6;
	v6 =	vadd.s32 s29, v13;
	v13 =	vld [tilespmem:$0x9320]  }
0x272: {  	[tilespmem:$0x96D0] =	vst v6;
	v6 =	vadd.s32 s29, v7;
	v7 =	vld [tilespmem:$0x9330]  }
0x273: {  	[tilespmem:$0x96E0] =	vst v6;
	v6 =	vadd.s32 s29, v14;
	v14 =	vld [tilespmem:$0x9340]  }
0x274: {  	[tilespmem:$0x96F0] =	vst v6;
	v6 =	vadd.s32 s29, v15;
	v15 =	vld [tilespmem:$0x9350]  }
0x275: {  	[tilespmem:$0x9700] =	vst v6;
	v6 =	vadd.s32 s29, v12;
	v12 =	vld [tilespmem:$0x9360]  }
0x276: {  	[tilespmem:$0x9710] =	vst v6;
	v6 =	vadd.s32 s29, v13;
	v13 =	vld [tilespmem:$0x9370]  }
0x277: {  	[tilespmem:$0x9720] =	vst v6;
	v6 =	vadd.s32 s29, v7;
	v7 =	vld [tilespmem:$0x9380]  }
0x278: {  	[tilespmem:$0x9730] =	vst v6;
	v6 =	vadd.s32 s29, v14;
	v14 =	vld [tilespmem:$0x9390]  }
0x279: {  	[tilespmem:$0x9740] =	vst v6;
	v6 =	vadd.s32 s29, v15;
	v15 =	vld [tilespmem:$0x93A0]  }
0x27a: {  	[tilespmem:$0x9750] =	vst v6;
	v6 =	vadd.s32 s29, v12;
	v12 =	vld [tilespmem:$0x93B0]  }
0x27b: {  	[tilespmem:$0x9760] =	vst v6;
	v6 =	vadd.s32 s29, v13;
	v13 =	vld [tilespmem:$0x93C0]  }
0x27c: {  	[tilespmem:$0x9770] =	vst v6;
	v6 =	vadd.s32 s29, v7;
	v7 =	vld [tilespmem:$0x93D0]  }
0x27d: {  	[tilespmem:$0x9780] =	vst v6;
	v6 =	vadd.s32 s29, v14;
	v14 =	vld [tilespmem:$0x93E0]  }
0x27e: {  	[tilespmem:$0x9790] =	vst v6;
	v6 =	vadd.s32 s29, v15;
	v15 =	vld [tilespmem:$0x93F0]  }
0x27f: {  	[tilespmem:$0x97A0] =	vst v6;
	v6 =	vadd.s32 s29, v12  }
0x280: {  	[tilespmem:$0x97B0] =	vst v6;
	v6 =	vadd.s32 s29, v13  }
.Ltmp6:
0x281: {  	[tilespmem:$0x97C0] =	vst v6;
	v6 =	vadd.s32 s29, v7;
	(pc) =	sbr.rel .LBB2_6-.Ltmp6, $4  }
0x282: {  	[tilespmem:$0x97D0] =	vst v6;
	v6 =	vadd.s32 s29, v14  }
0x283: {  	[tilespmem:$0x97E0] =	vst v6;
	v6 =	vadd.s32 s29, v15  }
0x284: {  	[tilespmem:$0x97F0] =	vst v6  }
0x285: {  	[tilespmem:s18], [sflag:$0x1] =	stream.indirect.gather [hbm4b:s4+s12], $0x1, s17, s12, $0xb8;
	[tilespmem:$0xAB00] =	vst v63  }
.LBB2_8:
0x286: {  	_ =	sfence.sel $0x180000  }
0x287: {  	[bflag:$0x0] =	sbarrier.arrive $0xFFFF  }
0x288: {  	p0 =	sne.s32 s0, $0x0;
	_ =	strace $0x90000047  }
0x289: {  	s0 =	sadd.s32 @!p0 $0x100000, s2;
	[bflag:$0x2] =	sbarrier.arrive $0xFFFF  }
0x28a: {  	[sflag:s0] =	ssyncadd.tile.s32 @!p0 $0x1;
	_ =	shalt  }
.Lfunc_end2:
_tile_overlayer_lowered:
.L_overlay_start_2:
0x28b: {  	(tag) =	ssettag $0x2  }
0x28c: {  	s0 =	rddreg [dreg:$0x0];
	s2 =	stileid.u32  }
0x28d: {  	s1 =	rddreg [dreg:$0x1];
	p0 =	sne.s32 s2, $0x0  }
0x28e: {  	s3 =	rddreg [dreg:$0x2];
	[bflag:$0x3] =	sbarrier.arrive $0xFFFF;
	s2 =	simm.s32 @!p0 $0x1C03  }
0x28f: {  	[timem:s3], [sflag:s2] =	dma.local @!p0 [hbm:s0], s1  }
0x290: {  	s0 =	simm.s32 @!p0 $0x3  }
0x291: {  	_ =	swait.ge @!p0 [sflag:s0], s1  }
0x292: {  	s1 =	ssub.s32 @!p0 $0x0, s1;
	[sflag:s0] =	ssyncset.done @!p0 $0x0  }
0x293: {  	[sflag:s0] =	ssyncadd.s32 @!p0 s1  }
0x294: {  	[bflag:$0x3] =	sbarrier.arrive $0xFFFF  }
0x295: {  	_ =	shalt  }

</sc_bundles>
